<compile_context>
chip_gen: v7x
topology: tpu7x:2x2x1
jax: 0.10.2.dev20260603
libtpu: 0.0.44.dev20260713+nightly
codegen_flags: <defaults>
</compile_context>

<pallas_src>
import functools

import jax
import jax.numpy as jnp
import numpy as np
from jax import lax
from jax.experimental import pallas as pl
from jax.experimental.pallas import tpu as pltpu
from jax.experimental.pallas import tpu_sc as plsc

_N = 10000
_E = 40000
_P919 = 919
_D = 512
_T = 4
_F = 512
_FO = 128
_EDIM = 50
_NG = 64
_DEG_HIST = np.array([0.0, 500.0, 1000.0, 1500.0, 2000.0, 1800.0, 1200.0, 800.0,
                      500.0, 300.0, 200.0, 100.0, 60.0, 30.0, 10.0])
_AVG_DEG_LOG = float((np.log(np.arange(_DEG_HIST.shape[0]) + 1.0) * _DEG_HIST).sum()
                     / _DEG_HIST.sum())

_PREC = jax.lax.Precision.DEFAULT


def _dot(a, b):
    return jax.lax.dot_general(a, b, (((1,), (0,)), ((), ())), precision=_PREC,
                               preferred_element_type=jnp.float32)


def _kx_body(xe_ref, acts_ref, wact_ref, bact_ref, o_ref):
    o_ref[...] = (xe_ref[...] + _dot(acts_ref[...], wact_ref[...])
                  + bact_ref[...])


def _k_x(xe, acts, W_act, b_act):
    nb = 1000
    return pl.pallas_call(
        _kx_body,
        grid=(_N // nb,),
        in_specs=[
            pl.BlockSpec((nb, _D), lambda i: (i, 0)),
            pl.BlockSpec((nb, 2), lambda i: (i, 0)),
            pl.BlockSpec((2, _D), lambda i: (0, 0)),
            pl.BlockSpec((1, _D), lambda i: (0, 0)),
        ],
        out_specs=pl.BlockSpec((nb, _D), lambda i: (i, 0)),
        out_shape=jax.ShapeDtypeStruct((_N, _D), jnp.float32),
    )(xe, acts, W_act, b_act)


def _kc2_body(ee_ref, we_ref, be_ref, wpe_ref, o_ref):
    e2 = _dot(ee_ref[...], we_ref[...]) + be_ref[...]
    for t in range(_T):
        o_ref[:, t * _F:(t + 1) * _F] = _dot(e2, wpe_ref[t])


def _k_c2(edge_emb, We_l, be_l, Wpre_e_l):
    return pl.pallas_call(
        _kc2_body,
        out_shape=jax.ShapeDtypeStruct((2, _T * _F), jnp.float32),
    )(edge_emb, We_l, be_l.reshape(1, _F), Wpre_e_l)


def _kpre_body(x_ref, wd_ref, ws_ref, bpre_ref, c2_ref, p_ref, t_ref):
    x = x_ref[...]
    p_ref[...] = _dot(x, wd_ref[...]) + bpre_ref[...]
    q = _dot(x, ws_ref[...])
    t_ref[0] = q + c2_ref[0:1, :]
    t_ref[1] = q + c2_ref[1:2, :]


def _k_pre(x, Wd, Ws, bpre_f, C2):
    nb = 400
    return pl.pallas_call(
        _kpre_body,
        grid=(_N // nb,),
        in_specs=[
            pl.BlockSpec((nb, _D), lambda i: (i, 0)),
            pl.BlockSpec((_D, _T * _F), lambda i: (0, 0)),
            pl.BlockSpec((_D, _T * _F), lambda i: (0, 0)),
            pl.BlockSpec((1, _T * _F), lambda i: (0, 0)),
            pl.BlockSpec((2, _T * _F), lambda i: (0, 0)),
        ],
        out_specs=[
            pl.BlockSpec((nb, _T * _F), lambda i: (i, 0)),
            pl.BlockSpec((2, nb, _T * _F), lambda i: (0, i, 0)),
        ],
        out_shape=[
            jax.ShapeDtypeStruct((_N, _T * _F), jnp.float32),
            jax.ShapeDtypeStruct((2, _N, _T * _F), jnp.float32),
        ],
    )(x, Wd, Ws, bpre_f, C2)


def _kpost_body(x_ref, p_ref, s1_ref, s2_ref, mn_ref, mx_ref, deg_ref,
                wpost_ref, bpost_ref, wlin_ref, blin_ref,
                y_ref, bnsum_ref, bnssq_ref):
    i = pl.program_id(0)
    deg = deg_ref[...]
    degc = jnp.maximum(deg, 1.0)
    has = deg > 0.0
    K = p_ref[...]
    m1 = s1_ref[...] / degc
    mean = jnp.where(has, K + m1, 0.0)
    var = jnp.maximum(s2_ref[...] / degc - m1 * m1, 0.0)
    std = jnp.sqrt(var + 1e-5)
    mn = jnp.where(has, K + mn_ref[...], 0.0)
    mx = jnp.where(has, K + mx_ref[...], 0.0)
    ld = jnp.log(degc + 1.0)
    s2c = ld * (1.0 / _AVG_DEG_LOG)
    s3c = _AVG_DEG_LOG / ld
    x = x_ref[...]
    o_parts = []
    for t in range(_T):
        sl = slice(t * _F, (t + 1) * _F)
        agg = jnp.concatenate([mean[:, sl], mn[:, sl], mx[:, sl], std[:, sl]],
                              axis=1)
        post_h = jnp.concatenate([x, agg, agg * s2c, agg * s3c], axis=1)
        o_parts.append(_dot(post_h, wpost_ref[t])
                       + bpost_ref[:, t * _FO:(t + 1) * _FO])
    y = _dot(jnp.concatenate(o_parts, axis=1), wlin_ref[...]) + blin_ref[...]
    y_ref[...] = y

    @pl.when(i == 0)
    def _():
        bnsum_ref[...] = jnp.zeros_like(bnsum_ref)
        bnssq_ref[...] = jnp.zeros_like(bnssq_ref)

    bnsum_ref[...] += jnp.sum(y, axis=0, keepdims=True)
    bnssq_ref[...] += jnp.sum(y * y, axis=0, keepdims=True)


def _k_post(x, P, S1, S2, MN, MX, deg2d, Wpost_l, bpost_f, Wlin_l, blin_f):
    nb = 200
    big = lambda: pl.BlockSpec((nb, _T * _F), lambda i: (i, 0))
    return pl.pallas_call(
        _kpost_body,
        grid=(_N // nb,),
        in_specs=[
            pl.BlockSpec((nb, _D), lambda i: (i, 0)),
            big(), big(), big(), big(), big(),
            pl.BlockSpec((nb, 1), lambda i: (i, 0)),
            pl.BlockSpec((_T, 13 * _F, _FO), lambda i: (0, 0, 0)),
            pl.BlockSpec((1, _T * _FO), lambda i: (0, 0)),
            pl.BlockSpec((_D, _D), lambda i: (0, 0)),
            pl.BlockSpec((1, _D), lambda i: (0, 0)),
        ],
        out_specs=[
            pl.BlockSpec((nb, _D), lambda i: (i, 0)),
            pl.BlockSpec((1, _D), lambda i: (0, 0)),
            pl.BlockSpec((1, _D), lambda i: (0, 0)),
        ],
        out_shape=[
            jax.ShapeDtypeStruct((_N, _D), jnp.float32),
            jax.ShapeDtypeStruct((1, _D), jnp.float32),
            jax.ShapeDtypeStruct((1, _D), jnp.float32),
        ],
    )(x, P, S1, S2, MN, MX, deg2d, Wpost_l, bpost_f, Wlin_l, blin_f)


def _kbn_body(y_ref, sum_ref, ssq_ref, gamma_ref, beta_ref, o_ref):
    m = sum_ref[...] * (1.0 / _N)
    var = ssq_ref[...] * (1.0 / _N) - m * m
    inv = jax.lax.rsqrt(var + 1e-5)
    o_ref[...] = jnp.maximum((y_ref[...] - m) * inv * gamma_ref[...]
                             + beta_ref[...], 0.0)


def _k_bn(y, bnsum, bnssq, gamma_f, beta_f):
    nb = 1000
    return pl.pallas_call(
        _kbn_body,
        grid=(_N // nb,),
        in_specs=[
            pl.BlockSpec((nb, _D), lambda i: (i, 0)),
            pl.BlockSpec((1, _D), lambda i: (0, 0)),
            pl.BlockSpec((1, _D), lambda i: (0, 0)),
            pl.BlockSpec((1, _D), lambda i: (0, 0)),
            pl.BlockSpec((1, _D), lambda i: (0, 0)),
        ],
        out_specs=pl.BlockSpec((nb, _D), lambda i: (i, 0)),
        out_shape=jax.ShapeDtypeStruct((_N, _D), jnp.float32),
    )(y, bnsum, bnssq, gamma_f, beta_f)


def _kpool_body(x_ref, b_ref, o_ref):
    i = pl.program_id(0)

    @pl.when(i == 0)
    def _():
        o_ref[...] = jnp.zeros_like(o_ref)

    b = b_ref[...]
    gid = jax.lax.broadcasted_iota(jnp.int32, (b.shape[0], _NG), 1)
    oh = (b == gid).astype(jnp.float32)
    o_ref[...] += jax.lax.dot_general(oh, x_ref[...], (((0,), (0,)), ((), ())),
                                      precision=_PREC,
                                      preferred_element_type=jnp.float32)


def _k_pool(x, batch2d):
    nb = 1000
    return pl.pallas_call(
        _kpool_body,
        grid=(_N // nb,),
        in_specs=[
            pl.BlockSpec((nb, _D), lambda i: (i, 0)),
            pl.BlockSpec((nb, 1), lambda i: (i, 0)),
        ],
        out_specs=pl.BlockSpec((_NG, _D), lambda i: (0, 0)),
        out_shape=jax.ShapeDtypeStruct((_NG, _D), jnp.float32),
    )(x, batch2d)


def _khead_body(p_ref, wf_ref, bf_ref, wo_ref, bo_ref, a_ref, o_ref):
    h = _dot(p_ref[...], wf_ref[...]) + bf_ref[...]
    a = a_ref[0, 0]
    h = jnp.where(h >= 0.0, h, a * h)
    logits = _dot(h, wo_ref[...]) + bo_ref[...]
    mx = jnp.max(logits, axis=1, keepdims=True)
    lse = jnp.log(jnp.sum(jnp.exp(logits - mx), axis=1, keepdims=True)) + mx
    o_ref[...] = logits - lse


def _k_head(pooled, W_fc1, b_fc1, W_out, b_out, prelu_a):
    return pl.pallas_call(
        _khead_body,
        out_shape=jax.ShapeDtypeStruct((_NG, 2), jnp.float32),
    )(pooled, W_fc1, b_fc1.reshape(1, 2 * _D), W_out, b_out.reshape(1, 2),
      prelu_a.reshape(1, 1).astype(jnp.float32))


_NPS = 320
_NPAD = 10240
_CAP = 1536
_ECH = 4000
_GB = 128
_NB = _CAP // _GB
_NCH = 32
_W = 64


def _sc_mesh():
    return plsc.VectorSubcoreMesh(core_axis_name="c", subcore_axis_name="s")


_SC_CP = pltpu.CompilerParams(use_tc_tiling_on_sc=False,
                              needs_layout_passes=False)


def _embed_gather(node_emb, gidx_pad):
    @functools.partial(
        pl.kernel, mesh=_sc_mesh(), compiler_params=_SC_CP,
        out_type=jax.ShapeDtypeStruct((_NPAD, _D), jnp.float32),
        scratch_types=[
            pltpu.VMEM((80,), jnp.int32),
            pltpu.VMEM((80, _D), jnp.float32),
            pltpu.SemaphoreType.DMA,
        ],
    )
    def k(tab_hbm, idx_hbm, out_hbm, idx_v, rows_v, sem):
        wid = lax.axis_index("s") * 2 + lax.axis_index("c")
        base = wid * _NPS

        @pl.loop(0, 4)
        def _(j):
            b = base + j * 80
            pltpu.sync_copy(idx_hbm.at[pl.ds(b, 80)], idx_v)
            pltpu.async_copy(tab_hbm.at[idx_v], rows_v, sem).wait()
            pltpu.sync_copy(rows_v, out_hbm.at[pl.ds(b, 80)])

    return k(node_emb, gidx_pad)


def _filter_edges(src, dst, sgn):
    f32, i32 = jnp.float32, jnp.int32
    out_type = [
        jax.ShapeDtypeStruct((32, _CAP), i32),
        jax.ShapeDtypeStruct((32, _CAP), i32),
        jax.ShapeDtypeStruct((_NPAD,), f32),
    ]

    @functools.partial(
        pl.kernel, mesh=_sc_mesh(), out_type=out_type,
        compiler_params=_SC_CP,
        scratch_types=[
            pltpu.VMEM((_ECH,), i32),
            pltpu.VMEM((_ECH,), i32),
            pltpu.VMEM((_ECH,), i32),
            pltpu.VMEM((4096,), i32),
            pltpu.VMEM((4096,), i32),
            pltpu.VMEM((_CAP,), i32),
            pltpu.VMEM((_CAP,), i32),
            pltpu.VMEM((_NPS + 16,), f32),
            pltpu.VMEM((16,), i32),
            pltpu.SMEM((1,), i32),
            pltpu.SMEM((1,), i32),
        ],
    )
    def k(src_hbm, dst_hbm, sgn_hbm, lei_hbm, lds_hbm, deg_hbm,
          esrc, edst, esgn, eflat, eldv, leidx, ldst, dacc, mbuf,
          cnt_s, off_s):
        wid = lax.axis_index("s") * 2 + lax.axis_index("c")
        base = wid * _NPS
        iota = lax.iota(i32, 16)
        zeros16 = jnp.zeros((16,), f32)
        ones16 = jnp.ones((16,), f32)
        zi16 = jnp.zeros((16,), i32)
        lane0 = iota == 0

        @pl.loop(0, _CAP, step=16)
        def _(i):
            leidx[pl.ds(i, 16)] = zi16
            ldst[pl.ds(i, 16)] = jnp.full((16,), _NPS, i32)

        @pl.loop(0, _ECH, step=16)
        def _(i):
            eflat[pl.ds(i, 16)] = zi16
            eldv[pl.ds(i, 16)] = zi16

        @pl.loop(0, _NPS + 16, step=16)
        def _(i):
            dacc[pl.ds(i, 16)] = zeros16

        cnt_s[0] = jnp.int32(0)
        mbuf[...] = jnp.full((16,), 1, i32)

        @pl.loop(0, _E // _ECH)
        def _(ck):
            off = ck * _ECH
            pltpu.sync_copy(src_hbm.at[pl.ds(off, _ECH)], esrc)
            pltpu.sync_copy(dst_hbm.at[pl.ds(off, _ECH)], edst)
            pltpu.sync_copy(sgn_hbm.at[pl.ds(off, _ECH)], esgn)

            @pl.loop(0, _ECH, step=16)
            def _(i):
                off_s[0] = i
                ii = off_s[0]
                tmsk = mbuf[...] >= 1
                plsc.store_scatter(
                    eflat, [ii + iota],
                    esrc[pl.ds(i, 16)] + esgn[pl.ds(i, 16)] * _N, mask=tmsk)
                plsc.store_scatter(
                    eldv, [ii + iota],
                    edst[pl.ds(i, 16)] - base, mask=tmsk)

            @pl.loop(0, _ECH)
            def _(i):
                iv = jnp.full((16,), i, i32)
                ev = plsc.load_gather(eflat, [iv])
                ldv = plsc.load_gather(eldv, [iv])
                cnt = cnt_s[0]
                keep = (ldv >= 0) & (ldv < _NPS) & (cnt < _CAP)
                m = lane0 & keep
                posv = jnp.full((16,), cnt, i32)
                plsc.store_scatter(leidx, [posv], ev, mask=m)
                plsc.store_scatter(ldst, [posv], ldv, mask=m)
                cnt_s[0] = cnt + jnp.sum(m.astype(i32))

        @pl.loop(0, _CAP)
        def _(i):
            iv = jnp.full((16,), i, i32)
            lv = plsc.load_gather(ldst, [iv])
            plsc.addupdate_scatter(dacc, [lv], ones16, mask=lane0)

        pltpu.sync_copy(dacc.at[pl.ds(0, _NPS)], deg_hbm.at[pl.ds(base, _NPS)])
        pltpu.sync_copy(leidx, lei_hbm.at[wid])
        pltpu.sync_copy(ldst, lds_hbm.at[wid])

    return k(src, dst, sgn)


def _seg_accum(tab_flat, lei, lds):
    f32, i32 = jnp.float32, jnp.int32
    out_type = [jax.ShapeDtypeStruct((_NPAD, _T * _F), f32) for _ in range(4)]

    @functools.partial(
        pl.kernel, mesh=_sc_mesh(), out_type=out_type,
        compiler_params=_SC_CP,
        scratch_types=[
            pltpu.VMEM((_CAP,), i32),
            pltpu.VMEM((_CAP,), i32),
            pltpu.VMEM((4 * _GB,), i32),
            pltpu.VMEM((_NPS + 1, _W), f32),
            pltpu.VMEM((_NPS + 1, _W), f32),
            pltpu.VMEM((_NPS + 1, _W), f32),
            pltpu.VMEM((_NPS + 1, _W), f32),
            pltpu.VMEM((4 * _GB, _W), f32),
            pltpu.SemaphoreType.DMA,
            pltpu.SemaphoreType.DMA,
            pltpu.SemaphoreType.DMA,
            pltpu.SemaphoreType.DMA,
        ],
    )
    def k(tab_hbm, lei_hbm, lds_hbm,
          s1_hbm, s2_hbm, mn_hbm, mx_hbm,
          leidx, ldst, idxbuf, s1a, s2a, mna, mxa, gbuf,
          sem0, sem1, sem2, sem3):
        sems = (sem0, sem1, sem2, sem3)
        wid = lax.axis_index("s") * 2 + lax.axis_index("c")
        base = wid * _NPS
        iota = lax.iota(i32, 16)
        zeros16 = jnp.zeros((16,), f32)

        pltpu.sync_copy(lei_hbm.at[wid], leidx)
        pltpu.sync_copy(lds_hbm.at[wid], ldst)

        @pl.loop(0, _NCH)
        def _(c):
            @pl.loop(0, _NPS + 1)
            def _(r):
                for kk in range(_W // 16):
                    sl = pl.ds(kk * 16, 16)
                    s1a[r, sl] = zeros16
                    s2a[r, sl] = zeros16
                    mna[r, sl] = jnp.full((16,), 3.0e38, f32)
                    mxa[r, sl] = jnp.full((16,), -3.0e38, f32)

            @pl.loop(0, _NB, step=4)
            def _(b):
                for p in range(4):
                    @pl.loop(0, _GB, step=16)
                    def _(j):
                        ev = leidx[pl.ds((b + p) * _GB + j, 16)]
                        idxbuf[pl.ds(p * _GB + j, 16)] = ev * _NCH + c

                for p in range(4):
                    pltpu.make_async_copy(
                        tab_hbm.at[idxbuf.at[pl.ds(p * _GB, _GB)]],
                        gbuf.at[pl.ds(p * _GB, _GB)], sems[p]).start()

                for p in range(4):
                    pltpu.make_async_copy(
                        tab_hbm.at[idxbuf.at[pl.ds(p * _GB, _GB)]],
                        gbuf.at[pl.ds(p * _GB, _GB)], sems[p]).wait()

                    @pl.loop(0, _GB)
                    def _(i):
                        bidx = jnp.full((16,), (b + p) * _GB + i, i32)
                        ldv = plsc.load_gather(ldst, [bidx])
                        r = jnp.max(ldv)
                        for kk in range(_W // 16):
                            sl = pl.ds(kk * 16, 16)
                            row = gbuf[p * _GB + i, sl]
                            s1a[r, sl] += row
                            s2a[r, sl] += row * row
                            mna[r, sl] = jnp.minimum(mna[r, sl], row)
                            mxa[r, sl] = jnp.maximum(mxa[r, sl], row)

            cs = pl.ds(c * _W, _W)
            rs = pl.ds(0, _NPS)
            pltpu.sync_copy(s1a.at[rs], s1_hbm.at[pl.ds(base, _NPS), cs])
            pltpu.sync_copy(s2a.at[rs], s2_hbm.at[pl.ds(base, _NPS), cs])
            pltpu.sync_copy(mna.at[rs], mn_hbm.at[pl.ds(base, _NPS), cs])
            pltpu.sync_copy(mxa.at[rs], mx_hbm.at[pl.ds(base, _NPS), cs])

    return k(tab_flat, lei, lds)


def kernel(global_idx, acts, sign, edge_index, batch, node_emb, edge_emb,
           W_act, b_act, We, be, Wpre, bpre, Wpost, bpost, Wlin, blin,
           gamma, beta, W_fc1, b_fc1, W_out, b_out, prelu_a):
    src = edge_index[0].astype(jnp.int32)
    dst = edge_index[1].astype(jnp.int32)
    sgn = sign.astype(jnp.int32)

    gidx_pad = jnp.concatenate([global_idx.astype(jnp.int32),
                                jnp.zeros((_NPAD - _N,), jnp.int32)])
    xe = _embed_gather(node_emb, gidx_pad)
    x = _k_x(xe, acts, W_act, b_act.reshape(1, _D))

    lei, lds, deg = _filter_edges(src, dst, sgn)
    deg2d = deg.reshape(-1, 1)

    for l in range(2):
        Wd = Wpre[l][:, :_F, :].transpose(1, 0, 2).reshape(_F, _T * _F)
        Ws = Wpre[l][:, _F:2 * _F, :].transpose(1, 0, 2).reshape(_F, _T * _F)
        Wpre_e = Wpre[l][:, 2 * _F:, :]
        bpre_f = bpre[l].reshape(1, _T * _F)
        C2 = _k_c2(edge_emb, We[l], be[l], Wpre_e)
        P, Tbl = _k_pre(x, Wd, Ws, bpre_f, C2)
        S1, S2, MN, MX = _seg_accum(
            Tbl.reshape(2 * _N * _NCH, _W), lei, lds)
        y, bnsum, bnssq = _k_post(x, P, S1, S2, MN, MX, deg2d,
                                  Wpost[l], bpost[l].reshape(1, _T * _FO),
                                  Wlin[l], blin[l].reshape(1, _D))
        x = _k_bn(y, bnsum, bnssq, gamma[l].reshape(1, _D),
                  beta[l].reshape(1, _D))

    pooled = _k_pool(x, batch.astype(jnp.int32).reshape(-1, 1))
    return _k_head(pooled, W_fc1, b_fc1, W_out, b_out, prelu_a)

# --- scband reference (transcript-rebuilt; emitter-appended) ---
"""Pipeline reference for scband-net-42288247996849 (READ-ONLY COPY).

The authoritative reference and input builder live on the scoring server;
editing this copy changes nothing except your own understanding.
"""

import jax, jax.numpy as jnp
import numpy as np

N_NODES = 10000
N_EDGES = 40000
N_PROTS = 919
D = 512
TOWERS = 4
F_IN = D
F_OUT = D // TOWERS
EDGE_DIM = 50
N_CLASSES = 2
N_GRAPHS = 64
DEG_HIST = np.array([0.0, 500.0, 1000.0, 1500.0, 2000.0, 1800.0, 1200.0, 800.0, 500.0, 300.0, 200.0, 100.0, 60.0, 30.0, 10.0])
AVG_DEG_LOG = float((np.log(np.arange(DEG_HIST.shape[0]) + 1.0) * DEG_HIST).sum() / DEG_HIST.sum())


def _glorot(key, shape):
    lim = float(np.sqrt(6.0 / (shape[-2] + shape[-1])))
    return jax.random.uniform(key, shape, jnp.float32, -lim, lim)


def setup_inputs(seed: int = 0):
    key = jax.random.key(seed)
    ks = jax.random.split(key, 24)
    pre_in = 3 * F_IN
    post_in = (4 * 3 + 1) * F_IN
    return {
        'global_idx': jax.random.randint(ks[0], (N_NODES,), 0, N_PROTS),
        'acts': jax.random.normal(ks[1], (N_NODES, 2), jnp.float32),
        'sign': jax.random.randint(ks[2], (N_EDGES,), 0, 2),
        'edge_index': jax.random.randint(ks[3], (2, N_EDGES), 0, N_NODES),
        'batch': jnp.sort(jax.random.randint(ks[4], (N_NODES,), 0, N_GRAPHS)),
        'node_emb': jax.random.uniform(ks[5], (N_PROTS, D), jnp.float32, -0.1, 0.1),
        'edge_emb': jax.random.uniform(ks[6], (2, EDGE_DIM), jnp.float32, -0.1, 0.1),
        'W_act': _glorot(ks[7], (2, D)),
        'b_act': jnp.zeros((D,), jnp.float32),
        'We': _glorot(ks[8], (2, EDGE_DIM, F_IN)),
        'be': jnp.zeros((2, F_IN), jnp.float32),
        'Wpre': _glorot(ks[9], (2, TOWERS, pre_in, F_IN)),
        'bpre': jnp.zeros((2, TOWERS, F_IN), jnp.float32),
        'Wpost': _glorot(ks[10], (2, TOWERS, post_in, F_OUT)),
        'bpost': jnp.zeros((2, TOWERS, F_OUT), jnp.float32),
        'Wlin': _glorot(ks[11], (2, D, D)),
        'blin': jnp.zeros((2, D), jnp.float32),
        'gamma': jnp.ones((2, D), jnp.float32),
        'beta': jnp.zeros((2, D), jnp.float32),
        'W_fc1': _glorot(ks[12], (D, 2 * D)),
        'b_fc1': jnp.zeros((2 * D,), jnp.float32),
        'W_out': _glorot(ks[13], (2 * D, N_CLASSES)),
        'b_out': jnp.zeros((N_CLASSES,), jnp.float32),
        'prelu_a': jnp.float32(0.25),
    }


def _batch_norm(x, gamma, beta):
    m = x.mean(axis=0)
    v = x.var(axis=0)
    return (x - m) / jnp.sqrt(v + 1e-5) * gamma + beta


def _pna_conv(x, edge_index, edge_attr, We, be, Wpre, bpre, Wpost, bpost, Wlin, blin):
    src = edge_index[0]
    dst = edge_index[1]
    x_i = x[dst]
    x_j = x[src]
    e = edge_attr @ We + be
    h = jnp.concatenate([x_i, x_j, e], axis=-1)
    msgs = jnp.einsum('eh,thf->etf', h, Wpre) + bpre[None, :, :]
    deg = jax.ops.segment_sum(jnp.ones((src.shape[0],), x.dtype), dst, num_segments=N_NODES)
    degc = jnp.clip(deg, 1.0, None)
    denom = degc[:, None, None]
    s1 = jax.ops.segment_sum(msgs, dst, num_segments=N_NODES)
    mean = s1 / denom
    s2 = jax.ops.segment_sum(msgs * msgs, dst, num_segments=N_NODES)
    var = jax.nn.relu(s2 / denom - mean * mean)
    std = jnp.sqrt(var + 1e-5)
    has = (deg > 0)[:, None, None]
    mn = jnp.where(has, jax.ops.segment_min(msgs, dst, num_segments=N_NODES), 0.0)
    mx = jnp.where(has, jax.ops.segment_max(msgs, dst, num_segments=N_NODES), 0.0)
    agg = jnp.concatenate([mean, mn, mx, std], axis=-1)
    ld = jnp.log(degc + 1.0)[:, None, None]
    out = jnp.concatenate([agg, agg * (ld / AVG_DEG_LOG), agg * (AVG_DEG_LOG / ld)], axis=-1)
    x_rep = jnp.broadcast_to(x[:, None, :], (x.shape[0], TOWERS, F_IN))
    post_h = jnp.concatenate([x_rep, out], axis=-1)
    o = jnp.einsum('nth,thf->ntf', post_h, Wpost) + bpost[None, :, :]
    o = o.reshape(o.shape[0], TOWERS * F_OUT)
    return o @ Wlin + blin


def reference(global_idx, acts, sign, edge_index, batch, node_emb, edge_emb, W_act, b_act, We, be, Wpre, bpre, Wpost, bpost, Wlin, blin, gamma, beta, W_fc1, b_fc1, W_out, b_out, prelu_a):
    x = node_emb[global_idx]
    edge_attr = edge_emb[sign]
    x = x + acts @ W_act + b_act
    for l in range(2):
        x = jax.nn.relu(_batch_norm(_pna_conv(x, edge_index, edge_attr, We[l], be[l], Wpre[l], bpre[l], Wpost[l], bpost[l], Wlin[l], blin[l]), gamma[l], beta[l]))
    pooled = jax.ops.segment_sum(x, batch, num_segments=N_GRAPHS)
    hgr = pooled @ W_fc1 + b_fc1
    hgr = jnp.where(hgr >= 0, hgr, prelu_a * hgr)
    logits = hgr @ W_out + b_out
    return jax.nn.log_softmax(logits, axis=-1)

if __name__ == "__main__":
    import jax
    _d = setup_inputs()
    print(jax.jit(kernel)(*tuple(_d.values())))

</pallas_src>

<mosaic_0001>
#map = affine_map<(d0, d1) -> (0)>
#map1 = affine_map<(d0, d1) -> (0, 0)>
module attributes {stable_mosaic.version = 14 : i64} {
  func.func @k(%arg0: i32, %arg1: i32, %arg2: memref<40000xi32, #tpu.memory_space<hbm>>, %arg3: memref<40000xi32, #tpu.memory_space<hbm>>, %arg4: memref<40000xi32, #tpu.memory_space<hbm>>, %arg5: memref<32x1536xi32, #tpu.memory_space<hbm>>, %arg6: memref<32x1536xi32, #tpu.memory_space<hbm>>, %arg7: memref<10240xf32, #tpu.memory_space<hbm>>, %arg8: memref<4000xi32, #tpu.memory_space<vmem>>, %arg9: memref<4000xi32, #tpu.memory_space<vmem>>, %arg10: memref<4000xi32, #tpu.memory_space<vmem>>, %arg11: memref<4096xi32, #tpu.memory_space<vmem>>, %arg12: memref<4096xi32, #tpu.memory_space<vmem>>, %arg13: memref<1536xi32, #tpu.memory_space<vmem>>, %arg14: memref<1536xi32, #tpu.memory_space<vmem>>, %arg15: memref<336xf32, #tpu.memory_space<vmem>>, %arg16: memref<16xi32, #tpu.memory_space<vmem>>, %arg17: memref<1xi32, #tpu.memory_space<smem>>, %arg18: memref<1xi32, #tpu.memory_space<smem>>) attributes {dimension_semantics = [#tpu.dimension_semantics<core_parallel>, #tpu.dimension_semantics<subcore_parallel>], iteration_bounds = array<i64: 2, 16>, scalar_prefetch = 0 : i64, scratch_operands = 11 : i64, tpu.core_type = #tpu.core_type<sc_vector_subcore>, window_params = [{transform_indices = #map}, {transform_indices = #map}, {transform_indices = #map}, {transform_indices = #map1}, {transform_indices = #map1}, {transform_indices = #map}]} {
    %mul3A = arith.constant 2 : i32
    %mul3A_0 = arith.muli %arg1, %mul3A : i32
    %add3A = arith.addi %mul3A_0, %arg0 : i32
    %mul3A_1 = arith.constant 320 : i32
    %mul3A_2 = arith.muli %add3A, %mul3A_1 : i32
    %iota3A = tpu.iota {dimensions = array<i32: 0>} : vector<16xi32>
    %broadcast_in_dim3A = arith.constant 0.000000e+00 : f32
    %broadcast_in_dim3A_3 = vector.broadcast %broadcast_in_dim3A : f32 to vector<16xf32>
    %broadcast_in_dim3A_4 = arith.constant 1.000000e+00 : f32
    %broadcast_in_dim3A_5 = vector.broadcast %broadcast_in_dim3A_4 : f32 to vector<16xf32>
    %broadcast_in_dim3A_6 = arith.constant 0 : i32
    %broadcast_in_dim3A_7 = vector.broadcast %broadcast_in_dim3A_6 : i32 to vector<16xi32>
    %eq3A = arith.constant 0 : i32
    %eq3A_8 = vector.broadcast %eq3A : i32 to vector<16xi32>
    %eq3A_9 = arith.cmpi eq, %iota3A, %eq3A_8 : vector<16xi32>
    %scan3A = arith.constant 0 : i32
    %scan3A_10 = arith.constant 96 : i32
    %scan3A_11 = arith.addi %scan3A, %scan3A_10 : i32
    %scan3A_12 = arith.constant 1 : i32
    scf.for %scan3A_41 = %scan3A to %scan3A_11 step %scan3A_12  : i32 {
      %mul3A_42 = arith.constant 16 : i32
      %mul3A_43 = arith.muli %scan3A_41, %mul3A_42 : i32
      %add3A_44 = arith.constant 0 : i32
      %add3A_45 = arith.addi %add3A_44, %mul3A_43 : i32
      %swap3A_46 = arith.index_cast %add3A_45 : i32 to index
      %swap3A_47 = tpu.vector_load %arg13[%swap3A_46] {strides = array<i32>} : memref<1536xi32, #tpu.memory_space<vmem>>, vector<16xi32>,
      tpu.vector_store %arg13[%swap3A_46], %broadcast_in_dim3A_7 {strides = array<i32>} : memref<1536xi32, #tpu.memory_space<vmem>>, vector<16xi32>,
      %broadcast_in_dim3A_48 = arith.constant 320 : i32
      %broadcast_in_dim3A_49 = vector.broadcast %broadcast_in_dim3A_48 : i32 to vector<16xi32>
      %swap3A_50 = arith.index_cast %add3A_45 : i32 to index
      %swap3A_51 = tpu.vector_load %arg14[%swap3A_50] {strides = array<i32>} : memref<1536xi32, #tpu.memory_space<vmem>>, vector<16xi32>,
      tpu.vector_store %arg14[%swap3A_50], %broadcast_in_dim3A_49 {strides = array<i32>} : memref<1536xi32, #tpu.memory_space<vmem>>, vector<16xi32>,
    }
    %scan3A_13 = arith.constant 96 : i32
    %scan3A_14 = arith.constant 0 : i32
    %scan3A_15 = arith.constant 250 : i32
    %scan3A_16 = arith.addi %scan3A_14, %scan3A_15 : i32
    %scan3A_17 = arith.constant 1 : i32
    scf.for %scan3A_41 = %scan3A_14 to %scan3A_16 step %scan3A_17  : i32 {
      %mul3A_42 = arith.constant 16 : i32
      %mul3A_43 = arith.muli %scan3A_41, %mul3A_42 : i32
      %add3A_44 = arith.constant 0 : i32
      %add3A_45 = arith.addi %add3A_44, %mul3A_43 : i32
      %swap3A_46 = arith.index_cast %add3A_45 : i32 to index
      %swap3A_47 = tpu.vector_load %arg11[%swap3A_46] {strides = array<i32>} : memref<4096xi32, #tpu.memory_space<vmem>>, vector<16xi32>,
      tpu.vector_store %arg11[%swap3A_46], %broadcast_in_dim3A_7 {strides = array<i32>} : memref<4096xi32, #tpu.memory_space<vmem>>, vector<16xi32>,
      %swap3A_48 = arith.index_cast %add3A_45 : i32 to index
      %swap3A_49 = tpu.vector_load %arg12[%swap3A_48] {strides = array<i32>} : memref<4096xi32, #tpu.memory_space<vmem>>, vector<16xi32>,
      tpu.vector_store %arg12[%swap3A_48], %broadcast_in_dim3A_7 {strides = array<i32>} : memref<4096xi32, #tpu.memory_space<vmem>>, vector<16xi32>,
    }
    %scan3A_18 = arith.constant 250 : i32
    %scan3A_19 = arith.constant 0 : i32
    %scan3A_20 = arith.constant 21 : i32
    %scan3A_21 = arith.addi %scan3A_19, %scan3A_20 : i32
    %scan3A_22 = arith.constant 1 : i32
    scf.for %scan3A_41 = %scan3A_19 to %scan3A_21 step %scan3A_22  : i32 {
      %mul3A_42 = arith.constant 16 : i32
      %mul3A_43 = arith.muli %scan3A_41, %mul3A_42 : i32
      %add3A_44 = arith.constant 0 : i32
      %add3A_45 = arith.addi %add3A_44, %mul3A_43 : i32
      %swap3A_46 = arith.index_cast %add3A_45 : i32 to index
      %swap3A_47 = tpu.vector_load %arg15[%swap3A_46] {strides = array<i32>} : memref<336xf32, #tpu.memory_space<vmem>>, vector<16xf32>,
      tpu.vector_store %arg15[%swap3A_46], %broadcast_in_dim3A_3 {strides = array<i32>} : memref<336xf32, #tpu.memory_space<vmem>>, vector<16xf32>,
    }
    %scan3A_23 = arith.constant 21 : i32
    %swap3A = arith.constant 0 : i32
    %swap3A_24 = arith.constant 0 : i32
    %swap3A_25 = arith.index_cast %swap3A_24 : i32 to index
    %swap3A_26 = memref.load %arg17[%swap3A_25] : memref<1xi32, #tpu.memory_space<smem>>
    memref.store %swap3A, %arg17[%swap3A_25] : memref<1xi32, #tpu.memory_space<smem>>
    %broadcast_in_dim3A_27 = arith.constant 1 : i32
    %broadcast_in_dim3A_28 = vector.broadcast %broadcast_in_dim3A_27 : i32 to vector<16xi32>
    %swap3A_29 = arith.constant 0 : index
    %swap3A_30 = tpu.vector_load %arg16[%swap3A_29] {strides = array<i32>} : memref<16xi32, #tpu.memory_space<vmem>>, vector<16xi32>,
    tpu.vector_store %arg16[%swap3A_29], %broadcast_in_dim3A_28 {strides = array<i32>} : memref<16xi32, #tpu.memory_space<vmem>>, vector<16xi32>,
    %scan3A_31 = arith.constant 0 : i32
    %scan3A_32 = arith.constant 10 : i32
    %scan3A_33 = arith.addi %scan3A_31, %scan3A_32 : i32
    %scan3A_34 = arith.constant 1 : i32
    scf.for %scan3A_41 = %scan3A_31 to %scan3A_33 step %scan3A_34  : i32 {
      %mul3A_42 = arith.constant 1 : i32
      %mul3A_43 = arith.muli %scan3A_41, %mul3A_42 : i32
      %add3A_44 = arith.constant 0 : i32
      %add3A_45 = arith.addi %add3A_44, %mul3A_43 : i32
      %mul3A_46 = arith.constant 4000 : i32
      %mul3A_47 = arith.muli %add3A_45, %mul3A_46 : i32
      "tpu.region"() ({
        %run_scoped3A = tpu.sem_alloc : memref<!tpu.dma_semaphore, #tpu.memory_space<semaphore_mem>>
        %dma_start3A = tpu.memref_slice %arg2[%mul3A_47] : memref<40000xi32, #tpu.memory_space<hbm>> -> memref<4000xi32, #tpu.memory_space<hbm>>
        %dma_start3A_58 = tpu.memref_slice %arg2[%mul3A_47] : memref<40000xi32, #tpu.memory_space<hbm>> -> memref<4000xi32, #tpu.memory_space<hbm>>
        tpu.enqueue_dma source(%dma_start3A_58 : memref<4000xi32, #tpu.memory_space<hbm>>) target(%arg8 : memref<4000xi32, #tpu.memory_space<vmem>>) target_semaphore(%run_scoped3A : memref<!tpu.dma_semaphore, #tpu.memory_space<semaphore_mem>>)
        %dma_wait3A = tpu.memref_slice %arg2[%mul3A_47] : memref<40000xi32, #tpu.memory_space<hbm>> -> memref<4000xi32, #tpu.memory_space<hbm>>
        %dma_wait3A_59 = tpu.memref_slice %arg2[%mul3A_47] : memref<40000xi32, #tpu.memory_space<hbm>> -> memref<4000xi32, #tpu.memory_space<hbm>>
        tpu.wait_dma2 semaphore(%run_scoped3A : memref<!tpu.dma_semaphore, #tpu.memory_space<semaphore_mem>>) src(%dma_wait3A_59 : memref<4000xi32, #tpu.memory_space<hbm>>) dst(%arg8 : memref<4000xi32, #tpu.memory_space<vmem>>)
        tpu.yield
      }) : () -> ()
      "tpu.region"() ({
        %run_scoped3A = tpu.sem_alloc : memref<!tpu.dma_semaphore, #tpu.memory_space<semaphore_mem>>
        %dma_start3A = tpu.memref_slice %arg3[%mul3A_47] : memref<40000xi32, #tpu.memory_space<hbm>> -> memref<4000xi32, #tpu.memory_space<hbm>>
        %dma_start3A_58 = tpu.memref_slice %arg3[%mul3A_47] : memref<40000xi32, #tpu.memory_space<hbm>> -> memref<4000xi32, #tpu.memory_space<hbm>>
        tpu.enqueue_dma source(%dma_start3A_58 : memref<4000xi32, #tpu.memory_space<hbm>>) target(%arg9 : memref<4000xi32, #tpu.memory_space<vmem>>) target_semaphore(%run_scoped3A : memref<!tpu.dma_semaphore, #tpu.memory_space<semaphore_mem>>)
        %dma_wait3A = tpu.memref_slice %arg3[%mul3A_47] : memref<40000xi32, #tpu.memory_space<hbm>> -> memref<4000xi32, #tpu.memory_space<hbm>>
        %dma_wait3A_59 = tpu.memref_slice %arg3[%mul3A_47] : memref<40000xi32, #tpu.memory_space<hbm>> -> memref<4000xi32, #tpu.memory_space<hbm>>
        tpu.wait_dma2 semaphore(%run_scoped3A : memref<!tpu.dma_semaphore, #tpu.memory_space<semaphore_mem>>) src(%dma_wait3A_59 : memref<4000xi32, #tpu.memory_space<hbm>>) dst(%arg9 : memref<4000xi32, #tpu.memory_space<vmem>>)
        tpu.yield
      }) : () -> ()
      "tpu.region"() ({
        %run_scoped3A = tpu.sem_alloc : memref<!tpu.dma_semaphore, #tpu.memory_space<semaphore_mem>>
        %dma_start3A = tpu.memref_slice %arg4[%mul3A_47] : memref<40000xi32, #tpu.memory_space<hbm>> -> memref<4000xi32, #tpu.memory_space<hbm>>
        %dma_start3A_58 = tpu.memref_slice %arg4[%mul3A_47] : memref<40000xi32, #tpu.memory_space<hbm>> -> memref<4000xi32, #tpu.memory_space<hbm>>
        tpu.enqueue_dma source(%dma_start3A_58 : memref<4000xi32, #tpu.memory_space<hbm>>) target(%arg10 : memref<4000xi32, #tpu.memory_space<vmem>>) target_semaphore(%run_scoped3A : memref<!tpu.dma_semaphore, #tpu.memory_space<semaphore_mem>>)
        %dma_wait3A = tpu.memref_slice %arg4[%mul3A_47] : memref<40000xi32, #tpu.memory_space<hbm>> -> memref<4000xi32, #tpu.memory_space<hbm>>
        %dma_wait3A_59 = tpu.memref_slice %arg4[%mul3A_47] : memref<40000xi32, #tpu.memory_space<hbm>> -> memref<4000xi32, #tpu.memory_space<hbm>>
        tpu.wait_dma2 semaphore(%run_scoped3A : memref<!tpu.dma_semaphore, #tpu.memory_space<semaphore_mem>>) src(%dma_wait3A_59 : memref<4000xi32, #tpu.memory_space<hbm>>) dst(%arg10 : memref<4000xi32, #tpu.memory_space<vmem>>)
        tpu.yield
      }) : () -> ()
      %scan3A_48 = arith.constant 0 : i32
      %scan3A_49 = arith.constant 250 : i32
      %scan3A_50 = arith.addi %scan3A_48, %scan3A_49 : i32
      %scan3A_51 = arith.constant 1 : i32
      scf.for %scan3A_58 = %scan3A_48 to %scan3A_50 step %scan3A_51  : i32 {
        %mul3A_59 = arith.constant 16 : i32
        %mul3A_60 = arith.muli %scan3A_58, %mul3A_59 : i32
        %add3A_61 = arith.constant 0 : i32
        %add3A_62 = arith.addi %add3A_61, %mul3A_60 : i32
        %swap3A_63 = arith.constant 0 : i32
        %swap3A_64 = arith.index_cast %swap3A_63 : i32 to index
        %swap3A_65 = memref.load %arg18[%swap3A_64] : memref<1xi32, #tpu.memory_space<smem>>
        memref.store %add3A_62, %arg18[%swap3A_64] : memref<1xi32, #tpu.memory_space<smem>>
        %get3A = arith.constant 0 : i32
        %get3A_66 = arith.index_cast %get3A : i32 to index
        %get3A_67 = memref.load %arg18[%get3A_66] : memref<1xi32, #tpu.memory_space<smem>>
        %get3A_68 = arith.constant 0 : index
        %get3A_69 = tpu.vector_load %arg16[%get3A_68] {strides = array<i32>} : memref<16xi32, #tpu.memory_space<vmem>>, vector<16xi32>,
        %ge3A = arith.constant 1 : i32
        %ge3A_70 = vector.broadcast %ge3A : i32 to vector<16xi32>
        %ge3A_71 = arith.cmpi sge, %get3A_69, %ge3A_70 : vector<16xi32>
        %add3A_72 = vector.broadcast %get3A_67 : i32 to vector<16xi32>
        %add3A_73 = arith.addi %add3A_72, %iota3A : vector<16xi32>
        %get3A_74 = arith.index_cast %add3A_62 : i32 to index
        %get3A_75 = tpu.vector_load %arg8[%get3A_74] {strides = array<i32>} : memref<4000xi32, #tpu.memory_space<vmem>>, vector<16xi32>,
        %get3A_76 = arith.index_cast %add3A_62 : i32 to index
        %get3A_77 = tpu.vector_load %arg10[%get3A_76] {strides = array<i32>} : memref<4000xi32, #tpu.memory_space<vmem>>, vector<16xi32>,
        %mul3A_78 = arith.constant 10000 : i32
        %mul3A_79 = vector.broadcast %mul3A_78 : i32 to vector<16xi32>
        %mul3A_80 = arith.muli %get3A_77, %mul3A_79 : vector<16xi32>
        %add3A_81 = arith.addi %get3A_75, %mul3A_80 : vector<16xi32>
        tpu.vector_store_idx %arg11[%add3A_73], %add3A_81 masked %ge3A_71 : memref<4096xi32, #tpu.memory_space<vmem>>[vector<16xi32>], vector<16xi32>, vector<16xi1>
        %add3A_82 = vector.broadcast %get3A_67 : i32 to vector<16xi32>
        %add3A_83 = arith.addi %add3A_82, %iota3A : vector<16xi32>
        %get3A_84 = arith.index_cast %add3A_62 : i32 to index
        %get3A_85 = tpu.vector_load %arg9[%get3A_84] {strides = array<i32>} : memref<4000xi32, #tpu.memory_space<vmem>>, vector<16xi32>,
        %sub3A = vector.broadcast %mul3A_2 : i32 to vector<16xi32>
        %sub3A_86 = arith.subi %get3A_85, %sub3A : vector<16xi32>
        tpu.vector_store_idx %arg12[%add3A_83], %sub3A_86 masked %ge3A_71 : memref<4096xi32, #tpu.memory_space<vmem>>[vector<16xi32>], vector<16xi32>, vector<16xi1>
      }
      %scan3A_52 = arith.constant 250 : i32
      %scan3A_53 = arith.constant 0 : i32
      %scan3A_54 = arith.constant 4000 : i32
      %scan3A_55 = arith.addi %scan3A_53, %scan3A_54 : i32
      %scan3A_56 = arith.constant 1 : i32
      scf.for %scan3A_58 = %scan3A_53 to %scan3A_55 step %scan3A_56  : i32 {
        %mul3A_59 = arith.constant 1 : i32
        %mul3A_60 = arith.muli %scan3A_58, %mul3A_59 : i32
        %add3A_61 = arith.constant 0 : i32
        %add3A_62 = arith.addi %add3A_61, %mul3A_60 : i32
        %broadcast_in_dim3A_63 = vector.broadcast %add3A_62 : i32 to vector<16xi32>
        %gather3A = tpu.vector_load_idx %arg11[%broadcast_in_dim3A_63] : memref<4096xi32, #tpu.memory_space<vmem>>[vector<16xi32>], vector<16xi32>,
        %gather3A_64 = tpu.vector_load_idx %arg12[%broadcast_in_dim3A_63] : memref<4096xi32, #tpu.memory_space<vmem>>[vector<16xi32>], vector<16xi32>,
        %get3A = arith.constant 0 : i32
        %get3A_65 = arith.index_cast %get3A : i32 to index
        %get3A_66 = memref.load %arg17[%get3A_65] : memref<1xi32, #tpu.memory_space<smem>>
        %ge3A = arith.constant 0 : i32
        %ge3A_67 = vector.broadcast %ge3A : i32 to vector<16xi32>
        %ge3A_68 = arith.cmpi sge, %gather3A_64, %ge3A_67 : vector<16xi32>
        %lt3A = arith.constant 320 : i32
        %lt3A_69 = vector.broadcast %lt3A : i32 to vector<16xi32>
        %lt3A_70 = arith.cmpi slt, %gather3A_64, %lt3A_69 : vector<16xi32>
        %and3A = arith.andi %ge3A_68, %lt3A_70 : vector<16xi1>
        %lt3A_71 = arith.constant 1536 : i32
        %lt3A_72 = arith.cmpi slt, %get3A_66, %lt3A_71 : i32
        %and3A_73 = vector.broadcast %lt3A_72 : i1 to vector<16xi1>
        %and3A_74 = arith.andi %and3A, %and3A_73 : vector<16xi1>
        %and3A_75 = arith.andi %eq3A_9, %and3A_74 : vector<16xi1>
        %broadcast_in_dim3A_76 = vector.broadcast %get3A_66 : i32 to vector<16xi32>
        tpu.vector_store_idx %arg13[%broadcast_in_dim3A_76], %gather3A masked %and3A_75 : memref<1536xi32, #tpu.memory_space<vmem>>[vector<16xi32>], vector<16xi32>, vector<16xi1>
        tpu.vector_store_idx %arg14[%broadcast_in_dim3A_76], %gather3A_64 masked %and3A_75 : memref<1536xi32, #tpu.memory_space<vmem>>[vector<16xi32>], vector<16xi32>, vector<16xi1>
        %convert_element_type3A = arith.extui %and3A_75 : vector<16xi1> to vector<16xi32>
        %reduce_sum3A = arith.constant true
        %reduce_sum3A_77 = vector.broadcast %reduce_sum3A : i1 to vector<16xi1>
        %reduce_sum3A_78 = tpu.scan <sum>, %convert_element_type3A masked %reduce_sum3A_77 : vector<16xi32>, vector<16xi1> -> vector<16xi32>
        %reduce_sum3A_79 = vector.extract %reduce_sum3A_78[15] : i32 from vector<16xi32>
        %add3A_80 = arith.addi %get3A_66, %reduce_sum3A_79 : i32
        %swap3A_81 = arith.constant 0 : i32
        %swap3A_82 = arith.index_cast %swap3A_81 : i32 to index
        %swap3A_83 = memref.load %arg17[%swap3A_82] : memref<1xi32, #tpu.memory_space<smem>>
        memref.store %add3A_80, %arg17[%swap3A_82] : memref<1xi32, #tpu.memory_space<smem>>
      }
      %scan3A_57 = arith.constant 4000 : i32
    }
    %scan3A_35 = arith.constant 10 : i32
    %scan3A_36 = arith.constant 0 : i32
    %scan3A_37 = arith.constant 1536 : i32
    %scan3A_38 = arith.addi %scan3A_36, %scan3A_37 : i32
    %scan3A_39 = arith.constant 1 : i32
    scf.for %scan3A_41 = %scan3A_36 to %scan3A_38 step %scan3A_39  : i32 {
      %mul3A_42 = arith.constant 1 : i32
      %mul3A_43 = arith.muli %scan3A_41, %mul3A_42 : i32
      %add3A_44 = arith.constant 0 : i32
      %add3A_45 = arith.addi %add3A_44, %mul3A_43 : i32
      %broadcast_in_dim3A_46 = vector.broadcast %add3A_45 : i32 to vector<16xi32>
      %gather3A = tpu.vector_load_idx %arg14[%broadcast_in_dim3A_46] : memref<1536xi32, #tpu.memory_space<vmem>>[vector<16xi32>], vector<16xi32>,
      tpu.vector_store_idx %arg15[%gather3A], %broadcast_in_dim3A_5 masked %eq3A_9 {add = true} : memref<336xf32, #tpu.memory_space<vmem>>[vector<16xi32>], vector<16xf32>, vector<16xi1>
    }
    %scan3A_40 = arith.constant 1536 : i32
    "tpu.region"() ({
      %run_scoped3A = tpu.sem_alloc : memref<!tpu.dma_semaphore, #tpu.memory_space<semaphore_mem>>
      %dma_start3A = arith.constant 0 : i32
      %dma_start3A_41 = tpu.memref_slice %arg15[%dma_start3A] : memref<336xf32, #tpu.memory_space<vmem>> -> memref<320xf32, #tpu.memory_space<vmem>>
      %dma_start3A_42 = tpu.memref_slice %arg7[%mul3A_2] : memref<10240xf32, #tpu.memory_space<hbm>> -> memref<320xf32, #tpu.memory_space<hbm>>
      %dma_start3A_43 = tpu.memref_slice %arg7[%mul3A_2] : memref<10240xf32, #tpu.memory_space<hbm>> -> memref<320xf32, #tpu.memory_space<hbm>>
      %dma_start3A_44 = arith.constant 0 : i32
      %dma_start3A_45 = tpu.memref_slice %arg15[%dma_start3A_44] : memref<336xf32, #tpu.memory_space<vmem>> -> memref<320xf32, #tpu.memory_space<vmem>>
      tpu.enqueue_dma source(%dma_start3A_45 : memref<320xf32, #tpu.memory_space<vmem>>) target(%dma_start3A_43 : memref<320xf32, #tpu.memory_space<hbm>>) target_semaphore(%run_scoped3A : memref<!tpu.dma_semaphore, #tpu.memory_space<semaphore_mem>>)
      %dma_wait3A = arith.constant 0 : i32
      %dma_wait3A_46 = tpu.memref_slice %arg15[%dma_wait3A] : memref<336xf32, #tpu.memory_space<vmem>> -> memref<320xf32, #tpu.memory_space<vmem>>
      %dma_wait3A_47 = tpu.memref_slice %arg7[%mul3A_2] : memref<10240xf32, #tpu.memory_space<hbm>> -> memref<320xf32, #tpu.memory_space<hbm>>
      %dma_wait3A_48 = tpu.memref_slice %arg7[%mul3A_2] : memref<10240xf32, #tpu.memory_space<hbm>> -> memref<320xf32, #tpu.memory_space<hbm>>
      %dma_wait3A_49 = arith.constant 0 : i32
      %dma_wait3A_50 = tpu.memref_slice %arg15[%dma_wait3A_49] : memref<336xf32, #tpu.memory_space<vmem>> -> memref<320xf32, #tpu.memory_space<vmem>>
      tpu.wait_dma2 semaphore(%run_scoped3A : memref<!tpu.dma_semaphore, #tpu.memory_space<semaphore_mem>>) src(%dma_wait3A_50 : memref<320xf32, #tpu.memory_space<vmem>>) dst(%dma_wait3A_48 : memref<320xf32, #tpu.memory_space<hbm>>)
      tpu.yield
    }) : () -> ()
    "tpu.region"() ({
      %run_scoped3A = tpu.sem_alloc : memref<!tpu.dma_semaphore, #tpu.memory_space<semaphore_mem>>
      %dma_start3A = arith.constant 0 : i32
      %dma_start3A_41 = tpu.memref_slice %arg5[%add3A, %dma_start3A] : memref<32x1536xi32, #tpu.memory_space<hbm>> -> memref<1x1536xi32, #tpu.memory_space<hbm>>
      %dma_start3A_42 = tpu.memref_squeeze %dma_start3A_41 : memref<1x1536xi32, #tpu.memory_space<hbm>> -> memref<1536xi32, #tpu.memory_space<hbm>>
      %dma_start3A_43 = arith.constant 0 : i32
      %dma_start3A_44 = tpu.memref_slice %arg5[%add3A, %dma_start3A_43] : memref<32x1536xi32, #tpu.memory_space<hbm>> -> memref<1x1536xi32, #tpu.memory_space<hbm>>
      %dma_start3A_45 = tpu.memref_squeeze %dma_start3A_44 : memref<1x1536xi32, #tpu.memory_space<hbm>> -> memref<1536xi32, #tpu.memory_space<hbm>>
      tpu.enqueue_dma source(%arg13 : memref<1536xi32, #tpu.memory_space<vmem>>) target(%dma_start3A_45 : memref<1536xi32, #tpu.memory_space<hbm>>) target_semaphore(%run_scoped3A : memref<!tpu.dma_semaphore, #tpu.memory_space<semaphore_mem>>)
      %dma_wait3A = arith.constant 0 : i32
      %dma_wait3A_46 = tpu.memref_slice %arg5[%add3A, %dma_wait3A] : memref<32x1536xi32, #tpu.memory_space<hbm>> -> memref<1x1536xi32, #tpu.memory_space<hbm>>
      %dma_wait3A_47 = tpu.memref_squeeze %dma_wait3A_46 : memref<1x1536xi32, #tpu.memory_space<hbm>> -> memref<1536xi32, #tpu.memory_space<hbm>>
      %dma_wait3A_48 = arith.constant 0 : i32
      %dma_wait3A_49 = tpu.memref_slice %arg5[%add3A, %dma_wait3A_48] : memref<32x1536xi32, #tpu.memory_space<hbm>> -> memref<1x1536xi32, #tpu.memory_space<hbm>>
      %dma_wait3A_50 = tpu.memref_squeeze %dma_wait3A_49 : memref<1x1536xi32, #tpu.memory_space<hbm>> -> memref<1536xi32, #tpu.memory_space<hbm>>
      tpu.wait_dma2 semaphore(%run_scoped3A : memref<!tpu.dma_semaphore, #tpu.memory_space<semaphore_mem>>) src(%arg13 : memref<1536xi32, #tpu.memory_space<vmem>>) dst(%dma_wait3A_50 : memref<1536xi32, #tpu.memory_space<hbm>>)
      tpu.yield
    }) : () -> ()
    "tpu.region"() ({
      %run_scoped3A = tpu.sem_alloc : memref<!tpu.dma_semaphore, #tpu.memory_space<semaphore_mem>>
      %dma_start3A = arith.constant 0 : i32
      %dma_start3A_41 = tpu.memref_slice %arg6[%add3A, %dma_start3A] : memref<32x1536xi32, #tpu.memory_space<hbm>> -> memref<1x1536xi32, #tpu.memory_space<hbm>>
      %dma_start3A_42 = tpu.memref_squeeze %dma_start3A_41 : memref<1x1536xi32, #tpu.memory_space<hbm>> -> memref<1536xi32, #tpu.memory_space<hbm>>
      %dma_start3A_43 = arith.constant 0 : i32
      %dma_start3A_44 = tpu.memref_slice %arg6[%add3A, %dma_start3A_43] : memref<32x1536xi32, #tpu.memory_space<hbm>> -> memref<1x1536xi32, #tpu.memory_space<hbm>>
      %dma_start3A_45 = tpu.memref_squeeze %dma_start3A_44 : memref<1x1536xi32, #tpu.memory_space<hbm>> -> memref<1536xi32, #tpu.memory_space<hbm>>
      tpu.enqueue_dma source(%arg14 : memref<1536xi32, #tpu.memory_space<vmem>>) target(%dma_start3A_45 : memref<1536xi32, #tpu.memory_space<hbm>>) target_semaphore(%run_scoped3A : memref<!tpu.dma_semaphore, #tpu.memory_space<semaphore_mem>>)
      %dma_wait3A = arith.constant 0 : i32
      %dma_wait3A_46 = tpu.memref_slice %arg6[%add3A, %dma_wait3A] : memref<32x1536xi32, #tpu.memory_space<hbm>> -> memref<1x1536xi32, #tpu.memory_space<hbm>>
      %dma_wait3A_47 = tpu.memref_squeeze %dma_wait3A_46 : memref<1x1536xi32, #tpu.memory_space<hbm>> -> memref<1536xi32, #tpu.memory_space<hbm>>
      %dma_wait3A_48 = arith.constant 0 : i32
      %dma_wait3A_49 = tpu.memref_slice %arg6[%add3A, %dma_wait3A_48] : memref<32x1536xi32, #tpu.memory_space<hbm>> -> memref<1x1536xi32, #tpu.memory_space<hbm>>
      %dma_wait3A_50 = tpu.memref_squeeze %dma_wait3A_49 : memref<1x1536xi32, #tpu.memory_space<hbm>> -> memref<1536xi32, #tpu.memory_space<hbm>>
      tpu.wait_dma2 semaphore(%run_scoped3A : memref<!tpu.dma_semaphore, #tpu.memory_space<semaphore_mem>>) src(%arg14 : memref<1536xi32, #tpu.memory_space<vmem>>) dst(%dma_wait3A_50 : memref<1536xi32, #tpu.memory_space<hbm>>)
      tpu.yield
    }) : () -> ()
    return
  }
}

#map = affine_map<(d0, d1) -> (0, 0)>
#map1 = affine_map<(d0, d1) -> (0)>
module attributes {stable_mosaic.version = 14 : i64} {
  func.func @k(%arg0: i32, %arg1: i32, %arg2: memref<919x512xf32, #tpu.memory_space<hbm>>, %arg3: memref<10240xi32, #tpu.memory_space<hbm>>, %arg4: memref<10240x512xf32, #tpu.memory_space<hbm>>, %arg5: memref<80xi32, #tpu.memory_space<vmem>>, %arg6: memref<80x512xf32, #tpu.memory_space<vmem>>, %arg7: memref<!tpu.dma_semaphore, #tpu.memory_space<semaphore_mem>>) attributes {dimension_semantics = [#tpu.dimension_semantics<core_parallel>, #tpu.dimension_semantics<subcore_parallel>], iteration_bounds = array<i64: 2, 16>, scalar_prefetch = 0 : i64, scratch_operands = 3 : i64, tpu.core_type = #tpu.core_type<sc_vector_subcore>, window_params = [{transform_indices = #map}, {transform_indices = #map1}, {transform_indices = #map}]} {
    %mul3A = arith.constant 2 : i32
    %mul3A_0 = arith.muli %arg1, %mul3A : i32
    %add3A = arith.addi %mul3A_0, %arg0 : i32
    %mul3A_1 = arith.constant 320 : i32
    %mul3A_2 = arith.muli %add3A, %mul3A_1 : i32
    %scan3A = arith.constant 0 : i32
    %scan3A_3 = arith.constant 4 : i32
    %scan3A_4 = arith.addi %scan3A, %scan3A_3 : i32
    %scan3A_5 = arith.constant 1 : i32
    scf.for %scan3A_7 = %scan3A to %scan3A_4 step %scan3A_5  : i32 {
      %mul3A_8 = arith.constant 1 : i32
      %mul3A_9 = arith.muli %scan3A_7, %mul3A_8 : i32
      %add3A_10 = arith.constant 0 : i32
      %add3A_11 = arith.addi %add3A_10, %mul3A_9 : i32
      %mul3A_12 = arith.constant 80 : i32
      %mul3A_13 = arith.muli %add3A_11, %mul3A_12 : i32
      %add3A_14 = arith.addi %mul3A_2, %mul3A_13 : i32
      "tpu.region"() ({
        %run_scoped3A = tpu.sem_alloc : memref<!tpu.dma_semaphore, #tpu.memory_space<semaphore_mem>>
        %dma_start3A_19 = tpu.memref_slice %arg3[%add3A_14] : memref<10240xi32, #tpu.memory_space<hbm>> -> memref<80xi32, #tpu.memory_space<hbm>>
        %dma_start3A_20 = tpu.memref_slice %arg3[%add3A_14] : memref<10240xi32, #tpu.memory_space<hbm>> -> memref<80xi32, #tpu.memory_space<hbm>>
        tpu.enqueue_dma source(%dma_start3A_20 : memref<80xi32, #tpu.memory_space<hbm>>) target(%arg5 : memref<80xi32, #tpu.memory_space<vmem>>) target_semaphore(%run_scoped3A : memref<!tpu.dma_semaphore, #tpu.memory_space<semaphore_mem>>)
        %dma_wait3A_21 = tpu.memref_slice %arg3[%add3A_14] : memref<10240xi32, #tpu.memory_space<hbm>> -> memref<80xi32, #tpu.memory_space<hbm>>
        %dma_wait3A_22 = tpu.memref_slice %arg3[%add3A_14] : memref<10240xi32, #tpu.memory_space<hbm>> -> memref<80xi32, #tpu.memory_space<hbm>>
        tpu.wait_dma2 semaphore(%run_scoped3A : memref<!tpu.dma_semaphore, #tpu.memory_space<semaphore_mem>>) src(%dma_wait3A_22 : memref<80xi32, #tpu.memory_space<hbm>>) dst(%arg5 : memref<80xi32, #tpu.memory_space<vmem>>)
        tpu.yield
      }) : () -> ()
      %dma_start3A = arith.constant 0 : i32
      %dma_start3A_15 = arith.constant 0 : i32
      %dma_start3A_16 = tpu.memref_slice %arg2[%dma_start3A, %dma_start3A_15] : memref<919x512xf32, #tpu.memory_space<hbm>> -> memref<919x512xf32, #tpu.memory_space<hbm>>
      tpu.enqueue_indirect_dma source(%dma_start3A_16 : memref<919x512xf32, #tpu.memory_space<hbm>>) target(%arg6 : memref<80x512xf32, #tpu.memory_space<vmem>>) offsets(%arg5 : memref<80xi32, #tpu.memory_space<vmem>>) semaphore(%arg7 : memref<!tpu.dma_semaphore, #tpu.memory_space<semaphore_mem>>)
      %dma_wait3A = arith.constant 0 : i32
      %dma_wait3A_17 = arith.constant 0 : i32
      %dma_wait3A_18 = tpu.memref_slice %arg2[%dma_wait3A, %dma_wait3A_17] : memref<919x512xf32, #tpu.memory_space<hbm>> -> memref<919x512xf32, #tpu.memory_space<hbm>>
      tpu.wait_indirect_dma semaphore(%arg7 : memref<!tpu.dma_semaphore, #tpu.memory_space<semaphore_mem>>) src(%dma_wait3A_18 : memref<919x512xf32, #tpu.memory_space<hbm>>) dst(%arg6 : memref<80x512xf32, #tpu.memory_space<vmem>>)
      "tpu.region"() ({
        %run_scoped3A = tpu.sem_alloc : memref<!tpu.dma_semaphore, #tpu.memory_space<semaphore_mem>>
        %dma_start3A_19 = arith.constant 0 : i32
        %dma_start3A_20 = tpu.memref_slice %arg4[%add3A_14, %dma_start3A_19] : memref<10240x512xf32, #tpu.memory_space<hbm>> -> memref<80x512xf32, #tpu.memory_space<hbm>>
        %dma_start3A_21 = arith.constant 0 : i32
        %dma_start3A_22 = tpu.memref_slice %arg4[%add3A_14, %dma_start3A_21] : memref<10240x512xf32, #tpu.memory_space<hbm>> -> memref<80x512xf32, #tpu.memory_space<hbm>>
        tpu.enqueue_dma source(%arg6 : memref<80x512xf32, #tpu.memory_space<vmem>>) target(%dma_start3A_22 : memref<80x512xf32, #tpu.memory_space<hbm>>) target_semaphore(%run_scoped3A : memref<!tpu.dma_semaphore, #tpu.memory_space<semaphore_mem>>)
        %dma_wait3A_23 = arith.constant 0 : i32
        %dma_wait3A_24 = tpu.memref_slice %arg4[%add3A_14, %dma_wait3A_23] : memref<10240x512xf32, #tpu.memory_space<hbm>> -> memref<80x512xf32, #tpu.memory_space<hbm>>
        %dma_wait3A_25 = arith.constant 0 : i32
        %dma_wait3A_26 = tpu.memref_slice %arg4[%add3A_14, %dma_wait3A_25] : memref<10240x512xf32, #tpu.memory_space<hbm>> -> memref<80x512xf32, #tpu.memory_space<hbm>>
        tpu.wait_dma2 semaphore(%run_scoped3A : memref<!tpu.dma_semaphore, #tpu.memory_space<semaphore_mem>>) src(%arg6 : memref<80x512xf32, #tpu.memory_space<vmem>>) dst(%dma_wait3A_26 : memref<80x512xf32, #tpu.memory_space<hbm>>)
        tpu.yield
      }) : () -> ()
    }
    %scan3A_6 = arith.constant 4 : i32
    return
  }
}

#map = affine_map<(d0, d1) -> (0, 0)>
module attributes {stable_mosaic.version = 14 : i64} {
  func.func @k(%arg0: i32, %arg1: i32, %arg2: memref<640000x64xf32, #tpu.memory_space<hbm>>, %arg3: memref<32x1536xi32, #tpu.memory_space<hbm>>, %arg4: memref<32x1536xi32, #tpu.memory_space<hbm>>, %arg5: memref<10240x2048xf32, #tpu.memory_space<hbm>>, %arg6: memref<10240x2048xf32, #tpu.memory_space<hbm>>, %arg7: memref<10240x2048xf32, #tpu.memory_space<hbm>>, %arg8: memref<10240x2048xf32, #tpu.memory_space<hbm>>, %arg9: memref<1536xi32, #tpu.memory_space<vmem>>, %arg10: memref<1536xi32, #tpu.memory_space<vmem>>, %arg11: memref<512xi32, #tpu.memory_space<vmem>>, %arg12: memref<321x64xf32, #tpu.memory_space<vmem>>, %arg13: memref<321x64xf32, #tpu.memory_space<vmem>>, %arg14: memref<321x64xf32, #tpu.memory_space<vmem>>, %arg15: memref<321x64xf32, #tpu.memory_space<vmem>>, %arg16: memref<512x64xf32, #tpu.memory_space<vmem>>, %arg17: memref<!tpu.dma_semaphore, #tpu.memory_space<semaphore_mem>>, %arg18: memref<!tpu.dma_semaphore, #tpu.memory_space<semaphore_mem>>, %arg19: memref<!tpu.dma_semaphore, #tpu.memory_space<semaphore_mem>>, %arg20: memref<!tpu.dma_semaphore, #tpu.memory_space<semaphore_mem>>) attributes {dimension_semantics = [#tpu.dimension_semantics<core_parallel>, #tpu.dimension_semantics<subcore_parallel>], iteration_bounds = array<i64: 2, 16>, scalar_prefetch = 0 : i64, scratch_operands = 12 : i64, tpu.core_type = #tpu.core_type<sc_vector_subcore>, window_params = [{transform_indices = #map}, {transform_indices = #map}, {transform_indices = #map}, {transform_indices = #map}, {transform_indices = #map}, {transform_indices = #map}, {transform_indices = #map}]} {
    %mul3A = arith.constant 2 : i32
    %mul3A_0 = arith.muli %arg1, %mul3A : i32
    %add3A = arith.addi %mul3A_0, %arg0 : i32
    %mul3A_1 = arith.constant 320 : i32
    %mul3A_2 = arith.muli %add3A, %mul3A_1 : i32
    %iota3A = tpu.iota {dimensions = array<i32: 0>} : vector<16xi32>
    %broadcast_in_dim3A = arith.constant 0.000000e+00 : f32
    %broadcast_in_dim3A_3 = vector.broadcast %broadcast_in_dim3A : f32 to vector<16xf32>
    "tpu.region"() ({
      %run_scoped3A = tpu.sem_alloc : memref<!tpu.dma_semaphore, #tpu.memory_space<semaphore_mem>>
      %dma_start3A = arith.constant 0 : i32
      %dma_start3A_8 = tpu.memref_slice %arg3[%add3A, %dma_start3A] : memref<32x1536xi32, #tpu.memory_space<hbm>> -> memref<1x1536xi32, #tpu.memory_space<hbm>>
      %dma_start3A_9 = tpu.memref_squeeze %dma_start3A_8 : memref<1x1536xi32, #tpu.memory_space<hbm>> -> memref<1536xi32, #tpu.memory_space<hbm>>
      %dma_start3A_10 = arith.constant 0 : i32
      %dma_start3A_11 = tpu.memref_slice %arg3[%add3A, %dma_start3A_10] : memref<32x1536xi32, #tpu.memory_space<hbm>> -> memref<1x1536xi32, #tpu.memory_space<hbm>>
      %dma_start3A_12 = tpu.memref_squeeze %dma_start3A_11 : memref<1x1536xi32, #tpu.memory_space<hbm>> -> memref<1536xi32, #tpu.memory_space<hbm>>
      tpu.enqueue_dma source(%dma_start3A_12 : memref<1536xi32, #tpu.memory_space<hbm>>) target(%arg9 : memref<1536xi32, #tpu.memory_space<vmem>>) target_semaphore(%run_scoped3A : memref<!tpu.dma_semaphore, #tpu.memory_space<semaphore_mem>>)
      %dma_wait3A = arith.constant 0 : i32
      %dma_wait3A_13 = tpu.memref_slice %arg3[%add3A, %dma_wait3A] : memref<32x1536xi32, #tpu.memory_space<hbm>> -> memref<1x1536xi32, #tpu.memory_space<hbm>>
      %dma_wait3A_14 = tpu.memref_squeeze %dma_wait3A_13 : memref<1x1536xi32, #tpu.memory_space<hbm>> -> memref<1536xi32, #tpu.memory_space<hbm>>
      %dma_wait3A_15 = arith.constant 0 : i32
      %dma_wait3A_16 = tpu.memref_slice %arg3[%add3A, %dma_wait3A_15] : memref<32x1536xi32, #tpu.memory_space<hbm>> -> memref<1x1536xi32, #tpu.memory_space<hbm>>
      %dma_wait3A_17 = tpu.memref_squeeze %dma_wait3A_16 : memref<1x1536xi32, #tpu.memory_space<hbm>> -> memref<1536xi32, #tpu.memory_space<hbm>>
      tpu.wait_dma2 semaphore(%run_scoped3A : memref<!tpu.dma_semaphore, #tpu.memory_space<semaphore_mem>>) src(%dma_wait3A_17 : memref<1536xi32, #tpu.memory_space<hbm>>) dst(%arg9 : memref<1536xi32, #tpu.memory_space<vmem>>)
      tpu.yield
    }) : () -> ()
    "tpu.region"() ({
      %run_scoped3A = tpu.sem_alloc : memref<!tpu.dma_semaphore, #tpu.memory_space<semaphore_mem>>
      %dma_start3A = arith.constant 0 : i32
      %dma_start3A_8 = tpu.memref_slice %arg4[%add3A, %dma_start3A] : memref<32x1536xi32, #tpu.memory_space<hbm>> -> memref<1x1536xi32, #tpu.memory_space<hbm>>
      %dma_start3A_9 = tpu.memref_squeeze %dma_start3A_8 : memref<1x1536xi32, #tpu.memory_space<hbm>> -> memref<1536xi32, #tpu.memory_space<hbm>>
      %dma_start3A_10 = arith.constant 0 : i32
      %dma_start3A_11 = tpu.memref_slice %arg4[%add3A, %dma_start3A_10] : memref<32x1536xi32, #tpu.memory_space<hbm>> -> memref<1x1536xi32, #tpu.memory_space<hbm>>
      %dma_start3A_12 = tpu.memref_squeeze %dma_start3A_11 : memref<1x1536xi32, #tpu.memory_space<hbm>> -> memref<1536xi32, #tpu.memory_space<hbm>>
      tpu.enqueue_dma source(%dma_start3A_12 : memref<1536xi32, #tpu.memory_space<hbm>>) target(%arg10 : memref<1536xi32, #tpu.memory_space<vmem>>) target_semaphore(%run_scoped3A : memref<!tpu.dma_semaphore, #tpu.memory_space<semaphore_mem>>)
      %dma_wait3A = arith.constant 0 : i32
      %dma_wait3A_13 = tpu.memref_slice %arg4[%add3A, %dma_wait3A] : memref<32x1536xi32, #tpu.memory_space<hbm>> -> memref<1x1536xi32, #tpu.memory_space<hbm>>
      %dma_wait3A_14 = tpu.memref_squeeze %dma_wait3A_13 : memref<1x1536xi32, #tpu.memory_space<hbm>> -> memref<1536xi32, #tpu.memory_space<hbm>>
      %dma_wait3A_15 = arith.constant 0 : i32
      %dma_wait3A_16 = tpu.memref_slice %arg4[%add3A, %dma_wait3A_15] : memref<32x1536xi32, #tpu.memory_space<hbm>> -> memref<1x1536xi32, #tpu.memory_space<hbm>>
      %dma_wait3A_17 = tpu.memref_squeeze %dma_wait3A_16 : memref<1x1536xi32, #tpu.memory_space<hbm>> -> memref<1536xi32, #tpu.memory_space<hbm>>
      tpu.wait_dma2 semaphore(%run_scoped3A : memref<!tpu.dma_semaphore, #tpu.memory_space<semaphore_mem>>) src(%dma_wait3A_17 : memref<1536xi32, #tpu.memory_space<hbm>>) dst(%arg10 : memref<1536xi32, #tpu.memory_space<vmem>>)
      tpu.yield
    }) : () -> ()
    %scan3A = arith.constant 0 : i32
    %scan3A_4 = arith.constant 32 : i32
    %scan3A_5 = arith.addi %scan3A, %scan3A_4 : i32
    %scan3A_6 = arith.constant 1 : i32
    scf.for %scan3A_8 = %scan3A to %scan3A_5 step %scan3A_6  : i32 {
      %mul3A_9 = arith.constant 1 : i32
      %mul3A_10 = arith.muli %scan3A_8, %mul3A_9 : i32
      %add3A_11 = arith.constant 0 : i32
      %add3A_12 = arith.addi %add3A_11, %mul3A_10 : i32
      %scan3A_13 = arith.constant 0 : i32
      %scan3A_14 = arith.constant 321 : i32
      %scan3A_15 = arith.addi %scan3A_13, %scan3A_14 : i32
      %scan3A_16 = arith.constant 1 : i32
      scf.for %scan3A_25 = %scan3A_13 to %scan3A_15 step %scan3A_16  : i32 {
        %mul3A_26 = arith.constant 1 : i32
        %mul3A_27 = arith.muli %scan3A_25, %mul3A_26 : i32
        %add3A_28 = arith.constant 0 : i32
        %add3A_29 = arith.addi %add3A_28, %mul3A_27 : i32
        %swap3A = arith.index_cast %add3A_29 : i32 to index
        %swap3A_30 = arith.constant 0 : index
        %swap3A_31 = tpu.vector_load %arg12[%swap3A, %swap3A_30] {strides = array<i32>} : memref<321x64xf32, #tpu.memory_space<vmem>>, vector<16xf32>,
        tpu.vector_store %arg12[%swap3A, %swap3A_30], %broadcast_in_dim3A_3 {strides = array<i32>} : memref<321x64xf32, #tpu.memory_space<vmem>>, vector<16xf32>,
        %swap3A_32 = arith.index_cast %add3A_29 : i32 to index
        %swap3A_33 = arith.constant 0 : index
        %swap3A_34 = tpu.vector_load %arg13[%swap3A_32, %swap3A_33] {strides = array<i32>} : memref<321x64xf32, #tpu.memory_space<vmem>>, vector<16xf32>,
        tpu.vector_store %arg13[%swap3A_32, %swap3A_33], %broadcast_in_dim3A_3 {strides = array<i32>} : memref<321x64xf32, #tpu.memory_space<vmem>>, vector<16xf32>,
        %broadcast_in_dim3A_35 = arith.constant 3.000000e+38 : f32
        %broadcast_in_dim3A_36 = vector.broadcast %broadcast_in_dim3A_35 : f32 to vector<16xf32>
        %swap3A_37 = arith.index_cast %add3A_29 : i32 to index
        %swap3A_38 = arith.constant 0 : index
        %swap3A_39 = tpu.vector_load %arg14[%swap3A_37, %swap3A_38] {strides = array<i32>} : memref<321x64xf32, #tpu.memory_space<vmem>>, vector<16xf32>,
        tpu.vector_store %arg14[%swap3A_37, %swap3A_38], %broadcast_in_dim3A_36 {strides = array<i32>} : memref<321x64xf32, #tpu.memory_space<vmem>>, vector<16xf32>,
        %broadcast_in_dim3A_40 = arith.constant -3.000000e+38 : f32
        %broadcast_in_dim3A_41 = vector.broadcast %broadcast_in_dim3A_40 : f32 to vector<16xf32>
        %swap3A_42 = arith.index_cast %add3A_29 : i32 to index
        %swap3A_43 = arith.constant 0 : index
        %swap3A_44 = tpu.vector_load %arg15[%swap3A_42, %swap3A_43] {strides = array<i32>} : memref<321x64xf32, #tpu.memory_space<vmem>>, vector<16xf32>,
        tpu.vector_store %arg15[%swap3A_42, %swap3A_43], %broadcast_in_dim3A_41 {strides = array<i32>} : memref<321x64xf32, #tpu.memory_space<vmem>>, vector<16xf32>,
        %swap3A_45 = arith.index_cast %add3A_29 : i32 to index
        %swap3A_46 = arith.constant 16 : index
        %swap3A_47 = tpu.vector_load %arg12[%swap3A_45, %swap3A_46] {strides = array<i32>} : memref<321x64xf32, #tpu.memory_space<vmem>>, vector<16xf32>,
        tpu.vector_store %arg12[%swap3A_45, %swap3A_46], %broadcast_in_dim3A_3 {strides = array<i32>} : memref<321x64xf32, #tpu.memory_space<vmem>>, vector<16xf32>,
        %swap3A_48 = arith.index_cast %add3A_29 : i32 to index
        %swap3A_49 = arith.constant 16 : index
        %swap3A_50 = tpu.vector_load %arg13[%swap3A_48, %swap3A_49] {strides = array<i32>} : memref<321x64xf32, #tpu.memory_space<vmem>>, vector<16xf32>,
        tpu.vector_store %arg13[%swap3A_48, %swap3A_49], %broadcast_in_dim3A_3 {strides = array<i32>} : memref<321x64xf32, #tpu.memory_space<vmem>>, vector<16xf32>,
        %broadcast_in_dim3A_51 = arith.constant 3.000000e+38 : f32
        %broadcast_in_dim3A_52 = vector.broadcast %broadcast_in_dim3A_51 : f32 to vector<16xf32>
        %swap3A_53 = arith.index_cast %add3A_29 : i32 to index
        %swap3A_54 = arith.constant 16 : index
        %swap3A_55 = tpu.vector_load %arg14[%swap3A_53, %swap3A_54] {strides = array<i32>} : memref<321x64xf32, #tpu.memory_space<vmem>>, vector<16xf32>,
        tpu.vector_store %arg14[%swap3A_53, %swap3A_54], %broadcast_in_dim3A_52 {strides = array<i32>} : memref<321x64xf32, #tpu.memory_space<vmem>>, vector<16xf32>,
        %broadcast_in_dim3A_56 = arith.constant -3.000000e+38 : f32
        %broadcast_in_dim3A_57 = vector.broadcast %broadcast_in_dim3A_56 : f32 to vector<16xf32>
        %swap3A_58 = arith.index_cast %add3A_29 : i32 to index
        %swap3A_59 = arith.constant 16 : index
        %swap3A_60 = tpu.vector_load %arg15[%swap3A_58, %swap3A_59] {strides = array<i32>} : memref<321x64xf32, #tpu.memory_space<vmem>>, vector<16xf32>,
        tpu.vector_store %arg15[%swap3A_58, %swap3A_59], %broadcast_in_dim3A_57 {strides = array<i32>} : memref<321x64xf32, #tpu.memory_space<vmem>>, vector<16xf32>,
        %swap3A_61 = arith.index_cast %add3A_29 : i32 to index
        %swap3A_62 = arith.constant 32 : index
        %swap3A_63 = tpu.vector_load %arg12[%swap3A_61, %swap3A_62] {strides = array<i32>} : memref<321x64xf32, #tpu.memory_space<vmem>>, vector<16xf32>,
        tpu.vector_store %arg12[%swap3A_61, %swap3A_62], %broadcast_in_dim3A_3 {strides = array<i32>} : memref<321x64xf32, #tpu.memory_space<vmem>>, vector<16xf32>,
        %swap3A_64 = arith.index_cast %add3A_29 : i32 to index
        %swap3A_65 = arith.constant 32 : index
        %swap3A_66 = tpu.vector_load %arg13[%swap3A_64, %swap3A_65] {strides = array<i32>} : memref<321x64xf32, #tpu.memory_space<vmem>>, vector<16xf32>,
        tpu.vector_store %arg13[%swap3A_64, %swap3A_65], %broadcast_in_dim3A_3 {strides = array<i32>} : memref<321x64xf32, #tpu.memory_space<vmem>>, vector<16xf32>,
        %broadcast_in_dim3A_67 = arith.constant 3.000000e+38 : f32
        %broadcast_in_dim3A_68 = vector.broadcast %broadcast_in_dim3A_67 : f32 to vector<16xf32>
        %swap3A_69 = arith.index_cast %add3A_29 : i32 to index
        %swap3A_70 = arith.constant 32 : index
        %swap3A_71 = tpu.vector_load %arg14[%swap3A_69, %swap3A_70] {strides = array<i32>} : memref<321x64xf32, #tpu.memory_space<vmem>>, vector<16xf32>,
        tpu.vector_store %arg14[%swap3A_69, %swap3A_70], %broadcast_in_dim3A_68 {strides = array<i32>} : memref<321x64xf32, #tpu.memory_space<vmem>>, vector<16xf32>,
        %broadcast_in_dim3A_72 = arith.constant -3.000000e+38 : f32
        %broadcast_in_dim3A_73 = vector.broadcast %broadcast_in_dim3A_72 : f32 to vector<16xf32>
        %swap3A_74 = arith.index_cast %add3A_29 : i32 to index
        %swap3A_75 = arith.constant 32 : index
        %swap3A_76 = tpu.vector_load %arg15[%swap3A_74, %swap3A_75] {strides = array<i32>} : memref<321x64xf32, #tpu.memory_space<vmem>>, vector<16xf32>,
        tpu.vector_store %arg15[%swap3A_74, %swap3A_75], %broadcast_in_dim3A_73 {strides = array<i32>} : memref<321x64xf32, #tpu.memory_space<vmem>>, vector<16xf32>,
        %swap3A_77 = arith.index_cast %add3A_29 : i32 to index
        %swap3A_78 = arith.constant 48 : index
        %swap3A_79 = tpu.vector_load %arg12[%swap3A_77, %swap3A_78] {strides = array<i32>} : memref<321x64xf32, #tpu.memory_space<vmem>>, vector<16xf32>,
        tpu.vector_store %arg12[%swap3A_77, %swap3A_78], %broadcast_in_dim3A_3 {strides = array<i32>} : memref<321x64xf32, #tpu.memory_space<vmem>>, vector<16xf32>,
        %swap3A_80 = arith.index_cast %add3A_29 : i32 to index
        %swap3A_81 = arith.constant 48 : index
        %swap3A_82 = tpu.vector_load %arg13[%swap3A_80, %swap3A_81] {strides = array<i32>} : memref<321x64xf32, #tpu.memory_space<vmem>>, vector<16xf32>,
        tpu.vector_store %arg13[%swap3A_80, %swap3A_81], %broadcast_in_dim3A_3 {strides = array<i32>} : memref<321x64xf32, #tpu.memory_space<vmem>>, vector<16xf32>,
        %broadcast_in_dim3A_83 = arith.constant 3.000000e+38 : f32
        %broadcast_in_dim3A_84 = vector.broadcast %broadcast_in_dim3A_83 : f32 to vector<16xf32>
        %swap3A_85 = arith.index_cast %add3A_29 : i32 to index
        %swap3A_86 = arith.constant 48 : index
        %swap3A_87 = tpu.vector_load %arg14[%swap3A_85, %swap3A_86] {strides = array<i32>} : memref<321x64xf32, #tpu.memory_space<vmem>>, vector<16xf32>,
        tpu.vector_store %arg14[%swap3A_85, %swap3A_86], %broadcast_in_dim3A_84 {strides = array<i32>} : memref<321x64xf32, #tpu.memory_space<vmem>>, vector<16xf32>,
        %broadcast_in_dim3A_88 = arith.constant -3.000000e+38 : f32
        %broadcast_in_dim3A_89 = vector.broadcast %broadcast_in_dim3A_88 : f32 to vector<16xf32>
        %swap3A_90 = arith.index_cast %add3A_29 : i32 to index
        %swap3A_91 = arith.constant 48 : index
        %swap3A_92 = tpu.vector_load %arg15[%swap3A_90, %swap3A_91] {strides = array<i32>} : memref<321x64xf32, #tpu.memory_space<vmem>>, vector<16xf32>,
        tpu.vector_store %arg15[%swap3A_90, %swap3A_91], %broadcast_in_dim3A_89 {strides = array<i32>} : memref<321x64xf32, #tpu.memory_space<vmem>>, vector<16xf32>,
      }
      %scan3A_17 = arith.constant 321 : i32
      %scan3A_18 = arith.constant 0 : i32
      %scan3A_19 = arith.constant 3 : i32
      %scan3A_20 = arith.addi %scan3A_18, %scan3A_19 : i32
      %scan3A_21 = arith.constant 1 : i32
      scf.for %scan3A_25 = %scan3A_18 to %scan3A_20 step %scan3A_21  : i32 {
        %mul3A_26 = arith.constant 4 : i32
        %mul3A_27 = arith.muli %scan3A_25, %mul3A_26 : i32
        %add3A_28 = arith.constant 0 : i32
        %add3A_29 = arith.addi %add3A_28, %mul3A_27 : i32
        %scan3A_30 = arith.constant 0 : i32
        %scan3A_31 = arith.constant 8 : i32
        %scan3A_32 = arith.addi %scan3A_30, %scan3A_31 : i32
        %scan3A_33 = arith.constant 1 : i32
        scf.for %scan3A_132 = %scan3A_30 to %scan3A_32 step %scan3A_33  : i32 {
          %mul3A_133 = arith.constant 16 : i32
          %mul3A_134 = arith.muli %scan3A_132, %mul3A_133 : i32
          %add3A_135 = arith.constant 0 : i32
          %add3A_136 = arith.addi %add3A_135, %mul3A_134 : i32
          %add3A_137 = arith.constant 0 : i32
          %add3A_138 = arith.addi %add3A_29, %add3A_137 : i32
          %mul3A_139 = arith.constant 128 : i32
          %mul3A_140 = arith.muli %add3A_138, %mul3A_139 : i32
          %add3A_141 = arith.addi %mul3A_140, %add3A_136 : i32
          %get3A = arith.index_cast %add3A_141 : i32 to index
          %get3A_142 = tpu.vector_load %arg9[%get3A] {strides = array<i32>} : memref<1536xi32, #tpu.memory_space<vmem>>, vector<16xi32>,
          %mul3A_143 = arith.constant 32 : i32
          %mul3A_144 = vector.broadcast %mul3A_143 : i32 to vector<16xi32>
          %mul3A_145 = arith.muli %get3A_142, %mul3A_144 : vector<16xi32>
          %add3A_146 = vector.broadcast %add3A_12 : i32 to vector<16xi32>
          %add3A_147 = arith.addi %mul3A_145, %add3A_146 : vector<16xi32>
          %add3A_148 = arith.constant 0 : i32
          %add3A_149 = arith.addi %add3A_148, %add3A_136 : i32
          %swap3A = arith.index_cast %add3A_149 : i32 to index
          %swap3A_150 = tpu.vector_load %arg11[%swap3A] {strides = array<i32>} : memref<512xi32, #tpu.memory_space<vmem>>, vector<16xi32>,
          tpu.vector_store %arg11[%swap3A], %add3A_147 {strides = array<i32>} : memref<512xi32, #tpu.memory_space<vmem>>, vector<16xi32>,
        }
        %scan3A_34 = arith.constant 8 : i32
        %scan3A_35 = arith.constant 0 : i32
        %scan3A_36 = arith.constant 8 : i32
        %scan3A_37 = arith.addi %scan3A_35, %scan3A_36 : i32
        %scan3A_38 = arith.constant 1 : i32
        scf.for %scan3A_132 = %scan3A_35 to %scan3A_37 step %scan3A_38  : i32 {
          %mul3A_133 = arith.constant 16 : i32
          %mul3A_134 = arith.muli %scan3A_132, %mul3A_133 : i32
          %add3A_135 = arith.constant 0 : i32
          %add3A_136 = arith.addi %add3A_135, %mul3A_134 : i32
          %add3A_137 = arith.constant 1 : i32
          %add3A_138 = arith.addi %add3A_29, %add3A_137 : i32
          %mul3A_139 = arith.constant 128 : i32
          %mul3A_140 = arith.muli %add3A_138, %mul3A_139 : i32
          %add3A_141 = arith.addi %mul3A_140, %add3A_136 : i32
          %get3A = arith.index_cast %add3A_141 : i32 to index
          %get3A_142 = tpu.vector_load %arg9[%get3A] {strides = array<i32>} : memref<1536xi32, #tpu.memory_space<vmem>>, vector<16xi32>,
          %mul3A_143 = arith.constant 32 : i32
          %mul3A_144 = vector.broadcast %mul3A_143 : i32 to vector<16xi32>
          %mul3A_145 = arith.muli %get3A_142, %mul3A_144 : vector<16xi32>
          %add3A_146 = vector.broadcast %add3A_12 : i32 to vector<16xi32>
          %add3A_147 = arith.addi %mul3A_145, %add3A_146 : vector<16xi32>
          %add3A_148 = arith.constant 128 : i32
          %add3A_149 = arith.addi %add3A_148, %add3A_136 : i32
          %swap3A = arith.index_cast %add3A_149 : i32 to index
          %swap3A_150 = tpu.vector_load %arg11[%swap3A] {strides = array<i32>} : memref<512xi32, #tpu.memory_space<vmem>>, vector<16xi32>,
          tpu.vector_store %arg11[%swap3A], %add3A_147 {strides = array<i32>} : memref<512xi32, #tpu.memory_space<vmem>>, vector<16xi32>,
        }
        %scan3A_39 = arith.constant 8 : i32
        %scan3A_40 = arith.constant 0 : i32
        %scan3A_41 = arith.constant 8 : i32
        %scan3A_42 = arith.addi %scan3A_40, %scan3A_41 : i32
        %scan3A_43 = arith.constant 1 : i32
        scf.for %scan3A_132 = %scan3A_40 to %scan3A_42 step %scan3A_43  : i32 {
          %mul3A_133 = arith.constant 16 : i32
          %mul3A_134 = arith.muli %scan3A_132, %mul3A_133 : i32
          %add3A_135 = arith.constant 0 : i32
          %add3A_136 = arith.addi %add3A_135, %mul3A_134 : i32
          %add3A_137 = arith.constant 2 : i32
          %add3A_138 = arith.addi %add3A_29, %add3A_137 : i32
          %mul3A_139 = arith.constant 128 : i32
          %mul3A_140 = arith.muli %add3A_138, %mul3A_139 : i32
          %add3A_141 = arith.addi %mul3A_140, %add3A_136 : i32
          %get3A = arith.index_cast %add3A_141 : i32 to index
          %get3A_142 = tpu.vector_load %arg9[%get3A] {strides = array<i32>} : memref<1536xi32, #tpu.memory_space<vmem>>, vector<16xi32>,
          %mul3A_143 = arith.constant 32 : i32
          %mul3A_144 = vector.broadcast %mul3A_143 : i32 to vector<16xi32>
          %mul3A_145 = arith.muli %get3A_142, %mul3A_144 : vector<16xi32>
          %add3A_146 = vector.broadcast %add3A_12 : i32 to vector<16xi32>
          %add3A_147 = arith.addi %mul3A_145, %add3A_146 : vector<16xi32>
          %add3A_148 = arith.constant 256 : i32
          %add3A_149 = arith.addi %add3A_148, %add3A_136 : i32
          %swap3A = arith.index_cast %add3A_149 : i32 to index
          %swap3A_150 = tpu.vector_load %arg11[%swap3A] {strides = array<i32>} : memref<512xi32, #tpu.memory_space<vmem>>, vector<16xi32>,
          tpu.vector_store %arg11[%swap3A], %add3A_147 {strides = array<i32>} : memref<512xi32, #tpu.memory_space<vmem>>, vector<16xi32>,
        }
        %scan3A_44 = arith.constant 8 : i32
        %scan3A_45 = arith.constant 0 : i32
        %scan3A_46 = arith.constant 8 : i32
        %scan3A_47 = arith.addi %scan3A_45, %scan3A_46 : i32
        %scan3A_48 = arith.constant 1 : i32
        scf.for %scan3A_132 = %scan3A_45 to %scan3A_47 step %scan3A_48  : i32 {
          %mul3A_133 = arith.constant 16 : i32
          %mul3A_134 = arith.muli %scan3A_132, %mul3A_133 : i32
          %add3A_135 = arith.constant 0 : i32
          %add3A_136 = arith.addi %add3A_135, %mul3A_134 : i32
          %add3A_137 = arith.constant 3 : i32
          %add3A_138 = arith.addi %add3A_29, %add3A_137 : i32
          %mul3A_139 = arith.constant 128 : i32
          %mul3A_140 = arith.muli %add3A_138, %mul3A_139 : i32
          %add3A_141 = arith.addi %mul3A_140, %add3A_136 : i32
          %get3A = arith.index_cast %add3A_141 : i32 to index
          %get3A_142 = tpu.vector_load %arg9[%get3A] {strides = array<i32>} : memref<1536xi32, #tpu.memory_space<vmem>>, vector<16xi32>,
          %mul3A_143 = arith.constant 32 : i32
          %mul3A_144 = vector.broadcast %mul3A_143 : i32 to vector<16xi32>
          %mul3A_145 = arith.muli %get3A_142, %mul3A_144 : vector<16xi32>
          %add3A_146 = vector.broadcast %add3A_12 : i32 to vector<16xi32>
          %add3A_147 = arith.addi %mul3A_145, %add3A_146 : vector<16xi32>
          %add3A_148 = arith.constant 384 : i32
          %add3A_149 = arith.addi %add3A_148, %add3A_136 : i32
          %swap3A = arith.index_cast %add3A_149 : i32 to index
          %swap3A_150 = tpu.vector_load %arg11[%swap3A] {strides = array<i32>} : memref<512xi32, #tpu.memory_space<vmem>>, vector<16xi32>,
          tpu.vector_store %arg11[%swap3A], %add3A_147 {strides = array<i32>} : memref<512xi32, #tpu.memory_space<vmem>>, vector<16xi32>,
        }
        %scan3A_49 = arith.constant 8 : i32
        %dma_start3A = arith.constant 0 : i32
        %dma_start3A_50 = arith.constant 0 : i32
        %dma_start3A_51 = tpu.memref_slice %arg16[%dma_start3A, %dma_start3A_50] : memref<512x64xf32, #tpu.memory_space<vmem>> -> memref<128x64xf32, #tpu.memory_space<vmem>>
        %dma_start3A_52 = arith.constant 0 : i32
        %dma_start3A_53 = tpu.memref_slice %arg11[%dma_start3A_52] : memref<512xi32, #tpu.memory_space<vmem>> -> memref<128xi32, #tpu.memory_space<vmem>>
        %dma_start3A_54 = arith.constant 0 : i32
        %dma_start3A_55 = arith.constant 0 : i32
        %dma_start3A_56 = tpu.memref_slice %arg2[%dma_start3A_54, %dma_start3A_55] : memref<640000x64xf32, #tpu.memory_space<hbm>> -> memref<640000x64xf32, #tpu.memory_space<hbm>>
        tpu.enqueue_indirect_dma source(%dma_start3A_56 : memref<640000x64xf32, #tpu.memory_space<hbm>>) target(%dma_start3A_51 : memref<128x64xf32, #tpu.memory_space<vmem>>) offsets(%dma_start3A_53 : memref<128xi32, #tpu.memory_space<vmem>>) semaphore(%arg17 : memref<!tpu.dma_semaphore, #tpu.memory_space<semaphore_mem>>)
        %dma_start3A_57 = arith.constant 128 : i32
        %dma_start3A_58 = arith.constant 0 : i32
        %dma_start3A_59 = tpu.memref_slice %arg16[%dma_start3A_57, %dma_start3A_58] : memref<512x64xf32, #tpu.memory_space<vmem>> -> memref<128x64xf32, #tpu.memory_space<vmem>>
        %dma_start3A_60 = arith.constant 128 : i32
        %dma_start3A_61 = tpu.memref_slice %arg11[%dma_start3A_60] : memref<512xi32, #tpu.memory_space<vmem>> -> memref<128xi32, #tpu.memory_space<vmem>>
        %dma_start3A_62 = arith.constant 0 : i32
        %dma_start3A_63 = arith.constant 0 : i32
        %dma_start3A_64 = tpu.memref_slice %arg2[%dma_start3A_62, %dma_start3A_63] : memref<640000x64xf32, #tpu.memory_space<hbm>> -> memref<640000x64xf32, #tpu.memory_space<hbm>>
        tpu.enqueue_indirect_dma source(%dma_start3A_64 : memref<640000x64xf32, #tpu.memory_space<hbm>>) target(%dma_start3A_59 : memref<128x64xf32, #tpu.memory_space<vmem>>) offsets(%dma_start3A_61 : memref<128xi32, #tpu.memory_space<vmem>>) semaphore(%arg18 : memref<!tpu.dma_semaphore, #tpu.memory_space<semaphore_mem>>)
        %dma_start3A_65 = arith.constant 256 : i32
        %dma_start3A_66 = arith.constant 0 : i32
        %dma_start3A_67 = tpu.memref_slice %arg16[%dma_start3A_65, %dma_start3A_66] : memref<512x64xf32, #tpu.memory_space<vmem>> -> memref<128x64xf32, #tpu.memory_space<vmem>>
        %dma_start3A_68 = arith.constant 256 : i32
        %dma_start3A_69 = tpu.memref_slice %arg11[%dma_start3A_68] : memref<512xi32, #tpu.memory_space<vmem>> -> memref<128xi32, #tpu.memory_space<vmem>>
        %dma_start3A_70 = arith.constant 0 : i32
        %dma_start3A_71 = arith.constant 0 : i32
        %dma_start3A_72 = tpu.memref_slice %arg2[%dma_start3A_70, %dma_start3A_71] : memref<640000x64xf32, #tpu.memory_space<hbm>> -> memref<640000x64xf32, #tpu.memory_space<hbm>>
        tpu.enqueue_indirect_dma source(%dma_start3A_72 : memref<640000x64xf32, #tpu.memory_space<hbm>>) target(%dma_start3A_67 : memref<128x64xf32, #tpu.memory_space<vmem>>) offsets(%dma_start3A_69 : memref<128xi32, #tpu.memory_space<vmem>>) semaphore(%arg19 : memref<!tpu.dma_semaphore, #tpu.memory_space<semaphore_mem>>)
        %dma_start3A_73 = arith.constant 384 : i32
        %dma_start3A_74 = arith.constant 0 : i32
        %dma_start3A_75 = tpu.memref_slice %arg16[%dma_start3A_73, %dma_start3A_74] : memref<512x64xf32, #tpu.memory_space<vmem>> -> memref<128x64xf32, #tpu.memory_space<vmem>>
        %dma_start3A_76 = arith.constant 384 : i32
        %dma_start3A_77 = tpu.memref_slice %arg11[%dma_start3A_76] : memref<512xi32, #tpu.memory_space<vmem>> -> memref<128xi32, #tpu.memory_space<vmem>>
        %dma_start3A_78 = arith.constant 0 : i32
        %dma_start3A_79 = arith.constant 0 : i32
        %dma_start3A_80 = tpu.memref_slice %arg2[%dma_start3A_78, %dma_start3A_79] : memref<640000x64xf32, #tpu.memory_space<hbm>> -> memref<640000x64xf32, #tpu.memory_space<hbm>>
        tpu.enqueue_indirect_dma source(%dma_start3A_80 : memref<640000x64xf32, #tpu.memory_space<hbm>>) target(%dma_start3A_75 : memref<128x64xf32, #tpu.memory_space<vmem>>) offsets(%dma_start3A_77 : memref<128xi32, #tpu.memory_space<vmem>>) semaphore(%arg20 : memref<!tpu.dma_semaphore, #tpu.memory_space<semaphore_mem>>)
        %dma_wait3A = arith.constant 0 : i32
        %dma_wait3A_81 = arith.constant 0 : i32
        %dma_wait3A_82 = tpu.memref_slice %arg16[%dma_wait3A, %dma_wait3A_81] : memref<512x64xf32, #tpu.memory_space<vmem>> -> memref<128x64xf32, #tpu.memory_space<vmem>>
        %dma_wait3A_83 = arith.constant 0 : i32
        %dma_wait3A_84 = tpu.memref_slice %arg11[%dma_wait3A_83] : memref<512xi32, #tpu.memory_space<vmem>> -> memref<128xi32, #tpu.memory_space<vmem>>
        %dma_wait3A_85 = arith.constant 0 : i32
        %dma_wait3A_86 = arith.constant 0 : i32
        %dma_wait3A_87 = tpu.memref_slice %arg2[%dma_wait3A_85, %dma_wait3A_86] : memref<640000x64xf32, #tpu.memory_space<hbm>> -> memref<640000x64xf32, #tpu.memory_space<hbm>>
        tpu.wait_indirect_dma semaphore(%arg17 : memref<!tpu.dma_semaphore, #tpu.memory_space<semaphore_mem>>) src(%dma_wait3A_87 : memref<640000x64xf32, #tpu.memory_space<hbm>>) dst(%dma_wait3A_82 : memref<128x64xf32, #tpu.memory_space<vmem>>)
        %scan3A_88 = arith.constant 0 : i32
        %scan3A_89 = arith.constant 128 : i32
        %scan3A_90 = arith.addi %scan3A_88, %scan3A_89 : i32
        %scan3A_91 = arith.constant 1 : i32
        scf.for %scan3A_132 = %scan3A_88 to %scan3A_90 step %scan3A_91  : i32 {
          %mul3A_133 = arith.constant 1 : i32
          %mul3A_134 = arith.muli %scan3A_132, %mul3A_133 : i32
          %add3A_135 = arith.constant 0 : i32
          %add3A_136 = arith.addi %add3A_135, %mul3A_134 : i32
          %add3A_137 = arith.constant 0 : i32
          %add3A_138 = arith.addi %add3A_29, %add3A_137 : i32
          %mul3A_139 = arith.constant 128 : i32
          %mul3A_140 = arith.muli %add3A_138, %mul3A_139 : i32
          %add3A_141 = arith.addi %mul3A_140, %add3A_136 : i32
          %broadcast_in_dim3A_142 = vector.broadcast %add3A_141 : i32 to vector<16xi32>
          %gather3A = tpu.vector_load_idx %arg10[%broadcast_in_dim3A_142] : memref<1536xi32, #tpu.memory_space<vmem>>[vector<16xi32>], vector<16xi32>,
          %reduce_max3A = arith.constant true
          %reduce_max3A_143 = vector.broadcast %reduce_max3A : i1 to vector<16xi1>
          %reduce_max3A_144 = arith.constant -2147483648 : i32
          %reduce_max3A_145 = vector.broadcast %reduce_max3A_144 : i32 to vector<16xi32>
          %reduce_max3A_146 = arith.xori %gather3A, %reduce_max3A_145 : vector<16xi32>
          %reduce_max3A_147 = tpu.scan <max>, %reduce_max3A_146 masked %reduce_max3A_143 : vector<16xi32>, vector<16xi1> -> vector<16xi32>
          %reduce_max3A_148 = arith.xori %reduce_max3A_147, %reduce_max3A_145 : vector<16xi32>
          %reduce_max3A_149 = vector.extract %reduce_max3A_148[15] : i32 from vector<16xi32>
          %add3A_150 = arith.constant 0 : i32
          %add3A_151 = arith.addi %add3A_150, %add3A_136 : i32
          %get3A = arith.index_cast %add3A_151 : i32 to index
          %get3A_152 = arith.constant 0 : index
          %get3A_153 = tpu.vector_load %arg16[%get3A, %get3A_152] {strides = array<i32>} : memref<512x64xf32, #tpu.memory_space<vmem>>, vector<16xf32>,
          %get3A_154 = arith.index_cast %reduce_max3A_149 : i32 to index
          %get3A_155 = arith.constant 0 : index
          %get3A_156 = tpu.vector_load %arg12[%get3A_154, %get3A_155] {strides = array<i32>} : memref<321x64xf32, #tpu.memory_space<vmem>>, vector<16xf32>,
          %add3A_157 = arith.addf %get3A_156, %get3A_153 : vector<16xf32>
          %swap3A = arith.index_cast %reduce_max3A_149 : i32 to index
          %swap3A_158 = arith.constant 0 : index
          %swap3A_159 = tpu.vector_load %arg12[%swap3A, %swap3A_158] {strides = array<i32>} : memref<321x64xf32, #tpu.memory_space<vmem>>, vector<16xf32>,
          tpu.vector_store %arg12[%swap3A, %swap3A_158], %add3A_157 {strides = array<i32>} : memref<321x64xf32, #tpu.memory_space<vmem>>, vector<16xf32>,
          %get3A_160 = arith.index_cast %reduce_max3A_149 : i32 to index
          %get3A_161 = arith.constant 0 : index
          %get3A_162 = tpu.vector_load %arg13[%get3A_160, %get3A_161] {strides = array<i32>} : memref<321x64xf32, #tpu.memory_space<vmem>>, vector<16xf32>,
          %mul3A_163 = arith.mulf %get3A_153, %get3A_153 : vector<16xf32>
          %add3A_164 = arith.addf %get3A_162, %mul3A_163 : vector<16xf32>
          %swap3A_165 = arith.index_cast %reduce_max3A_149 : i32 to index
          %swap3A_166 = arith.constant 0 : index
          %swap3A_167 = tpu.vector_load %arg13[%swap3A_165, %swap3A_166] {strides = array<i32>} : memref<321x64xf32, #tpu.memory_space<vmem>>, vector<16xf32>,
          tpu.vector_store %arg13[%swap3A_165, %swap3A_166], %add3A_164 {strides = array<i32>} : memref<321x64xf32, #tpu.memory_space<vmem>>, vector<16xf32>,
          %get3A_168 = arith.index_cast %reduce_max3A_149 : i32 to index
          %get3A_169 = arith.constant 0 : index
          %get3A_170 = tpu.vector_load %arg14[%get3A_168, %get3A_169] {strides = array<i32>} : memref<321x64xf32, #tpu.memory_space<vmem>>, vector<16xf32>,
          %min3A = arith.minimumf %get3A_170, %get3A_153 : vector<16xf32>
          %swap3A_171 = arith.index_cast %reduce_max3A_149 : i32 to index
          %swap3A_172 = arith.constant 0 : index
          %swap3A_173 = tpu.vector_load %arg14[%swap3A_171, %swap3A_172] {strides = array<i32>} : memref<321x64xf32, #tpu.memory_space<vmem>>, vector<16xf32>,
          tpu.vector_store %arg14[%swap3A_171, %swap3A_172], %min3A {strides = array<i32>} : memref<321x64xf32, #tpu.memory_space<vmem>>, vector<16xf32>,
          %get3A_174 = arith.index_cast %reduce_max3A_149 : i32 to index
          %get3A_175 = arith.constant 0 : index
          %get3A_176 = tpu.vector_load %arg15[%get3A_174, %get3A_175] {strides = array<i32>} : memref<321x64xf32, #tpu.memory_space<vmem>>, vector<16xf32>,
          %max3A = arith.maximumf %get3A_176, %get3A_153 : vector<16xf32>
          %swap3A_177 = arith.index_cast %reduce_max3A_149 : i32 to index
          %swap3A_178 = arith.constant 0 : index
          %swap3A_179 = tpu.vector_load %arg15[%swap3A_177, %swap3A_178] {strides = array<i32>} : memref<321x64xf32, #tpu.memory_space<vmem>>, vector<16xf32>,
          tpu.vector_store %arg15[%swap3A_177, %swap3A_178], %max3A {strides = array<i32>} : memref<321x64xf32, #tpu.memory_space<vmem>>, vector<16xf32>,
          %add3A_180 = arith.constant 0 : i32
          %add3A_181 = arith.addi %add3A_180, %add3A_136 : i32
          %get3A_182 = arith.index_cast %add3A_181 : i32 to index
          %get3A_183 = arith.constant 16 : index
          %get3A_184 = tpu.vector_load %arg16[%get3A_182, %get3A_183] {strides = array<i32>} : memref<512x64xf32, #tpu.memory_space<vmem>>, vector<16xf32>,
          %get3A_185 = arith.index_cast %reduce_max3A_149 : i32 to index
          %get3A_186 = arith.constant 16 : index
          %get3A_187 = tpu.vector_load %arg12[%get3A_185, %get3A_186] {strides = array<i32>} : memref<321x64xf32, #tpu.memory_space<vmem>>, vector<16xf32>,
          %add3A_188 = arith.addf %get3A_187, %get3A_184 : vector<16xf32>
          %swap3A_189 = arith.index_cast %reduce_max3A_149 : i32 to index
          %swap3A_190 = arith.constant 16 : index
          %swap3A_191 = tpu.vector_load %arg12[%swap3A_189, %swap3A_190] {strides = array<i32>} : memref<321x64xf32, #tpu.memory_space<vmem>>, vector<16xf32>,
          tpu.vector_store %arg12[%swap3A_189, %swap3A_190], %add3A_188 {strides = array<i32>} : memref<321x64xf32, #tpu.memory_space<vmem>>, vector<16xf32>,
          %get3A_192 = arith.index_cast %reduce_max3A_149 : i32 to index
          %get3A_193 = arith.constant 16 : index
          %get3A_194 = tpu.vector_load %arg13[%get3A_192, %get3A_193] {strides = array<i32>} : memref<321x64xf32, #tpu.memory_space<vmem>>, vector<16xf32>,
          %mul3A_195 = arith.mulf %get3A_184, %get3A_184 : vector<16xf32>
          %add3A_196 = arith.addf %get3A_194, %mul3A_195 : vector<16xf32>
          %swap3A_197 = arith.index_cast %reduce_max3A_149 : i32 to index
          %swap3A_198 = arith.constant 16 : index
          %swap3A_199 = tpu.vector_load %arg13[%swap3A_197, %swap3A_198] {strides = array<i32>} : memref<321x64xf32, #tpu.memory_space<vmem>>, vector<16xf32>,
          tpu.vector_store %arg13[%swap3A_197, %swap3A_198], %add3A_196 {strides = array<i32>} : memref<321x64xf32, #tpu.memory_space<vmem>>, vector<16xf32>,
          %get3A_200 = arith.index_cast %reduce_max3A_149 : i32 to index
          %get3A_201 = arith.constant 16 : index
          %get3A_202 = tpu.vector_load %arg14[%get3A_200, %get3A_201] {strides = array<i32>} : memref<321x64xf32, #tpu.memory_space<vmem>>, vector<16xf32>,
          %min3A_203 = arith.minimumf %get3A_202, %get3A_184 : vector<16xf32>
          %swap3A_204 = arith.index_cast %reduce_max3A_149 : i32 to index
          %swap3A_205 = arith.constant 16 : index
          %swap3A_206 = tpu.vector_load %arg14[%swap3A_204, %swap3A_205] {strides = array<i32>} : memref<321x64xf32, #tpu.memory_space<vmem>>, vector<16xf32>,
          tpu.vector_store %arg14[%swap3A_204, %swap3A_205], %min3A_203 {strides = array<i32>} : memref<321x64xf32, #tpu.memory_space<vmem>>, vector<16xf32>,
          %get3A_207 = arith.index_cast %reduce_max3A_149 : i32 to index
          %get3A_208 = arith.constant 16 : index
          %get3A_209 = tpu.vector_load %arg15[%get3A_207, %get3A_208] {strides = array<i32>} : memref<321x64xf32, #tpu.memory_space<vmem>>, vector<16xf32>,
          %max3A_210 = arith.maximumf %get3A_209, %get3A_184 : vector<16xf32>
          %swap3A_211 = arith.index_cast %reduce_max3A_149 : i32 to index
          %swap3A_212 = arith.constant 16 : index
          %swap3A_213 = tpu.vector_load %arg15[%swap3A_211, %swap3A_212] {strides = array<i32>} : memref<321x64xf32, #tpu.memory_space<vmem>>, vector<16xf32>,
          tpu.vector_store %arg15[%swap3A_211, %swap3A_212], %max3A_210 {strides = array<i32>} : memref<321x64xf32, #tpu.memory_space<vmem>>, vector<16xf32>,
          %add3A_214 = arith.constant 0 : i32
          %add3A_215 = arith.addi %add3A_214, %add3A_136 : i32
          %get3A_216 = arith.index_cast %add3A_215 : i32 to index
          %get3A_217 = arith.constant 32 : index
          %get3A_218 = tpu.vector_load %arg16[%get3A_216, %get3A_217] {strides = array<i32>} : memref<512x64xf32, #tpu.memory_space<vmem>>, vector<16xf32>,
          %get3A_219 = arith.index_cast %reduce_max3A_149 : i32 to index
          %get3A_220 = arith.constant 32 : index
          %get3A_221 = tpu.vector_load %arg12[%get3A_219, %get3A_220] {strides = array<i32>} : memref<321x64xf32, #tpu.memory_space<vmem>>, vector<16xf32>,
          %add3A_222 = arith.addf %get3A_221, %get3A_218 : vector<16xf32>
          %swap3A_223 = arith.index_cast %reduce_max3A_149 : i32 to index
          %swap3A_224 = arith.constant 32 : index
          %swap3A_225 = tpu.vector_load %arg12[%swap3A_223, %swap3A_224] {strides = array<i32>} : memref<321x64xf32, #tpu.memory_space<vmem>>, vector<16xf32>,
          tpu.vector_store %arg12[%swap3A_223, %swap3A_224], %add3A_222 {strides = array<i32>} : memref<321x64xf32, #tpu.memory_space<vmem>>, vector<16xf32>,
          %get3A_226 = arith.index_cast %reduce_max3A_149 : i32 to index
          %get3A_227 = arith.constant 32 : index
          %get3A_228 = tpu.vector_load %arg13[%get3A_226, %get3A_227] {strides = array<i32>} : memref<321x64xf32, #tpu.memory_space<vmem>>, vector<16xf32>,
          %mul3A_229 = arith.mulf %get3A_218, %get3A_218 : vector<16xf32>
          %add3A_230 = arith.addf %get3A_228, %mul3A_229 : vector<16xf32>
          %swap3A_231 = arith.index_cast %reduce_max3A_149 : i32 to index
          %swap3A_232 = arith.constant 32 : index
          %swap3A_233 = tpu.vector_load %arg13[%swap3A_231, %swap3A_232] {strides = array<i32>} : memref<321x64xf32, #tpu.memory_space<vmem>>, vector<16xf32>,
          tpu.vector_store %arg13[%swap3A_231, %swap3A_232], %add3A_230 {strides = array<i32>} : memref<321x64xf32, #tpu.memory_space<vmem>>, vector<16xf32>,
          %get3A_234 = arith.index_cast %reduce_max3A_149 : i32 to index
          %get3A_235 = arith.constant 32 : index
          %get3A_236 = tpu.vector_load %arg14[%get3A_234, %get3A_235] {strides = array<i32>} : memref<321x64xf32, #tpu.memory_space<vmem>>, vector<16xf32>,
          %min3A_237 = arith.minimumf %get3A_236, %get3A_218 : vector<16xf32>
          %swap3A_238 = arith.index_cast %reduce_max3A_149 : i32 to index
          %swap3A_239 = arith.constant 32 : index
          %swap3A_240 = tpu.vector_load %arg14[%swap3A_238, %swap3A_239] {strides = array<i32>} : memref<321x64xf32, #tpu.memory_space<vmem>>, vector<16xf32>,
          tpu.vector_store %arg14[%swap3A_238, %swap3A_239], %min3A_237 {strides = array<i32>} : memref<321x64xf32, #tpu.memory_space<vmem>>, vector<16xf32>,
          %get3A_241 = arith.index_cast %reduce_max3A_149 : i32 to index
          %get3A_242 = arith.constant 32 : index
          %get3A_243 = tpu.vector_load %arg15[%get3A_241, %get3A_242] {strides = array<i32>} : memref<321x64xf32, #tpu.memory_space<vmem>>, vector<16xf32>,
          %max3A_244 = arith.maximumf %get3A_243, %get3A_218 : vector<16xf32>
          %swap3A_245 = arith.index_cast %reduce_max3A_149 : i32 to index
          %swap3A_246 = arith.constant 32 : index
          %swap3A_247 = tpu.vector_load %arg15[%swap3A_245, %swap3A_246] {strides = array<i32>} : memref<321x64xf32, #tpu.memory_space<vmem>>, vector<16xf32>,
          tpu.vector_store %arg15[%swap3A_245, %swap3A_246], %max3A_244 {strides = array<i32>} : memref<321x64xf32, #tpu.memory_space<vmem>>, vector<16xf32>,
          %add3A_248 = arith.constant 0 : i32
          %add3A_249 = arith.addi %add3A_248, %add3A_136 : i32
          %get3A_250 = arith.index_cast %add3A_249 : i32 to index
          %get3A_251 = arith.constant 48 : index
          %get3A_252 = tpu.vector_load %arg16[%get3A_250, %get3A_251] {strides = array<i32>} : memref<512x64xf32, #tpu.memory_space<vmem>>, vector<16xf32>,
          %get3A_253 = arith.index_cast %reduce_max3A_149 : i32 to index
          %get3A_254 = arith.constant 48 : index
          %get3A_255 = tpu.vector_load %arg12[%get3A_253, %get3A_254] {strides = array<i32>} : memref<321x64xf32, #tpu.memory_space<vmem>>, vector<16xf32>,
          %add3A_256 = arith.addf %get3A_255, %get3A_252 : vector<16xf32>
          %swap3A_257 = arith.index_cast %reduce_max3A_149 : i32 to index
          %swap3A_258 = arith.constant 48 : index
          %swap3A_259 = tpu.vector_load %arg12[%swap3A_257, %swap3A_258] {strides = array<i32>} : memref<321x64xf32, #tpu.memory_space<vmem>>, vector<16xf32>,
          tpu.vector_store %arg12[%swap3A_257, %swap3A_258], %add3A_256 {strides = array<i32>} : memref<321x64xf32, #tpu.memory_space<vmem>>, vector<16xf32>,
          %get3A_260 = arith.index_cast %reduce_max3A_149 : i32 to index
          %get3A_261 = arith.constant 48 : index
          %get3A_262 = tpu.vector_load %arg13[%get3A_260, %get3A_261] {strides = array<i32>} : memref<321x64xf32, #tpu.memory_space<vmem>>, vector<16xf32>,
          %mul3A_263 = arith.mulf %get3A_252, %get3A_252 : vector<16xf32>
          %add3A_264 = arith.addf %get3A_262, %mul3A_263 : vector<16xf32>
          %swap3A_265 = arith.index_cast %reduce_max3A_149 : i32 to index
          %swap3A_266 = arith.constant 48 : index
          %swap3A_267 = tpu.vector_load %arg13[%swap3A_265, %swap3A_266] {strides = array<i32>} : memref<321x64xf32, #tpu.memory_space<vmem>>, vector<16xf32>,
          tpu.vector_store %arg13[%swap3A_265, %swap3A_266], %add3A_264 {strides = array<i32>} : memref<321x64xf32, #tpu.memory_space<vmem>>, vector<16xf32>,
          %get3A_268 = arith.index_cast %reduce_max3A_149 : i32 to index
          %get3A_269 = arith.constant 48 : index
          %get3A_270 = tpu.vector_load %arg14[%get3A_268, %get3A_269] {strides = array<i32>} : memref<321x64xf32, #tpu.memory_space<vmem>>, vector<16xf32>,
          %min3A_271 = arith.minimumf %get3A_270, %get3A_252 : vector<16xf32>
          %swap3A_272 = arith.index_cast %reduce_max3A_149 : i32 to index
          %swap3A_273 = arith.constant 48 : index
          %swap3A_274 = tpu.vector_load %arg14[%swap3A_272, %swap3A_273] {strides = array<i32>} : memref<321x64xf32, #tpu.memory_space<vmem>>, vector<16xf32>,
          tpu.vector_store %arg14[%swap3A_272, %swap3A_273], %min3A_271 {strides = array<i32>} : memref<321x64xf32, #tpu.memory_space<vmem>>, vector<16xf32>,
          %get3A_275 = arith.index_cast %reduce_max3A_149 : i32 to index
          %get3A_276 = arith.constant 48 : index
          %get3A_277 = tpu.vector_load %arg15[%get3A_275, %get3A_276] {strides = array<i32>} : memref<321x64xf32, #tpu.memory_space<vmem>>, vector<16xf32>,
          %max3A_278 = arith.maximumf %get3A_277, %get3A_252 : vector<16xf32>
          %swap3A_279 = arith.index_cast %reduce_max3A_149 : i32 to index
          %swap3A_280 = arith.constant 48 : index
          %swap3A_281 = tpu.vector_load %arg15[%swap3A_279, %swap3A_280] {strides = array<i32>} : memref<321x64xf32, #tpu.memory_space<vmem>>, vector<16xf32>,
          tpu.vector_store %arg15[%swap3A_279, %swap3A_280], %max3A_278 {strides = array<i32>} : memref<321x64xf32, #tpu.memory_space<vmem>>, vector<16xf32>,
        }
        %scan3A_92 = arith.constant 128 : i32
        %dma_wait3A_93 = arith.constant 128 : i32
        %dma_wait3A_94 = arith.constant 0 : i32
        %dma_wait3A_95 = tpu.memref_slice %arg16[%dma_wait3A_93, %dma_wait3A_94] : memref<512x64xf32, #tpu.memory_space<vmem>> -> memref<128x64xf32, #tpu.memory_space<vmem>>
        %dma_wait3A_96 = arith.constant 128 : i32
        %dma_wait3A_97 = tpu.memref_slice %arg11[%dma_wait3A_96] : memref<512xi32, #tpu.memory_space<vmem>> -> memref<128xi32, #tpu.memory_space<vmem>>
        %dma_wait3A_98 = arith.constant 0 : i32
        %dma_wait3A_99 = arith.constant 0 : i32
        %dma_wait3A_100 = tpu.memref_slice %arg2[%dma_wait3A_98, %dma_wait3A_99] : memref<640000x64xf32, #tpu.memory_space<hbm>> -> memref<640000x64xf32, #tpu.memory_space<hbm>>
        tpu.wait_indirect_dma semaphore(%arg18 : memref<!tpu.dma_semaphore, #tpu.memory_space<semaphore_mem>>) src(%dma_wait3A_100 : memref<640000x64xf32, #tpu.memory_space<hbm>>) dst(%dma_wait3A_95 : memref<128x64xf32, #tpu.memory_space<vmem>>)
        %scan3A_101 = arith.constant 0 : i32
        %scan3A_102 = arith.constant 128 : i32
        %scan3A_103 = arith.addi %scan3A_101, %scan3A_102 : i32
        %scan3A_104 = arith.constant 1 : i32
        scf.for %scan3A_132 = %scan3A_101 to %scan3A_103 step %scan3A_104  : i32 {
          %mul3A_133 = arith.constant 1 : i32
          %mul3A_134 = arith.muli %scan3A_132, %mul3A_133 : i32
          %add3A_135 = arith.constant 0 : i32
          %add3A_136 = arith.addi %add3A_135, %mul3A_134 : i32
          %add3A_137 = arith.constant 1 : i32
          %add3A_138 = arith.addi %add3A_29, %add3A_137 : i32
          %mul3A_139 = arith.constant 128 : i32
          %mul3A_140 = arith.muli %add3A_138, %mul3A_139 : i32
          %add3A_141 = arith.addi %mul3A_140, %add3A_136 : i32
          %broadcast_in_dim3A_142 = vector.broadcast %add3A_141 : i32 to vector<16xi32>
          %gather3A = tpu.vector_load_idx %arg10[%broadcast_in_dim3A_142] : memref<1536xi32, #tpu.memory_space<vmem>>[vector<16xi32>], vector<16xi32>,
          %reduce_max3A = arith.constant true
          %reduce_max3A_143 = vector.broadcast %reduce_max3A : i1 to vector<16xi1>
          %reduce_max3A_144 = arith.constant -2147483648 : i32
          %reduce_max3A_145 = vector.broadcast %reduce_max3A_144 : i32 to vector<16xi32>
          %reduce_max3A_146 = arith.xori %gather3A, %reduce_max3A_145 : vector<16xi32>
          %reduce_max3A_147 = tpu.scan <max>, %reduce_max3A_146 masked %reduce_max3A_143 : vector<16xi32>, vector<16xi1> -> vector<16xi32>
          %reduce_max3A_148 = arith.xori %reduce_max3A_147, %reduce_max3A_145 : vector<16xi32>
          %reduce_max3A_149 = vector.extract %reduce_max3A_148[15] : i32 from vector<16xi32>
          %add3A_150 = arith.constant 128 : i32
          %add3A_151 = arith.addi %add3A_150, %add3A_136 : i32
          %get3A = arith.index_cast %add3A_151 : i32 to index
          %get3A_152 = arith.constant 0 : index
          %get3A_153 = tpu.vector_load %arg16[%get3A, %get3A_152] {strides = array<i32>} : memref<512x64xf32, #tpu.memory_space<vmem>>, vector<16xf32>,
          %get3A_154 = arith.index_cast %reduce_max3A_149 : i32 to index
          %get3A_155 = arith.constant 0 : index
          %get3A_156 = tpu.vector_load %arg12[%get3A_154, %get3A_155] {strides = array<i32>} : memref<321x64xf32, #tpu.memory_space<vmem>>, vector<16xf32>,
          %add3A_157 = arith.addf %get3A_156, %get3A_153 : vector<16xf32>
          %swap3A = arith.index_cast %reduce_max3A_149 : i32 to index
          %swap3A_158 = arith.constant 0 : index
          %swap3A_159 = tpu.vector_load %arg12[%swap3A, %swap3A_158] {strides = array<i32>} : memref<321x64xf32, #tpu.memory_space<vmem>>, vector<16xf32>,
          tpu.vector_store %arg12[%swap3A, %swap3A_158], %add3A_157 {strides = array<i32>} : memref<321x64xf32, #tpu.memory_space<vmem>>, vector<16xf32>,
          %get3A_160 = arith.index_cast %reduce_max3A_149 : i32 to index
          %get3A_161 = arith.constant 0 : index
          %get3A_162 = tpu.vector_load %arg13[%get3A_160, %get3A_161] {strides = array<i32>} : memref<321x64xf32, #tpu.memory_space<vmem>>, vector<16xf32>,
          %mul3A_163 = arith.mulf %get3A_153, %get3A_153 : vector<16xf32>
          %add3A_164 = arith.addf %get3A_162, %mul3A_163 : vector<16xf32>
          %swap3A_165 = arith.index_cast %reduce_max3A_149 : i32 to index
          %swap3A_166 = arith.constant 0 : index
          %swap3A_167 = tpu.vector_load %arg13[%swap3A_165, %swap3A_166] {strides = array<i32>} : memref<321x64xf32, #tpu.memory_space<vmem>>, vector<16xf32>,
          tpu.vector_store %arg13[%swap3A_165, %swap3A_166], %add3A_164 {strides = array<i32>} : memref<321x64xf32, #tpu.memory_space<vmem>>, vector<16xf32>,
          %get3A_168 = arith.index_cast %reduce_max3A_149 : i32 to index
          %get3A_169 = arith.constant 0 : index
          %get3A_170 = tpu.vector_load %arg14[%get3A_168, %get3A_169] {strides = array<i32>} : memref<321x64xf32, #tpu.memory_space<vmem>>, vector<16xf32>,
          %min3A = arith.minimumf %get3A_170, %get3A_153 : vector<16xf32>
          %swap3A_171 = arith.index_cast %reduce_max3A_149 : i32 to index
          %swap3A_172 = arith.constant 0 : index
          %swap3A_173 = tpu.vector_load %arg14[%swap3A_171, %swap3A_172] {strides = array<i32>} : memref<321x64xf32, #tpu.memory_space<vmem>>, vector<16xf32>,
          tpu.vector_store %arg14[%swap3A_171, %swap3A_172], %min3A {strides = array<i32>} : memref<321x64xf32, #tpu.memory_space<vmem>>, vector<16xf32>,
          %get3A_174 = arith.index_cast %reduce_max3A_149 : i32 to index
          %get3A_175 = arith.constant 0 : index
          %get3A_176 = tpu.vector_load %arg15[%get3A_174, %get3A_175] {strides = array<i32>} : memref<321x64xf32, #tpu.memory_space<vmem>>, vector<16xf32>,
          %max3A = arith.maximumf %get3A_176, %get3A_153 : vector<16xf32>
          %swap3A_177 = arith.index_cast %reduce_max3A_149 : i32 to index
          %swap3A_178 = arith.constant 0 : index
          %swap3A_179 = tpu.vector_load %arg15[%swap3A_177, %swap3A_178] {strides = array<i32>} : memref<321x64xf32, #tpu.memory_space<vmem>>, vector<16xf32>,
          tpu.vector_store %arg15[%swap3A_177, %swap3A_178], %max3A {strides = array<i32>} : memref<321x64xf32, #tpu.memory_space<vmem>>, vector<16xf32>,
          %add3A_180 = arith.constant 128 : i32
          %add3A_181 = arith.addi %add3A_180, %add3A_136 : i32
          %get3A_182 = arith.index_cast %add3A_181 : i32 to index
          %get3A_183 = arith.constant 16 : index
          %get3A_184 = tpu.vector_load %arg16[%get3A_182, %get3A_183] {strides = array<i32>} : memref<512x64xf32, #tpu.memory_space<vmem>>, vector<16xf32>,
          %get3A_185 = arith.index_cast %reduce_max3A_149 : i32 to index
          %get3A_186 = arith.constant 16 : index
          %get3A_187 = tpu.vector_load %arg12[%get3A_185, %get3A_186] {strides = array<i32>} : memref<321x64xf32, #tpu.memory_space<vmem>>, vector<16xf32>,
          %add3A_188 = arith.addf %get3A_187, %get3A_184 : vector<16xf32>
          %swap3A_189 = arith.index_cast %reduce_max3A_149 : i32 to index
          %swap3A_190 = arith.constant 16 : index
          %swap3A_191 = tpu.vector_load %arg12[%swap3A_189, %swap3A_190] {strides = array<i32>} : memref<321x64xf32, #tpu.memory_space<vmem>>, vector<16xf32>,
          tpu.vector_store %arg12[%swap3A_189, %swap3A_190], %add3A_188 {strides = array<i32>} : memref<321x64xf32, #tpu.memory_space<vmem>>, vector<16xf32>,
          %get3A_192 = arith.index_cast %reduce_max3A_149 : i32 to index
          %get3A_193 = arith.constant 16 : index
          %get3A_194 = tpu.vector_load %arg13[%get3A_192, %get3A_193] {strides = array<i32>} : memref<321x64xf32, #tpu.memory_space<vmem>>, vector<16xf32>,
          %mul3A_195 = arith.mulf %get3A_184, %get3A_184 : vector<16xf32>
          %add3A_196 = arith.addf %get3A_194, %mul3A_195 : vector<16xf32>
          %swap3A_197 = arith.index_cast %reduce_max3A_149 : i32 to index
          %swap3A_198 = arith.constant 16 : index
          %swap3A_199 = tpu.vector_load %arg13[%swap3A_197, %swap3A_198] {strides = array<i32>} : memref<321x64xf32, #tpu.memory_space<vmem>>, vector<16xf32>,
          tpu.vector_store %arg13[%swap3A_197, %swap3A_198], %add3A_196 {strides = array<i32>} : memref<321x64xf32, #tpu.memory_space<vmem>>, vector<16xf32>,
          %get3A_200 = arith.index_cast %reduce_max3A_149 : i32 to index
          %get3A_201 = arith.constant 16 : index
          %get3A_202 = tpu.vector_load %arg14[%get3A_200, %get3A_201] {strides = array<i32>} : memref<321x64xf32, #tpu.memory_space<vmem>>, vector<16xf32>,
          %min3A_203 = arith.minimumf %get3A_202, %get3A_184 : vector<16xf32>
          %swap3A_204 = arith.index_cast %reduce_max3A_149 : i32 to index
          %swap3A_205 = arith.constant 16 : index
          %swap3A_206 = tpu.vector_load %arg14[%swap3A_204, %swap3A_205] {strides = array<i32>} : memref<321x64xf32, #tpu.memory_space<vmem>>, vector<16xf32>,
          tpu.vector_store %arg14[%swap3A_204, %swap3A_205], %min3A_203 {strides = array<i32>} : memref<321x64xf32, #tpu.memory_space<vmem>>, vector<16xf32>,
          %get3A_207 = arith.index_cast %reduce_max3A_149 : i32 to index
          %get3A_208 = arith.constant 16 : index
          %get3A_209 = tpu.vector_load %arg15[%get3A_207, %get3A_208] {strides = array<i32>} : memref<321x64xf32, #tpu.memory_space<vmem>>, vector<16xf32>,
          %max3A_210 = arith.maximumf %get3A_209, %get3A_184 : vector<16xf32>
          %swap3A_211 = arith.index_cast %reduce_max3A_149 : i32 to index
          %swap3A_212 = arith.constant 16 : index
          %swap3A_213 = tpu.vector_load %arg15[%swap3A_211, %swap3A_212] {strides = array<i32>} : memref<321x64xf32, #tpu.memory_space<vmem>>, vector<16xf32>,
          tpu.vector_store %arg15[%swap3A_211, %swap3A_212], %max3A_210 {strides = array<i32>} : memref<321x64xf32, #tpu.memory_space<vmem>>, vector<16xf32>,
          %add3A_214 = arith.constant 128 : i32
          %add3A_215 = arith.addi %add3A_214, %add3A_136 : i32
          %get3A_216 = arith.index_cast %add3A_215 : i32 to index
          %get3A_217 = arith.constant 32 : index
          %get3A_218 = tpu.vector_load %arg16[%get3A_216, %get3A_217] {strides = array<i32>} : memref<512x64xf32, #tpu.memory_space<vmem>>, vector<16xf32>,
          %get3A_219 = arith.index_cast %reduce_max3A_149 : i32 to index
          %get3A_220 = arith.constant 32 : index
          %get3A_221 = tpu.vector_load %arg12[%get3A_219, %get3A_220] {strides = array<i32>} : memref<321x64xf32, #tpu.memory_space<vmem>>, vector<16xf32>,
          %add3A_222 = arith.addf %get3A_221, %get3A_218 : vector<16xf32>
          %swap3A_223 = arith.index_cast %reduce_max3A_149 : i32 to index
          %swap3A_224 = arith.constant 32 : index
          %swap3A_225 = tpu.vector_load %arg12[%swap3A_223, %swap3A_224] {strides = array<i32>} : memref<321x64xf32, #tpu.memory_space<vmem>>, vector<16xf32>,
          tpu.vector_store %arg12[%swap3A_223, %swap3A_224], %add3A_222 {strides = array<i32>} : memref<321x64xf32, #tpu.memory_space<vmem>>, vector<16xf32>,
          %get3A_226 = arith.index_cast %reduce_max3A_149 : i32 to index
          %get3A_227 = arith.constant 32 : index
          %get3A_228 = tpu.vector_load %arg13[%get3A_226, %get3A_227] {strides = array<i32>} : memref<321x64xf32, #tpu.memory_space<vmem>>, vector<16xf32>,
          %mul3A_229 = arith.mulf %get3A_218, %get3A_218 : vector<16xf32>
          %add3A_230 = arith.addf %get3A_228, %mul3A_229 : vector<16xf32>
          %swap3A_231 = arith.index_cast %reduce_max3A_149 : i32 to index
          %swap3A_232 = arith.constant 32 : index
          %swap3A_233 = tpu.vector_load %arg13[%swap3A_231, %swap3A_232] {strides = array<i32>} : memref<321x64xf32, #tpu.memory_space<vmem>>, vector<16xf32>,
          tpu.vector_store %arg13[%swap3A_231, %swap3A_232], %add3A_230 {strides = array<i32>} : memref<321x64xf32, #tpu.memory_space<vmem>>, vector<16xf32>,
          %get3A_234 = arith.index_cast %reduce_max3A_149 : i32 to index
          %get3A_235 = arith.constant 32 : index
          %get3A_236 = tpu.vector_load %arg14[%get3A_234, %get3A_235] {strides = array<i32>} : memref<321x64xf32, #tpu.memory_space<vmem>>, vector<16xf32>,
          %min3A_237 = arith.minimumf %get3A_236, %get3A_218 : vector<16xf32>
          %swap3A_238 = arith.index_cast %reduce_max3A_149 : i32 to index
          %swap3A_239 = arith.constant 32 : index
          %swap3A_240 = tpu.vector_load %arg14[%swap3A_238, %swap3A_239] {strides = array<i32>} : memref<321x64xf32, #tpu.memory_space<vmem>>, vector<16xf32>,
          tpu.vector_store %arg14[%swap3A_238, %swap3A_239], %min3A_237 {strides = array<i32>} : memref<321x64xf32, #tpu.memory_space<vmem>>, vector<16xf32>,
          %get3A_241 = arith.index_cast %reduce_max3A_149 : i32 to index
          %get3A_242 = arith.constant 32 : index
          %get3A_243 = tpu.vector_load %arg15[%get3A_241, %get3A_242] {strides = array<i32>} : memref<321x64xf32, #tpu.memory_space<vmem>>, vector<16xf32>,
          %max3A_244 = arith.maximumf %get3A_243, %get3A_218 : vector<16xf32>
          %swap3A_245 = arith.index_cast %reduce_max3A_149 : i32 to index
          %swap3A_246 = arith.constant 32 : index
          %swap3A_247 = tpu.vector_load %arg15[%swap3A_245, %swap3A_246] {strides = array<i32>} : memref<321x64xf32, #tpu.memory_space<vmem>>, vector<16xf32>,
          tpu.vector_store %arg15[%swap3A_245, %swap3A_246], %max3A_244 {strides = array<i32>} : memref<321x64xf32, #tpu.memory_space<vmem>>, vector<16xf32>,
          %add3A_248 = arith.constant 128 : i32
          %add3A_249 = arith.addi %add3A_248, %add3A_136 : i32
          %get3A_250 = arith.index_cast %add3A_249 : i32 to index
          %get3A_251 = arith.constant 48 : index
          %get3A_252 = tpu.vector_load %arg16[%get3A_250, %get3A_251] {strides = array<i32>} : memref<512x64xf32, #tpu.memory_space<vmem>>, vector<16xf32>,
          %get3A_253 = arith.index_cast %reduce_max3A_149 : i32 to index
          %get3A_254 = arith.constant 48 : index
          %get3A_255 = tpu.vector_load %arg12[%get3A_253, %get3A_254] {strides = array<i32>} : memref<321x64xf32, #tpu.memory_space<vmem>>, vector<16xf32>,
          %add3A_256 = arith.addf %get3A_255, %get3A_252 : vector<16xf32>
          %swap3A_257 = arith.index_cast %reduce_max3A_149 : i32 to index
          %swap3A_258 = arith.constant 48 : index
          %swap3A_259 = tpu.vector_load %arg12[%swap3A_257, %swap3A_258] {strides = array<i32>} : memref<321x64xf32, #tpu.memory_space<vmem>>, vector<16xf32>,
          tpu.vector_store %arg12[%swap3A_257, %swap3A_258], %add3A_256 {strides = array<i32>} : memref<321x64xf32, #tpu.memory_space<vmem>>, vector<16xf32>,
          %get3A_260 = arith.index_cast %reduce_max3A_149 : i32 to index
          %get3A_261 = arith.constant 48 : index
          %get3A_262 = tpu.vector_load %arg13[%get3A_260, %get3A_261] {strides = array<i32>} : memref<321x64xf32, #tpu.memory_space<vmem>>, vector<16xf32>,
          %mul3A_263 = arith.mulf %get3A_252, %get3A_252 : vector<16xf32>
          %add3A_264 = arith.addf %get3A_262, %mul3A_263 : vector<16xf32>
          %swap3A_265 = arith.index_cast %reduce_max3A_149 : i32 to index
          %swap3A_266 = arith.constant 48 : index
          %swap3A_267 = tpu.vector_load %arg13[%swap3A_265, %swap3A_266] {strides = array<i32>} : memref<321x64xf32, #tpu.memory_space<vmem>>, vector<16xf32>,
          tpu.vector_store %arg13[%swap3A_265, %swap3A_266], %add3A_264 {strides = array<i32>} : memref<321x64xf32, #tpu.memory_space<vmem>>, vector<16xf32>,
          %get3A_268 = arith.index_cast %reduce_max3A_149 : i32 to index
          %get3A_269 = arith.constant 48 : index
          %get3A_270 = tpu.vector_load %arg14[%get3A_268, %get3A_269] {strides = array<i32>} : memref<321x64xf32, #tpu.memory_space<vmem>>, vector<16xf32>,
          %min3A_271 = arith.minimumf %get3A_270, %get3A_252 : vector<16xf32>
          %swap3A_272 = arith.index_cast %reduce_max3A_149 : i32 to index
          %swap3A_273 = arith.constant 48 : index
          %swap3A_274 = tpu.vector_load %arg14[%swap3A_272, %swap3A_273] {strides = array<i32>} : memref<321x64xf32, #tpu.memory_space<vmem>>, vector<16xf32>,
          tpu.vector_store %arg14[%swap3A_272, %swap3A_273], %min3A_271 {strides = array<i32>} : memref<321x64xf32, #tpu.memory_space<vmem>>, vector<16xf32>,
          %get3A_275 = arith.index_cast %reduce_max3A_149 : i32 to index
          %get3A_276 = arith.constant 48 : index
          %get3A_277 = tpu.vector_load %arg15[%get3A_275, %get3A_276] {strides = array<i32>} : memref<321x64xf32, #tpu.memory_space<vmem>>, vector<16xf32>,
          %max3A_278 = arith.maximumf %get3A_277, %get3A_252 : vector<16xf32>
          %swap3A_279 = arith.index_cast %reduce_max3A_149 : i32 to index
          %swap3A_280 = arith.constant 48 : index
          %swap3A_281 = tpu.vector_load %arg15[%swap3A_279, %swap3A_280] {strides = array<i32>} : memref<321x64xf32, #tpu.memory_space<vmem>>, vector<16xf32>,
          tpu.vector_store %arg15[%swap3A_279, %swap3A_280], %max3A_278 {strides = array<i32>} : memref<321x64xf32, #tpu.memory_space<vmem>>, vector<16xf32>,
        }
        %scan3A_105 = arith.constant 128 : i32
        %dma_wait3A_106 = arith.constant 256 : i32
        %dma_wait3A_107 = arith.constant 0 : i32
        %dma_wait3A_108 = tpu.memref_slice %arg16[%dma_wait3A_106, %dma_wait3A_107] : memref<512x64xf32, #tpu.memory_space<vmem>> -> memref<128x64xf32, #tpu.memory_space<vmem>>
        %dma_wait3A_109 = arith.constant 256 : i32
        %dma_wait3A_110 = tpu.memref_slice %arg11[%dma_wait3A_109] : memref<512xi32, #tpu.memory_space<vmem>> -> memref<128xi32, #tpu.memory_space<vmem>>
        %dma_wait3A_111 = arith.constant 0 : i32
        %dma_wait3A_112 = arith.constant 0 : i32
        %dma_wait3A_113 = tpu.memref_slice %arg2[%dma_wait3A_111, %dma_wait3A_112] : memref<640000x64xf32, #tpu.memory_space<hbm>> -> memref<640000x64xf32, #tpu.memory_space<hbm>>
        tpu.wait_indirect_dma semaphore(%arg19 : memref<!tpu.dma_semaphore, #tpu.memory_space<semaphore_mem>>) src(%dma_wait3A_113 : memref<640000x64xf32, #tpu.memory_space<hbm>>) dst(%dma_wait3A_108 : memref<128x64xf32, #tpu.memory_space<vmem>>)
        %scan3A_114 = arith.constant 0 : i32
        %scan3A_115 = arith.constant 128 : i32
        %scan3A_116 = arith.addi %scan3A_114, %scan3A_115 : i32
        %scan3A_117 = arith.constant 1 : i32
        scf.for %scan3A_132 = %scan3A_114 to %scan3A_116 step %scan3A_117  : i32 {
          %mul3A_133 = arith.constant 1 : i32
          %mul3A_134 = arith.muli %scan3A_132, %mul3A_133 : i32
          %add3A_135 = arith.constant 0 : i32
          %add3A_136 = arith.addi %add3A_135, %mul3A_134 : i32
          %add3A_137 = arith.constant 2 : i32
          %add3A_138 = arith.addi %add3A_29, %add3A_137 : i32
          %mul3A_139 = arith.constant 128 : i32
          %mul3A_140 = arith.muli %add3A_138, %mul3A_139 : i32
          %add3A_141 = arith.addi %mul3A_140, %add3A_136 : i32
          %broadcast_in_dim3A_142 = vector.broadcast %add3A_141 : i32 to vector<16xi32>
          %gather3A = tpu.vector_load_idx %arg10[%broadcast_in_dim3A_142] : memref<1536xi32, #tpu.memory_space<vmem>>[vector<16xi32>], vector<16xi32>,
          %reduce_max3A = arith.constant true
          %reduce_max3A_143 = vector.broadcast %reduce_max3A : i1 to vector<16xi1>
          %reduce_max3A_144 = arith.constant -2147483648 : i32
          %reduce_max3A_145 = vector.broadcast %reduce_max3A_144 : i32 to vector<16xi32>
          %reduce_max3A_146 = arith.xori %gather3A, %reduce_max3A_145 : vector<16xi32>
          %reduce_max3A_147 = tpu.scan <max>, %reduce_max3A_146 masked %reduce_max3A_143 : vector<16xi32>, vector<16xi1> -> vector<16xi32>
          %reduce_max3A_148 = arith.xori %reduce_max3A_147, %reduce_max3A_145 : vector<16xi32>
          %reduce_max3A_149 = vector.extract %reduce_max3A_148[15] : i32 from vector<16xi32>
          %add3A_150 = arith.constant 256 : i32
          %add3A_151 = arith.addi %add3A_150, %add3A_136 : i32
          %get3A = arith.index_cast %add3A_151 : i32 to index
          %get3A_152 = arith.constant 0 : index
          %get3A_153 = tpu.vector_load %arg16[%get3A, %get3A_152] {strides = array<i32>} : memref<512x64xf32, #tpu.memory_space<vmem>>, vector<16xf32>,
          %get3A_154 = arith.index_cast %reduce_max3A_149 : i32 to index
          %get3A_155 = arith.constant 0 : index
          %get3A_156 = tpu.vector_load %arg12[%get3A_154, %get3A_155] {strides = array<i32>} : memref<321x64xf32, #tpu.memory_space<vmem>>, vector<16xf32>,
          %add3A_157 = arith.addf %get3A_156, %get3A_153 : vector<16xf32>
          %swap3A = arith.index_cast %reduce_max3A_149 : i32 to index
          %swap3A_158 = arith.constant 0 : index
          %swap3A_159 = tpu.vector_load %arg12[%swap3A, %swap3A_158] {strides = array<i32>} : memref<321x64xf32, #tpu.memory_space<vmem>>, vector<16xf32>,
          tpu.vector_store %arg12[%swap3A, %swap3A_158], %add3A_157 {strides = array<i32>} : memref<321x64xf32, #tpu.memory_space<vmem>>, vector<16xf32>,
          %get3A_160 = arith.index_cast %reduce_max3A_149 : i32 to index
          %get3A_161 = arith.constant 0 : index
          %get3A_162 = tpu.vector_load %arg13[%get3A_160, %get3A_161] {strides = array<i32>} : memref<321x64xf32, #tpu.memory_space<vmem>>, vector<16xf32>,
          %mul3A_163 = arith.mulf %get3A_153, %get3A_153 : vector<16xf32>
          %add3A_164 = arith.addf %get3A_162, %mul3A_163 : vector<16xf32>
          %swap3A_165 = arith.index_cast %reduce_max3A_149 : i32 to index
          %swap3A_166 = arith.constant 0 : index
          %swap3A_167 = tpu.vector_load %arg13[%swap3A_165, %swap3A_166] {strides = array<i32>} : memref<321x64xf32, #tpu.memory_space<vmem>>, vector<16xf32>,
          tpu.vector_store %arg13[%swap3A_165, %swap3A_166], %add3A_164 {strides = array<i32>} : memref<321x64xf32, #tpu.memory_space<vmem>>, vector<16xf32>,
          %get3A_168 = arith.index_cast %reduce_max3A_149 : i32 to index
          %get3A_169 = arith.constant 0 : index
          %get3A_170 = tpu.vector_load %arg14[%get3A_168, %get3A_169] {strides = array<i32>} : memref<321x64xf32, #tpu.memory_space<vmem>>, vector<16xf32>,
          %min3A = arith.minimumf %get3A_170, %get3A_153 : vector<16xf32>
          %swap3A_171 = arith.index_cast %reduce_max3A_149 : i32 to index
          %swap3A_172 = arith.constant 0 : index
          %swap3A_173 = tpu.vector_load %arg14[%swap3A_171, %swap3A_172] {strides = array<i32>} : memref<321x64xf32, #tpu.memory_space<vmem>>, vector<16xf32>,
          tpu.vector_store %arg14[%swap3A_171, %swap3A_172], %min3A {strides = array<i32>} : memref<321x64xf32, #tpu.memory_space<vmem>>, vector<16xf32>,
          %get3A_174 = arith.index_cast %reduce_max3A_149 : i32 to index
          %get3A_175 = arith.constant 0 : index
          %get3A_176 = tpu.vector_load %arg15[%get3A_174, %get3A_175] {strides = array<i32>} : memref<321x64xf32, #tpu.memory_space<vmem>>, vector<16xf32>,
          %max3A = arith.maximumf %get3A_176, %get3A_153 : vector<16xf32>
          %swap3A_177 = arith.index_cast %reduce_max3A_149 : i32 to index
          %swap3A_178 = arith.constant 0 : index
          %swap3A_179 = tpu.vector_load %arg15[%swap3A_177, %swap3A_178] {strides = array<i32>} : memref<321x64xf32, #tpu.memory_space<vmem>>, vector<16xf32>,
          tpu.vector_store %arg15[%swap3A_177, %swap3A_178], %max3A {strides = array<i32>} : memref<321x64xf32, #tpu.memory_space<vmem>>, vector<16xf32>,
          %add3A_180 = arith.constant 256 : i32
          %add3A_181 = arith.addi %add3A_180, %add3A_136 : i32
          %get3A_182 = arith.index_cast %add3A_181 : i32 to index
          %get3A_183 = arith.constant 16 : index
          %get3A_184 = tpu.vector_load %arg16[%get3A_182, %get3A_183] {strides = array<i32>} : memref<512x64xf32, #tpu.memory_space<vmem>>, vector<16xf32>,
          %get3A_185 = arith.index_cast %reduce_max3A_149 : i32 to index
          %get3A_186 = arith.constant 16 : index
          %get3A_187 = tpu.vector_load %arg12[%get3A_185, %get3A_186] {strides = array<i32>} : memref<321x64xf32, #tpu.memory_space<vmem>>, vector<16xf32>,
          %add3A_188 = arith.addf %get3A_187, %get3A_184 : vector<16xf32>
          %swap3A_189 = arith.index_cast %reduce_max3A_149 : i32 to index
          %swap3A_190 = arith.constant 16 : index
          %swap3A_191 = tpu.vector_load %arg12[%swap3A_189, %swap3A_190] {strides = array<i32>} : memref<321x64xf32, #tpu.memory_space<vmem>>, vector<16xf32>,
          tpu.vector_store %arg12[%swap3A_189, %swap3A_190], %add3A_188 {strides = array<i32>} : memref<321x64xf32, #tpu.memory_space<vmem>>, vector<16xf32>,
          %get3A_192 = arith.index_cast %reduce_max3A_149 : i32 to index
          %get3A_193 = arith.constant 16 : index
          %get3A_194 = tpu.vector_load %arg13[%get3A_192, %get3A_193] {strides = array<i32>} : memref<321x64xf32, #tpu.memory_space<vmem>>, vector<16xf32>,
          %mul3A_195 = arith.mulf %get3A_184, %get3A_184 : vector<16xf32>
          %add3A_196 = arith.addf %get3A_194, %mul3A_195 : vector<16xf32>
          %swap3A_197 = arith.index_cast %reduce_max3A_149 : i32 to index
          %swap3A_198 = arith.constant 16 : index
          %swap3A_199 = tpu.vector_load %arg13[%swap3A_197, %swap3A_198] {strides = array<i32>} : memref<321x64xf32, #tpu.memory_space<vmem>>, vector<16xf32>,
          tpu.vector_store %arg13[%swap3A_197, %swap3A_198], %add3A_196 {strides = array<i32>} : memref<321x64xf32, #tpu.memory_space<vmem>>, vector<16xf32>,
          %get3A_200 = arith.index_cast %reduce_max3A_149 : i32 to index
          %get3A_201 = arith.constant 16 : index
          %get3A_202 = tpu.vector_load %arg14[%get3A_200, %get3A_201] {strides = array<i32>} : memref<321x64xf32, #tpu.memory_space<vmem>>, vector<16xf32>,
          %min3A_203 = arith.minimumf %get3A_202, %get3A_184 : vector<16xf32>
          %swap3A_204 = arith.index_cast %reduce_max3A_149 : i32 to index
          %swap3A_205 = arith.constant 16 : index
          %swap3A_206 = tpu.vector_load %arg14[%swap3A_204, %swap3A_205] {strides = array<i32>} : memref<321x64xf32, #tpu.memory_space<vmem>>, vector<16xf32>,
          tpu.vector_store %arg14[%swap3A_204, %swap3A_205], %min3A_203 {strides = array<i32>} : memref<321x64xf32, #tpu.memory_space<vmem>>, vector<16xf32>,
          %get3A_207 = arith.index_cast %reduce_max3A_149 : i32 to index
          %get3A_208 = arith.constant 16 : index
          %get3A_209 = tpu.vector_load %arg15[%get3A_207, %get3A_208] {strides = array<i32>} : memref<321x64xf32, #tpu.memory_space<vmem>>, vector<16xf32>,
          %max3A_210 = arith.maximumf %get3A_209, %get3A_184 : vector<16xf32>
          %swap3A_211 = arith.index_cast %reduce_max3A_149 : i32 to index
          %swap3A_212 = arith.constant 16 : index
          %swap3A_213 = tpu.vector_load %arg15[%swap3A_211, %swap3A_212] {strides = array<i32>} : memref<321x64xf32, #tpu.memory_space<vmem>>, vector<16xf32>,
          tpu.vector_store %arg15[%swap3A_211, %swap3A_212], %max3A_210 {strides = array<i32>} : memref<321x64xf32, #tpu.memory_space<vmem>>, vector<16xf32>,
          %add3A_214 = arith.constant 256 : i32
          %add3A_215 = arith.addi %add3A_214, %add3A_136 : i32
          %get3A_216 = arith.index_cast %add3A_215 : i32 to index
          %get3A_217 = arith.constant 32 : index
          %get3A_218 = tpu.vector_load %arg16[%get3A_216, %get3A_217] {strides = array<i32>} : memref<512x64xf32, #tpu.memory_space<vmem>>, vector<16xf32>,
          %get3A_219 = arith.index_cast %reduce_max3A_149 : i32 to index
          %get3A_220 = arith.constant 32 : index
          %get3A_221 = tpu.vector_load %arg12[%get3A_219, %get3A_220] {strides = array<i32>} : memref<321x64xf32, #tpu.memory_space<vmem>>, vector<16xf32>,
          %add3A_222 = arith.addf %get3A_221, %get3A_218 : vector<16xf32>
          %swap3A_223 = arith.index_cast %reduce_max3A_149 : i32 to index
          %swap3A_224 = arith.constant 32 : index
          %swap3A_225 = tpu.vector_load %arg12[%swap3A_223, %swap3A_224] {strides = array<i32>} : memref<321x64xf32, #tpu.memory_space<vmem>>, vector<16xf32>,
          tpu.vector_store %arg12[%swap3A_223, %swap3A_224], %add3A_222 {strides = array<i32>} : memref<321x64xf32, #tpu.memory_space<vmem>>, vector<16xf32>,
          %get3A_226 = arith.index_cast %reduce_max3A_149 : i32 to index
          %get3A_227 = arith.constant 32 : index
          %get3A_228 = tpu.vector_load %arg13[%get3A_226, %get3A_227] {strides = array<i32>} : memref<321x64xf32, #tpu.memory_space<vmem>>, vector<16xf32>,
          %mul3A_229 = arith.mulf %get3A_218, %get3A_218 : vector<16xf32>
          %add3A_230 = arith.addf %get3A_228, %mul3A_229 : vector<16xf32>
          %swap3A_231 = arith.index_cast %reduce_max3A_149 : i32 to index
          %swap3A_232 = arith.constant 32 : index
          %swap3A_233 = tpu.vector_load %arg13[%swap3A_231, %swap3A_232] {strides = array<i32>} : memref<321x64xf32, #tpu.memory_space<vmem>>, vector<16xf32>,
          tpu.vector_store %arg13[%swap3A_231, %swap3A_232], %add3A_230 {strides = array<i32>} : memref<321x64xf32, #tpu.memory_space<vmem>>, vector<16xf32>,
          %get3A_234 = arith.index_cast %reduce_max3A_149 : i32 to index
          %get3A_235 = arith.constant 32 : index
          %get3A_236 = tpu.vector_load %arg14[%get3A_234, %get3A_235] {strides = array<i32>} : memref<321x64xf32, #tpu.memory_space<vmem>>, vector<16xf32>,
          %min3A_237 = arith.minimumf %get3A_236, %get3A_218 : vector<16xf32>
          %swap3A_238 = arith.index_cast %reduce_max3A_149 : i32 to index
          %swap3A_239 = arith.constant 32 : index
          %swap3A_240 = tpu.vector_load %arg14[%swap3A_238, %swap3A_239] {strides = array<i32>} : memref<321x64xf32, #tpu.memory_space<vmem>>, vector<16xf32>,
          tpu.vector_store %arg14[%swap3A_238, %swap3A_239], %min3A_237 {strides = array<i32>} : memref<321x64xf32, #tpu.memory_space<vmem>>, vector<16xf32>,
          %get3A_241 = arith.index_cast %reduce_max3A_149 : i32 to index
          %get3A_242 = arith.constant 32 : index
          %get3A_243 = tpu.vector_load %arg15[%get3A_241, %get3A_242] {strides = array<i32>} : memref<321x64xf32, #tpu.memory_space<vmem>>, vector<16xf32>,
          %max3A_244 = arith.maximumf %get3A_243, %get3A_218 : vector<16xf32>
          %swap3A_245 = arith.index_cast %reduce_max3A_149 : i32 to index
          %swap3A_246 = arith.constant 32 : index
          %swap3A_247 = tpu.vector_load %arg15[%swap3A_245, %swap3A_246] {strides = array<i32>} : memref<321x64xf32, #tpu.memory_space<vmem>>, vector<16xf32>,
          tpu.vector_store %arg15[%swap3A_245, %swap3A_246], %max3A_244 {strides = array<i32>} : memref<321x64xf32, #tpu.memory_space<vmem>>, vector<16xf32>,
          %add3A_248 = arith.constant 256 : i32
          %add3A_249 = arith.addi %add3A_248, %add3A_136 : i32
          %get3A_250 = arith.index_cast %add3A_249 : i32 to index
          %get3A_251 = arith.constant 48 : index
          %get3A_252 = tpu.vector_load %arg16[%get3A_250, %get3A_251] {strides = array<i32>} : memref<512x64xf32, #tpu.memory_space<vmem>>, vector<16xf32>,
          %get3A_253 = arith.index_cast %reduce_max3A_149 : i32 to index
          %get3A_254 = arith.constant 48 : index
          %get3A_255 = tpu.vector_load %arg12[%get3A_253, %get3A_254] {strides = array<i32>} : memref<321x64xf32, #tpu.memory_space<vmem>>, vector<16xf32>,
          %add3A_256 = arith.addf %get3A_255, %get3A_252 : vector<16xf32>
          %swap3A_257 = arith.index_cast %reduce_max3A_149 : i32 to index
          %swap3A_258 = arith.constant 48 : index
          %swap3A_259 = tpu.vector_load %arg12[%swap3A_257, %swap3A_258] {strides = array<i32>} : memref<321x64xf32, #tpu.memory_space<vmem>>, vector<16xf32>,
          tpu.vector_store %arg12[%swap3A_257, %swap3A_258], %add3A_256 {strides = array<i32>} : memref<321x64xf32, #tpu.memory_space<vmem>>, vector<16xf32>,
          %get3A_260 = arith.index_cast %reduce_max3A_149 : i32 to index
          %get3A_261 = arith.constant 48 : index
          %get3A_262 = tpu.vector_load %arg13[%get3A_260, %get3A_261] {strides = array<i32>} : memref<321x64xf32, #tpu.memory_space<vmem>>, vector<16xf32>,
          %mul3A_263 = arith.mulf %get3A_252, %get3A_252 : vector<16xf32>
          %add3A_264 = arith.addf %get3A_262, %mul3A_263 : vector<16xf32>
          %swap3A_265 = arith.index_cast %reduce_max3A_149 : i32 to index
          %swap3A_266 = arith.constant 48 : index
          %swap3A_267 = tpu.vector_load %arg13[%swap3A_265, %swap3A_266] {strides = array<i32>} : memref<321x64xf32, #tpu.memory_space<vmem>>, vector<16xf32>,
          tpu.vector_store %arg13[%swap3A_265, %swap3A_266], %add3A_264 {strides = array<i32>} : memref<321x64xf32, #tpu.memory_space<vmem>>, vector<16xf32>,
          %get3A_268 = arith.index_cast %reduce_max3A_149 : i32 to index
          %get3A_269 = arith.constant 48 : index
          %get3A_270 = tpu.vector_load %arg14[%get3A_268, %get3A_269] {strides = array<i32>} : memref<321x64xf32, #tpu.memory_space<vmem>>, vector<16xf32>,
          %min3A_271 = arith.minimumf %get3A_270, %get3A_252 : vector<16xf32>
          %swap3A_272 = arith.index_cast %reduce_max3A_149 : i32 to index
          %swap3A_273 = arith.constant 48 : index
          %swap3A_274 = tpu.vector_load %arg14[%swap3A_272, %swap3A_273] {strides = array<i32>} : memref<321x64xf32, #tpu.memory_space<vmem>>, vector<16xf32>,
          tpu.vector_store %arg14[%swap3A_272, %swap3A_273], %min3A_271 {strides = array<i32>} : memref<321x64xf32, #tpu.memory_space<vmem>>, vector<16xf32>,
          %get3A_275 = arith.index_cast %reduce_max3A_149 : i32 to index
          %get3A_276 = arith.constant 48 : index
          %get3A_277 = tpu.vector_load %arg15[%get3A_275, %get3A_276] {strides = array<i32>} : memref<321x64xf32, #tpu.memory_space<vmem>>, vector<16xf32>,
          %max3A_278 = arith.maximumf %get3A_277, %get3A_252 : vector<16xf32>
          %swap3A_279 = arith.index_cast %reduce_max3A_149 : i32 to index
          %swap3A_280 = arith.constant 48 : index
          %swap3A_281 = tpu.vector_load %arg15[%swap3A_279, %swap3A_280] {strides = array<i32>} : memref<321x64xf32, #tpu.memory_space<vmem>>, vector<16xf32>,
          tpu.vector_store %arg15[%swap3A_279, %swap3A_280], %max3A_278 {strides = array<i32>} : memref<321x64xf32, #tpu.memory_space<vmem>>, vector<16xf32>,
        }
        %scan3A_118 = arith.constant 128 : i32
        %dma_wait3A_119 = arith.constant 384 : i32
        %dma_wait3A_120 = arith.constant 0 : i32
        %dma_wait3A_121 = tpu.memref_slice %arg16[%dma_wait3A_119, %dma_wait3A_120] : memref<512x64xf32, #tpu.memory_space<vmem>> -> memref<128x64xf32, #tpu.memory_space<vmem>>
        %dma_wait3A_122 = arith.constant 384 : i32
        %dma_wait3A_123 = tpu.memref_slice %arg11[%dma_wait3A_122] : memref<512xi32, #tpu.memory_space<vmem>> -> memref<128xi32, #tpu.memory_space<vmem>>
        %dma_wait3A_124 = arith.constant 0 : i32
        %dma_wait3A_125 = arith.constant 0 : i32
        %dma_wait3A_126 = tpu.memref_slice %arg2[%dma_wait3A_124, %dma_wait3A_125] : memref<640000x64xf32, #tpu.memory_space<hbm>> -> memref<640000x64xf32, #tpu.memory_space<hbm>>
        tpu.wait_indirect_dma semaphore(%arg20 : memref<!tpu.dma_semaphore, #tpu.memory_space<semaphore_mem>>) src(%dma_wait3A_126 : memref<640000x64xf32, #tpu.memory_space<hbm>>) dst(%dma_wait3A_121 : memref<128x64xf32, #tpu.memory_space<vmem>>)
        %scan3A_127 = arith.constant 0 : i32
        %scan3A_128 = arith.constant 128 : i32
        %scan3A_129 = arith.addi %scan3A_127, %scan3A_128 : i32
        %scan3A_130 = arith.constant 1 : i32
        scf.for %scan3A_132 = %scan3A_127 to %scan3A_129 step %scan3A_130  : i32 {
          %mul3A_133 = arith.constant 1 : i32
          %mul3A_134 = arith.muli %scan3A_132, %mul3A_133 : i32
          %add3A_135 = arith.constant 0 : i32
          %add3A_136 = arith.addi %add3A_135, %mul3A_134 : i32
          %add3A_137 = arith.constant 3 : i32
          %add3A_138 = arith.addi %add3A_29, %add3A_137 : i32
          %mul3A_139 = arith.constant 128 : i32
          %mul3A_140 = arith.muli %add3A_138, %mul3A_139 : i32
          %add3A_141 = arith.addi %mul3A_140, %add3A_136 : i32
          %broadcast_in_dim3A_142 = vector.broadcast %add3A_141 : i32 to vector<16xi32>
          %gather3A = tpu.vector_load_idx %arg10[%broadcast_in_dim3A_142] : memref<1536xi32, #tpu.memory_space<vmem>>[vector<16xi32>], vector<16xi32>,
          %reduce_max3A = arith.constant true
          %reduce_max3A_143 = vector.broadcast %reduce_max3A : i1 to vector<16xi1>
          %reduce_max3A_144 = arith.constant -2147483648 : i32
          %reduce_max3A_145 = vector.broadcast %reduce_max3A_144 : i32 to vector<16xi32>
          %reduce_max3A_146 = arith.xori %gather3A, %reduce_max3A_145 : vector<16xi32>
          %reduce_max3A_147 = tpu.scan <max>, %reduce_max3A_146 masked %reduce_max3A_143 : vector<16xi32>, vector<16xi1> -> vector<16xi32>
          %reduce_max3A_148 = arith.xori %reduce_max3A_147, %reduce_max3A_145 : vector<16xi32>
          %reduce_max3A_149 = vector.extract %reduce_max3A_148[15] : i32 from vector<16xi32>
          %add3A_150 = arith.constant 384 : i32
          %add3A_151 = arith.addi %add3A_150, %add3A_136 : i32
          %get3A = arith.index_cast %add3A_151 : i32 to index
          %get3A_152 = arith.constant 0 : index
          %get3A_153 = tpu.vector_load %arg16[%get3A, %get3A_152] {strides = array<i32>} : memref<512x64xf32, #tpu.memory_space<vmem>>, vector<16xf32>,
          %get3A_154 = arith.index_cast %reduce_max3A_149 : i32 to index
          %get3A_155 = arith.constant 0 : index
          %get3A_156 = tpu.vector_load %arg12[%get3A_154, %get3A_155] {strides = array<i32>} : memref<321x64xf32, #tpu.memory_space<vmem>>, vector<16xf32>,
          %add3A_157 = arith.addf %get3A_156, %get3A_153 : vector<16xf32>
          %swap3A = arith.index_cast %reduce_max3A_149 : i32 to index
          %swap3A_158 = arith.constant 0 : index
          %swap3A_159 = tpu.vector_load %arg12[%swap3A, %swap3A_158] {strides = array<i32>} : memref<321x64xf32, #tpu.memory_space<vmem>>, vector<16xf32>,
          tpu.vector_store %arg12[%swap3A, %swap3A_158], %add3A_157 {strides = array<i32>} : memref<321x64xf32, #tpu.memory_space<vmem>>, vector<16xf32>,
          %get3A_160 = arith.index_cast %reduce_max3A_149 : i32 to index
          %get3A_161 = arith.constant 0 : index
          %get3A_162 = tpu.vector_load %arg13[%get3A_160, %get3A_161] {strides = array<i32>} : memref<321x64xf32, #tpu.memory_space<vmem>>, vector<16xf32>,
          %mul3A_163 = arith.mulf %get3A_153, %get3A_153 : vector<16xf32>
          %add3A_164 = arith.addf %get3A_162, %mul3A_163 : vector<16xf32>
          %swap3A_165 = arith.index_cast %reduce_max3A_149 : i32 to index
          %swap3A_166 = arith.constant 0 : index
          %swap3A_167 = tpu.vector_load %arg13[%swap3A_165, %swap3A_166] {strides = array<i32>} : memref<321x64xf32, #tpu.memory_space<vmem>>, vector<16xf32>,
          tpu.vector_store %arg13[%swap3A_165, %swap3A_166], %add3A_164 {strides = array<i32>} : memref<321x64xf32, #tpu.memory_space<vmem>>, vector<16xf32>,
          %get3A_168 = arith.index_cast %reduce_max3A_149 : i32 to index
          %get3A_169 = arith.constant 0 : index
          %get3A_170 = tpu.vector_load %arg14[%get3A_168, %get3A_169] {strides = array<i32>} : memref<321x64xf32, #tpu.memory_space<vmem>>, vector<16xf32>,
          %min3A = arith.minimumf %get3A_170, %get3A_153 : vector<16xf32>
          %swap3A_171 = arith.index_cast %reduce_max3A_149 : i32 to index
          %swap3A_172 = arith.constant 0 : index
          %swap3A_173 = tpu.vector_load %arg14[%swap3A_171, %swap3A_172] {strides = array<i32>} : memref<321x64xf32, #tpu.memory_space<vmem>>, vector<16xf32>,
          tpu.vector_store %arg14[%swap3A_171, %swap3A_172], %min3A {strides = array<i32>} : memref<321x64xf32, #tpu.memory_space<vmem>>, vector<16xf32>,
          %get3A_174 = arith.index_cast %reduce_max3A_149 : i32 to index
          %get3A_175 = arith.constant 0 : index
          %get3A_176 = tpu.vector_load %arg15[%get3A_174, %get3A_175] {strides = array<i32>} : memref<321x64xf32, #tpu.memory_space<vmem>>, vector<16xf32>,
          %max3A = arith.maximumf %get3A_176, %get3A_153 : vector<16xf32>
          %swap3A_177 = arith.index_cast %reduce_max3A_149 : i32 to index
          %swap3A_178 = arith.constant 0 : index
          %swap3A_179 = tpu.vector_load %arg15[%swap3A_177, %swap3A_178] {strides = array<i32>} : memref<321x64xf32, #tpu.memory_space<vmem>>, vector<16xf32>,
          tpu.vector_store %arg15[%swap3A_177, %swap3A_178], %max3A {strides = array<i32>} : memref<321x64xf32, #tpu.memory_space<vmem>>, vector<16xf32>,
          %add3A_180 = arith.constant 384 : i32
          %add3A_181 = arith.addi %add3A_180, %add3A_136 : i32
          %get3A_182 = arith.index_cast %add3A_181 : i32 to index
          %get3A_183 = arith.constant 16 : index
          %get3A_184 = tpu.vector_load %arg16[%get3A_182, %get3A_183] {strides = array<i32>} : memref<512x64xf32, #tpu.memory_space<vmem>>, vector<16xf32>,
          %get3A_185 = arith.index_cast %reduce_max3A_149 : i32 to index
          %get3A_186 = arith.constant 16 : index
          %get3A_187 = tpu.vector_load %arg12[%get3A_185, %get3A_186] {strides = array<i32>} : memref<321x64xf32, #tpu.memory_space<vmem>>, vector<16xf32>,
          %add3A_188 = arith.addf %get3A_187, %get3A_184 : vector<16xf32>
          %swap3A_189 = arith.index_cast %reduce_max3A_149 : i32 to index
          %swap3A_190 = arith.constant 16 : index
          %swap3A_191 = tpu.vector_load %arg12[%swap3A_189, %swap3A_190] {strides = array<i32>} : memref<321x64xf32, #tpu.memory_space<vmem>>, vector<16xf32>,
          tpu.vector_store %arg12[%swap3A_189, %swap3A_190], %add3A_188 {strides = array<i32>} : memref<321x64xf32, #tpu.memory_space<vmem>>, vector<16xf32>,
          %get3A_192 = arith.index_cast %reduce_max3A_149 : i32 to index
          %get3A_193 = arith.constant 16 : index
          %get3A_194 = tpu.vector_load %arg13[%get3A_192, %get3A_193] {strides = array<i32>} : memref<321x64xf32, #tpu.memory_space<vmem>>, vector<16xf32>,
          %mul3A_195 = arith.mulf %get3A_184, %get3A_184 : vector<16xf32>
          %add3A_196 = arith.addf %get3A_194, %mul3A_195 : vector<16xf32>
          %swap3A_197 = arith.index_cast %reduce_max3A_149 : i32 to index
          %swap3A_198 = arith.constant 16 : index
          %swap3A_199 = tpu.vector_load %arg13[%swap3A_197, %swap3A_198] {strides = array<i32>} : memref<321x64xf32, #tpu.memory_space<vmem>>, vector<16xf32>,
          tpu.vector_store %arg13[%swap3A_197, %swap3A_198], %add3A_196 {strides = array<i32>} : memref<321x64xf32, #tpu.memory_space<vmem>>, vector<16xf32>,
          %get3A_200 = arith.index_cast %reduce_max3A_149 : i32 to index
          %get3A_201 = arith.constant 16 : index
          %get3A_202 = tpu.vector_load %arg14[%get3A_200, %get3A_201] {strides = array<i32>} : memref<321x64xf32, #tpu.memory_space<vmem>>, vector<16xf32>,
          %min3A_203 = arith.minimumf %get3A_202, %get3A_184 : vector<16xf32>
          %swap3A_204 = arith.index_cast %reduce_max3A_149 : i32 to index
          %swap3A_205 = arith.constant 16 : index
          %swap3A_206 = tpu.vector_load %arg14[%swap3A_204, %swap3A_205] {strides = array<i32>} : memref<321x64xf32, #tpu.memory_space<vmem>>, vector<16xf32>,
          tpu.vector_store %arg14[%swap3A_204, %swap3A_205], %min3A_203 {strides = array<i32>} : memref<321x64xf32, #tpu.memory_space<vmem>>, vector<16xf32>,
          %get3A_207 = arith.index_cast %reduce_max3A_149 : i32 to index
          %get3A_208 = arith.constant 16 : index
          %get3A_209 = tpu.vector_load %arg15[%get3A_207, %get3A_208] {strides = array<i32>} : memref<321x64xf32, #tpu.memory_space<vmem>>, vector<16xf32>,
          %max3A_210 = arith.maximumf %get3A_209, %get3A_184 : vector<16xf32>
          %swap3A_211 = arith.index_cast %reduce_max3A_149 : i32 to index
          %swap3A_212 = arith.constant 16 : index
          %swap3A_213 = tpu.vector_load %arg15[%swap3A_211, %swap3A_212] {strides = array<i32>} : memref<321x64xf32, #tpu.memory_space<vmem>>, vector<16xf32>,
          tpu.vector_store %arg15[%swap3A_211, %swap3A_212], %max3A_210 {strides = array<i32>} : memref<321x64xf32, #tpu.memory_space<vmem>>, vector<16xf32>,
          %add3A_214 = arith.constant 384 : i32
          %add3A_215 = arith.addi %add3A_214, %add3A_136 : i32
          %get3A_216 = arith.index_cast %add3A_215 : i32 to index
          %get3A_217 = arith.constant 32 : index
          %get3A_218 = tpu.vector_load %arg16[%get3A_216, %get3A_217] {strides = array<i32>} : memref<512x64xf32, #tpu.memory_space<vmem>>, vector<16xf32>,
          %get3A_219 = arith.index_cast %reduce_max3A_149 : i32 to index
          %get3A_220 = arith.constant 32 : index
          %get3A_221 = tpu.vector_load %arg12[%get3A_219, %get3A_220] {strides = array<i32>} : memref<321x64xf32, #tpu.memory_space<vmem>>, vector<16xf32>,
          %add3A_222 = arith.addf %get3A_221, %get3A_218 : vector<16xf32>
          %swap3A_223 = arith.index_cast %reduce_max3A_149 : i32 to index
          %swap3A_224 = arith.constant 32 : index
          %swap3A_225 = tpu.vector_load %arg12[%swap3A_223, %swap3A_224] {strides = array<i32>} : memref<321x64xf32, #tpu.memory_space<vmem>>, vector<16xf32>,
          tpu.vector_store %arg12[%swap3A_223, %swap3A_224], %add3A_222 {strides = array<i32>} : memref<321x64xf32, #tpu.memory_space<vmem>>, vector<16xf32>,
          %get3A_226 = arith.index_cast %reduce_max3A_149 : i32 to index
          %get3A_227 = arith.constant 32 : index
          %get3A_228 = tpu.vector_load %arg13[%get3A_226, %get3A_227] {strides = array<i32>} : memref<321x64xf32, #tpu.memory_space<vmem>>, vector<16xf32>,
          %mul3A_229 = arith.mulf %get3A_218, %get3A_218 : vector<16xf32>
          %add3A_230 = arith.addf %get3A_228, %mul3A_229 : vector<16xf32>
          %swap3A_231 = arith.index_cast %reduce_max3A_149 : i32 to index
          %swap3A_232 = arith.constant 32 : index
          %swap3A_233 = tpu.vector_load %arg13[%swap3A_231, %swap3A_232] {strides = array<i32>} : memref<321x64xf32, #tpu.memory_space<vmem>>, vector<16xf32>,
          tpu.vector_store %arg13[%swap3A_231, %swap3A_232], %add3A_230 {strides = array<i32>} : memref<321x64xf32, #tpu.memory_space<vmem>>, vector<16xf32>,
          %get3A_234 = arith.index_cast %reduce_max3A_149 : i32 to index
          %get3A_235 = arith.constant 32 : index
          %get3A_236 = tpu.vector_load %arg14[%get3A_234, %get3A_235] {strides = array<i32>} : memref<321x64xf32, #tpu.memory_space<vmem>>, vector<16xf32>,
          %min3A_237 = arith.minimumf %get3A_236, %get3A_218 : vector<16xf32>
          %swap3A_238 = arith.index_cast %reduce_max3A_149 : i32 to index
          %swap3A_239 = arith.constant 32 : index
          %swap3A_240 = tpu.vector_load %arg14[%swap3A_238, %swap3A_239] {strides = array<i32>} : memref<321x64xf32, #tpu.memory_space<vmem>>, vector<16xf32>,
          tpu.vector_store %arg14[%swap3A_238, %swap3A_239], %min3A_237 {strides = array<i32>} : memref<321x64xf32, #tpu.memory_space<vmem>>, vector<16xf32>,
          %get3A_241 = arith.index_cast %reduce_max3A_149 : i32 to index
          %get3A_242 = arith.constant 32 : index
          %get3A_243 = tpu.vector_load %arg15[%get3A_241, %get3A_242] {strides = array<i32>} : memref<321x64xf32, #tpu.memory_space<vmem>>, vector<16xf32>,
          %max3A_244 = arith.maximumf %get3A_243, %get3A_218 : vector<16xf32>
          %swap3A_245 = arith.index_cast %reduce_max3A_149 : i32 to index
          %swap3A_246 = arith.constant 32 : index
          %swap3A_247 = tpu.vector_load %arg15[%swap3A_245, %swap3A_246] {strides = array<i32>} : memref<321x64xf32, #tpu.memory_space<vmem>>, vector<16xf32>,
          tpu.vector_store %arg15[%swap3A_245, %swap3A_246], %max3A_244 {strides = array<i32>} : memref<321x64xf32, #tpu.memory_space<vmem>>, vector<16xf32>,
          %add3A_248 = arith.constant 384 : i32
          %add3A_249 = arith.addi %add3A_248, %add3A_136 : i32
          %get3A_250 = arith.index_cast %add3A_249 : i32 to index
          %get3A_251 = arith.constant 48 : index
          %get3A_252 = tpu.vector_load %arg16[%get3A_250, %get3A_251] {strides = array<i32>} : memref<512x64xf32, #tpu.memory_space<vmem>>, vector<16xf32>,
          %get3A_253 = arith.index_cast %reduce_max3A_149 : i32 to index
          %get3A_254 = arith.constant 48 : index
          %get3A_255 = tpu.vector_load %arg12[%get3A_253, %get3A_254] {strides = array<i32>} : memref<321x64xf32, #tpu.memory_space<vmem>>, vector<16xf32>,
          %add3A_256 = arith.addf %get3A_255, %get3A_252 : vector<16xf32>
          %swap3A_257 = arith.index_cast %reduce_max3A_149 : i32 to index
          %swap3A_258 = arith.constant 48 : index
          %swap3A_259 = tpu.vector_load %arg12[%swap3A_257, %swap3A_258] {strides = array<i32>} : memref<321x64xf32, #tpu.memory_space<vmem>>, vector<16xf32>,
          tpu.vector_store %arg12[%swap3A_257, %swap3A_258], %add3A_256 {strides = array<i32>} : memref<321x64xf32, #tpu.memory_space<vmem>>, vector<16xf32>,
          %get3A_260 = arith.index_cast %reduce_max3A_149 : i32 to index
          %get3A_261 = arith.constant 48 : index
          %get3A_262 = tpu.vector_load %arg13[%get3A_260, %get3A_261] {strides = array<i32>} : memref<321x64xf32, #tpu.memory_space<vmem>>, vector<16xf32>,
          %mul3A_263 = arith.mulf %get3A_252, %get3A_252 : vector<16xf32>
          %add3A_264 = arith.addf %get3A_262, %mul3A_263 : vector<16xf32>
          %swap3A_265 = arith.index_cast %reduce_max3A_149 : i32 to index
          %swap3A_266 = arith.constant 48 : index
          %swap3A_267 = tpu.vector_load %arg13[%swap3A_265, %swap3A_266] {strides = array<i32>} : memref<321x64xf32, #tpu.memory_space<vmem>>, vector<16xf32>,
          tpu.vector_store %arg13[%swap3A_265, %swap3A_266], %add3A_264 {strides = array<i32>} : memref<321x64xf32, #tpu.memory_space<vmem>>, vector<16xf32>,
          %get3A_268 = arith.index_cast %reduce_max3A_149 : i32 to index
          %get3A_269 = arith.constant 48 : index
          %get3A_270 = tpu.vector_load %arg14[%get3A_268, %get3A_269] {strides = array<i32>} : memref<321x64xf32, #tpu.memory_space<vmem>>, vector<16xf32>,
          %min3A_271 = arith.minimumf %get3A_270, %get3A_252 : vector<16xf32>
          %swap3A_272 = arith.index_cast %reduce_max3A_149 : i32 to index
          %swap3A_273 = arith.constant 48 : index
          %swap3A_274 = tpu.vector_load %arg14[%swap3A_272, %swap3A_273] {strides = array<i32>} : memref<321x64xf32, #tpu.memory_space<vmem>>, vector<16xf32>,
          tpu.vector_store %arg14[%swap3A_272, %swap3A_273], %min3A_271 {strides = array<i32>} : memref<321x64xf32, #tpu.memory_space<vmem>>, vector<16xf32>,
          %get3A_275 = arith.index_cast %reduce_max3A_149 : i32 to index
          %get3A_276 = arith.constant 48 : index
          %get3A_277 = tpu.vector_load %arg15[%get3A_275, %get3A_276] {strides = array<i32>} : memref<321x64xf32, #tpu.memory_space<vmem>>, vector<16xf32>,
          %max3A_278 = arith.maximumf %get3A_277, %get3A_252 : vector<16xf32>
          %swap3A_279 = arith.index_cast %reduce_max3A_149 : i32 to index
          %swap3A_280 = arith.constant 48 : index
          %swap3A_281 = tpu.vector_load %arg15[%swap3A_279, %swap3A_280] {strides = array<i32>} : memref<321x64xf32, #tpu.memory_space<vmem>>, vector<16xf32>,
          tpu.vector_store %arg15[%swap3A_279, %swap3A_280], %max3A_278 {strides = array<i32>} : memref<321x64xf32, #tpu.memory_space<vmem>>, vector<16xf32>,
        }
        %scan3A_131 = arith.constant 128 : i32
      }
      %scan3A_22 = arith.constant 3 : i32
      %mul3A_23 = arith.constant 64 : i32
      %mul3A_24 = arith.muli %add3A_12, %mul3A_23 : i32
      "tpu.region"() ({
        %run_scoped3A = tpu.sem_alloc : memref<!tpu.dma_semaphore, #tpu.memory_space<semaphore_mem>>
        %dma_start3A = arith.constant 0 : i32
        %dma_start3A_25 = arith.constant 0 : i32
        %dma_start3A_26 = tpu.memref_slice %arg12[%dma_start3A, %dma_start3A_25] : memref<321x64xf32, #tpu.memory_space<vmem>> -> memref<320x64xf32, #tpu.memory_space<vmem>>
        %dma_start3A_27 = tpu.memref_slice %arg5[%mul3A_2, %mul3A_24] : memref<10240x2048xf32, #tpu.memory_space<hbm>> -> memref<320x64xf32, #tpu.memory_space<hbm>>
        %dma_start3A_28 = tpu.memref_slice %arg5[%mul3A_2, %mul3A_24] : memref<10240x2048xf32, #tpu.memory_space<hbm>> -> memref<320x64xf32, #tpu.memory_space<hbm>>
        %dma_start3A_29 = arith.constant 0 : i32
        %dma_start3A_30 = arith.constant 0 : i32
        %dma_start3A_31 = tpu.memref_slice %arg12[%dma_start3A_29, %dma_start3A_30] : memref<321x64xf32, #tpu.memory_space<vmem>> -> memref<320x64xf32, #tpu.memory_space<vmem>>
        tpu.enqueue_dma source(%dma_start3A_31 : memref<320x64xf32, #tpu.memory_space<vmem>>) target(%dma_start3A_28 : memref<320x64xf32, #tpu.memory_space<hbm>>) target_semaphore(%run_scoped3A : memref<!tpu.dma_semaphore, #tpu.memory_space<semaphore_mem>>)
        %dma_wait3A = arith.constant 0 : i32
        %dma_wait3A_32 = arith.constant 0 : i32
        %dma_wait3A_33 = tpu.memref_slice %arg12[%dma_wait3A, %dma_wait3A_32] : memref<321x64xf32, #tpu.memory_space<vmem>> -> memref<320x64xf32, #tpu.memory_space<vmem>>
        %dma_wait3A_34 = tpu.memref_slice %arg5[%mul3A_2, %mul3A_24] : memref<10240x2048xf32, #tpu.memory_space<hbm>> -> memref<320x64xf32, #tpu.memory_space<hbm>>
        %dma_wait3A_35 = tpu.memref_slice %arg5[%mul3A_2, %mul3A_24] : memref<10240x2048xf32, #tpu.memory_space<hbm>> -> memref<320x64xf32, #tpu.memory_space<hbm>>
        %dma_wait3A_36 = arith.constant 0 : i32
        %dma_wait3A_37 = arith.constant 0 : i32
        %dma_wait3A_38 = tpu.memref_slice %arg12[%dma_wait3A_36, %dma_wait3A_37] : memref<321x64xf32, #tpu.memory_space<vmem>> -> memref<320x64xf32, #tpu.memory_space<vmem>>
        tpu.wait_dma2 semaphore(%run_scoped3A : memref<!tpu.dma_semaphore, #tpu.memory_space<semaphore_mem>>) src(%dma_wait3A_38 : memref<320x64xf32, #tpu.memory_space<vmem>>) dst(%dma_wait3A_35 : memref<320x64xf32, #tpu.memory_space<hbm>>)
        tpu.yield
      }) : () -> ()
      "tpu.region"() ({
        %run_scoped3A = tpu.sem_alloc : memref<!tpu.dma_semaphore, #tpu.memory_space<semaphore_mem>>
        %dma_start3A = arith.constant 0 : i32
        %dma_start3A_25 = arith.constant 0 : i32
        %dma_start3A_26 = tpu.memref_slice %arg13[%dma_start3A, %dma_start3A_25] : memref<321x64xf32, #tpu.memory_space<vmem>> -> memref<320x64xf32, #tpu.memory_space<vmem>>
        %dma_start3A_27 = tpu.memref_slice %arg6[%mul3A_2, %mul3A_24] : memref<10240x2048xf32, #tpu.memory_space<hbm>> -> memref<320x64xf32, #tpu.memory_space<hbm>>
        %dma_start3A_28 = tpu.memref_slice %arg6[%mul3A_2, %mul3A_24] : memref<10240x2048xf32, #tpu.memory_space<hbm>> -> memref<320x64xf32, #tpu.memory_space<hbm>>
        %dma_start3A_29 = arith.constant 0 : i32
        %dma_start3A_30 = arith.constant 0 : i32
        %dma_start3A_31 = tpu.memref_slice %arg13[%dma_start3A_29, %dma_start3A_30] : memref<321x64xf32, #tpu.memory_space<vmem>> -> memref<320x64xf32, #tpu.memory_space<vmem>>
        tpu.enqueue_dma source(%dma_start3A_31 : memref<320x64xf32, #tpu.memory_space<vmem>>) target(%dma_start3A_28 : memref<320x64xf32, #tpu.memory_space<hbm>>) target_semaphore(%run_scoped3A : memref<!tpu.dma_semaphore, #tpu.memory_space<semaphore_mem>>)
        %dma_wait3A = arith.constant 0 : i32
        %dma_wait3A_32 = arith.constant 0 : i32
        %dma_wait3A_33 = tpu.memref_slice %arg13[%dma_wait3A, %dma_wait3A_32] : memref<321x64xf32, #tpu.memory_space<vmem>> -> memref<320x64xf32, #tpu.memory_space<vmem>>
        %dma_wait3A_34 = tpu.memref_slice %arg6[%mul3A_2, %mul3A_24] : memref<10240x2048xf32, #tpu.memory_space<hbm>> -> memref<320x64xf32, #tpu.memory_space<hbm>>
        %dma_wait3A_35 = tpu.memref_slice %arg6[%mul3A_2, %mul3A_24] : memref<10240x2048xf32, #tpu.memory_space<hbm>> -> memref<320x64xf32, #tpu.memory_space<hbm>>
        %dma_wait3A_36 = arith.constant 0 : i32
        %dma_wait3A_37 = arith.constant 0 : i32
        %dma_wait3A_38 = tpu.memref_slice %arg13[%dma_wait3A_36, %dma_wait3A_37] : memref<321x64xf32, #tpu.memory_space<vmem>> -> memref<320x64xf32, #tpu.memory_space<vmem>>
        tpu.wait_dma2 semaphore(%run_scoped3A : memref<!tpu.dma_semaphore, #tpu.memory_space<semaphore_mem>>) src(%dma_wait3A_38 : memref<320x64xf32, #tpu.memory_space<vmem>>) dst(%dma_wait3A_35 : memref<320x64xf32, #tpu.memory_space<hbm>>)
        tpu.yield
      }) : () -> ()
      "tpu.region"() ({
        %run_scoped3A = tpu.sem_alloc : memref<!tpu.dma_semaphore, #tpu.memory_space<semaphore_mem>>
        %dma_start3A = arith.constant 0 : i32
        %dma_start3A_25 = arith.constant 0 : i32
        %dma_start3A_26 = tpu.memref_slice %arg14[%dma_start3A, %dma_start3A_25] : memref<321x64xf32, #tpu.memory_space<vmem>> -> memref<320x64xf32, #tpu.memory_space<vmem>>
        %dma_start3A_27 = tpu.memref_slice %arg7[%mul3A_2, %mul3A_24] : memref<10240x2048xf32, #tpu.memory_space<hbm>> -> memref<320x64xf32, #tpu.memory_space<hbm>>
        %dma_start3A_28 = tpu.memref_slice %arg7[%mul3A_2, %mul3A_24] : memref<10240x2048xf32, #tpu.memory_space<hbm>> -> memref<320x64xf32, #tpu.memory_space<hbm>>
        %dma_start3A_29 = arith.constant 0 : i32
        %dma_start3A_30 = arith.constant 0 : i32
        %dma_start3A_31 = tpu.memref_slice %arg14[%dma_start3A_29, %dma_start3A_30] : memref<321x64xf32, #tpu.memory_space<vmem>> -> memref<320x64xf32, #tpu.memory_space<vmem>>
        tpu.enqueue_dma source(%dma_start3A_31 : memref<320x64xf32, #tpu.memory_space<vmem>>) target(%dma_start3A_28 : memref<320x64xf32, #tpu.memory_space<hbm>>) target_semaphore(%run_scoped3A : memref<!tpu.dma_semaphore, #tpu.memory_space<semaphore_mem>>)
        %dma_wait3A = arith.constant 0 : i32
        %dma_wait3A_32 = arith.constant 0 : i32
        %dma_wait3A_33 = tpu.memref_slice %arg14[%dma_wait3A, %dma_wait3A_32] : memref<321x64xf32, #tpu.memory_space<vmem>> -> memref<320x64xf32, #tpu.memory_space<vmem>>
        %dma_wait3A_34 = tpu.memref_slice %arg7[%mul3A_2, %mul3A_24] : memref<10240x2048xf32, #tpu.memory_space<hbm>> -> memref<320x64xf32, #tpu.memory_space<hbm>>
        %dma_wait3A_35 = tpu.memref_slice %arg7[%mul3A_2, %mul3A_24] : memref<10240x2048xf32, #tpu.memory_space<hbm>> -> memref<320x64xf32, #tpu.memory_space<hbm>>
        %dma_wait3A_36 = arith.constant 0 : i32
        %dma_wait3A_37 = arith.constant 0 : i32
        %dma_wait3A_38 = tpu.memref_slice %arg14[%dma_wait3A_36, %dma_wait3A_37] : memref<321x64xf32, #tpu.memory_space<vmem>> -> memref<320x64xf32, #tpu.memory_space<vmem>>
        tpu.wait_dma2 semaphore(%run_scoped3A : memref<!tpu.dma_semaphore, #tpu.memory_space<semaphore_mem>>) src(%dma_wait3A_38 : memref<320x64xf32, #tpu.memory_space<vmem>>) dst(%dma_wait3A_35 : memref<320x64xf32, #tpu.memory_space<hbm>>)
        tpu.yield
      }) : () -> ()
      "tpu.region"() ({
        %run_scoped3A = tpu.sem_alloc : memref<!tpu.dma_semaphore, #tpu.memory_space<semaphore_mem>>
        %dma_start3A = arith.constant 0 : i32
        %dma_start3A_25 = arith.constant 0 : i32
        %dma_start3A_26 = tpu.memref_slice %arg15[%dma_start3A, %dma_start3A_25] : memref<321x64xf32, #tpu.memory_space<vmem>> -> memref<320x64xf32, #tpu.memory_space<vmem>>
        %dma_start3A_27 = tpu.memref_slice %arg8[%mul3A_2, %mul3A_24] : memref<10240x2048xf32, #tpu.memory_space<hbm>> -> memref<320x64xf32, #tpu.memory_space<hbm>>
        %dma_start3A_28 = tpu.memref_slice %arg8[%mul3A_2, %mul3A_24] : memref<10240x2048xf32, #tpu.memory_space<hbm>> -> memref<320x64xf32, #tpu.memory_space<hbm>>
        %dma_start3A_29 = arith.constant 0 : i32
        %dma_start3A_30 = arith.constant 0 : i32
        %dma_start3A_31 = tpu.memref_slice %arg15[%dma_start3A_29, %dma_start3A_30] : memref<321x64xf32, #tpu.memory_space<vmem>> -> memref<320x64xf32, #tpu.memory_space<vmem>>
        tpu.enqueue_dma source(%dma_start3A_31 : memref<320x64xf32, #tpu.memory_space<vmem>>) target(%dma_start3A_28 : memref<320x64xf32, #tpu.memory_space<hbm>>) target_semaphore(%run_scoped3A : memref<!tpu.dma_semaphore, #tpu.memory_space<semaphore_mem>>)
        %dma_wait3A = arith.constant 0 : i32
        %dma_wait3A_32 = arith.constant 0 : i32
        %dma_wait3A_33 = tpu.memref_slice %arg15[%dma_wait3A, %dma_wait3A_32] : memref<321x64xf32, #tpu.memory_space<vmem>> -> memref<320x64xf32, #tpu.memory_space<vmem>>
        %dma_wait3A_34 = tpu.memref_slice %arg8[%mul3A_2, %mul3A_24] : memref<10240x2048xf32, #tpu.memory_space<hbm>> -> memref<320x64xf32, #tpu.memory_space<hbm>>
        %dma_wait3A_35 = tpu.memref_slice %arg8[%mul3A_2, %mul3A_24] : memref<10240x2048xf32, #tpu.memory_space<hbm>> -> memref<320x64xf32, #tpu.memory_space<hbm>>
        %dma_wait3A_36 = arith.constant 0 : i32
        %dma_wait3A_37 = arith.constant 0 : i32
        %dma_wait3A_38 = tpu.memref_slice %arg15[%dma_wait3A_36, %dma_wait3A_37] : memref<321x64xf32, #tpu.memory_space<vmem>> -> memref<320x64xf32, #tpu.memory_space<vmem>>
        tpu.wait_dma2 semaphore(%run_scoped3A : memref<!tpu.dma_semaphore, #tpu.memory_space<semaphore_mem>>) src(%dma_wait3A_38 : memref<320x64xf32, #tpu.memory_space<vmem>>) dst(%dma_wait3A_35 : memref<320x64xf32, #tpu.memory_space<hbm>>)
        tpu.yield
      }) : () -> ()
    }
    %scan3A_7 = arith.constant 32 : i32
    return
  }
}

#map = affine_map<(d0, d1) -> (0, 0)>
module attributes {stable_mosaic.version = 14 : i64} {
  func.func @k(%arg0: i32, %arg1: i32, %arg2: memref<640000x64xf32, #tpu.memory_space<hbm>>, %arg3: memref<32x1536xi32, #tpu.memory_space<hbm>>, %arg4: memref<32x1536xi32, #tpu.memory_space<hbm>>, %arg5: memref<10240x2048xf32, #tpu.memory_space<hbm>>, %arg6: memref<10240x2048xf32, #tpu.memory_space<hbm>>, %arg7: memref<10240x2048xf32, #tpu.memory_space<hbm>>, %arg8: memref<10240x2048xf32, #tpu.memory_space<hbm>>, %arg9: memref<1536xi32, #tpu.memory_space<vmem>>, %arg10: memref<1536xi32, #tpu.memory_space<vmem>>, %arg11: memref<512xi32, #tpu.memory_space<vmem>>, %arg12: memref<321x64xf32, #tpu.memory_space<vmem>>, %arg13: memref<321x64xf32, #tpu.memory_space<vmem>>, %arg14: memref<321x64xf32, #tpu.memory_space<vmem>>, %arg15: memref<321x64xf32, #tpu.memory_space<vmem>>, %arg16: memref<512x64xf32, #tpu.memory_space<vmem>>, %arg17: memref<!tpu.dma_semaphore, #tpu.memory_space<semaphore_mem>>, %arg18: memref<!tpu.dma_semaphore, #tpu.memory_space<semaphore_mem>>, %arg19: memref<!tpu.dma_semaphore, #tpu.memory_space<semaphore_mem>>, %arg20: memref<!tpu.dma_semaphore, #tpu.memory_space<semaphore_mem>>) attributes {dimension_semantics = [#tpu.dimension_semantics<core_parallel>, #tpu.dimension_semantics<subcore_parallel>], iteration_bounds = array<i64: 2, 16>, scalar_prefetch = 0 : i64, scratch_operands = 12 : i64, tpu.core_type = #tpu.core_type<sc_vector_subcore>, window_params = [{transform_indices = #map}, {transform_indices = #map}, {transform_indices = #map}, {transform_indices = #map}, {transform_indices = #map}, {transform_indices = #map}, {transform_indices = #map}]} {
    %mul3A = arith.constant 2 : i32
    %mul3A_0 = arith.muli %arg1, %mul3A : i32
    %add3A = arith.addi %mul3A_0, %arg0 : i32
    %mul3A_1 = arith.constant 320 : i32
    %mul3A_2 = arith.muli %add3A, %mul3A_1 : i32
    %iota3A = tpu.iota {dimensions = array<i32: 0>} : vector<16xi32>
    %broadcast_in_dim3A = arith.constant 0.000000e+00 : f32
    %broadcast_in_dim3A_3 = vector.broadcast %broadcast_in_dim3A : f32 to vector<16xf32>
    "tpu.region"() ({
      %run_scoped3A = tpu.sem_alloc : memref<!tpu.dma_semaphore, #tpu.memory_space<semaphore_mem>>
      %dma_start3A = arith.constant 0 : i32
      %dma_start3A_8 = tpu.memref_slice %arg3[%add3A, %dma_start3A] : memref<32x1536xi32, #tpu.memory_space<hbm>> -> memref<1x1536xi32, #tpu.memory_space<hbm>>
      %dma_start3A_9 = tpu.memref_squeeze %dma_start3A_8 : memref<1x1536xi32, #tpu.memory_space<hbm>> -> memref<1536xi32, #tpu.memory_space<hbm>>
      %dma_start3A_10 = arith.constant 0 : i32
      %dma_start3A_11 = tpu.memref_slice %arg3[%add3A, %dma_start3A_10] : memref<32x1536xi32, #tpu.memory_space<hbm>> -> memref<1x1536xi32, #tpu.memory_space<hbm>>
      %dma_start3A_12 = tpu.memref_squeeze %dma_start3A_11 : memref<1x1536xi32, #tpu.memory_space<hbm>> -> memref<1536xi32, #tpu.memory_space<hbm>>
      tpu.enqueue_dma source(%dma_start3A_12 : memref<1536xi32, #tpu.memory_space<hbm>>) target(%arg9 : memref<1536xi32, #tpu.memory_space<vmem>>) target_semaphore(%run_scoped3A : memref<!tpu.dma_semaphore, #tpu.memory_space<semaphore_mem>>)
      %dma_wait3A = arith.constant 0 : i32
      %dma_wait3A_13 = tpu.memref_slice %arg3[%add3A, %dma_wait3A] : memref<32x1536xi32, #tpu.memory_space<hbm>> -> memref<1x1536xi32, #tpu.memory_space<hbm>>
      %dma_wait3A_14 = tpu.memref_squeeze %dma_wait3A_13 : memref<1x1536xi32, #tpu.memory_space<hbm>> -> memref<1536xi32, #tpu.memory_space<hbm>>
      %dma_wait3A_15 = arith.constant 0 : i32
      %dma_wait3A_16 = tpu.memref_slice %arg3[%add3A, %dma_wait3A_15] : memref<32x1536xi32, #tpu.memory_space<hbm>> -> memref<1x1536xi32, #tpu.memory_space<hbm>>
      %dma_wait3A_17 = tpu.memref_squeeze %dma_wait3A_16 : memref<1x1536xi32, #tpu.memory_space<hbm>> -> memref<1536xi32, #tpu.memory_space<hbm>>
      tpu.wait_dma2 semaphore(%run_scoped3A : memref<!tpu.dma_semaphore, #tpu.memory_space<semaphore_mem>>) src(%dma_wait3A_17 : memref<1536xi32, #tpu.memory_space<hbm>>) dst(%arg9 : memref<1536xi32, #tpu.memory_space<vmem>>)
      tpu.yield
    }) : () -> ()
    "tpu.region"() ({
      %run_scoped3A = tpu.sem_alloc : memref<!tpu.dma_semaphore, #tpu.memory_space<semaphore_mem>>
      %dma_start3A = arith.constant 0 : i32
      %dma_start3A_8 = tpu.memref_slice %arg4[%add3A, %dma_start3A] : memref<32x1536xi32, #tpu.memory_space<hbm>> -> memref<1x1536xi32, #tpu.memory_space<hbm>>
      %dma_start3A_9 = tpu.memref_squeeze %dma_start3A_8 : memref<1x1536xi32, #tpu.memory_space<hbm>> -> memref<1536xi32, #tpu.memory_space<hbm>>
      %dma_start3A_10 = arith.constant 0 : i32
      %dma_start3A_11 = tpu.memref_slice %arg4[%add3A, %dma_start3A_10] : memref<32x1536xi32, #tpu.memory_space<hbm>> -> memref<1x1536xi32, #tpu.memory_space<hbm>>
      %dma_start3A_12 = tpu.memref_squeeze %dma_start3A_11 : memref<1x1536xi32, #tpu.memory_space<hbm>> -> memref<1536xi32, #tpu.memory_space<hbm>>
      tpu.enqueue_dma source(%dma_start3A_12 : memref<1536xi32, #tpu.memory_space<hbm>>) target(%arg10 : memref<1536xi32, #tpu.memory_space<vmem>>) target_semaphore(%run_scoped3A : memref<!tpu.dma_semaphore, #tpu.memory_space<semaphore_mem>>)
      %dma_wait3A = arith.constant 0 : i32
      %dma_wait3A_13 = tpu.memref_slice %arg4[%add3A, %dma_wait3A] : memref<32x1536xi32, #tpu.memory_space<hbm>> -> memref<1x1536xi32, #tpu.memory_space<hbm>>
      %dma_wait3A_14 = tpu.memref_squeeze %dma_wait3A_13 : memref<1x1536xi32, #tpu.memory_space<hbm>> -> memref<1536xi32, #tpu.memory_space<hbm>>
      %dma_wait3A_15 = arith.constant 0 : i32
      %dma_wait3A_16 = tpu.memref_slice %arg4[%add3A, %dma_wait3A_15] : memref<32x1536xi32, #tpu.memory_space<hbm>> -> memref<1x1536xi32, #tpu.memory_space<hbm>>
      %dma_wait3A_17 = tpu.memref_squeeze %dma_wait3A_16 : memref<1x1536xi32, #tpu.memory_space<hbm>> -> memref<1536xi32, #tpu.memory_space<hbm>>
      tpu.wait_dma2 semaphore(%run_scoped3A : memref<!tpu.dma_semaphore, #tpu.memory_space<semaphore_mem>>) src(%dma_wait3A_17 : memref<1536xi32, #tpu.memory_space<hbm>>) dst(%arg10 : memref<1536xi32, #tpu.memory_space<vmem>>)
      tpu.yield
    }) : () -> ()
    %scan3A = arith.constant 0 : i32
    %scan3A_4 = arith.constant 32 : i32
    %scan3A_5 = arith.addi %scan3A, %scan3A_4 : i32
    %scan3A_6 = arith.constant 1 : i32
    scf.for %scan3A_8 = %scan3A to %scan3A_5 step %scan3A_6  : i32 {
      %mul3A_9 = arith.constant 1 : i32
      %mul3A_10 = arith.muli %scan3A_8, %mul3A_9 : i32
      %add3A_11 = arith.constant 0 : i32
      %add3A_12 = arith.addi %add3A_11, %mul3A_10 : i32
      %scan3A_13 = arith.constant 0 : i32
      %scan3A_14 = arith.constant 321 : i32
      %scan3A_15 = arith.addi %scan3A_13, %scan3A_14 : i32
      %scan3A_16 = arith.constant 1 : i32
      scf.for %scan3A_25 = %scan3A_13 to %scan3A_15 step %scan3A_16  : i32 {
        %mul3A_26 = arith.constant 1 : i32
        %mul3A_27 = arith.muli %scan3A_25, %mul3A_26 : i32
        %add3A_28 = arith.constant 0 : i32
        %add3A_29 = arith.addi %add3A_28, %mul3A_27 : i32
        %swap3A = arith.index_cast %add3A_29 : i32 to index
        %swap3A_30 = arith.constant 0 : index
        %swap3A_31 = tpu.vector_load %arg12[%swap3A, %swap3A_30] {strides = array<i32>} : memref<321x64xf32, #tpu.memory_space<vmem>>, vector<16xf32>,
        tpu.vector_store %arg12[%swap3A, %swap3A_30], %broadcast_in_dim3A_3 {strides = array<i32>} : memref<321x64xf32, #tpu.memory_space<vmem>>, vector<16xf32>,
        %swap3A_32 = arith.index_cast %add3A_29 : i32 to index
        %swap3A_33 = arith.constant 0 : index
        %swap3A_34 = tpu.vector_load %arg13[%swap3A_32, %swap3A_33] {strides = array<i32>} : memref<321x64xf32, #tpu.memory_space<vmem>>, vector<16xf32>,
        tpu.vector_store %arg13[%swap3A_32, %swap3A_33], %broadcast_in_dim3A_3 {strides = array<i32>} : memref<321x64xf32, #tpu.memory_space<vmem>>, vector<16xf32>,
        %broadcast_in_dim3A_35 = arith.constant 3.000000e+38 : f32
        %broadcast_in_dim3A_36 = vector.broadcast %broadcast_in_dim3A_35 : f32 to vector<16xf32>
        %swap3A_37 = arith.index_cast %add3A_29 : i32 to index
        %swap3A_38 = arith.constant 0 : index
        %swap3A_39 = tpu.vector_load %arg14[%swap3A_37, %swap3A_38] {strides = array<i32>} : memref<321x64xf32, #tpu.memory_space<vmem>>, vector<16xf32>,
        tpu.vector_store %arg14[%swap3A_37, %swap3A_38], %broadcast_in_dim3A_36 {strides = array<i32>} : memref<321x64xf32, #tpu.memory_space<vmem>>, vector<16xf32>,
        %broadcast_in_dim3A_40 = arith.constant -3.000000e+38 : f32
        %broadcast_in_dim3A_41 = vector.broadcast %broadcast_in_dim3A_40 : f32 to vector<16xf32>
        %swap3A_42 = arith.index_cast %add3A_29 : i32 to index
        %swap3A_43 = arith.constant 0 : index
        %swap3A_44 = tpu.vector_load %arg15[%swap3A_42, %swap3A_43] {strides = array<i32>} : memref<321x64xf32, #tpu.memory_space<vmem>>, vector<16xf32>,
        tpu.vector_store %arg15[%swap3A_42, %swap3A_43], %broadcast_in_dim3A_41 {strides = array<i32>} : memref<321x64xf32, #tpu.memory_space<vmem>>, vector<16xf32>,
        %swap3A_45 = arith.index_cast %add3A_29 : i32 to index
        %swap3A_46 = arith.constant 16 : index
        %swap3A_47 = tpu.vector_load %arg12[%swap3A_45, %swap3A_46] {strides = array<i32>} : memref<321x64xf32, #tpu.memory_space<vmem>>, vector<16xf32>,
        tpu.vector_store %arg12[%swap3A_45, %swap3A_46], %broadcast_in_dim3A_3 {strides = array<i32>} : memref<321x64xf32, #tpu.memory_space<vmem>>, vector<16xf32>,
        %swap3A_48 = arith.index_cast %add3A_29 : i32 to index
        %swap3A_49 = arith.constant 16 : index
        %swap3A_50 = tpu.vector_load %arg13[%swap3A_48, %swap3A_49] {strides = array<i32>} : memref<321x64xf32, #tpu.memory_space<vmem>>, vector<16xf32>,
        tpu.vector_store %arg13[%swap3A_48, %swap3A_49], %broadcast_in_dim3A_3 {strides = array<i32>} : memref<321x64xf32, #tpu.memory_space<vmem>>, vector<16xf32>,
        %broadcast_in_dim3A_51 = arith.constant 3.000000e+38 : f32
        %broadcast_in_dim3A_52 = vector.broadcast %broadcast_in_dim3A_51 : f32 to vector<16xf32>
        %swap3A_53 = arith.index_cast %add3A_29 : i32 to index
        %swap3A_54 = arith.constant 16 : index
        %swap3A_55 = tpu.vector_load %arg14[%swap3A_53, %swap3A_54] {strides = array<i32>} : memref<321x64xf32, #tpu.memory_space<vmem>>, vector<16xf32>,
        tpu.vector_store %arg14[%swap3A_53, %swap3A_54], %broadcast_in_dim3A_52 {strides = array<i32>} : memref<321x64xf32, #tpu.memory_space<vmem>>, vector<16xf32>,
        %broadcast_in_dim3A_56 = arith.constant -3.000000e+38 : f32
        %broadcast_in_dim3A_57 = vector.broadcast %broadcast_in_dim3A_56 : f32 to vector<16xf32>
        %swap3A_58 = arith.index_cast %add3A_29 : i32 to index
        %swap3A_59 = arith.constant 16 : index
        %swap3A_60 = tpu.vector_load %arg15[%swap3A_58, %swap3A_59] {strides = array<i32>} : memref<321x64xf32, #tpu.memory_space<vmem>>, vector<16xf32>,
        tpu.vector_store %arg15[%swap3A_58, %swap3A_59], %broadcast_in_dim3A_57 {strides = array<i32>} : memref<321x64xf32, #tpu.memory_space<vmem>>, vector<16xf32>,
        %swap3A_61 = arith.index_cast %add3A_29 : i32 to index
        %swap3A_62 = arith.constant 32 : index
        %swap3A_63 = tpu.vector_load %arg12[%swap3A_61, %swap3A_62] {strides = array<i32>} : memref<321x64xf32, #tpu.memory_space<vmem>>, vector<16xf32>,
        tpu.vector_store %arg12[%swap3A_61, %swap3A_62], %broadcast_in_dim3A_3 {strides = array<i32>} : memref<321x64xf32, #tpu.memory_space<vmem>>, vector<16xf32>,
        %swap3A_64 = arith.index_cast %add3A_29 : i32 to index
        %swap3A_65 = arith.constant 32 : index
        %swap3A_66 = tpu.vector_load %arg13[%swap3A_64, %swap3A_65] {strides = array<i32>} : memref<321x64xf32, #tpu.memory_space<vmem>>, vector<16xf32>,
        tpu.vector_store %arg13[%swap3A_64, %swap3A_65], %broadcast_in_dim3A_3 {strides = array<i32>} : memref<321x64xf32, #tpu.memory_space<vmem>>, vector<16xf32>,
        %broadcast_in_dim3A_67 = arith.constant 3.000000e+38 : f32
        %broadcast_in_dim3A_68 = vector.broadcast %broadcast_in_dim3A_67 : f32 to vector<16xf32>
        %swap3A_69 = arith.index_cast %add3A_29 : i32 to index
        %swap3A_70 = arith.constant 32 : index
        %swap3A_71 = tpu.vector_load %arg14[%swap3A_69, %swap3A_70] {strides = array<i32>} : memref<321x64xf32, #tpu.memory_space<vmem>>, vector<16xf32>,
        tpu.vector_store %arg14[%swap3A_69, %swap3A_70], %broadcast_in_dim3A_68 {strides = array<i32>} : memref<321x64xf32, #tpu.memory_space<vmem>>, vector<16xf32>,
        %broadcast_in_dim3A_72 = arith.constant -3.000000e+38 : f32
        %broadcast_in_dim3A_73 = vector.broadcast %broadcast_in_dim3A_72 : f32 to vector<16xf32>
        %swap3A_74 = arith.index_cast %add3A_29 : i32 to index
        %swap3A_75 = arith.constant 32 : index
        %swap3A_76 = tpu.vector_load %arg15[%swap3A_74, %swap3A_75] {strides = array<i32>} : memref<321x64xf32, #tpu.memory_space<vmem>>, vector<16xf32>,
        tpu.vector_store %arg15[%swap3A_74, %swap3A_75], %broadcast_in_dim3A_73 {strides = array<i32>} : memref<321x64xf32, #tpu.memory_space<vmem>>, vector<16xf32>,
        %swap3A_77 = arith.index_cast %add3A_29 : i32 to index
        %swap3A_78 = arith.constant 48 : index
        %swap3A_79 = tpu.vector_load %arg12[%swap3A_77, %swap3A_78] {strides = array<i32>} : memref<321x64xf32, #tpu.memory_space<vmem>>, vector<16xf32>,
        tpu.vector_store %arg12[%swap3A_77, %swap3A_78], %broadcast_in_dim3A_3 {strides = array<i32>} : memref<321x64xf32, #tpu.memory_space<vmem>>, vector<16xf32>,
        %swap3A_80 = arith.index_cast %add3A_29 : i32 to index
        %swap3A_81 = arith.constant 48 : index
        %swap3A_82 = tpu.vector_load %arg13[%swap3A_80, %swap3A_81] {strides = array<i32>} : memref<321x64xf32, #tpu.memory_space<vmem>>, vector<16xf32>,
        tpu.vector_store %arg13[%swap3A_80, %swap3A_81], %broadcast_in_dim3A_3 {strides = array<i32>} : memref<321x64xf32, #tpu.memory_space<vmem>>, vector<16xf32>,
        %broadcast_in_dim3A_83 = arith.constant 3.000000e+38 : f32
        %broadcast_in_dim3A_84 = vector.broadcast %broadcast_in_dim3A_83 : f32 to vector<16xf32>
        %swap3A_85 = arith.index_cast %add3A_29 : i32 to index
        %swap3A_86 = arith.constant 48 : index
        %swap3A_87 = tpu.vector_load %arg14[%swap3A_85, %swap3A_86] {strides = array<i32>} : memref<321x64xf32, #tpu.memory_space<vmem>>, vector<16xf32>,
        tpu.vector_store %arg14[%swap3A_85, %swap3A_86], %broadcast_in_dim3A_84 {strides = array<i32>} : memref<321x64xf32, #tpu.memory_space<vmem>>, vector<16xf32>,
        %broadcast_in_dim3A_88 = arith.constant -3.000000e+38 : f32
        %broadcast_in_dim3A_89 = vector.broadcast %broadcast_in_dim3A_88 : f32 to vector<16xf32>
        %swap3A_90 = arith.index_cast %add3A_29 : i32 to index
        %swap3A_91 = arith.constant 48 : index
        %swap3A_92 = tpu.vector_load %arg15[%swap3A_90, %swap3A_91] {strides = array<i32>} : memref<321x64xf32, #tpu.memory_space<vmem>>, vector<16xf32>,
        tpu.vector_store %arg15[%swap3A_90, %swap3A_91], %broadcast_in_dim3A_89 {strides = array<i32>} : memref<321x64xf32, #tpu.memory_space<vmem>>, vector<16xf32>,
      }
      %scan3A_17 = arith.constant 321 : i32
      %scan3A_18 = arith.constant 0 : i32
      %scan3A_19 = arith.constant 3 : i32
      %scan3A_20 = arith.addi %scan3A_18, %scan3A_19 : i32
      %scan3A_21 = arith.constant 1 : i32
      scf.for %scan3A_25 = %scan3A_18 to %scan3A_20 step %scan3A_21  : i32 {
        %mul3A_26 = arith.constant 4 : i32
        %mul3A_27 = arith.muli %scan3A_25, %mul3A_26 : i32
        %add3A_28 = arith.constant 0 : i32
        %add3A_29 = arith.addi %add3A_28, %mul3A_27 : i32
        %scan3A_30 = arith.constant 0 : i32
        %scan3A_31 = arith.constant 8 : i32
        %scan3A_32 = arith.addi %scan3A_30, %scan3A_31 : i32
        %scan3A_33 = arith.constant 1 : i32
        scf.for %scan3A_132 = %scan3A_30 to %scan3A_32 step %scan3A_33  : i32 {
          %mul3A_133 = arith.constant 16 : i32
          %mul3A_134 = arith.muli %scan3A_132, %mul3A_133 : i32
          %add3A_135 = arith.constant 0 : i32
          %add3A_136 = arith.addi %add3A_135, %mul3A_134 : i32
          %add3A_137 = arith.constant 0 : i32
          %add3A_138 = arith.addi %add3A_29, %add3A_137 : i32
          %mul3A_139 = arith.constant 128 : i32
          %mul3A_140 = arith.muli %add3A_138, %mul3A_139 : i32
          %add3A_141 = arith.addi %mul3A_140, %add3A_136 : i32
          %get3A = arith.index_cast %add3A_141 : i32 to index
          %get3A_142 = tpu.vector_load %arg9[%get3A] {strides = array<i32>} : memref<1536xi32, #tpu.memory_space<vmem>>, vector<16xi32>,
          %mul3A_143 = arith.constant 32 : i32
          %mul3A_144 = vector.broadcast %mul3A_143 : i32 to vector<16xi32>
          %mul3A_145 = arith.muli %get3A_142, %mul3A_144 : vector<16xi32>
          %add3A_146 = vector.broadcast %add3A_12 : i32 to vector<16xi32>
          %add3A_147 = arith.addi %mul3A_145, %add3A_146 : vector<16xi32>
          %add3A_148 = arith.constant 0 : i32
          %add3A_149 = arith.addi %add3A_148, %add3A_136 : i32
          %swap3A = arith.index_cast %add3A_149 : i32 to index
          %swap3A_150 = tpu.vector_load %arg11[%swap3A] {strides = array<i32>} : memref<512xi32, #tpu.memory_space<vmem>>, vector<16xi32>,
          tpu.vector_store %arg11[%swap3A], %add3A_147 {strides = array<i32>} : memref<512xi32, #tpu.memory_space<vmem>>, vector<16xi32>,
        }
        %scan3A_34 = arith.constant 8 : i32
        %scan3A_35 = arith.constant 0 : i32
        %scan3A_36 = arith.constant 8 : i32
        %scan3A_37 = arith.addi %scan3A_35, %scan3A_36 : i32
        %scan3A_38 = arith.constant 1 : i32
        scf.for %scan3A_132 = %scan3A_35 to %scan3A_37 step %scan3A_38  : i32 {
          %mul3A_133 = arith.constant 16 : i32
          %mul3A_134 = arith.muli %scan3A_132, %mul3A_133 : i32
          %add3A_135 = arith.constant 0 : i32
          %add3A_136 = arith.addi %add3A_135, %mul3A_134 : i32
          %add3A_137 = arith.constant 1 : i32
          %add3A_138 = arith.addi %add3A_29, %add3A_137 : i32
          %mul3A_139 = arith.constant 128 : i32
          %mul3A_140 = arith.muli %add3A_138, %mul3A_139 : i32
          %add3A_141 = arith.addi %mul3A_140, %add3A_136 : i32
          %get3A = arith.index_cast %add3A_141 : i32 to index
          %get3A_142 = tpu.vector_load %arg9[%get3A] {strides = array<i32>} : memref<1536xi32, #tpu.memory_space<vmem>>, vector<16xi32>,
          %mul3A_143 = arith.constant 32 : i32
          %mul3A_144 = vector.broadcast %mul3A_143 : i32 to vector<16xi32>
          %mul3A_145 = arith.muli %get3A_142, %mul3A_144 : vector<16xi32>
          %add3A_146 = vector.broadcast %add3A_12 : i32 to vector<16xi32>
          %add3A_147 = arith.addi %mul3A_145, %add3A_146 : vector<16xi32>
          %add3A_148 = arith.constant 128 : i32
          %add3A_149 = arith.addi %add3A_148, %add3A_136 : i32
          %swap3A = arith.index_cast %add3A_149 : i32 to index
          %swap3A_150 = tpu.vector_load %arg11[%swap3A] {strides = array<i32>} : memref<512xi32, #tpu.memory_space<vmem>>, vector<16xi32>,
          tpu.vector_store %arg11[%swap3A], %add3A_147 {strides = array<i32>} : memref<512xi32, #tpu.memory_space<vmem>>, vector<16xi32>,
        }
        %scan3A_39 = arith.constant 8 : i32
        %scan3A_40 = arith.constant 0 : i32
        %scan3A_41 = arith.constant 8 : i32
        %scan3A_42 = arith.addi %scan3A_40, %scan3A_41 : i32
        %scan3A_43 = arith.constant 1 : i32
        scf.for %scan3A_132 = %scan3A_40 to %scan3A_42 step %scan3A_43  : i32 {
          %mul3A_133 = arith.constant 16 : i32
          %mul3A_134 = arith.muli %scan3A_132, %mul3A_133 : i32
          %add3A_135 = arith.constant 0 : i32
          %add3A_136 = arith.addi %add3A_135, %mul3A_134 : i32
          %add3A_137 = arith.constant 2 : i32
          %add3A_138 = arith.addi %add3A_29, %add3A_137 : i32
          %mul3A_139 = arith.constant 128 : i32
          %mul3A_140 = arith.muli %add3A_138, %mul3A_139 : i32
          %add3A_141 = arith.addi %mul3A_140, %add3A_136 : i32
          %get3A = arith.index_cast %add3A_141 : i32 to index
          %get3A_142 = tpu.vector_load %arg9[%get3A] {strides = array<i32>} : memref<1536xi32, #tpu.memory_space<vmem>>, vector<16xi32>,
          %mul3A_143 = arith.constant 32 : i32
          %mul3A_144 = vector.broadcast %mul3A_143 : i32 to vector<16xi32>
          %mul3A_145 = arith.muli %get3A_142, %mul3A_144 : vector<16xi32>
          %add3A_146 = vector.broadcast %add3A_12 : i32 to vector<16xi32>
          %add3A_147 = arith.addi %mul3A_145, %add3A_146 : vector<16xi32>
          %add3A_148 = arith.constant 256 : i32
          %add3A_149 = arith.addi %add3A_148, %add3A_136 : i32
          %swap3A = arith.index_cast %add3A_149 : i32 to index
          %swap3A_150 = tpu.vector_load %arg11[%swap3A] {strides = array<i32>} : memref<512xi32, #tpu.memory_space<vmem>>, vector<16xi32>,
          tpu.vector_store %arg11[%swap3A], %add3A_147 {strides = array<i32>} : memref<512xi32, #tpu.memory_space<vmem>>, vector<16xi32>,
        }
        %scan3A_44 = arith.constant 8 : i32
        %scan3A_45 = arith.constant 0 : i32
        %scan3A_46 = arith.constant 8 : i32
        %scan3A_47 = arith.addi %scan3A_45, %scan3A_46 : i32
        %scan3A_48 = arith.constant 1 : i32
        scf.for %scan3A_132 = %scan3A_45 to %scan3A_47 step %scan3A_48  : i32 {
          %mul3A_133 = arith.constant 16 : i32
          %mul3A_134 = arith.muli %scan3A_132, %mul3A_133 : i32
          %add3A_135 = arith.constant 0 : i32
          %add3A_136 = arith.addi %add3A_135, %mul3A_134 : i32
          %add3A_137 = arith.constant 3 : i32
          %add3A_138 = arith.addi %add3A_29, %add3A_137 : i32
          %mul3A_139 = arith.constant 128 : i32
          %mul3A_140 = arith.muli %add3A_138, %mul3A_139 : i32
          %add3A_141 = arith.addi %mul3A_140, %add3A_136 : i32
          %get3A = arith.index_cast %add3A_141 : i32 to index
          %get3A_142 = tpu.vector_load %arg9[%get3A] {strides = array<i32>} : memref<1536xi32, #tpu.memory_space<vmem>>, vector<16xi32>,
          %mul3A_143 = arith.constant 32 : i32
          %mul3A_144 = vector.broadcast %mul3A_143 : i32 to vector<16xi32>
          %mul3A_145 = arith.muli %get3A_142, %mul3A_144 : vector<16xi32>
          %add3A_146 = vector.broadcast %add3A_12 : i32 to vector<16xi32>
          %add3A_147 = arith.addi %mul3A_145, %add3A_146 : vector<16xi32>
          %add3A_148 = arith.constant 384 : i32
          %add3A_149 = arith.addi %add3A_148, %add3A_136 : i32
          %swap3A = arith.index_cast %add3A_149 : i32 to index
          %swap3A_150 = tpu.vector_load %arg11[%swap3A] {strides = array<i32>} : memref<512xi32, #tpu.memory_space<vmem>>, vector<16xi32>,
          tpu.vector_store %arg11[%swap3A], %add3A_147 {strides = array<i32>} : memref<512xi32, #tpu.memory_space<vmem>>, vector<16xi32>,
        }
        %scan3A_49 = arith.constant 8 : i32
        %dma_start3A = arith.constant 0 : i32
        %dma_start3A_50 = arith.constant 0 : i32
        %dma_start3A_51 = tpu.memref_slice %arg16[%dma_start3A, %dma_start3A_50] : memref<512x64xf32, #tpu.memory_space<vmem>> -> memref<128x64xf32, #tpu.memory_space<vmem>>
        %dma_start3A_52 = arith.constant 0 : i32
        %dma_start3A_53 = tpu.memref_slice %arg11[%dma_start3A_52] : memref<512xi32, #tpu.memory_space<vmem>> -> memref<128xi32, #tpu.memory_space<vmem>>
        %dma_start3A_54 = arith.constant 0 : i32
        %dma_start3A_55 = arith.constant 0 : i32
        %dma_start3A_56 = tpu.memref_slice %arg2[%dma_start3A_54, %dma_start3A_55] : memref<640000x64xf32, #tpu.memory_space<hbm>> -> memref<640000x64xf32, #tpu.memory_space<hbm>>
        tpu.enqueue_indirect_dma source(%dma_start3A_56 : memref<640000x64xf32, #tpu.memory_space<hbm>>) target(%dma_start3A_51 : memref<128x64xf32, #tpu.memory_space<vmem>>) offsets(%dma_start3A_53 : memref<128xi32, #tpu.memory_space<vmem>>) semaphore(%arg17 : memref<!tpu.dma_semaphore, #tpu.memory_space<semaphore_mem>>)
        %dma_start3A_57 = arith.constant 128 : i32
        %dma_start3A_58 = arith.constant 0 : i32
        %dma_start3A_59 = tpu.memref_slice %arg16[%dma_start3A_57, %dma_start3A_58] : memref<512x64xf32, #tpu.memory_space<vmem>> -> memref<128x64xf32, #tpu.memory_space<vmem>>
        %dma_start3A_60 = arith.constant 128 : i32
        %dma_start3A_61 = tpu.memref_slice %arg11[%dma_start3A_60] : memref<512xi32, #tpu.memory_space<vmem>> -> memref<128xi32, #tpu.memory_space<vmem>>
        %dma_start3A_62 = arith.constant 0 : i32
        %dma_start3A_63 = arith.constant 0 : i32
        %dma_start3A_64 = tpu.memref_slice %arg2[%dma_start3A_62, %dma_start3A_63] : memref<640000x64xf32, #tpu.memory_space<hbm>> -> memref<640000x64xf32, #tpu.memory_space<hbm>>
        tpu.enqueue_indirect_dma source(%dma_start3A_64 : memref<640000x64xf32, #tpu.memory_space<hbm>>) target(%dma_start3A_59 : memref<128x64xf32, #tpu.memory_space<vmem>>) offsets(%dma_start3A_61 : memref<128xi32, #tpu.memory_space<vmem>>) semaphore(%arg18 : memref<!tpu.dma_semaphore, #tpu.memory_space<semaphore_mem>>)
        %dma_start3A_65 = arith.constant 256 : i32
        %dma_start3A_66 = arith.constant 0 : i32
        %dma_start3A_67 = tpu.memref_slice %arg16[%dma_start3A_65, %dma_start3A_66] : memref<512x64xf32, #tpu.memory_space<vmem>> -> memref<128x64xf32, #tpu.memory_space<vmem>>
        %dma_start3A_68 = arith.constant 256 : i32
        %dma_start3A_69 = tpu.memref_slice %arg11[%dma_start3A_68] : memref<512xi32, #tpu.memory_space<vmem>> -> memref<128xi32, #tpu.memory_space<vmem>>
        %dma_start3A_70 = arith.constant 0 : i32
        %dma_start3A_71 = arith.constant 0 : i32
        %dma_start3A_72 = tpu.memref_slice %arg2[%dma_start3A_70, %dma_start3A_71] : memref<640000x64xf32, #tpu.memory_space<hbm>> -> memref<640000x64xf32, #tpu.memory_space<hbm>>
        tpu.enqueue_indirect_dma source(%dma_start3A_72 : memref<640000x64xf32, #tpu.memory_space<hbm>>) target(%dma_start3A_67 : memref<128x64xf32, #tpu.memory_space<vmem>>) offsets(%dma_start3A_69 : memref<128xi32, #tpu.memory_space<vmem>>) semaphore(%arg19 : memref<!tpu.dma_semaphore, #tpu.memory_space<semaphore_mem>>)
        %dma_start3A_73 = arith.constant 384 : i32
        %dma_start3A_74 = arith.constant 0 : i32
        %dma_start3A_75 = tpu.memref_slice %arg16[%dma_start3A_73, %dma_start3A_74] : memref<512x64xf32, #tpu.memory_space<vmem>> -> memref<128x64xf32, #tpu.memory_space<vmem>>
        %dma_start3A_76 = arith.constant 384 : i32
        %dma_start3A_77 = tpu.memref_slice %arg11[%dma_start3A_76] : memref<512xi32, #tpu.memory_space<vmem>> -> memref<128xi32, #tpu.memory_space<vmem>>
        %dma_start3A_78 = arith.constant 0 : i32
        %dma_start3A_79 = arith.constant 0 : i32
        %dma_start3A_80 = tpu.memref_slice %arg2[%dma_start3A_78, %dma_start3A_79] : memref<640000x64xf32, #tpu.memory_space<hbm>> -> memref<640000x64xf32, #tpu.memory_space<hbm>>
        tpu.enqueue_indirect_dma source(%dma_start3A_80 : memref<640000x64xf32, #tpu.memory_space<hbm>>) target(%dma_start3A_75 : memref<128x64xf32, #tpu.memory_space<vmem>>) offsets(%dma_start3A_77 : memref<128xi32, #tpu.memory_space<vmem>>) semaphore(%arg20 : memref<!tpu.dma_semaphore, #tpu.memory_space<semaphore_mem>>)
        %dma_wait3A = arith.constant 0 : i32
        %dma_wait3A_81 = arith.constant 0 : i32
        %dma_wait3A_82 = tpu.memref_slice %arg16[%dma_wait3A, %dma_wait3A_81] : memref<512x64xf32, #tpu.memory_space<vmem>> -> memref<128x64xf32, #tpu.memory_space<vmem>>
        %dma_wait3A_83 = arith.constant 0 : i32
        %dma_wait3A_84 = tpu.memref_slice %arg11[%dma_wait3A_83] : memref<512xi32, #tpu.memory_space<vmem>> -> memref<128xi32, #tpu.memory_space<vmem>>
        %dma_wait3A_85 = arith.constant 0 : i32
        %dma_wait3A_86 = arith.constant 0 : i32
        %dma_wait3A_87 = tpu.memref_slice %arg2[%dma_wait3A_85, %dma_wait3A_86] : memref<640000x64xf32, #tpu.memory_space<hbm>> -> memref<640000x64xf32, #tpu.memory_space<hbm>>
        tpu.wait_indirect_dma semaphore(%arg17 : memref<!tpu.dma_semaphore, #tpu.memory_space<semaphore_mem>>) src(%dma_wait3A_87 : memref<640000x64xf32, #tpu.memory_space<hbm>>) dst(%dma_wait3A_82 : memref<128x64xf32, #tpu.memory_space<vmem>>)
        %scan3A_88 = arith.constant 0 : i32
        %scan3A_89 = arith.constant 128 : i32
        %scan3A_90 = arith.addi %scan3A_88, %scan3A_89 : i32
        %scan3A_91 = arith.constant 1 : i32
        scf.for %scan3A_132 = %scan3A_88 to %scan3A_90 step %scan3A_91  : i32 {
          %mul3A_133 = arith.constant 1 : i32
          %mul3A_134 = arith.muli %scan3A_132, %mul3A_133 : i32
          %add3A_135 = arith.constant 0 : i32
          %add3A_136 = arith.addi %add3A_135, %mul3A_134 : i32
          %add3A_137 = arith.constant 0 : i32
          %add3A_138 = arith.addi %add3A_29, %add3A_137 : i32
          %mul3A_139 = arith.constant 128 : i32
          %mul3A_140 = arith.muli %add3A_138, %mul3A_139 : i32
          %add3A_141 = arith.addi %mul3A_140, %add3A_136 : i32
          %broadcast_in_dim3A_142 = vector.broadcast %add3A_141 : i32 to vector<16xi32>
          %gather3A = tpu.vector_load_idx %arg10[%broadcast_in_dim3A_142] : memref<1536xi32, #tpu.memory_space<vmem>>[vector<16xi32>], vector<16xi32>,
          %reduce_max3A = arith.constant true
          %reduce_max3A_143 = vector.broadcast %reduce_max3A : i1 to vector<16xi1>
          %reduce_max3A_144 = arith.constant -2147483648 : i32
          %reduce_max3A_145 = vector.broadcast %reduce_max3A_144 : i32 to vector<16xi32>
          %reduce_max3A_146 = arith.xori %gather3A, %reduce_max3A_145 : vector<16xi32>
          %reduce_max3A_147 = tpu.scan <max>, %reduce_max3A_146 masked %reduce_max3A_143 : vector<16xi32>, vector<16xi1> -> vector<16xi32>
          %reduce_max3A_148 = arith.xori %reduce_max3A_147, %reduce_max3A_145 : vector<16xi32>
          %reduce_max3A_149 = vector.extract %reduce_max3A_148[15] : i32 from vector<16xi32>
          %add3A_150 = arith.constant 0 : i32
          %add3A_151 = arith.addi %add3A_150, %add3A_136 : i32
          %get3A = arith.index_cast %add3A_151 : i32 to index
          %get3A_152 = arith.constant 0 : index
          %get3A_153 = tpu.vector_load %arg16[%get3A, %get3A_152] {strides = array<i32>} : memref<512x64xf32, #tpu.memory_space<vmem>>, vector<16xf32>,
          %get3A_154 = arith.index_cast %reduce_max3A_149 : i32 to index
          %get3A_155 = arith.constant 0 : index
          %get3A_156 = tpu.vector_load %arg12[%get3A_154, %get3A_155] {strides = array<i32>} : memref<321x64xf32, #tpu.memory_space<vmem>>, vector<16xf32>,
          %add3A_157 = arith.addf %get3A_156, %get3A_153 : vector<16xf32>
          %swap3A = arith.index_cast %reduce_max3A_149 : i32 to index
          %swap3A_158 = arith.constant 0 : index
          %swap3A_159 = tpu.vector_load %arg12[%swap3A, %swap3A_158] {strides = array<i32>} : memref<321x64xf32, #tpu.memory_space<vmem>>, vector<16xf32>,
          tpu.vector_store %arg12[%swap3A, %swap3A_158], %add3A_157 {strides = array<i32>} : memref<321x64xf32, #tpu.memory_space<vmem>>, vector<16xf32>,
          %get3A_160 = arith.index_cast %reduce_max3A_149 : i32 to index
          %get3A_161 = arith.constant 0 : index
          %get3A_162 = tpu.vector_load %arg13[%get3A_160, %get3A_161] {strides = array<i32>} : memref<321x64xf32, #tpu.memory_space<vmem>>, vector<16xf32>,
          %mul3A_163 = arith.mulf %get3A_153, %get3A_153 : vector<16xf32>
          %add3A_164 = arith.addf %get3A_162, %mul3A_163 : vector<16xf32>
          %swap3A_165 = arith.index_cast %reduce_max3A_149 : i32 to index
          %swap3A_166 = arith.constant 0 : index
          %swap3A_167 = tpu.vector_load %arg13[%swap3A_165, %swap3A_166] {strides = array<i32>} : memref<321x64xf32, #tpu.memory_space<vmem>>, vector<16xf32>,
          tpu.vector_store %arg13[%swap3A_165, %swap3A_166], %add3A_164 {strides = array<i32>} : memref<321x64xf32, #tpu.memory_space<vmem>>, vector<16xf32>,
          %get3A_168 = arith.index_cast %reduce_max3A_149 : i32 to index
          %get3A_169 = arith.constant 0 : index
          %get3A_170 = tpu.vector_load %arg14[%get3A_168, %get3A_169] {strides = array<i32>} : memref<321x64xf32, #tpu.memory_space<vmem>>, vector<16xf32>,
          %min3A = arith.minimumf %get3A_170, %get3A_153 : vector<16xf32>
          %swap3A_171 = arith.index_cast %reduce_max3A_149 : i32 to index
          %swap3A_172 = arith.constant 0 : index
          %swap3A_173 = tpu.vector_load %arg14[%swap3A_171, %swap3A_172] {strides = array<i32>} : memref<321x64xf32, #tpu.memory_space<vmem>>, vector<16xf32>,
          tpu.vector_store %arg14[%swap3A_171, %swap3A_172], %min3A {strides = array<i32>} : memref<321x64xf32, #tpu.memory_space<vmem>>, vector<16xf32>,
          %get3A_174 = arith.index_cast %reduce_max3A_149 : i32 to index
          %get3A_175 = arith.constant 0 : index
          %get3A_176 = tpu.vector_load %arg15[%get3A_174, %get3A_175] {strides = array<i32>} : memref<321x64xf32, #tpu.memory_space<vmem>>, vector<16xf32>,
          %max3A = arith.maximumf %get3A_176, %get3A_153 : vector<16xf32>
          %swap3A_177 = arith.index_cast %reduce_max3A_149 : i32 to index
          %swap3A_178 = arith.constant 0 : index
          %swap3A_179 = tpu.vector_load %arg15[%swap3A_177, %swap3A_178] {strides = array<i32>} : memref<321x64xf32, #tpu.memory_space<vmem>>, vector<16xf32>,
          tpu.vector_store %arg15[%swap3A_177, %swap3A_178], %max3A {strides = array<i32>} : memref<321x64xf32, #tpu.memory_space<vmem>>, vector<16xf32>,
          %add3A_180 = arith.constant 0 : i32
          %add3A_181 = arith.addi %add3A_180, %add3A_136 : i32
          %get3A_182 = arith.index_cast %add3A_181 : i32 to index
          %get3A_183 = arith.constant 16 : index
          %get3A_184 = tpu.vector_load %arg16[%get3A_182, %get3A_183] {strides = array<i32>} : memref<512x64xf32, #tpu.memory_space<vmem>>, vector<16xf32>,
          %get3A_185 = arith.index_cast %reduce_max3A_149 : i32 to index
          %get3A_186 = arith.constant 16 : index
          %get3A_187 = tpu.vector_load %arg12[%get3A_185, %get3A_186] {strides = array<i32>} : memref<321x64xf32, #tpu.memory_space<vmem>>, vector<16xf32>,
          %add3A_188 = arith.addf %get3A_187, %get3A_184 : vector<16xf32>
          %swap3A_189 = arith.index_cast %reduce_max3A_149 : i32 to index
          %swap3A_190 = arith.constant 16 : index
          %swap3A_191 = tpu.vector_load %arg12[%swap3A_189, %swap3A_190] {strides = array<i32>} : memref<321x64xf32, #tpu.memory_space<vmem>>, vector<16xf32>,
          tpu.vector_store %arg12[%swap3A_189, %swap3A_190], %add3A_188 {strides = array<i32>} : memref<321x64xf32, #tpu.memory_space<vmem>>, vector<16xf32>,
          %get3A_192 = arith.index_cast %reduce_max3A_149 : i32 to index
          %get3A_193 = arith.constant 16 : index
          %get3A_194 = tpu.vector_load %arg13[%get3A_192, %get3A_193] {strides = array<i32>} : memref<321x64xf32, #tpu.memory_space<vmem>>, vector<16xf32>,
          %mul3A_195 = arith.mulf %get3A_184, %get3A_184 : vector<16xf32>
          %add3A_196 = arith.addf %get3A_194, %mul3A_195 : vector<16xf32>
          %swap3A_197 = arith.index_cast %reduce_max3A_149 : i32 to index
          %swap3A_198 = arith.constant 16 : index
          %swap3A_199 = tpu.vector_load %arg13[%swap3A_197, %swap3A_198] {strides = array<i32>} : memref<321x64xf32, #tpu.memory_space<vmem>>, vector<16xf32>,
          tpu.vector_store %arg13[%swap3A_197, %swap3A_198], %add3A_196 {strides = array<i32>} : memref<321x64xf32, #tpu.memory_space<vmem>>, vector<16xf32>,
          %get3A_200 = arith.index_cast %reduce_max3A_149 : i32 to index
          %get3A_201 = arith.constant 16 : index
          %get3A_202 = tpu.vector_load %arg14[%get3A_200, %get3A_201] {strides = array<i32>} : memref<321x64xf32, #tpu.memory_space<vmem>>, vector<16xf32>,
          %min3A_203 = arith.minimumf %get3A_202, %get3A_184 : vector<16xf32>
          %swap3A_204 = arith.index_cast %reduce_max3A_149 : i32 to index
          %swap3A_205 = arith.constant 16 : index
          %swap3A_206 = tpu.vector_load %arg14[%swap3A_204, %swap3A_205] {strides = array<i32>} : memref<321x64xf32, #tpu.memory_space<vmem>>, vector<16xf32>,
          tpu.vector_store %arg14[%swap3A_204, %swap3A_205], %min3A_203 {strides = array<i32>} : memref<321x64xf32, #tpu.memory_space<vmem>>, vector<16xf32>,
          %get3A_207 = arith.index_cast %reduce_max3A_149 : i32 to index
          %get3A_208 = arith.constant 16 : index
          %get3A_209 = tpu.vector_load %arg15[%get3A_207, %get3A_208] {strides = array<i32>} : memref<321x64xf32, #tpu.memory_space<vmem>>, vector<16xf32>,
          %max3A_210 = arith.maximumf %get3A_209, %get3A_184 : vector<16xf32>
          %swap3A_211 = arith.index_cast %reduce_max3A_149 : i32 to index
          %swap3A_212 = arith.constant 16 : index
          %swap3A_213 = tpu.vector_load %arg15[%swap3A_211, %swap3A_212] {strides = array<i32>} : memref<321x64xf32, #tpu.memory_space<vmem>>, vector<16xf32>,
          tpu.vector_store %arg15[%swap3A_211, %swap3A_212], %max3A_210 {strides = array<i32>} : memref<321x64xf32, #tpu.memory_space<vmem>>, vector<16xf32>,
          %add3A_214 = arith.constant 0 : i32
          %add3A_215 = arith.addi %add3A_214, %add3A_136 : i32
          %get3A_216 = arith.index_cast %add3A_215 : i32 to index
          %get3A_217 = arith.constant 32 : index
          %get3A_218 = tpu.vector_load %arg16[%get3A_216, %get3A_217] {strides = array<i32>} : memref<512x64xf32, #tpu.memory_space<vmem>>, vector<16xf32>,
          %get3A_219 = arith.index_cast %reduce_max3A_149 : i32 to index
          %get3A_220 = arith.constant 32 : index
          %get3A_221 = tpu.vector_load %arg12[%get3A_219, %get3A_220] {strides = array<i32>} : memref<321x64xf32, #tpu.memory_space<vmem>>, vector<16xf32>,
          %add3A_222 = arith.addf %get3A_221, %get3A_218 : vector<16xf32>
          %swap3A_223 = arith.index_cast %reduce_max3A_149 : i32 to index
          %swap3A_224 = arith.constant 32 : index
          %swap3A_225 = tpu.vector_load %arg12[%swap3A_223, %swap3A_224] {strides = array<i32>} : memref<321x64xf32, #tpu.memory_space<vmem>>, vector<16xf32>,
          tpu.vector_store %arg12[%swap3A_223, %swap3A_224], %add3A_222 {strides = array<i32>} : memref<321x64xf32, #tpu.memory_space<vmem>>, vector<16xf32>,
          %get3A_226 = arith.index_cast %reduce_max3A_149 : i32 to index
          %get3A_227 = arith.constant 32 : index
          %get3A_228 = tpu.vector_load %arg13[%get3A_226, %get3A_227] {strides = array<i32>} : memref<321x64xf32, #tpu.memory_space<vmem>>, vector<16xf32>,
          %mul3A_229 = arith.mulf %get3A_218, %get3A_218 : vector<16xf32>
          %add3A_230 = arith.addf %get3A_228, %mul3A_229 : vector<16xf32>
          %swap3A_231 = arith.index_cast %reduce_max3A_149 : i32 to index
          %swap3A_232 = arith.constant 32 : index
          %swap3A_233 = tpu.vector_load %arg13[%swap3A_231, %swap3A_232] {strides = array<i32>} : memref<321x64xf32, #tpu.memory_space<vmem>>, vector<16xf32>,
          tpu.vector_store %arg13[%swap3A_231, %swap3A_232], %add3A_230 {strides = array<i32>} : memref<321x64xf32, #tpu.memory_space<vmem>>, vector<16xf32>,
          %get3A_234 = arith.index_cast %reduce_max3A_149 : i32 to index
          %get3A_235 = arith.constant 32 : index
          %get3A_236 = tpu.vector_load %arg14[%get3A_234, %get3A_235] {strides = array<i32>} : memref<321x64xf32, #tpu.memory_space<vmem>>, vector<16xf32>,
          %min3A_237 = arith.minimumf %get3A_236, %get3A_218 : vector<16xf32>
          %swap3A_238 = arith.index_cast %reduce_max3A_149 : i32 to index
          %swap3A_239 = arith.constant 32 : index
          %swap3A_240 = tpu.vector_load %arg14[%swap3A_238, %swap3A_239] {strides = array<i32>} : memref<321x64xf32, #tpu.memory_space<vmem>>, vector<16xf32>,
          tpu.vector_store %arg14[%swap3A_238, %swap3A_239], %min3A_237 {strides = array<i32>} : memref<321x64xf32, #tpu.memory_space<vmem>>, vector<16xf32>,
          %get3A_241 = arith.index_cast %reduce_max3A_149 : i32 to index
          %get3A_242 = arith.constant 32 : index
          %get3A_243 = tpu.vector_load %arg15[%get3A_241, %get3A_242] {strides = array<i32>} : memref<321x64xf32, #tpu.memory_space<vmem>>, vector<16xf32>,
          %max3A_244 = arith.maximumf %get3A_243, %get3A_218 : vector<16xf32>
          %swap3A_245 = arith.index_cast %reduce_max3A_149 : i32 to index
          %swap3A_246 = arith.constant 32 : index
          %swap3A_247 = tpu.vector_load %arg15[%swap3A_245, %swap3A_246] {strides = array<i32>} : memref<321x64xf32, #tpu.memory_space<vmem>>, vector<16xf32>,
          tpu.vector_store %arg15[%swap3A_245, %swap3A_246], %max3A_244 {strides = array<i32>} : memref<321x64xf32, #tpu.memory_space<vmem>>, vector<16xf32>,
          %add3A_248 = arith.constant 0 : i32
          %add3A_249 = arith.addi %add3A_248, %add3A_136 : i32
          %get3A_250 = arith.index_cast %add3A_249 : i32 to index
          %get3A_251 = arith.constant 48 : index
          %get3A_252 = tpu.vector_load %arg16[%get3A_250, %get3A_251] {strides = array<i32>} : memref<512x64xf32, #tpu.memory_space<vmem>>, vector<16xf32>,
          %get3A_253 = arith.index_cast %reduce_max3A_149 : i32 to index
          %get3A_254 = arith.constant 48 : index
          %get3A_255 = tpu.vector_load %arg12[%get3A_253, %get3A_254] {strides = array<i32>} : memref<321x64xf32, #tpu.memory_space<vmem>>, vector<16xf32>,
          %add3A_256 = arith.addf %get3A_255, %get3A_252 : vector<16xf32>
          %swap3A_257 = arith.index_cast %reduce_max3A_149 : i32 to index
          %swap3A_258 = arith.constant 48 : index
          %swap3A_259 = tpu.vector_load %arg12[%swap3A_257, %swap3A_258] {strides = array<i32>} : memref<321x64xf32, #tpu.memory_space<vmem>>, vector<16xf32>,
          tpu.vector_store %arg12[%swap3A_257, %swap3A_258], %add3A_256 {strides = array<i32>} : memref<321x64xf32, #tpu.memory_space<vmem>>, vector<16xf32>,
          %get3A_260 = arith.index_cast %reduce_max3A_149 : i32 to index
          %get3A_261 = arith.constant 48 : index
          %get3A_262 = tpu.vector_load %arg13[%get3A_260, %get3A_261] {strides = array<i32>} : memref<321x64xf32, #tpu.memory_space<vmem>>, vector<16xf32>,
          %mul3A_263 = arith.mulf %get3A_252, %get3A_252 : vector<16xf32>
          %add3A_264 = arith.addf %get3A_262, %mul3A_263 : vector<16xf32>
          %swap3A_265 = arith.index_cast %reduce_max3A_149 : i32 to index
          %swap3A_266 = arith.constant 48 : index
          %swap3A_267 = tpu.vector_load %arg13[%swap3A_265, %swap3A_266] {strides = array<i32>} : memref<321x64xf32, #tpu.memory_space<vmem>>, vector<16xf32>,
          tpu.vector_store %arg13[%swap3A_265, %swap3A_266], %add3A_264 {strides = array<i32>} : memref<321x64xf32, #tpu.memory_space<vmem>>, vector<16xf32>,
          %get3A_268 = arith.index_cast %reduce_max3A_149 : i32 to index
          %get3A_269 = arith.constant 48 : index
          %get3A_270 = tpu.vector_load %arg14[%get3A_268, %get3A_269] {strides = array<i32>} : memref<321x64xf32, #tpu.memory_space<vmem>>, vector<16xf32>,
          %min3A_271 = arith.minimumf %get3A_270, %get3A_252 : vector<16xf32>
          %swap3A_272 = arith.index_cast %reduce_max3A_149 : i32 to index
          %swap3A_273 = arith.constant 48 : index
          %swap3A_274 = tpu.vector_load %arg14[%swap3A_272, %swap3A_273] {strides = array<i32>} : memref<321x64xf32, #tpu.memory_space<vmem>>, vector<16xf32>,
          tpu.vector_store %arg14[%swap3A_272, %swap3A_273], %min3A_271 {strides = array<i32>} : memref<321x64xf32, #tpu.memory_space<vmem>>, vector<16xf32>,
          %get3A_275 = arith.index_cast %reduce_max3A_149 : i32 to index
          %get3A_276 = arith.constant 48 : index
          %get3A_277 = tpu.vector_load %arg15[%get3A_275, %get3A_276] {strides = array<i32>} : memref<321x64xf32, #tpu.memory_space<vmem>>, vector<16xf32>,
          %max3A_278 = arith.maximumf %get3A_277, %get3A_252 : vector<16xf32>
          %swap3A_279 = arith.index_cast %reduce_max3A_149 : i32 to index
          %swap3A_280 = arith.constant 48 : index
          %swap3A_281 = tpu.vector_load %arg15[%swap3A_279, %swap3A_280] {strides = array<i32>} : memref<321x64xf32, #tpu.memory_space<vmem>>, vector<16xf32>,
          tpu.vector_store %arg15[%swap3A_279, %swap3A_280], %max3A_278 {strides = array<i32>} : memref<321x64xf32, #tpu.memory_space<vmem>>, vector<16xf32>,
        }
        %scan3A_92 = arith.constant 128 : i32
        %dma_wait3A_93 = arith.constant 128 : i32
        %dma_wait3A_94 = arith.constant 0 : i32
        %dma_wait3A_95 = tpu.memref_slice %arg16[%dma_wait3A_93, %dma_wait3A_94] : memref<512x64xf32, #tpu.memory_space<vmem>> -> memref<128x64xf32, #tpu.memory_space<vmem>>
        %dma_wait3A_96 = arith.constant 128 : i32
        %dma_wait3A_97 = tpu.memref_slice %arg11[%dma_wait3A_96] : memref<512xi32, #tpu.memory_space<vmem>> -> memref<128xi32, #tpu.memory_space<vmem>>
        %dma_wait3A_98 = arith.constant 0 : i32
        %dma_wait3A_99 = arith.constant 0 : i32
        %dma_wait3A_100 = tpu.memref_slice %arg2[%dma_wait3A_98, %dma_wait3A_99] : memref<640000x64xf32, #tpu.memory_space<hbm>> -> memref<640000x64xf32, #tpu.memory_space<hbm>>
        tpu.wait_indirect_dma semaphore(%arg18 : memref<!tpu.dma_semaphore, #tpu.memory_space<semaphore_mem>>) src(%dma_wait3A_100 : memref<640000x64xf32, #tpu.memory_space<hbm>>) dst(%dma_wait3A_95 : memref<128x64xf32, #tpu.memory_space<vmem>>)
        %scan3A_101 = arith.constant 0 : i32
        %scan3A_102 = arith.constant 128 : i32
        %scan3A_103 = arith.addi %scan3A_101, %scan3A_102 : i32
        %scan3A_104 = arith.constant 1 : i32
        scf.for %scan3A_132 = %scan3A_101 to %scan3A_103 step %scan3A_104  : i32 {
          %mul3A_133 = arith.constant 1 : i32
          %mul3A_134 = arith.muli %scan3A_132, %mul3A_133 : i32
          %add3A_135 = arith.constant 0 : i32
          %add3A_136 = arith.addi %add3A_135, %mul3A_134 : i32
          %add3A_137 = arith.constant 1 : i32
          %add3A_138 = arith.addi %add3A_29, %add3A_137 : i32
          %mul3A_139 = arith.constant 128 : i32
          %mul3A_140 = arith.muli %add3A_138, %mul3A_139 : i32
          %add3A_141 = arith.addi %mul3A_140, %add3A_136 : i32
          %broadcast_in_dim3A_142 = vector.broadcast %add3A_141 : i32 to vector<16xi32>
          %gather3A = tpu.vector_load_idx %arg10[%broadcast_in_dim3A_142] : memref<1536xi32, #tpu.memory_space<vmem>>[vector<16xi32>], vector<16xi32>,
          %reduce_max3A = arith.constant true
          %reduce_max3A_143 = vector.broadcast %reduce_max3A : i1 to vector<16xi1>
          %reduce_max3A_144 = arith.constant -2147483648 : i32
          %reduce_max3A_145 = vector.broadcast %reduce_max3A_144 : i32 to vector<16xi32>
          %reduce_max3A_146 = arith.xori %gather3A, %reduce_max3A_145 : vector<16xi32>
          %reduce_max3A_147 = tpu.scan <max>, %reduce_max3A_146 masked %reduce_max3A_143 : vector<16xi32>, vector<16xi1> -> vector<16xi32>
          %reduce_max3A_148 = arith.xori %reduce_max3A_147, %reduce_max3A_145 : vector<16xi32>
          %reduce_max3A_149 = vector.extract %reduce_max3A_148[15] : i32 from vector<16xi32>
          %add3A_150 = arith.constant 128 : i32
          %add3A_151 = arith.addi %add3A_150, %add3A_136 : i32
          %get3A = arith.index_cast %add3A_151 : i32 to index
          %get3A_152 = arith.constant 0 : index
          %get3A_153 = tpu.vector_load %arg16[%get3A, %get3A_152] {strides = array<i32>} : memref<512x64xf32, #tpu.memory_space<vmem>>, vector<16xf32>,
          %get3A_154 = arith.index_cast %reduce_max3A_149 : i32 to index
          %get3A_155 = arith.constant 0 : index
          %get3A_156 = tpu.vector_load %arg12[%get3A_154, %get3A_155] {strides = array<i32>} : memref<321x64xf32, #tpu.memory_space<vmem>>, vector<16xf32>,
          %add3A_157 = arith.addf %get3A_156, %get3A_153 : vector<16xf32>
          %swap3A = arith.index_cast %reduce_max3A_149 : i32 to index
          %swap3A_158 = arith.constant 0 : index
          %swap3A_159 = tpu.vector_load %arg12[%swap3A, %swap3A_158] {strides = array<i32>} : memref<321x64xf32, #tpu.memory_space<vmem>>, vector<16xf32>,
          tpu.vector_store %arg12[%swap3A, %swap3A_158], %add3A_157 {strides = array<i32>} : memref<321x64xf32, #tpu.memory_space<vmem>>, vector<16xf32>,
          %get3A_160 = arith.index_cast %reduce_max3A_149 : i32 to index
          %get3A_161 = arith.constant 0 : index
          %get3A_162 = tpu.vector_load %arg13[%get3A_160, %get3A_161] {strides = array<i32>} : memref<321x64xf32, #tpu.memory_space<vmem>>, vector<16xf32>,
          %mul3A_163 = arith.mulf %get3A_153, %get3A_153 : vector<16xf32>
          %add3A_164 = arith.addf %get3A_162, %mul3A_163 : vector<16xf32>
          %swap3A_165 = arith.index_cast %reduce_max3A_149 : i32 to index
          %swap3A_166 = arith.constant 0 : index
          %swap3A_167 = tpu.vector_load %arg13[%swap3A_165, %swap3A_166] {strides = array<i32>} : memref<321x64xf32, #tpu.memory_space<vmem>>, vector<16xf32>,
          tpu.vector_store %arg13[%swap3A_165, %swap3A_166], %add3A_164 {strides = array<i32>} : memref<321x64xf32, #tpu.memory_space<vmem>>, vector<16xf32>,
          %get3A_168 = arith.index_cast %reduce_max3A_149 : i32 to index
          %get3A_169 = arith.constant 0 : index
          %get3A_170 = tpu.vector_load %arg14[%get3A_168, %get3A_169] {strides = array<i32>} : memref<321x64xf32, #tpu.memory_space<vmem>>, vector<16xf32>,
          %min3A = arith.minimumf %get3A_170, %get3A_153 : vector<16xf32>
          %swap3A_171 = arith.index_cast %reduce_max3A_149 : i32 to index
          %swap3A_172 = arith.constant 0 : index
          %swap3A_173 = tpu.vector_load %arg14[%swap3A_171, %swap3A_172] {strides = array<i32>} : memref<321x64xf32, #tpu.memory_space<vmem>>, vector<16xf32>,
          tpu.vector_store %arg14[%swap3A_171, %swap3A_172], %min3A {strides = array<i32>} : memref<321x64xf32, #tpu.memory_space<vmem>>, vector<16xf32>,
          %get3A_174 = arith.index_cast %reduce_max3A_149 : i32 to index
          %get3A_175 = arith.constant 0 : index
          %get3A_176 = tpu.vector_load %arg15[%get3A_174, %get3A_175] {strides = array<i32>} : memref<321x64xf32, #tpu.memory_space<vmem>>, vector<16xf32>,
          %max3A = arith.maximumf %get3A_176, %get3A_153 : vector<16xf32>
          %swap3A_177 = arith.index_cast %reduce_max3A_149 : i32 to index
          %swap3A_178 = arith.constant 0 : index
          %swap3A_179 = tpu.vector_load %arg15[%swap3A_177, %swap3A_178] {strides = array<i32>} : memref<321x64xf32, #tpu.memory_space<vmem>>, vector<16xf32>,
          tpu.vector_store %arg15[%swap3A_177, %swap3A_178], %max3A {strides = array<i32>} : memref<321x64xf32, #tpu.memory_space<vmem>>, vector<16xf32>,
          %add3A_180 = arith.constant 128 : i32
          %add3A_181 = arith.addi %add3A_180, %add3A_136 : i32
          %get3A_182 = arith.index_cast %add3A_181 : i32 to index
          %get3A_183 = arith.constant 16 : index
          %get3A_184 = tpu.vector_load %arg16[%get3A_182, %get3A_183] {strides = array<i32>} : memref<512x64xf32, #tpu.memory_space<vmem>>, vector<16xf32>,
          %get3A_185 = arith.index_cast %reduce_max3A_149 : i32 to index
          %get3A_186 = arith.constant 16 : index
          %get3A_187 = tpu.vector_load %arg12[%get3A_185, %get3A_186] {strides = array<i32>} : memref<321x64xf32, #tpu.memory_space<vmem>>, vector<16xf32>,
          %add3A_188 = arith.addf %get3A_187, %get3A_184 : vector<16xf32>
          %swap3A_189 = arith.index_cast %reduce_max3A_149 : i32 to index
          %swap3A_190 = arith.constant 16 : index
          %swap3A_191 = tpu.vector_load %arg12[%swap3A_189, %swap3A_190] {strides = array<i32>} : memref<321x64xf32, #tpu.memory_space<vmem>>, vector<16xf32>,
          tpu.vector_store %arg12[%swap3A_189, %swap3A_190], %add3A_188 {strides = array<i32>} : memref<321x64xf32, #tpu.memory_space<vmem>>, vector<16xf32>,
          %get3A_192 = arith.index_cast %reduce_max3A_149 : i32 to index
          %get3A_193 = arith.constant 16 : index
          %get3A_194 = tpu.vector_load %arg13[%get3A_192, %get3A_193] {strides = array<i32>} : memref<321x64xf32, #tpu.memory_space<vmem>>, vector<16xf32>,
          %mul3A_195 = arith.mulf %get3A_184, %get3A_184 : vector<16xf32>
          %add3A_196 = arith.addf %get3A_194, %mul3A_195 : vector<16xf32>
          %swap3A_197 = arith.index_cast %reduce_max3A_149 : i32 to index
          %swap3A_198 = arith.constant 16 : index
          %swap3A_199 = tpu.vector_load %arg13[%swap3A_197, %swap3A_198] {strides = array<i32>} : memref<321x64xf32, #tpu.memory_space<vmem>>, vector<16xf32>,
          tpu.vector_store %arg13[%swap3A_197, %swap3A_198], %add3A_196 {strides = array<i32>} : memref<321x64xf32, #tpu.memory_space<vmem>>, vector<16xf32>,
          %get3A_200 = arith.index_cast %reduce_max3A_149 : i32 to index
          %get3A_201 = arith.constant 16 : index
          %get3A_202 = tpu.vector_load %arg14[%get3A_200, %get3A_201] {strides = array<i32>} : memref<321x64xf32, #tpu.memory_space<vmem>>, vector<16xf32>,
          %min3A_203 = arith.minimumf %get3A_202, %get3A_184 : vector<16xf32>
          %swap3A_204 = arith.index_cast %reduce_max3A_149 : i32 to index
          %swap3A_205 = arith.constant 16 : index
          %swap3A_206 = tpu.vector_load %arg14[%swap3A_204, %swap3A_205] {strides = array<i32>} : memref<321x64xf32, #tpu.memory_space<vmem>>, vector<16xf32>,
          tpu.vector_store %arg14[%swap3A_204, %swap3A_205], %min3A_203 {strides = array<i32>} : memref<321x64xf32, #tpu.memory_space<vmem>>, vector<16xf32>,
          %get3A_207 = arith.index_cast %reduce_max3A_149 : i32 to index
          %get3A_208 = arith.constant 16 : index
          %get3A_209 = tpu.vector_load %arg15[%get3A_207, %get3A_208] {strides = array<i32>} : memref<321x64xf32, #tpu.memory_space<vmem>>, vector<16xf32>,
          %max3A_210 = arith.maximumf %get3A_209, %get3A_184 : vector<16xf32>
          %swap3A_211 = arith.index_cast %reduce_max3A_149 : i32 to index
          %swap3A_212 = arith.constant 16 : index
          %swap3A_213 = tpu.vector_load %arg15[%swap3A_211, %swap3A_212] {strides = array<i32>} : memref<321x64xf32, #tpu.memory_space<vmem>>, vector<16xf32>,
          tpu.vector_store %arg15[%swap3A_211, %swap3A_212], %max3A_210 {strides = array<i32>} : memref<321x64xf32, #tpu.memory_space<vmem>>, vector<16xf32>,
          %add3A_214 = arith.constant 128 : i32
          %add3A_215 = arith.addi %add3A_214, %add3A_136 : i32
          %get3A_216 = arith.index_cast %add3A_215 : i32 to index
          %get3A_217 = arith.constant 32 : index
          %get3A_218 = tpu.vector_load %arg16[%get3A_216, %get3A_217] {strides = array<i32>} : memref<512x64xf32, #tpu.memory_space<vmem>>, vector<16xf32>,
          %get3A_219 = arith.index_cast %reduce_max3A_149 : i32 to index
          %get3A_220 = arith.constant 32 : index
          %get3A_221 = tpu.vector_load %arg12[%get3A_219, %get3A_220] {strides = array<i32>} : memref<321x64xf32, #tpu.memory_space<vmem>>, vector<16xf32>,
          %add3A_222 = arith.addf %get3A_221, %get3A_218 : vector<16xf32>
          %swap3A_223 = arith.index_cast %reduce_max3A_149 : i32 to index
          %swap3A_224 = arith.constant 32 : index
          %swap3A_225 = tpu.vector_load %arg12[%swap3A_223, %swap3A_224] {strides = array<i32>} : memref<321x64xf32, #tpu.memory_space<vmem>>, vector<16xf32>,
          tpu.vector_store %arg12[%swap3A_223, %swap3A_224], %add3A_222 {strides = array<i32>} : memref<321x64xf32, #tpu.memory_space<vmem>>, vector<16xf32>,
          %get3A_226 = arith.index_cast %reduce_max3A_149 : i32 to index
          %get3A_227 = arith.constant 32 : index
          %get3A_228 = tpu.vector_load %arg13[%get3A_226, %get3A_227] {strides = array<i32>} : memref<321x64xf32, #tpu.memory_space<vmem>>, vector<16xf32>,
          %mul3A_229 = arith.mulf %get3A_218, %get3A_218 : vector<16xf32>
          %add3A_230 = arith.addf %get3A_228, %mul3A_229 : vector<16xf32>
          %swap3A_231 = arith.index_cast %reduce_max3A_149 : i32 to index
          %swap3A_232 = arith.constant 32 : index
          %swap3A_233 = tpu.vector_load %arg13[%swap3A_231, %swap3A_232] {strides = array<i32>} : memref<321x64xf32, #tpu.memory_space<vmem>>, vector<16xf32>,
          tpu.vector_store %arg13[%swap3A_231, %swap3A_232], %add3A_230 {strides = array<i32>} : memref<321x64xf32, #tpu.memory_space<vmem>>, vector<16xf32>,
          %get3A_234 = arith.index_cast %reduce_max3A_149 : i32 to index
          %get3A_235 = arith.constant 32 : index
          %get3A_236 = tpu.vector_load %arg14[%get3A_234, %get3A_235] {strides = array<i32>} : memref<321x64xf32, #tpu.memory_space<vmem>>, vector<16xf32>,
          %min3A_237 = arith.minimumf %get3A_236, %get3A_218 : vector<16xf32>
          %swap3A_238 = arith.index_cast %reduce_max3A_149 : i32 to index
          %swap3A_239 = arith.constant 32 : index
          %swap3A_240 = tpu.vector_load %arg14[%swap3A_238, %swap3A_239] {strides = array<i32>} : memref<321x64xf32, #tpu.memory_space<vmem>>, vector<16xf32>,
          tpu.vector_store %arg14[%swap3A_238, %swap3A_239], %min3A_237 {strides = array<i32>} : memref<321x64xf32, #tpu.memory_space<vmem>>, vector<16xf32>,
          %get3A_241 = arith.index_cast %reduce_max3A_149 : i32 to index
          %get3A_242 = arith.constant 32 : index
          %get3A_243 = tpu.vector_load %arg15[%get3A_241, %get3A_242] {strides = array<i32>} : memref<321x64xf32, #tpu.memory_space<vmem>>, vector<16xf32>,
          %max3A_244 = arith.maximumf %get3A_243, %get3A_218 : vector<16xf32>
          %swap3A_245 = arith.index_cast %reduce_max3A_149 : i32 to index
          %swap3A_246 = arith.constant 32 : index
          %swap3A_247 = tpu.vector_load %arg15[%swap3A_245, %swap3A_246] {strides = array<i32>} : memref<321x64xf32, #tpu.memory_space<vmem>>, vector<16xf32>,
          tpu.vector_store %arg15[%swap3A_245, %swap3A_246], %max3A_244 {strides = array<i32>} : memref<321x64xf32, #tpu.memory_space<vmem>>, vector<16xf32>,
          %add3A_248 = arith.constant 128 : i32
          %add3A_249 = arith.addi %add3A_248, %add3A_136 : i32
          %get3A_250 = arith.index_cast %add3A_249 : i32 to index
          %get3A_251 = arith.constant 48 : index
          %get3A_252 = tpu.vector_load %arg16[%get3A_250, %get3A_251] {strides = array<i32>} : memref<512x64xf32, #tpu.memory_space<vmem>>, vector<16xf32>,
          %get3A_253 = arith.index_cast %reduce_max3A_149 : i32 to index
          %get3A_254 = arith.constant 48 : index
          %get3A_255 = tpu.vector_load %arg12[%get3A_253, %get3A_254] {strides = array<i32>} : memref<321x64xf32, #tpu.memory_space<vmem>>, vector<16xf32>,
          %add3A_256 = arith.addf %get3A_255, %get3A_252 : vector<16xf32>
          %swap3A_257 = arith.index_cast %reduce_max3A_149 : i32 to index
          %swap3A_258 = arith.constant 48 : index
          %swap3A_259 = tpu.vector_load %arg12[%swap3A_257, %swap3A_258] {strides = array<i32>} : memref<321x64xf32, #tpu.memory_space<vmem>>, vector<16xf32>,
          tpu.vector_store %arg12[%swap3A_257, %swap3A_258], %add3A_256 {strides = array<i32>} : memref<321x64xf32, #tpu.memory_space<vmem>>, vector<16xf32>,
          %get3A_260 = arith.index_cast %reduce_max3A_149 : i32 to index
          %get3A_261 = arith.constant 48 : index
          %get3A_262 = tpu.vector_load %arg13[%get3A_260, %get3A_261] {strides = array<i32>} : memref<321x64xf32, #tpu.memory_space<vmem>>, vector<16xf32>,
          %mul3A_263 = arith.mulf %get3A_252, %get3A_252 : vector<16xf32>
          %add3A_264 = arith.addf %get3A_262, %mul3A_263 : vector<16xf32>
          %swap3A_265 = arith.index_cast %reduce_max3A_149 : i32 to index
          %swap3A_266 = arith.constant 48 : index
          %swap3A_267 = tpu.vector_load %arg13[%swap3A_265, %swap3A_266] {strides = array<i32>} : memref<321x64xf32, #tpu.memory_space<vmem>>, vector<16xf32>,
          tpu.vector_store %arg13[%swap3A_265, %swap3A_266], %add3A_264 {strides = array<i32>} : memref<321x64xf32, #tpu.memory_space<vmem>>, vector<16xf32>,
          %get3A_268 = arith.index_cast %reduce_max3A_149 : i32 to index
          %get3A_269 = arith.constant 48 : index
          %get3A_270 = tpu.vector_load %arg14[%get3A_268, %get3A_269] {strides = array<i32>} : memref<321x64xf32, #tpu.memory_space<vmem>>, vector<16xf32>,
          %min3A_271 = arith.minimumf %get3A_270, %get3A_252 : vector<16xf32>
          %swap3A_272 = arith.index_cast %reduce_max3A_149 : i32 to index
          %swap3A_273 = arith.constant 48 : index
          %swap3A_274 = tpu.vector_load %arg14[%swap3A_272, %swap3A_273] {strides = array<i32>} : memref<321x64xf32, #tpu.memory_space<vmem>>, vector<16xf32>,
          tpu.vector_store %arg14[%swap3A_272, %swap3A_273], %min3A_271 {strides = array<i32>} : memref<321x64xf32, #tpu.memory_space<vmem>>, vector<16xf32>,
          %get3A_275 = arith.index_cast %reduce_max3A_149 : i32 to index
          %get3A_276 = arith.constant 48 : index
          %get3A_277 = tpu.vector_load %arg15[%get3A_275, %get3A_276] {strides = array<i32>} : memref<321x64xf32, #tpu.memory_space<vmem>>, vector<16xf32>,
          %max3A_278 = arith.maximumf %get3A_277, %get3A_252 : vector<16xf32>
          %swap3A_279 = arith.index_cast %reduce_max3A_149 : i32 to index
          %swap3A_280 = arith.constant 48 : index
          %swap3A_281 = tpu.vector_load %arg15[%swap3A_279, %swap3A_280] {strides = array<i32>} : memref<321x64xf32, #tpu.memory_space<vmem>>, vector<16xf32>,
          tpu.vector_store %arg15[%swap3A_279, %swap3A_280], %max3A_278 {strides = array<i32>} : memref<321x64xf32, #tpu.memory_space<vmem>>, vector<16xf32>,
        }
        %scan3A_105 = arith.constant 128 : i32
        %dma_wait3A_106 = arith.constant 256 : i32
        %dma_wait3A_107 = arith.constant 0 : i32
        %dma_wait3A_108 = tpu.memref_slice %arg16[%dma_wait3A_106, %dma_wait3A_107] : memref<512x64xf32, #tpu.memory_space<vmem>> -> memref<128x64xf32, #tpu.memory_space<vmem>>
        %dma_wait3A_109 = arith.constant 256 : i32
        %dma_wait3A_110 = tpu.memref_slice %arg11[%dma_wait3A_109] : memref<512xi32, #tpu.memory_space<vmem>> -> memref<128xi32, #tpu.memory_space<vmem>>
        %dma_wait3A_111 = arith.constant 0 : i32
        %dma_wait3A_112 = arith.constant 0 : i32
        %dma_wait3A_113 = tpu.memref_slice %arg2[%dma_wait3A_111, %dma_wait3A_112] : memref<640000x64xf32, #tpu.memory_space<hbm>> -> memref<640000x64xf32, #tpu.memory_space<hbm>>
        tpu.wait_indirect_dma semaphore(%arg19 : memref<!tpu.dma_semaphore, #tpu.memory_space<semaphore_mem>>) src(%dma_wait3A_113 : memref<640000x64xf32, #tpu.memory_space<hbm>>) dst(%dma_wait3A_108 : memref<128x64xf32, #tpu.memory_space<vmem>>)
        %scan3A_114 = arith.constant 0 : i32
        %scan3A_115 = arith.constant 128 : i32
        %scan3A_116 = arith.addi %scan3A_114, %scan3A_115 : i32
        %scan3A_117 = arith.constant 1 : i32
        scf.for %scan3A_132 = %scan3A_114 to %scan3A_116 step %scan3A_117  : i32 {
          %mul3A_133 = arith.constant 1 : i32
          %mul3A_134 = arith.muli %scan3A_132, %mul3A_133 : i32
          %add3A_135 = arith.constant 0 : i32
          %add3A_136 = arith.addi %add3A_135, %mul3A_134 : i32
          %add3A_137 = arith.constant 2 : i32
          %add3A_138 = arith.addi %add3A_29, %add3A_137 : i32
          %mul3A_139 = arith.constant 128 : i32
          %mul3A_140 = arith.muli %add3A_138, %mul3A_139 : i32
          %add3A_141 = arith.addi %mul3A_140, %add3A_136 : i32
          %broadcast_in_dim3A_142 = vector.broadcast %add3A_141 : i32 to vector<16xi32>
          %gather3A = tpu.vector_load_idx %arg10[%broadcast_in_dim3A_142] : memref<1536xi32, #tpu.memory_space<vmem>>[vector<16xi32>], vector<16xi32>,
          %reduce_max3A = arith.constant true
          %reduce_max3A_143 = vector.broadcast %reduce_max3A : i1 to vector<16xi1>
          %reduce_max3A_144 = arith.constant -2147483648 : i32
          %reduce_max3A_145 = vector.broadcast %reduce_max3A_144 : i32 to vector<16xi32>
          %reduce_max3A_146 = arith.xori %gather3A, %reduce_max3A_145 : vector<16xi32>
          %reduce_max3A_147 = tpu.scan <max>, %reduce_max3A_146 masked %reduce_max3A_143 : vector<16xi32>, vector<16xi1> -> vector<16xi32>
          %reduce_max3A_148 = arith.xori %reduce_max3A_147, %reduce_max3A_145 : vector<16xi32>
          %reduce_max3A_149 = vector.extract %reduce_max3A_148[15] : i32 from vector<16xi32>
          %add3A_150 = arith.constant 256 : i32
          %add3A_151 = arith.addi %add3A_150, %add3A_136 : i32
          %get3A = arith.index_cast %add3A_151 : i32 to index
          %get3A_152 = arith.constant 0 : index
          %get3A_153 = tpu.vector_load %arg16[%get3A, %get3A_152] {strides = array<i32>} : memref<512x64xf32, #tpu.memory_space<vmem>>, vector<16xf32>,
          %get3A_154 = arith.index_cast %reduce_max3A_149 : i32 to index
          %get3A_155 = arith.constant 0 : index
          %get3A_156 = tpu.vector_load %arg12[%get3A_154, %get3A_155] {strides = array<i32>} : memref<321x64xf32, #tpu.memory_space<vmem>>, vector<16xf32>,
          %add3A_157 = arith.addf %get3A_156, %get3A_153 : vector<16xf32>
          %swap3A = arith.index_cast %reduce_max3A_149 : i32 to index
          %swap3A_158 = arith.constant 0 : index
          %swap3A_159 = tpu.vector_load %arg12[%swap3A, %swap3A_158] {strides = array<i32>} : memref<321x64xf32, #tpu.memory_space<vmem>>, vector<16xf32>,
          tpu.vector_store %arg12[%swap3A, %swap3A_158], %add3A_157 {strides = array<i32>} : memref<321x64xf32, #tpu.memory_space<vmem>>, vector<16xf32>,
          %get3A_160 = arith.index_cast %reduce_max3A_149 : i32 to index
          %get3A_161 = arith.constant 0 : index
          %get3A_162 = tpu.vector_load %arg13[%get3A_160, %get3A_161] {strides = array<i32>} : memref<321x64xf32, #tpu.memory_space<vmem>>, vector<16xf32>,
          %mul3A_163 = arith.mulf %get3A_153, %get3A_153 : vector<16xf32>
          %add3A_164 = arith.addf %get3A_162, %mul3A_163 : vector<16xf32>
          %swap3A_165 = arith.index_cast %reduce_max3A_149 : i32 to index
          %swap3A_166 = arith.constant 0 : index
          %swap3A_167 = tpu.vector_load %arg13[%swap3A_165, %swap3A_166] {strides = array<i32>} : memref<321x64xf32, #tpu.memory_space<vmem>>, vector<16xf32>,
          tpu.vector_store %arg13[%swap3A_165, %swap3A_166], %add3A_164 {strides = array<i32>} : memref<321x64xf32, #tpu.memory_space<vmem>>, vector<16xf32>,
          %get3A_168 = arith.index_cast %reduce_max3A_149 : i32 to index
          %get3A_169 = arith.constant 0 : index
          %get3A_170 = tpu.vector_load %arg14[%get3A_168, %get3A_169] {strides = array<i32>} : memref<321x64xf32, #tpu.memory_space<vmem>>, vector<16xf32>,
          %min3A = arith.minimumf %get3A_170, %get3A_153 : vector<16xf32>
          %swap3A_171 = arith.index_cast %reduce_max3A_149 : i32 to index
          %swap3A_172 = arith.constant 0 : index
          %swap3A_173 = tpu.vector_load %arg14[%swap3A_171, %swap3A_172] {strides = array<i32>} : memref<321x64xf32, #tpu.memory_space<vmem>>, vector<16xf32>,
          tpu.vector_store %arg14[%swap3A_171, %swap3A_172], %min3A {strides = array<i32>} : memref<321x64xf32, #tpu.memory_space<vmem>>, vector<16xf32>,
          %get3A_174 = arith.index_cast %reduce_max3A_149 : i32 to index
          %get3A_175 = arith.constant 0 : index
          %get3A_176 = tpu.vector_load %arg15[%get3A_174, %get3A_175] {strides = array<i32>} : memref<321x64xf32, #tpu.memory_space<vmem>>, vector<16xf32>,
          %max3A = arith.maximumf %get3A_176, %get3A_153 : vector<16xf32>
          %swap3A_177 = arith.index_cast %reduce_max3A_149 : i32 to index
          %swap3A_178 = arith.constant 0 : index
          %swap3A_179 = tpu.vector_load %arg15[%swap3A_177, %swap3A_178] {strides = array<i32>} : memref<321x64xf32, #tpu.memory_space<vmem>>, vector<16xf32>,
          tpu.vector_store %arg15[%swap3A_177, %swap3A_178], %max3A {strides = array<i32>} : memref<321x64xf32, #tpu.memory_space<vmem>>, vector<16xf32>,
          %add3A_180 = arith.constant 256 : i32
          %add3A_181 = arith.addi %add3A_180, %add3A_136 : i32
          %get3A_182 = arith.index_cast %add3A_181 : i32 to index
          %get3A_183 = arith.constant 16 : index
          %get3A_184 = tpu.vector_load %arg16[%get3A_182, %get3A_183] {strides = array<i32>} : memref<512x64xf32, #tpu.memory_space<vmem>>, vector<16xf32>,
          %get3A_185 = arith.index_cast %reduce_max3A_149 : i32 to index
          %get3A_186 = arith.constant 16 : index
          %get3A_187 = tpu.vector_load %arg12[%get3A_185, %get3A_186] {strides = array<i32>} : memref<321x64xf32, #tpu.memory_space<vmem>>, vector<16xf32>,
          %add3A_188 = arith.addf %get3A_187, %get3A_184 : vector<16xf32>
          %swap3A_189 = arith.index_cast %reduce_max3A_149 : i32 to index
          %swap3A_190 = arith.constant 16 : index
          %swap3A_191 = tpu.vector_load %arg12[%swap3A_189, %swap3A_190] {strides = array<i32>} : memref<321x64xf32, #tpu.memory_space<vmem>>, vector<16xf32>,
          tpu.vector_store %arg12[%swap3A_189, %swap3A_190], %add3A_188 {strides = array<i32>} : memref<321x64xf32, #tpu.memory_space<vmem>>, vector<16xf32>,
          %get3A_192 = arith.index_cast %reduce_max3A_149 : i32 to index
          %get3A_193 = arith.constant 16 : index
          %get3A_194 = tpu.vector_load %arg13[%get3A_192, %get3A_193] {strides = array<i32>} : memref<321x64xf32, #tpu.memory_space<vmem>>, vector<16xf32>,
          %mul3A_195 = arith.mulf %get3A_184, %get3A_184 : vector<16xf32>
          %add3A_196 = arith.addf %get3A_194, %mul3A_195 : vector<16xf32>
          %swap3A_197 = arith.index_cast %reduce_max3A_149 : i32 to index
          %swap3A_198 = arith.constant 16 : index
          %swap3A_199 = tpu.vector_load %arg13[%swap3A_197, %swap3A_198] {strides = array<i32>} : memref<321x64xf32, #tpu.memory_space<vmem>>, vector<16xf32>,
          tpu.vector_store %arg13[%swap3A_197, %swap3A_198], %add3A_196 {strides = array<i32>} : memref<321x64xf32, #tpu.memory_space<vmem>>, vector<16xf32>,
          %get3A_200 = arith.index_cast %reduce_max3A_149 : i32 to index
          %get3A_201 = arith.constant 16 : index
          %get3A_202 = tpu.vector_load %arg14[%get3A_200, %get3A_201] {strides = array<i32>} : memref<321x64xf32, #tpu.memory_space<vmem>>, vector<16xf32>,
          %min3A_203 = arith.minimumf %get3A_202, %get3A_184 : vector<16xf32>
          %swap3A_204 = arith.index_cast %reduce_max3A_149 : i32 to index
          %swap3A_205 = arith.constant 16 : index
          %swap3A_206 = tpu.vector_load %arg14[%swap3A_204, %swap3A_205] {strides = array<i32>} : memref<321x64xf32, #tpu.memory_space<vmem>>, vector<16xf32>,
          tpu.vector_store %arg14[%swap3A_204, %swap3A_205], %min3A_203 {strides = array<i32>} : memref<321x64xf32, #tpu.memory_space<vmem>>, vector<16xf32>,
          %get3A_207 = arith.index_cast %reduce_max3A_149 : i32 to index
          %get3A_208 = arith.constant 16 : index
          %get3A_209 = tpu.vector_load %arg15[%get3A_207, %get3A_208] {strides = array<i32>} : memref<321x64xf32, #tpu.memory_space<vmem>>, vector<16xf32>,
          %max3A_210 = arith.maximumf %get3A_209, %get3A_184 : vector<16xf32>
          %swap3A_211 = arith.index_cast %reduce_max3A_149 : i32 to index
          %swap3A_212 = arith.constant 16 : index
          %swap3A_213 = tpu.vector_load %arg15[%swap3A_211, %swap3A_212] {strides = array<i32>} : memref<321x64xf32, #tpu.memory_space<vmem>>, vector<16xf32>,
          tpu.vector_store %arg15[%swap3A_211, %swap3A_212], %max3A_210 {strides = array<i32>} : memref<321x64xf32, #tpu.memory_space<vmem>>, vector<16xf32>,
          %add3A_214 = arith.constant 256 : i32
          %add3A_215 = arith.addi %add3A_214, %add3A_136 : i32
          %get3A_216 = arith.index_cast %add3A_215 : i32 to index
          %get3A_217 = arith.constant 32 : index
          %get3A_218 = tpu.vector_load %arg16[%get3A_216, %get3A_217] {strides = array<i32>} : memref<512x64xf32, #tpu.memory_space<vmem>>, vector<16xf32>,
          %get3A_219 = arith.index_cast %reduce_max3A_149 : i32 to index
          %get3A_220 = arith.constant 32 : index
          %get3A_221 = tpu.vector_load %arg12[%get3A_219, %get3A_220] {strides = array<i32>} : memref<321x64xf32, #tpu.memory_space<vmem>>, vector<16xf32>,
          %add3A_222 = arith.addf %get3A_221, %get3A_218 : vector<16xf32>
          %swap3A_223 = arith.index_cast %reduce_max3A_149 : i32 to index
          %swap3A_224 = arith.constant 32 : index
          %swap3A_225 = tpu.vector_load %arg12[%swap3A_223, %swap3A_224] {strides = array<i32>} : memref<321x64xf32, #tpu.memory_space<vmem>>, vector<16xf32>,
          tpu.vector_store %arg12[%swap3A_223, %swap3A_224], %add3A_222 {strides = array<i32>} : memref<321x64xf32, #tpu.memory_space<vmem>>, vector<16xf32>,
          %get3A_226 = arith.index_cast %reduce_max3A_149 : i32 to index
          %get3A_227 = arith.constant 32 : index
          %get3A_228 = tpu.vector_load %arg13[%get3A_226, %get3A_227] {strides = array<i32>} : memref<321x64xf32, #tpu.memory_space<vmem>>, vector<16xf32>,
          %mul3A_229 = arith.mulf %get3A_218, %get3A_218 : vector<16xf32>
          %add3A_230 = arith.addf %get3A_228, %mul3A_229 : vector<16xf32>
          %swap3A_231 = arith.index_cast %reduce_max3A_149 : i32 to index
          %swap3A_232 = arith.constant 32 : index
          %swap3A_233 = tpu.vector_load %arg13[%swap3A_231, %swap3A_232] {strides = array<i32>} : memref<321x64xf32, #tpu.memory_space<vmem>>, vector<16xf32>,
          tpu.vector_store %arg13[%swap3A_231, %swap3A_232], %add3A_230 {strides = array<i32>} : memref<321x64xf32, #tpu.memory_space<vmem>>, vector<16xf32>,
          %get3A_234 = arith.index_cast %reduce_max3A_149 : i32 to index
          %get3A_235 = arith.constant 32 : index
          %get3A_236 = tpu.vector_load %arg14[%get3A_234, %get3A_235] {strides = array<i32>} : memref<321x64xf32, #tpu.memory_space<vmem>>, vector<16xf32>,
          %min3A_237 = arith.minimumf %get3A_236, %get3A_218 : vector<16xf32>
          %swap3A_238 = arith.index_cast %reduce_max3A_149 : i32 to index
          %swap3A_239 = arith.constant 32 : index
          %swap3A_240 = tpu.vector_load %arg14[%swap3A_238, %swap3A_239] {strides = array<i32>} : memref<321x64xf32, #tpu.memory_space<vmem>>, vector<16xf32>,
          tpu.vector_store %arg14[%swap3A_238, %swap3A_239], %min3A_237 {strides = array<i32>} : memref<321x64xf32, #tpu.memory_space<vmem>>, vector<16xf32>,
          %get3A_241 = arith.index_cast %reduce_max3A_149 : i32 to index
          %get3A_242 = arith.constant 32 : index
          %get3A_243 = tpu.vector_load %arg15[%get3A_241, %get3A_242] {strides = array<i32>} : memref<321x64xf32, #tpu.memory_space<vmem>>, vector<16xf32>,
          %max3A_244 = arith.maximumf %get3A_243, %get3A_218 : vector<16xf32>
          %swap3A_245 = arith.index_cast %reduce_max3A_149 : i32 to index
          %swap3A_246 = arith.constant 32 : index
          %swap3A_247 = tpu.vector_load %arg15[%swap3A_245, %swap3A_246] {strides = array<i32>} : memref<321x64xf32, #tpu.memory_space<vmem>>, vector<16xf32>,
          tpu.vector_store %arg15[%swap3A_245, %swap3A_246], %max3A_244 {strides = array<i32>} : memref<321x64xf32, #tpu.memory_space<vmem>>, vector<16xf32>,
          %add3A_248 = arith.constant 256 : i32
          %add3A_249 = arith.addi %add3A_248, %add3A_136 : i32
          %get3A_250 = arith.index_cast %add3A_249 : i32 to index
          %get3A_251 = arith.constant 48 : index
          %get3A_252 = tpu.vector_load %arg16[%get3A_250, %get3A_251] {strides = array<i32>} : memref<512x64xf32, #tpu.memory_space<vmem>>, vector<16xf32>,
          %get3A_253 = arith.index_cast %reduce_max3A_149 : i32 to index
          %get3A_254 = arith.constant 48 : index
          %get3A_255 = tpu.vector_load %arg12[%get3A_253, %get3A_254] {strides = array<i32>} : memref<321x64xf32, #tpu.memory_space<vmem>>, vector<16xf32>,
          %add3A_256 = arith.addf %get3A_255, %get3A_252 : vector<16xf32>
          %swap3A_257 = arith.index_cast %reduce_max3A_149 : i32 to index
          %swap3A_258 = arith.constant 48 : index
          %swap3A_259 = tpu.vector_load %arg12[%swap3A_257, %swap3A_258] {strides = array<i32>} : memref<321x64xf32, #tpu.memory_space<vmem>>, vector<16xf32>,
          tpu.vector_store %arg12[%swap3A_257, %swap3A_258], %add3A_256 {strides = array<i32>} : memref<321x64xf32, #tpu.memory_space<vmem>>, vector<16xf32>,
          %get3A_260 = arith.index_cast %reduce_max3A_149 : i32 to index
          %get3A_261 = arith.constant 48 : index
          %get3A_262 = tpu.vector_load %arg13[%get3A_260, %get3A_261] {strides = array<i32>} : memref<321x64xf32, #tpu.memory_space<vmem>>, vector<16xf32>,
          %mul3A_263 = arith.mulf %get3A_252, %get3A_252 : vector<16xf32>
          %add3A_264 = arith.addf %get3A_262, %mul3A_263 : vector<16xf32>
          %swap3A_265 = arith.index_cast %reduce_max3A_149 : i32 to index
          %swap3A_266 = arith.constant 48 : index
          %swap3A_267 = tpu.vector_load %arg13[%swap3A_265, %swap3A_266] {strides = array<i32>} : memref<321x64xf32, #tpu.memory_space<vmem>>, vector<16xf32>,
          tpu.vector_store %arg13[%swap3A_265, %swap3A_266], %add3A_264 {strides = array<i32>} : memref<321x64xf32, #tpu.memory_space<vmem>>, vector<16xf32>,
          %get3A_268 = arith.index_cast %reduce_max3A_149 : i32 to index
          %get3A_269 = arith.constant 48 : index
          %get3A_270 = tpu.vector_load %arg14[%get3A_268, %get3A_269] {strides = array<i32>} : memref<321x64xf32, #tpu.memory_space<vmem>>, vector<16xf32>,
          %min3A_271 = arith.minimumf %get3A_270, %get3A_252 : vector<16xf32>
          %swap3A_272 = arith.index_cast %reduce_max3A_149 : i32 to index
          %swap3A_273 = arith.constant 48 : index
          %swap3A_274 = tpu.vector_load %arg14[%swap3A_272, %swap3A_273] {strides = array<i32>} : memref<321x64xf32, #tpu.memory_space<vmem>>, vector<16xf32>,
          tpu.vector_store %arg14[%swap3A_272, %swap3A_273], %min3A_271 {strides = array<i32>} : memref<321x64xf32, #tpu.memory_space<vmem>>, vector<16xf32>,
          %get3A_275 = arith.index_cast %reduce_max3A_149 : i32 to index
          %get3A_276 = arith.constant 48 : index
          %get3A_277 = tpu.vector_load %arg15[%get3A_275, %get3A_276] {strides = array<i32>} : memref<321x64xf32, #tpu.memory_space<vmem>>, vector<16xf32>,
          %max3A_278 = arith.maximumf %get3A_277, %get3A_252 : vector<16xf32>
          %swap3A_279 = arith.index_cast %reduce_max3A_149 : i32 to index
          %swap3A_280 = arith.constant 48 : index
          %swap3A_281 = tpu.vector_load %arg15[%swap3A_279, %swap3A_280] {strides = array<i32>} : memref<321x64xf32, #tpu.memory_space<vmem>>, vector<16xf32>,
          tpu.vector_store %arg15[%swap3A_279, %swap3A_280], %max3A_278 {strides = array<i32>} : memref<321x64xf32, #tpu.memory_space<vmem>>, vector<16xf32>,
        }
        %scan3A_118 = arith.constant 128 : i32
        %dma_wait3A_119 = arith.constant 384 : i32
        %dma_wait3A_120 = arith.constant 0 : i32
        %dma_wait3A_121 = tpu.memref_slice %arg16[%dma_wait3A_119, %dma_wait3A_120] : memref<512x64xf32, #tpu.memory_space<vmem>> -> memref<128x64xf32, #tpu.memory_space<vmem>>
        %dma_wait3A_122 = arith.constant 384 : i32
        %dma_wait3A_123 = tpu.memref_slice %arg11[%dma_wait3A_122] : memref<512xi32, #tpu.memory_space<vmem>> -> memref<128xi32, #tpu.memory_space<vmem>>
        %dma_wait3A_124 = arith.constant 0 : i32
        %dma_wait3A_125 = arith.constant 0 : i32
        %dma_wait3A_126 = tpu.memref_slice %arg2[%dma_wait3A_124, %dma_wait3A_125] : memref<640000x64xf32, #tpu.memory_space<hbm>> -> memref<640000x64xf32, #tpu.memory_space<hbm>>
        tpu.wait_indirect_dma semaphore(%arg20 : memref<!tpu.dma_semaphore, #tpu.memory_space<semaphore_mem>>) src(%dma_wait3A_126 : memref<640000x64xf32, #tpu.memory_space<hbm>>) dst(%dma_wait3A_121 : memref<128x64xf32, #tpu.memory_space<vmem>>)
        %scan3A_127 = arith.constant 0 : i32
        %scan3A_128 = arith.constant 128 : i32
        %scan3A_129 = arith.addi %scan3A_127, %scan3A_128 : i32
        %scan3A_130 = arith.constant 1 : i32
        scf.for %scan3A_132 = %scan3A_127 to %scan3A_129 step %scan3A_130  : i32 {
          %mul3A_133 = arith.constant 1 : i32
          %mul3A_134 = arith.muli %scan3A_132, %mul3A_133 : i32
          %add3A_135 = arith.constant 0 : i32
          %add3A_136 = arith.addi %add3A_135, %mul3A_134 : i32
          %add3A_137 = arith.constant 3 : i32
          %add3A_138 = arith.addi %add3A_29, %add3A_137 : i32
          %mul3A_139 = arith.constant 128 : i32
          %mul3A_140 = arith.muli %add3A_138, %mul3A_139 : i32
          %add3A_141 = arith.addi %mul3A_140, %add3A_136 : i32
          %broadcast_in_dim3A_142 = vector.broadcast %add3A_141 : i32 to vector<16xi32>
          %gather3A = tpu.vector_load_idx %arg10[%broadcast_in_dim3A_142] : memref<1536xi32, #tpu.memory_space<vmem>>[vector<16xi32>], vector<16xi32>,
          %reduce_max3A = arith.constant true
          %reduce_max3A_143 = vector.broadcast %reduce_max3A : i1 to vector<16xi1>
          %reduce_max3A_144 = arith.constant -2147483648 : i32
          %reduce_max3A_145 = vector.broadcast %reduce_max3A_144 : i32 to vector<16xi32>
          %reduce_max3A_146 = arith.xori %gather3A, %reduce_max3A_145 : vector<16xi32>
          %reduce_max3A_147 = tpu.scan <max>, %reduce_max3A_146 masked %reduce_max3A_143 : vector<16xi32>, vector<16xi1> -> vector<16xi32>
          %reduce_max3A_148 = arith.xori %reduce_max3A_147, %reduce_max3A_145 : vector<16xi32>
          %reduce_max3A_149 = vector.extract %reduce_max3A_148[15] : i32 from vector<16xi32>
          %add3A_150 = arith.constant 384 : i32
          %add3A_151 = arith.addi %add3A_150, %add3A_136 : i32
          %get3A = arith.index_cast %add3A_151 : i32 to index
          %get3A_152 = arith.constant 0 : index
          %get3A_153 = tpu.vector_load %arg16[%get3A, %get3A_152] {strides = array<i32>} : memref<512x64xf32, #tpu.memory_space<vmem>>, vector<16xf32>,
          %get3A_154 = arith.index_cast %reduce_max3A_149 : i32 to index
          %get3A_155 = arith.constant 0 : index
          %get3A_156 = tpu.vector_load %arg12[%get3A_154, %get3A_155] {strides = array<i32>} : memref<321x64xf32, #tpu.memory_space<vmem>>, vector<16xf32>,
          %add3A_157 = arith.addf %get3A_156, %get3A_153 : vector<16xf32>
          %swap3A = arith.index_cast %reduce_max3A_149 : i32 to index
          %swap3A_158 = arith.constant 0 : index
          %swap3A_159 = tpu.vector_load %arg12[%swap3A, %swap3A_158] {strides = array<i32>} : memref<321x64xf32, #tpu.memory_space<vmem>>, vector<16xf32>,
          tpu.vector_store %arg12[%swap3A, %swap3A_158], %add3A_157 {strides = array<i32>} : memref<321x64xf32, #tpu.memory_space<vmem>>, vector<16xf32>,
          %get3A_160 = arith.index_cast %reduce_max3A_149 : i32 to index
          %get3A_161 = arith.constant 0 : index
          %get3A_162 = tpu.vector_load %arg13[%get3A_160, %get3A_161] {strides = array<i32>} : memref<321x64xf32, #tpu.memory_space<vmem>>, vector<16xf32>,
          %mul3A_163 = arith.mulf %get3A_153, %get3A_153 : vector<16xf32>
          %add3A_164 = arith.addf %get3A_162, %mul3A_163 : vector<16xf32>
          %swap3A_165 = arith.index_cast %reduce_max3A_149 : i32 to index
          %swap3A_166 = arith.constant 0 : index
          %swap3A_167 = tpu.vector_load %arg13[%swap3A_165, %swap3A_166] {strides = array<i32>} : memref<321x64xf32, #tpu.memory_space<vmem>>, vector<16xf32>,
          tpu.vector_store %arg13[%swap3A_165, %swap3A_166], %add3A_164 {strides = array<i32>} : memref<321x64xf32, #tpu.memory_space<vmem>>, vector<16xf32>,
          %get3A_168 = arith.index_cast %reduce_max3A_149 : i32 to index
          %get3A_169 = arith.constant 0 : index
          %get3A_170 = tpu.vector_load %arg14[%get3A_168, %get3A_169] {strides = array<i32>} : memref<321x64xf32, #tpu.memory_space<vmem>>, vector<16xf32>,
          %min3A = arith.minimumf %get3A_170, %get3A_153 : vector<16xf32>
          %swap3A_171 = arith.index_cast %reduce_max3A_149 : i32 to index
          %swap3A_172 = arith.constant 0 : index
          %swap3A_173 = tpu.vector_load %arg14[%swap3A_171, %swap3A_172] {strides = array<i32>} : memref<321x64xf32, #tpu.memory_space<vmem>>, vector<16xf32>,
          tpu.vector_store %arg14[%swap3A_171, %swap3A_172], %min3A {strides = array<i32>} : memref<321x64xf32, #tpu.memory_space<vmem>>, vector<16xf32>,
          %get3A_174 = arith.index_cast %reduce_max3A_149 : i32 to index
          %get3A_175 = arith.constant 0 : index
          %get3A_176 = tpu.vector_load %arg15[%get3A_174, %get3A_175] {strides = array<i32>} : memref<321x64xf32, #tpu.memory_space<vmem>>, vector<16xf32>,
          %max3A = arith.maximumf %get3A_176, %get3A_153 : vector<16xf32>
          %swap3A_177 = arith.index_cast %reduce_max3A_149 : i32 to index
          %swap3A_178 = arith.constant 0 : index
          %swap3A_179 = tpu.vector_load %arg15[%swap3A_177, %swap3A_178] {strides = array<i32>} : memref<321x64xf32, #tpu.memory_space<vmem>>, vector<16xf32>,
          tpu.vector_store %arg15[%swap3A_177, %swap3A_178], %max3A {strides = array<i32>} : memref<321x64xf32, #tpu.memory_space<vmem>>, vector<16xf32>,
          %add3A_180 = arith.constant 384 : i32
          %add3A_181 = arith.addi %add3A_180, %add3A_136 : i32
          %get3A_182 = arith.index_cast %add3A_181 : i32 to index
          %get3A_183 = arith.constant 16 : index
          %get3A_184 = tpu.vector_load %arg16[%get3A_182, %get3A_183] {strides = array<i32>} : memref<512x64xf32, #tpu.memory_space<vmem>>, vector<16xf32>,
          %get3A_185 = arith.index_cast %reduce_max3A_149 : i32 to index
          %get3A_186 = arith.constant 16 : index
          %get3A_187 = tpu.vector_load %arg12[%get3A_185, %get3A_186] {strides = array<i32>} : memref<321x64xf32, #tpu.memory_space<vmem>>, vector<16xf32>,
          %add3A_188 = arith.addf %get3A_187, %get3A_184 : vector<16xf32>
          %swap3A_189 = arith.index_cast %reduce_max3A_149 : i32 to index
          %swap3A_190 = arith.constant 16 : index
          %swap3A_191 = tpu.vector_load %arg12[%swap3A_189, %swap3A_190] {strides = array<i32>} : memref<321x64xf32, #tpu.memory_space<vmem>>, vector<16xf32>,
          tpu.vector_store %arg12[%swap3A_189, %swap3A_190], %add3A_188 {strides = array<i32>} : memref<321x64xf32, #tpu.memory_space<vmem>>, vector<16xf32>,
          %get3A_192 = arith.index_cast %reduce_max3A_149 : i32 to index
          %get3A_193 = arith.constant 16 : index
          %get3A_194 = tpu.vector_load %arg13[%get3A_192, %get3A_193] {strides = array<i32>} : memref<321x64xf32, #tpu.memory_space<vmem>>, vector<16xf32>,
          %mul3A_195 = arith.mulf %get3A_184, %get3A_184 : vector<16xf32>
          %add3A_196 = arith.addf %get3A_194, %mul3A_195 : vector<16xf32>
          %swap3A_197 = arith.index_cast %reduce_max3A_149 : i32 to index
          %swap3A_198 = arith.constant 16 : index
          %swap3A_199 = tpu.vector_load %arg13[%swap3A_197, %swap3A_198] {strides = array<i32>} : memref<321x64xf32, #tpu.memory_space<vmem>>, vector<16xf32>,
          tpu.vector_store %arg13[%swap3A_197, %swap3A_198], %add3A_196 {strides = array<i32>} : memref<321x64xf32, #tpu.memory_space<vmem>>, vector<16xf32>,
          %get3A_200 = arith.index_cast %reduce_max3A_149 : i32 to index
          %get3A_201 = arith.constant 16 : index
          %get3A_202 = tpu.vector_load %arg14[%get3A_200, %get3A_201] {strides = array<i32>} : memref<321x64xf32, #tpu.memory_space<vmem>>, vector<16xf32>,
          %min3A_203 = arith.minimumf %get3A_202, %get3A_184 : vector<16xf32>
          %swap3A_204 = arith.index_cast %reduce_max3A_149 : i32 to index
          %swap3A_205 = arith.constant 16 : index
          %swap3A_206 = tpu.vector_load %arg14[%swap3A_204, %swap3A_205] {strides = array<i32>} : memref<321x64xf32, #tpu.memory_space<vmem>>, vector<16xf32>,
          tpu.vector_store %arg14[%swap3A_204, %swap3A_205], %min3A_203 {strides = array<i32>} : memref<321x64xf32, #tpu.memory_space<vmem>>, vector<16xf32>,
          %get3A_207 = arith.index_cast %reduce_max3A_149 : i32 to index
          %get3A_208 = arith.constant 16 : index
          %get3A_209 = tpu.vector_load %arg15[%get3A_207, %get3A_208] {strides = array<i32>} : memref<321x64xf32, #tpu.memory_space<vmem>>, vector<16xf32>,
          %max3A_210 = arith.maximumf %get3A_209, %get3A_184 : vector<16xf32>
          %swap3A_211 = arith.index_cast %reduce_max3A_149 : i32 to index
          %swap3A_212 = arith.constant 16 : index
          %swap3A_213 = tpu.vector_load %arg15[%swap3A_211, %swap3A_212] {strides = array<i32>} : memref<321x64xf32, #tpu.memory_space<vmem>>, vector<16xf32>,
          tpu.vector_store %arg15[%swap3A_211, %swap3A_212], %max3A_210 {strides = array<i32>} : memref<321x64xf32, #tpu.memory_space<vmem>>, vector<16xf32>,
          %add3A_214 = arith.constant 384 : i32
          %add3A_215 = arith.addi %add3A_214, %add3A_136 : i32
          %get3A_216 = arith.index_cast %add3A_215 : i32 to index
          %get3A_217 = arith.constant 32 : index
          %get3A_218 = tpu.vector_load %arg16[%get3A_216, %get3A_217] {strides = array<i32>} : memref<512x64xf32, #tpu.memory_space<vmem>>, vector<16xf32>,
          %get3A_219 = arith.index_cast %reduce_max3A_149 : i32 to index
          %get3A_220 = arith.constant 32 : index
          %get3A_221 = tpu.vector_load %arg12[%get3A_219, %get3A_220] {strides = array<i32>} : memref<321x64xf32, #tpu.memory_space<vmem>>, vector<16xf32>,
          %add3A_222 = arith.addf %get3A_221, %get3A_218 : vector<16xf32>
          %swap3A_223 = arith.index_cast %reduce_max3A_149 : i32 to index
          %swap3A_224 = arith.constant 32 : index
          %swap3A_225 = tpu.vector_load %arg12[%swap3A_223, %swap3A_224] {strides = array<i32>} : memref<321x64xf32, #tpu.memory_space<vmem>>, vector<16xf32>,
          tpu.vector_store %arg12[%swap3A_223, %swap3A_224], %add3A_222 {strides = array<i32>} : memref<321x64xf32, #tpu.memory_space<vmem>>, vector<16xf32>,
          %get3A_226 = arith.index_cast %reduce_max3A_149 : i32 to index
          %get3A_227 = arith.constant 32 : index
          %get3A_228 = tpu.vector_load %arg13[%get3A_226, %get3A_227] {strides = array<i32>} : memref<321x64xf32, #tpu.memory_space<vmem>>, vector<16xf32>,
          %mul3A_229 = arith.mulf %get3A_218, %get3A_218 : vector<16xf32>
          %add3A_230 = arith.addf %get3A_228, %mul3A_229 : vector<16xf32>
          %swap3A_231 = arith.index_cast %reduce_max3A_149 : i32 to index
          %swap3A_232 = arith.constant 32 : index
          %swap3A_233 = tpu.vector_load %arg13[%swap3A_231, %swap3A_232] {strides = array<i32>} : memref<321x64xf32, #tpu.memory_space<vmem>>, vector<16xf32>,
          tpu.vector_store %arg13[%swap3A_231, %swap3A_232], %add3A_230 {strides = array<i32>} : memref<321x64xf32, #tpu.memory_space<vmem>>, vector<16xf32>,
          %get3A_234 = arith.index_cast %reduce_max3A_149 : i32 to index
          %get3A_235 = arith.constant 32 : index
          %get3A_236 = tpu.vector_load %arg14[%get3A_234, %get3A_235] {strides = array<i32>} : memref<321x64xf32, #tpu.memory_space<vmem>>, vector<16xf32>,
          %min3A_237 = arith.minimumf %get3A_236, %get3A_218 : vector<16xf32>
          %swap3A_238 = arith.index_cast %reduce_max3A_149 : i32 to index
          %swap3A_239 = arith.constant 32 : index
          %swap3A_240 = tpu.vector_load %arg14[%swap3A_238, %swap3A_239] {strides = array<i32>} : memref<321x64xf32, #tpu.memory_space<vmem>>, vector<16xf32>,
          tpu.vector_store %arg14[%swap3A_238, %swap3A_239], %min3A_237 {strides = array<i32>} : memref<321x64xf32, #tpu.memory_space<vmem>>, vector<16xf32>,
          %get3A_241 = arith.index_cast %reduce_max3A_149 : i32 to index
          %get3A_242 = arith.constant 32 : index
          %get3A_243 = tpu.vector_load %arg15[%get3A_241, %get3A_242] {strides = array<i32>} : memref<321x64xf32, #tpu.memory_space<vmem>>, vector<16xf32>,
          %max3A_244 = arith.maximumf %get3A_243, %get3A_218 : vector<16xf32>
          %swap3A_245 = arith.index_cast %reduce_max3A_149 : i32 to index
          %swap3A_246 = arith.constant 32 : index
          %swap3A_247 = tpu.vector_load %arg15[%swap3A_245, %swap3A_246] {strides = array<i32>} : memref<321x64xf32, #tpu.memory_space<vmem>>, vector<16xf32>,
          tpu.vector_store %arg15[%swap3A_245, %swap3A_246], %max3A_244 {strides = array<i32>} : memref<321x64xf32, #tpu.memory_space<vmem>>, vector<16xf32>,
          %add3A_248 = arith.constant 384 : i32
          %add3A_249 = arith.addi %add3A_248, %add3A_136 : i32
          %get3A_250 = arith.index_cast %add3A_249 : i32 to index
          %get3A_251 = arith.constant 48 : index
          %get3A_252 = tpu.vector_load %arg16[%get3A_250, %get3A_251] {strides = array<i32>} : memref<512x64xf32, #tpu.memory_space<vmem>>, vector<16xf32>,
          %get3A_253 = arith.index_cast %reduce_max3A_149 : i32 to index
          %get3A_254 = arith.constant 48 : index
          %get3A_255 = tpu.vector_load %arg12[%get3A_253, %get3A_254] {strides = array<i32>} : memref<321x64xf32, #tpu.memory_space<vmem>>, vector<16xf32>,
          %add3A_256 = arith.addf %get3A_255, %get3A_252 : vector<16xf32>
          %swap3A_257 = arith.index_cast %reduce_max3A_149 : i32 to index
          %swap3A_258 = arith.constant 48 : index
          %swap3A_259 = tpu.vector_load %arg12[%swap3A_257, %swap3A_258] {strides = array<i32>} : memref<321x64xf32, #tpu.memory_space<vmem>>, vector<16xf32>,
          tpu.vector_store %arg12[%swap3A_257, %swap3A_258], %add3A_256 {strides = array<i32>} : memref<321x64xf32, #tpu.memory_space<vmem>>, vector<16xf32>,
          %get3A_260 = arith.index_cast %reduce_max3A_149 : i32 to index
          %get3A_261 = arith.constant 48 : index
          %get3A_262 = tpu.vector_load %arg13[%get3A_260, %get3A_261] {strides = array<i32>} : memref<321x64xf32, #tpu.memory_space<vmem>>, vector<16xf32>,
          %mul3A_263 = arith.mulf %get3A_252, %get3A_252 : vector<16xf32>
          %add3A_264 = arith.addf %get3A_262, %mul3A_263 : vector<16xf32>
          %swap3A_265 = arith.index_cast %reduce_max3A_149 : i32 to index
          %swap3A_266 = arith.constant 48 : index
          %swap3A_267 = tpu.vector_load %arg13[%swap3A_265, %swap3A_266] {strides = array<i32>} : memref<321x64xf32, #tpu.memory_space<vmem>>, vector<16xf32>,
          tpu.vector_store %arg13[%swap3A_265, %swap3A_266], %add3A_264 {strides = array<i32>} : memref<321x64xf32, #tpu.memory_space<vmem>>, vector<16xf32>,
          %get3A_268 = arith.index_cast %reduce_max3A_149 : i32 to index
          %get3A_269 = arith.constant 48 : index
          %get3A_270 = tpu.vector_load %arg14[%get3A_268, %get3A_269] {strides = array<i32>} : memref<321x64xf32, #tpu.memory_space<vmem>>, vector<16xf32>,
          %min3A_271 = arith.minimumf %get3A_270, %get3A_252 : vector<16xf32>
          %swap3A_272 = arith.index_cast %reduce_max3A_149 : i32 to index
          %swap3A_273 = arith.constant 48 : index
          %swap3A_274 = tpu.vector_load %arg14[%swap3A_272, %swap3A_273] {strides = array<i32>} : memref<321x64xf32, #tpu.memory_space<vmem>>, vector<16xf32>,
          tpu.vector_store %arg14[%swap3A_272, %swap3A_273], %min3A_271 {strides = array<i32>} : memref<321x64xf32, #tpu.memory_space<vmem>>, vector<16xf32>,
          %get3A_275 = arith.index_cast %reduce_max3A_149 : i32 to index
          %get3A_276 = arith.constant 48 : index
          %get3A_277 = tpu.vector_load %arg15[%get3A_275, %get3A_276] {strides = array<i32>} : memref<321x64xf32, #tpu.memory_space<vmem>>, vector<16xf32>,
          %max3A_278 = arith.maximumf %get3A_277, %get3A_252 : vector<16xf32>
          %swap3A_279 = arith.index_cast %reduce_max3A_149 : i32 to index
          %swap3A_280 = arith.constant 48 : index
          %swap3A_281 = tpu.vector_load %arg15[%swap3A_279, %swap3A_280] {strides = array<i32>} : memref<321x64xf32, #tpu.memory_space<vmem>>, vector<16xf32>,
          tpu.vector_store %arg15[%swap3A_279, %swap3A_280], %max3A_278 {strides = array<i32>} : memref<321x64xf32, #tpu.memory_space<vmem>>, vector<16xf32>,
        }
        %scan3A_131 = arith.constant 128 : i32
      }
      %scan3A_22 = arith.constant 3 : i32
      %mul3A_23 = arith.constant 64 : i32
      %mul3A_24 = arith.muli %add3A_12, %mul3A_23 : i32
      "tpu.region"() ({
        %run_scoped3A = tpu.sem_alloc : memref<!tpu.dma_semaphore, #tpu.memory_space<semaphore_mem>>
        %dma_start3A = arith.constant 0 : i32
        %dma_start3A_25 = arith.constant 0 : i32
        %dma_start3A_26 = tpu.memref_slice %arg12[%dma_start3A, %dma_start3A_25] : memref<321x64xf32, #tpu.memory_space<vmem>> -> memref<320x64xf32, #tpu.memory_space<vmem>>
        %dma_start3A_27 = tpu.memref_slice %arg5[%mul3A_2, %mul3A_24] : memref<10240x2048xf32, #tpu.memory_space<hbm>> -> memref<320x64xf32, #tpu.memory_space<hbm>>
        %dma_start3A_28 = tpu.memref_slice %arg5[%mul3A_2, %mul3A_24] : memref<10240x2048xf32, #tpu.memory_space<hbm>> -> memref<320x64xf32, #tpu.memory_space<hbm>>
        %dma_start3A_29 = arith.constant 0 : i32
        %dma_start3A_30 = arith.constant 0 : i32
        %dma_start3A_31 = tpu.memref_slice %arg12[%dma_start3A_29, %dma_start3A_30] : memref<321x64xf32, #tpu.memory_space<vmem>> -> memref<320x64xf32, #tpu.memory_space<vmem>>
        tpu.enqueue_dma source(%dma_start3A_31 : memref<320x64xf32, #tpu.memory_space<vmem>>) target(%dma_start3A_28 : memref<320x64xf32, #tpu.memory_space<hbm>>) target_semaphore(%run_scoped3A : memref<!tpu.dma_semaphore, #tpu.memory_space<semaphore_mem>>)
        %dma_wait3A = arith.constant 0 : i32
        %dma_wait3A_32 = arith.constant 0 : i32
        %dma_wait3A_33 = tpu.memref_slice %arg12[%dma_wait3A, %dma_wait3A_32] : memref<321x64xf32, #tpu.memory_space<vmem>> -> memref<320x64xf32, #tpu.memory_space<vmem>>
        %dma_wait3A_34 = tpu.memref_slice %arg5[%mul3A_2, %mul3A_24] : memref<10240x2048xf32, #tpu.memory_space<hbm>> -> memref<320x64xf32, #tpu.memory_space<hbm>>
        %dma_wait3A_35 = tpu.memref_slice %arg5[%mul3A_2, %mul3A_24] : memref<10240x2048xf32, #tpu.memory_space<hbm>> -> memref<320x64xf32, #tpu.memory_space<hbm>>
        %dma_wait3A_36 = arith.constant 0 : i32
        %dma_wait3A_37 = arith.constant 0 : i32
        %dma_wait3A_38 = tpu.memref_slice %arg12[%dma_wait3A_36, %dma_wait3A_37] : memref<321x64xf32, #tpu.memory_space<vmem>> -> memref<320x64xf32, #tpu.memory_space<vmem>>
        tpu.wait_dma2 semaphore(%run_scoped3A : memref<!tpu.dma_semaphore, #tpu.memory_space<semaphore_mem>>) src(%dma_wait3A_38 : memref<320x64xf32, #tpu.memory_space<vmem>>) dst(%dma_wait3A_35 : memref<320x64xf32, #tpu.memory_space<hbm>>)
        tpu.yield
      }) : () -> ()
      "tpu.region"() ({
        %run_scoped3A = tpu.sem_alloc : memref<!tpu.dma_semaphore, #tpu.memory_space<semaphore_mem>>
        %dma_start3A = arith.constant 0 : i32
        %dma_start3A_25 = arith.constant 0 : i32
        %dma_start3A_26 = tpu.memref_slice %arg13[%dma_start3A, %dma_start3A_25] : memref<321x64xf32, #tpu.memory_space<vmem>> -> memref<320x64xf32, #tpu.memory_space<vmem>>
        %dma_start3A_27 = tpu.memref_slice %arg6[%mul3A_2, %mul3A_24] : memref<10240x2048xf32, #tpu.memory_space<hbm>> -> memref<320x64xf32, #tpu.memory_space<hbm>>
        %dma_start3A_28 = tpu.memref_slice %arg6[%mul3A_2, %mul3A_24] : memref<10240x2048xf32, #tpu.memory_space<hbm>> -> memref<320x64xf32, #tpu.memory_space<hbm>>
        %dma_start3A_29 = arith.constant 0 : i32
        %dma_start3A_30 = arith.constant 0 : i32
        %dma_start3A_31 = tpu.memref_slice %arg13[%dma_start3A_29, %dma_start3A_30] : memref<321x64xf32, #tpu.memory_space<vmem>> -> memref<320x64xf32, #tpu.memory_space<vmem>>
        tpu.enqueue_dma source(%dma_start3A_31 : memref<320x64xf32, #tpu.memory_space<vmem>>) target(%dma_start3A_28 : memref<320x64xf32, #tpu.memory_space<hbm>>) target_semaphore(%run_scoped3A : memref<!tpu.dma_semaphore, #tpu.memory_space<semaphore_mem>>)
        %dma_wait3A = arith.constant 0 : i32
        %dma_wait3A_32 = arith.constant 0 : i32
        %dma_wait3A_33 = tpu.memref_slice %arg13[%dma_wait3A, %dma_wait3A_32] : memref<321x64xf32, #tpu.memory_space<vmem>> -> memref<320x64xf32, #tpu.memory_space<vmem>>
        %dma_wait3A_34 = tpu.memref_slice %arg6[%mul3A_2, %mul3A_24] : memref<10240x2048xf32, #tpu.memory_space<hbm>> -> memref<320x64xf32, #tpu.memory_space<hbm>>
        %dma_wait3A_35 = tpu.memref_slice %arg6[%mul3A_2, %mul3A_24] : memref<10240x2048xf32, #tpu.memory_space<hbm>> -> memref<320x64xf32, #tpu.memory_space<hbm>>
        %dma_wait3A_36 = arith.constant 0 : i32
        %dma_wait3A_37 = arith.constant 0 : i32
        %dma_wait3A_38 = tpu.memref_slice %arg13[%dma_wait3A_36, %dma_wait3A_37] : memref<321x64xf32, #tpu.memory_space<vmem>> -> memref<320x64xf32, #tpu.memory_space<vmem>>
        tpu.wait_dma2 semaphore(%run_scoped3A : memref<!tpu.dma_semaphore, #tpu.memory_space<semaphore_mem>>) src(%dma_wait3A_38 : memref<320x64xf32, #tpu.memory_space<vmem>>) dst(%dma_wait3A_35 : memref<320x64xf32, #tpu.memory_space<hbm>>)
        tpu.yield
      }) : () -> ()
      "tpu.region"() ({
        %run_scoped3A = tpu.sem_alloc : memref<!tpu.dma_semaphore, #tpu.memory_space<semaphore_mem>>
        %dma_start3A = arith.constant 0 : i32
        %dma_start3A_25 = arith.constant 0 : i32
        %dma_start3A_26 = tpu.memref_slice %arg14[%dma_start3A, %dma_start3A_25] : memref<321x64xf32, #tpu.memory_space<vmem>> -> memref<320x64xf32, #tpu.memory_space<vmem>>
        %dma_start3A_27 = tpu.memref_slice %arg7[%mul3A_2, %mul3A_24] : memref<10240x2048xf32, #tpu.memory_space<hbm>> -> memref<320x64xf32, #tpu.memory_space<hbm>>
        %dma_start3A_28 = tpu.memref_slice %arg7[%mul3A_2, %mul3A_24] : memref<10240x2048xf32, #tpu.memory_space<hbm>> -> memref<320x64xf32, #tpu.memory_space<hbm>>
        %dma_start3A_29 = arith.constant 0 : i32
        %dma_start3A_30 = arith.constant 0 : i32
        %dma_start3A_31 = tpu.memref_slice %arg14[%dma_start3A_29, %dma_start3A_30] : memref<321x64xf32, #tpu.memory_space<vmem>> -> memref<320x64xf32, #tpu.memory_space<vmem>>
        tpu.enqueue_dma source(%dma_start3A_31 : memref<320x64xf32, #tpu.memory_space<vmem>>) target(%dma_start3A_28 : memref<320x64xf32, #tpu.memory_space<hbm>>) target_semaphore(%run_scoped3A : memref<!tpu.dma_semaphore, #tpu.memory_space<semaphore_mem>>)
        %dma_wait3A = arith.constant 0 : i32
        %dma_wait3A_32 = arith.constant 0 : i32
        %dma_wait3A_33 = tpu.memref_slice %arg14[%dma_wait3A, %dma_wait3A_32] : memref<321x64xf32, #tpu.memory_space<vmem>> -> memref<320x64xf32, #tpu.memory_space<vmem>>
        %dma_wait3A_34 = tpu.memref_slice %arg7[%mul3A_2, %mul3A_24] : memref<10240x2048xf32, #tpu.memory_space<hbm>> -> memref<320x64xf32, #tpu.memory_space<hbm>>
        %dma_wait3A_35 = tpu.memref_slice %arg7[%mul3A_2, %mul3A_24] : memref<10240x2048xf32, #tpu.memory_space<hbm>> -> memref<320x64xf32, #tpu.memory_space<hbm>>
        %dma_wait3A_36 = arith.constant 0 : i32
        %dma_wait3A_37 = arith.constant 0 : i32
        %dma_wait3A_38 = tpu.memref_slice %arg14[%dma_wait3A_36, %dma_wait3A_37] : memref<321x64xf32, #tpu.memory_space<vmem>> -> memref<320x64xf32, #tpu.memory_space<vmem>>
        tpu.wait_dma2 semaphore(%run_scoped3A : memref<!tpu.dma_semaphore, #tpu.memory_space<semaphore_mem>>) src(%dma_wait3A_38 : memref<320x64xf32, #tpu.memory_space<vmem>>) dst(%dma_wait3A_35 : memref<320x64xf32, #tpu.memory_space<hbm>>)
        tpu.yield
      }) : () -> ()
      "tpu.region"() ({
        %run_scoped3A = tpu.sem_alloc : memref<!tpu.dma_semaphore, #tpu.memory_space<semaphore_mem>>
        %dma_start3A = arith.constant 0 : i32
        %dma_start3A_25 = arith.constant 0 : i32
        %dma_start3A_26 = tpu.memref_slice %arg15[%dma_start3A, %dma_start3A_25] : memref<321x64xf32, #tpu.memory_space<vmem>> -> memref<320x64xf32, #tpu.memory_space<vmem>>
        %dma_start3A_27 = tpu.memref_slice %arg8[%mul3A_2, %mul3A_24] : memref<10240x2048xf32, #tpu.memory_space<hbm>> -> memref<320x64xf32, #tpu.memory_space<hbm>>
        %dma_start3A_28 = tpu.memref_slice %arg8[%mul3A_2, %mul3A_24] : memref<10240x2048xf32, #tpu.memory_space<hbm>> -> memref<320x64xf32, #tpu.memory_space<hbm>>
        %dma_start3A_29 = arith.constant 0 : i32
        %dma_start3A_30 = arith.constant 0 : i32
        %dma_start3A_31 = tpu.memref_slice %arg15[%dma_start3A_29, %dma_start3A_30] : memref<321x64xf32, #tpu.memory_space<vmem>> -> memref<320x64xf32, #tpu.memory_space<vmem>>
        tpu.enqueue_dma source(%dma_start3A_31 : memref<320x64xf32, #tpu.memory_space<vmem>>) target(%dma_start3A_28 : memref<320x64xf32, #tpu.memory_space<hbm>>) target_semaphore(%run_scoped3A : memref<!tpu.dma_semaphore, #tpu.memory_space<semaphore_mem>>)
        %dma_wait3A = arith.constant 0 : i32
        %dma_wait3A_32 = arith.constant 0 : i32
        %dma_wait3A_33 = tpu.memref_slice %arg15[%dma_wait3A, %dma_wait3A_32] : memref<321x64xf32, #tpu.memory_space<vmem>> -> memref<320x64xf32, #tpu.memory_space<vmem>>
        %dma_wait3A_34 = tpu.memref_slice %arg8[%mul3A_2, %mul3A_24] : memref<10240x2048xf32, #tpu.memory_space<hbm>> -> memref<320x64xf32, #tpu.memory_space<hbm>>
        %dma_wait3A_35 = tpu.memref_slice %arg8[%mul3A_2, %mul3A_24] : memref<10240x2048xf32, #tpu.memory_space<hbm>> -> memref<320x64xf32, #tpu.memory_space<hbm>>
        %dma_wait3A_36 = arith.constant 0 : i32
        %dma_wait3A_37 = arith.constant 0 : i32
        %dma_wait3A_38 = tpu.memref_slice %arg15[%dma_wait3A_36, %dma_wait3A_37] : memref<321x64xf32, #tpu.memory_space<vmem>> -> memref<320x64xf32, #tpu.memory_space<vmem>>
        tpu.wait_dma2 semaphore(%run_scoped3A : memref<!tpu.dma_semaphore, #tpu.memory_space<semaphore_mem>>) src(%dma_wait3A_38 : memref<320x64xf32, #tpu.memory_space<vmem>>) dst(%dma_wait3A_35 : memref<320x64xf32, #tpu.memory_space<hbm>>)
        tpu.yield
      }) : () -> ()
    }
    %scan3A_7 = arith.constant 32 : i32
    return
  }
}

module attributes {stable_mosaic.version = 14 : i64} {
  func.func @_kc2_body(%arg0: memref<2x50xf32, #tpu.memory_space<vmem>>, %arg1: memref<50x512xf32, #tpu.memory_space<vmem>>, %arg2: memref<1x512xf32, #tpu.memory_space<vmem>>, %arg3: memref<4x512x512xf32, #tpu.memory_space<vmem>>, %arg4: memref<2x2048xf32, #tpu.memory_space<vmem>>) attributes {dimension_semantics = [], scalar_prefetch = 0 : i64, scratch_operands = 0 : i64, tpu.core_type = #tpu.core_type<tc>} {
    %get3A = arith.constant 0 : index
    %get3A_0 = arith.constant 0 : index
    %get3A_1 = vector.load %arg0[%get3A, %get3A_0] : memref<2x50xf32, #tpu.memory_space<vmem>>, vector<2x50xf32>
    %get3A_2 = arith.constant 0 : index
    %get3A_3 = arith.constant 0 : index
    %get3A_4 = vector.load %arg1[%get3A_2, %get3A_3] : memref<50x512xf32, #tpu.memory_space<vmem>>, vector<50x512xf32>
    %dot_general3A = arith.constant dense<0.000000e+00> : vector<2x512xf32>
    %dot_general3A_5 = tpu.matmul %get3A_1, %get3A_4, %dot_general3A {dimension_numbers = #tpu.dot_dimension_numbers<[1], [0], [0], [1], [0, 0, 1, 1], [], []>, transpose_lhs_hint = false} : vector<2x50xf32>, vector<50x512xf32>, vector<2x512xf32> -> vector<2x512xf32>
    %get3A_6 = arith.constant 0 : index
    %get3A_7 = arith.constant 0 : index
    %get3A_8 = vector.load %arg2[%get3A_6, %get3A_7] : memref<1x512xf32, #tpu.memory_space<vmem>>, vector<1x512xf32>
    %add3A = vector.broadcast %get3A_8 : vector<1x512xf32> to vector<2x512xf32>
    %add3A_9 = arith.addf %dot_general3A_5, %add3A : vector<2x512xf32>
    %get3A_10 = arith.constant 0 : index
    %get3A_11 = arith.constant 0 : index
    %get3A_12 = arith.constant 0 : index
    %get3A_13 = vector.load %arg3[%get3A_10, %get3A_11, %get3A_12] : memref<4x512x512xf32, #tpu.memory_space<vmem>>, vector<1x512x512xf32>
    %get3A_14 = vector.shape_cast %get3A_13 : vector<1x512x512xf32> to vector<512x512xf32>
    %dot_general3A_15 = arith.constant dense<0.000000e+00> : vector<2x512xf32>
    %dot_general3A_16 = tpu.matmul %add3A_9, %get3A_14, %dot_general3A_15 {dimension_numbers = #tpu.dot_dimension_numbers<[1], [0], [0], [1], [0, 0, 1, 1], [], []>, transpose_lhs_hint = false} : vector<2x512xf32>, vector<512x512xf32>, vector<2x512xf32> -> vector<2x512xf32>
    %swap3A = arith.constant 0 : index
    %swap3A_17 = arith.constant 0 : index
    %swap3A_18 = vector.load %arg4[%swap3A, %swap3A_17] : memref<2x2048xf32, #tpu.memory_space<vmem>>, vector<2x512xf32>
    tpu.vector_store %arg4[%swap3A, %swap3A_17], %dot_general3A_16 {strides = array<i32>} : memref<2x2048xf32, #tpu.memory_space<vmem>>, vector<2x512xf32>,
    %get3A_19 = arith.constant 1 : index
    %get3A_20 = arith.constant 0 : index
    %get3A_21 = arith.constant 0 : index
    %get3A_22 = vector.load %arg3[%get3A_19, %get3A_20, %get3A_21] : memref<4x512x512xf32, #tpu.memory_space<vmem>>, vector<1x512x512xf32>
    %get3A_23 = vector.shape_cast %get3A_22 : vector<1x512x512xf32> to vector<512x512xf32>
    %dot_general3A_24 = arith.constant dense<0.000000e+00> : vector<2x512xf32>
    %dot_general3A_25 = tpu.matmul %add3A_9, %get3A_23, %dot_general3A_24 {dimension_numbers = #tpu.dot_dimension_numbers<[1], [0], [0], [1], [0, 0, 1, 1], [], []>, transpose_lhs_hint = false} : vector<2x512xf32>, vector<512x512xf32>, vector<2x512xf32> -> vector<2x512xf32>
    %swap3A_26 = arith.constant 0 : index
    %swap3A_27 = arith.constant 512 : index
    %swap3A_28 = vector.load %arg4[%swap3A_26, %swap3A_27] : memref<2x2048xf32, #tpu.memory_space<vmem>>, vector<2x512xf32>
    tpu.vector_store %arg4[%swap3A_26, %swap3A_27], %dot_general3A_25 {strides = array<i32>} : memref<2x2048xf32, #tpu.memory_space<vmem>>, vector<2x512xf32>,
    %get3A_29 = arith.constant 2 : index
    %get3A_30 = arith.constant 0 : index
    %get3A_31 = arith.constant 0 : index
    %get3A_32 = vector.load %arg3[%get3A_29, %get3A_30, %get3A_31] : memref<4x512x512xf32, #tpu.memory_space<vmem>>, vector<1x512x512xf32>
    %get3A_33 = vector.shape_cast %get3A_32 : vector<1x512x512xf32> to vector<512x512xf32>
    %dot_general3A_34 = arith.constant dense<0.000000e+00> : vector<2x512xf32>
    %dot_general3A_35 = tpu.matmul %add3A_9, %get3A_33, %dot_general3A_34 {dimension_numbers = #tpu.dot_dimension_numbers<[1], [0], [0], [1], [0, 0, 1, 1], [], []>, transpose_lhs_hint = false} : vector<2x512xf32>, vector<512x512xf32>, vector<2x512xf32> -> vector<2x512xf32>
    %swap3A_36 = arith.constant 0 : index
    %swap3A_37 = arith.constant 1024 : index
    %swap3A_38 = vector.load %arg4[%swap3A_36, %swap3A_37] : memref<2x2048xf32, #tpu.memory_space<vmem>>, vector<2x512xf32>
    tpu.vector_store %arg4[%swap3A_36, %swap3A_37], %dot_general3A_35 {strides = array<i32>} : memref<2x2048xf32, #tpu.memory_space<vmem>>, vector<2x512xf32>,
    %get3A_39 = arith.constant 3 : index
    %get3A_40 = arith.constant 0 : index
    %get3A_41 = arith.constant 0 : index
    %get3A_42 = vector.load %arg3[%get3A_39, %get3A_40, %get3A_41] : memref<4x512x512xf32, #tpu.memory_space<vmem>>, vector<1x512x512xf32>
    %get3A_43 = vector.shape_cast %get3A_42 : vector<1x512x512xf32> to vector<512x512xf32>
    %dot_general3A_44 = arith.constant dense<0.000000e+00> : vector<2x512xf32>
    %dot_general3A_45 = tpu.matmul %add3A_9, %get3A_43, %dot_general3A_44 {dimension_numbers = #tpu.dot_dimension_numbers<[1], [0], [0], [1], [0, 0, 1, 1], [], []>, transpose_lhs_hint = false} : vector<2x512xf32>, vector<512x512xf32>, vector<2x512xf32> -> vector<2x512xf32>
    %swap3A_46 = arith.constant 0 : index
    %swap3A_47 = arith.constant 1536 : index
    %swap3A_48 = vector.load %arg4[%swap3A_46, %swap3A_47] : memref<2x2048xf32, #tpu.memory_space<vmem>>, vector<2x512xf32>
    tpu.vector_store %arg4[%swap3A_46, %swap3A_47], %dot_general3A_45 {strides = array<i32>} : memref<2x2048xf32, #tpu.memory_space<vmem>>, vector<2x512xf32>,
    return
  }
}

module attributes {stable_mosaic.version = 14 : i64} {
  func.func @_kx_body(%arg0: i32, %arg1: memref<1000x512xf32, #tpu.memory_space<vmem>>, %arg2: memref<1000x2xf32, #tpu.memory_space<vmem>>, %arg3: memref<2x512xf32, #tpu.memory_space<vmem>>, %arg4: memref<1x512xf32, #tpu.memory_space<vmem>>, %arg5: memref<1000x512xf32, #tpu.memory_space<vmem>>) attributes {dimension_semantics = [#tpu.dimension_semantics<arbitrary>], iteration_bounds = array<i64: 10>, scalar_prefetch = 0 : i64, scratch_operands = 0 : i64, tpu.core_type = #tpu.core_type<tc>, window_params = [{transform_indices = @transform_0, window_bounds = array<i64: 1000, 512>}, {transform_indices = @transform_1, window_bounds = array<i64: 1000, 2>}, {pipeline_mode = #tpu.pipeline_mode<synchronous>, transform_indices = @transform_2, window_bounds = array<i64: 2, 512>}, {pipeline_mode = #tpu.pipeline_mode<synchronous>, transform_indices = @transform_3, window_bounds = array<i64: 1, 512>}, {transform_indices = @transform_4, window_bounds = array<i64: 1000, 512>}]} {
    %get3A = arith.constant 0 : index
    %get3A_0 = arith.constant 0 : index
    %get3A_1 = vector.load %arg1[%get3A, %get3A_0] : memref<1000x512xf32, #tpu.memory_space<vmem>>, vector<1000x512xf32>
    %get3A_2 = arith.constant 0 : index
    %get3A_3 = arith.constant 0 : index
    %get3A_4 = vector.load %arg2[%get3A_2, %get3A_3] : memref<1000x2xf32, #tpu.memory_space<vmem>>, vector<1000x2xf32>
    %get3A_5 = arith.constant 0 : index
    %get3A_6 = arith.constant 0 : index
    %get3A_7 = vector.load %arg3[%get3A_5, %get3A_6] : memref<2x512xf32, #tpu.memory_space<vmem>>, vector<2x512xf32>
    %dot_general3A = arith.constant dense<0.000000e+00> : vector<1000x512xf32>
    %dot_general3A_8 = tpu.matmul %get3A_4, %get3A_7, %dot_general3A {dimension_numbers = #tpu.dot_dimension_numbers<[1], [0], [0], [1], [0, 0, 1, 1], [], []>, transpose_lhs_hint = false} : vector<1000x2xf32>, vector<2x512xf32>, vector<1000x512xf32> -> vector<1000x512xf32>
    %add3A = arith.addf %get3A_1, %dot_general3A_8 : vector<1000x512xf32>
    %get3A_9 = arith.constant 0 : index
    %get3A_10 = arith.constant 0 : index
    %get3A_11 = vector.load %arg4[%get3A_9, %get3A_10] : memref<1x512xf32, #tpu.memory_space<vmem>>, vector<1x512xf32>
    %add3A_12 = vector.broadcast %get3A_11 : vector<1x512xf32> to vector<1000x512xf32>
    %add3A_13 = arith.addf %add3A, %add3A_12 : vector<1000x512xf32>
    %swap3A = arith.constant 0 : index
    %swap3A_14 = arith.constant 0 : index
    %swap3A_15 = vector.load %arg5[%swap3A, %swap3A_14] : memref<1000x512xf32, #tpu.memory_space<vmem>>, vector<1000x512xf32>
    tpu.vector_store %arg5[%swap3A, %swap3A_14], %add3A_13 {strides = array<i32>} : memref<1000x512xf32, #tpu.memory_space<vmem>>, vector<1000x512xf32>,
    return
  }
  func.func @transform_0(%arg0: i32) -> (i32, i32) {
    %c0_i32 = arith.constant 0 : i32
    %c0_i32_0 = arith.constant 0 : i32
    return %arg0, %c0_i32 : i32, i32
  }
  func.func @transform_1(%arg0: i32) -> (i32, i32) {
    %c0_i32 = arith.constant 0 : i32
    %c0_i32_0 = arith.constant 0 : i32
    return %arg0, %c0_i32 : i32, i32
  }
  func.func @transform_2(%arg0: i32) -> (i32, i32) {
    %c0_i32 = arith.constant 0 : i32
    %c0_i32_0 = arith.constant 0 : i32
    %c0_i32_1 = arith.constant 0 : i32
    return %c0_i32, %c0_i32_0 : i32, i32
  }
  func.func @transform_3(%arg0: i32) -> (i32, i32) {
    %c0_i32 = arith.constant 0 : i32
    %c0_i32_0 = arith.constant 0 : i32
    %c0_i32_1 = arith.constant 0 : i32
    return %c0_i32, %c0_i32_0 : i32, i32
  }
  func.func @transform_4(%arg0: i32) -> (i32, i32) {
    %c0_i32 = arith.constant 0 : i32
    %c0_i32_0 = arith.constant 0 : i32
    return %arg0, %c0_i32 : i32, i32
  }
}

module attributes {stable_mosaic.version = 14 : i64} {
  func.func @_kpre_body(%arg0: i32, %arg1: memref<400x512xf32, #tpu.memory_space<vmem>>, %arg2: memref<512x2048xf32, #tpu.memory_space<vmem>>, %arg3: memref<512x2048xf32, #tpu.memory_space<vmem>>, %arg4: memref<1x2048xf32, #tpu.memory_space<vmem>>, %arg5: memref<2x2048xf32, #tpu.memory_space<vmem>>, %arg6: memref<400x2048xf32, #tpu.memory_space<vmem>>, %arg7: memref<2x400x2048xf32, #tpu.memory_space<vmem>>) attributes {dimension_semantics = [#tpu.dimension_semantics<arbitrary>], iteration_bounds = array<i64: 25>, scalar_prefetch = 0 : i64, scratch_operands = 0 : i64, tpu.core_type = #tpu.core_type<tc>, window_params = [{transform_indices = @transform_0, window_bounds = array<i64: 400, 512>}, {pipeline_mode = #tpu.pipeline_mode<synchronous>, transform_indices = @transform_1, window_bounds = array<i64: 512, 2048>}, {pipeline_mode = #tpu.pipeline_mode<synchronous>, transform_indices = @transform_2, window_bounds = array<i64: 512, 2048>}, {pipeline_mode = #tpu.pipeline_mode<synchronous>, transform_indices = @transform_3, window_bounds = array<i64: 1, 2048>}, {pipeline_mode = #tpu.pipeline_mode<synchronous>, transform_indices = @transform_4, window_bounds = array<i64: 2, 2048>}, {transform_indices = @transform_5, window_bounds = array<i64: 400, 2048>}, {transform_indices = @transform_6, window_bounds = array<i64: 2, 400, 2048>}]} {
    %get3A = arith.constant 0 : index
    %get3A_0 = arith.constant 0 : index
    %get3A_1 = vector.load %arg1[%get3A, %get3A_0] : memref<400x512xf32, #tpu.memory_space<vmem>>, vector<400x512xf32>
    %get3A_2 = arith.constant 0 : index
    %get3A_3 = arith.constant 0 : index
    %get3A_4 = vector.load %arg2[%get3A_2, %get3A_3] : memref<512x2048xf32, #tpu.memory_space<vmem>>, vector<512x2048xf32>
    %dot_general3A = arith.constant dense<0.000000e+00> : vector<400x2048xf32>
    %dot_general3A_5 = tpu.matmul %get3A_1, %get3A_4, %dot_general3A {dimension_numbers = #tpu.dot_dimension_numbers<[1], [0], [0], [1], [0, 0, 1, 1], [], []>, transpose_lhs_hint = false} : vector<400x512xf32>, vector<512x2048xf32>, vector<400x2048xf32> -> vector<400x2048xf32>
    %get3A_6 = arith.constant 0 : index
    %get3A_7 = arith.constant 0 : index
    %get3A_8 = vector.load %arg4[%get3A_6, %get3A_7] : memref<1x2048xf32, #tpu.memory_space<vmem>>, vector<1x2048xf32>
    %add3A = vector.broadcast %get3A_8 : vector<1x2048xf32> to vector<400x2048xf32>
    %add3A_9 = arith.addf %dot_general3A_5, %add3A : vector<400x2048xf32>
    %swap3A = arith.constant 0 : index
    %swap3A_10 = arith.constant 0 : index
    %swap3A_11 = vector.load %arg6[%swap3A, %swap3A_10] : memref<400x2048xf32, #tpu.memory_space<vmem>>, vector<400x2048xf32>
    tpu.vector_store %arg6[%swap3A, %swap3A_10], %add3A_9 {strides = array<i32>} : memref<400x2048xf32, #tpu.memory_space<vmem>>, vector<400x2048xf32>,
    %get3A_12 = arith.constant 0 : index
    %get3A_13 = arith.constant 0 : index
    %get3A_14 = vector.load %arg3[%get3A_12, %get3A_13] : memref<512x2048xf32, #tpu.memory_space<vmem>>, vector<512x2048xf32>
    %dot_general3A_15 = arith.constant dense<0.000000e+00> : vector<400x2048xf32>
    %dot_general3A_16 = tpu.matmul %get3A_1, %get3A_14, %dot_general3A_15 {dimension_numbers = #tpu.dot_dimension_numbers<[1], [0], [0], [1], [0, 0, 1, 1], [], []>, transpose_lhs_hint = false} : vector<400x512xf32>, vector<512x2048xf32>, vector<400x2048xf32> -> vector<400x2048xf32>
    %get3A_17 = arith.constant 0 : index
    %get3A_18 = arith.constant 0 : index
    %get3A_19 = vector.load %arg5[%get3A_17, %get3A_18] : memref<2x2048xf32, #tpu.memory_space<vmem>>, vector<1x2048xf32>
    %add3A_20 = vector.broadcast %get3A_19 : vector<1x2048xf32> to vector<400x2048xf32>
    %add3A_21 = arith.addf %dot_general3A_16, %add3A_20 : vector<400x2048xf32>
    %swap3A_22 = arith.constant 0 : index
    %swap3A_23 = arith.constant 0 : index
    %swap3A_24 = arith.constant 0 : index
    %swap3A_25 = vector.load %arg7[%swap3A_22, %swap3A_23, %swap3A_24] : memref<2x400x2048xf32, #tpu.memory_space<vmem>>, vector<1x400x2048xf32>
    %swap3A_26 = vector.shape_cast %swap3A_25 : vector<1x400x2048xf32> to vector<400x2048xf32>
    %swap3A_27 = vector.shape_cast %add3A_21 : vector<400x2048xf32> to vector<1x400x2048xf32>
    tpu.vector_store %arg7[%swap3A_22, %swap3A_23, %swap3A_24], %swap3A_27 {strides = array<i32>} : memref<2x400x2048xf32, #tpu.memory_space<vmem>>, vector<1x400x2048xf32>,
    %get3A_28 = arith.constant 1 : index
    %get3A_29 = arith.constant 0 : index
    %get3A_30 = vector.load %arg5[%get3A_28, %get3A_29] : memref<2x2048xf32, #tpu.memory_space<vmem>>, vector<1x2048xf32>
    %add3A_31 = vector.broadcast %get3A_30 : vector<1x2048xf32> to vector<400x2048xf32>
    %add3A_32 = arith.addf %dot_general3A_16, %add3A_31 : vector<400x2048xf32>
    %swap3A_33 = arith.constant 1 : index
    %swap3A_34 = arith.constant 0 : index
    %swap3A_35 = arith.constant 0 : index
    %swap3A_36 = vector.load %arg7[%swap3A_33, %swap3A_34, %swap3A_35] : memref<2x400x2048xf32, #tpu.memory_space<vmem>>, vector<1x400x2048xf32>
    %swap3A_37 = vector.shape_cast %swap3A_36 : vector<1x400x2048xf32> to vector<400x2048xf32>
    %swap3A_38 = vector.shape_cast %add3A_32 : vector<400x2048xf32> to vector<1x400x2048xf32>
    tpu.vector_store %arg7[%swap3A_33, %swap3A_34, %swap3A_35], %swap3A_38 {strides = array<i32>} : memref<2x400x2048xf32, #tpu.memory_space<vmem>>, vector<1x400x2048xf32>,
    return
  }
  func.func @transform_0(%arg0: i32) -> (i32, i32) {
    %c0_i32 = arith.constant 0 : i32
    %c0_i32_0 = arith.constant 0 : i32
    return %arg0, %c0_i32 : i32, i32
  }
  func.func @transform_1(%arg0: i32) -> (i32, i32) {
    %c0_i32 = arith.constant 0 : i32
    %c0_i32_0 = arith.constant 0 : i32
    %c0_i32_1 = arith.constant 0 : i32
    return %c0_i32, %c0_i32_0 : i32, i32
  }
  func.func @transform_2(%arg0: i32) -> (i32, i32) {
    %c0_i32 = arith.constant 0 : i32
    %c0_i32_0 = arith.constant 0 : i32
    %c0_i32_1 = arith.constant 0 : i32
    return %c0_i32, %c0_i32_0 : i32, i32
  }
  func.func @transform_3(%arg0: i32) -> (i32, i32) {
    %c0_i32 = arith.constant 0 : i32
    %c0_i32_0 = arith.constant 0 : i32
    %c0_i32_1 = arith.constant 0 : i32
    return %c0_i32, %c0_i32_0 : i32, i32
  }
  func.func @transform_4(%arg0: i32) -> (i32, i32) {
    %c0_i32 = arith.constant 0 : i32
    %c0_i32_0 = arith.constant 0 : i32
    %c0_i32_1 = arith.constant 0 : i32
    return %c0_i32, %c0_i32_0 : i32, i32
  }
  func.func @transform_5(%arg0: i32) -> (i32, i32) {
    %c0_i32 = arith.constant 0 : i32
    %c0_i32_0 = arith.constant 0 : i32
    return %arg0, %c0_i32 : i32, i32
  }
  func.func @transform_6(%arg0: i32) -> (i32, i32, i32) {
    %c0_i32 = arith.constant 0 : i32
    %c0_i32_0 = arith.constant 0 : i32
    %c0_i32_1 = arith.constant 0 : i32
    return %c0_i32, %arg0, %c0_i32_0 : i32, i32, i32
  }
}

module attributes {stable_mosaic.version = 14 : i64} {
  func.func @_kpost_body(%arg0: i32, %arg1: memref<200x512xf32, #tpu.memory_space<vmem>>, %arg2: memref<200x2048xf32, #tpu.memory_space<vmem>>, %arg3: memref<200x2048xf32, #tpu.memory_space<vmem>>, %arg4: memref<200x2048xf32, #tpu.memory_space<vmem>>, %arg5: memref<200x2048xf32, #tpu.memory_space<vmem>>, %arg6: memref<200x2048xf32, #tpu.memory_space<vmem>>, %arg7: memref<200x1xf32, #tpu.memory_space<vmem>>, %arg8: memref<4x6656x128xf32, #tpu.memory_space<vmem>>, %arg9: memref<1x512xf32, #tpu.memory_space<vmem>>, %arg10: memref<512x512xf32, #tpu.memory_space<vmem>>, %arg11: memref<1x512xf32, #tpu.memory_space<vmem>>, %arg12: memref<200x512xf32, #tpu.memory_space<vmem>>, %arg13: memref<1x512xf32, #tpu.memory_space<vmem>>, %arg14: memref<1x512xf32, #tpu.memory_space<vmem>>) attributes {dimension_semantics = [#tpu.dimension_semantics<arbitrary>], iteration_bounds = array<i64: 50>, scalar_prefetch = 0 : i64, scratch_operands = 0 : i64, tpu.core_type = #tpu.core_type<tc>, window_params = [{transform_indices = @transform_0, window_bounds = array<i64: 200, 512>}, {transform_indices = @transform_1, window_bounds = array<i64: 200, 2048>}, {transform_indices = @transform_2, window_bounds = array<i64: 200, 2048>}, {transform_indices = @transform_3, window_bounds = array<i64: 200, 2048>}, {transform_indices = @transform_4, window_bounds = array<i64: 200, 2048>}, {transform_indices = @transform_5, window_bounds = array<i64: 200, 2048>}, {transform_indices = @transform_6, window_bounds = array<i64: 200, 1>}, {pipeline_mode = #tpu.pipeline_mode<synchronous>, transform_indices = @transform_7, window_bounds = array<i64: 4, 6656, 128>}, {pipeline_mode = #tpu.pipeline_mode<synchronous>, transform_indices = @transform_8, window_bounds = array<i64: 1, 512>}, {pipeline_mode = #tpu.pipeline_mode<synchronous>, transform_indices = @transform_9, window_bounds = array<i64: 512, 512>}, {pipeline_mode = #tpu.pipeline_mode<synchronous>, transform_indices = @transform_10, window_bounds = array<i64: 1, 512>}, {transform_indices = @transform_11, window_bounds = array<i64: 200, 512>}, {pipeline_mode = #tpu.pipeline_mode<synchronous>, transform_indices = @transform_12, window_bounds = array<i64: 1, 512>}, {pipeline_mode = #tpu.pipeline_mode<synchronous>, transform_indices = @transform_13, window_bounds = array<i64: 1, 512>}]} {
    %get3A = arith.constant 0 : index
    %get3A_0 = arith.constant 0 : index
    %get3A_1 = vector.load %arg7[%get3A, %get3A_0] : memref<200x1xf32, #tpu.memory_space<vmem>>, vector<200x1xf32>
    %max3A = arith.constant 1.000000e+00 : f32
    %max3A_2 = vector.broadcast %max3A : f32 to vector<200x1xf32>
    %max3A_3 = arith.maximumf %get3A_1, %max3A_2 : vector<200x1xf32>
    %gt3A = arith.constant 0.000000e+00 : f32
    %gt3A_4 = vector.broadcast %gt3A : f32 to vector<200x1xf32>
    %gt3A_5 = arith.cmpf ogt, %get3A_1, %gt3A_4 : vector<200x1xf32>
    %get3A_6 = arith.constant 0 : index
    %get3A_7 = arith.constant 0 : index
    %get3A_8 = vector.load %arg2[%get3A_6, %get3A_7] : memref<200x2048xf32, #tpu.memory_space<vmem>>, vector<200x2048xf32>
    %get3A_9 = arith.constant 0 : index
    %get3A_10 = arith.constant 0 : index
    %get3A_11 = vector.load %arg3[%get3A_9, %get3A_10] : memref<200x2048xf32, #tpu.memory_space<vmem>>, vector<200x2048xf32>
    %div3A = vector.broadcast %max3A_3 : vector<200x1xf32> to vector<200x2048xf32>
    %div3A_12 = arith.divf %get3A_11, %div3A : vector<200x2048xf32>
    %add3A = arith.addf %get3A_8, %div3A_12 : vector<200x2048xf32>
    %jit3A = arith.constant 0.000000e+00 : f32
    %broadcast_in_dim3A = vector.shape_cast %gt3A_5 : vector<200x1xi1> to vector<200x1xi1>
    %broadcast_in_dim3A_13 = vector.broadcast %broadcast_in_dim3A : vector<200x1xi1> to vector<200x2048xi1>
    %broadcast_in_dim3A_14 = vector.broadcast %jit3A : f32 to vector<200x2048xf32>
    %select_n3A = arith.select %broadcast_in_dim3A_13, %add3A, %broadcast_in_dim3A_14 : vector<200x2048xi1>, vector<200x2048xf32>
    %get3A_15 = arith.constant 0 : index
    %get3A_16 = arith.constant 0 : index
    %get3A_17 = vector.load %arg4[%get3A_15, %get3A_16] : memref<200x2048xf32, #tpu.memory_space<vmem>>, vector<200x2048xf32>
    %div3A_18 = vector.broadcast %max3A_3 : vector<200x1xf32> to vector<200x2048xf32>
    %div3A_19 = arith.divf %get3A_17, %div3A_18 : vector<200x2048xf32>
    %mul3A = arith.mulf %div3A_12, %div3A_12 : vector<200x2048xf32>
    %sub3A = arith.subf %div3A_19, %mul3A : vector<200x2048xf32>
    %max3A_20 = arith.constant 0.000000e+00 : f32
    %max3A_21 = vector.broadcast %max3A_20 : f32 to vector<200x2048xf32>
    %max3A_22 = arith.maximumf %sub3A, %max3A_21 : vector<200x2048xf32>
    %add3A_23 = arith.constant 9.99999974E-6 : f32
    %add3A_24 = vector.broadcast %add3A_23 : f32 to vector<200x2048xf32>
    %add3A_25 = arith.addf %max3A_22, %add3A_24 : vector<200x2048xf32>
    %sqrt3A = math.sqrt %add3A_25 : vector<200x2048xf32>
    %get3A_26 = arith.constant 0 : index
    %get3A_27 = arith.constant 0 : index
    %get3A_28 = vector.load %arg5[%get3A_26, %get3A_27] : memref<200x2048xf32, #tpu.memory_space<vmem>>, vector<200x2048xf32>
    %add3A_29 = arith.addf %get3A_8, %get3A_28 : vector<200x2048xf32>
    %jit3A_30 = arith.constant 0.000000e+00 : f32
    %broadcast_in_dim3A_31 = vector.shape_cast %gt3A_5 : vector<200x1xi1> to vector<200x1xi1>
    %broadcast_in_dim3A_32 = vector.broadcast %broadcast_in_dim3A_31 : vector<200x1xi1> to vector<200x2048xi1>
    %broadcast_in_dim3A_33 = vector.broadcast %jit3A_30 : f32 to vector<200x2048xf32>
    %select_n3A_34 = arith.select %broadcast_in_dim3A_32, %add3A_29, %broadcast_in_dim3A_33 : vector<200x2048xi1>, vector<200x2048xf32>
    %get3A_35 = arith.constant 0 : index
    %get3A_36 = arith.constant 0 : index
    %get3A_37 = vector.load %arg6[%get3A_35, %get3A_36] : memref<200x2048xf32, #tpu.memory_space<vmem>>, vector<200x2048xf32>
    %add3A_38 = arith.addf %get3A_8, %get3A_37 : vector<200x2048xf32>
    %jit3A_39 = arith.constant 0.000000e+00 : f32
    %broadcast_in_dim3A_40 = vector.shape_cast %gt3A_5 : vector<200x1xi1> to vector<200x1xi1>
    %broadcast_in_dim3A_41 = vector.broadcast %broadcast_in_dim3A_40 : vector<200x1xi1> to vector<200x2048xi1>
    %broadcast_in_dim3A_42 = vector.broadcast %jit3A_39 : f32 to vector<200x2048xf32>
    %select_n3A_43 = arith.select %broadcast_in_dim3A_41, %add3A_38, %broadcast_in_dim3A_42 : vector<200x2048xi1>, vector<200x2048xf32>
    %add3A_44 = arith.constant 1.000000e+00 : f32
    %add3A_45 = vector.broadcast %add3A_44 : f32 to vector<200x1xf32>
    %add3A_46 = arith.addf %max3A_3, %add3A_45 : vector<200x1xf32>
    %log3A = math.log %add3A_46 : vector<200x1xf32>
    %mul3A_47 = arith.constant 5.971960e-01 : f32
    %mul3A_48 = vector.broadcast %mul3A_47 : f32 to vector<200x1xf32>
    %mul3A_49 = arith.mulf %log3A, %mul3A_48 : vector<200x1xf32>
    %div3A_50 = arith.constant 1.67449224 : f32
    %div3A_51 = vector.broadcast %div3A_50 : f32 to vector<200x1xf32>
    %div3A_52 = arith.divf %div3A_51, %log3A : vector<200x1xf32>
    %get3A_53 = arith.constant 0 : index
    %get3A_54 = arith.constant 0 : index
    %get3A_55 = vector.load %arg1[%get3A_53, %get3A_54] : memref<200x512xf32, #tpu.memory_space<vmem>>, vector<200x512xf32>
    %slice3A = vector.extract_strided_slice %select_n3A {offsets = [0, 0], sizes = [200, 512], strides = [1, 1]} : vector<200x2048xf32> to vector<200x512xf32>
    %slice3A_56 = vector.extract_strided_slice %select_n3A_34 {offsets = [0, 0], sizes = [200, 512], strides = [1, 1]} : vector<200x2048xf32> to vector<200x512xf32>
    %slice3A_57 = vector.extract_strided_slice %select_n3A_43 {offsets = [0, 0], sizes = [200, 512], strides = [1, 1]} : vector<200x2048xf32> to vector<200x512xf32>
    %slice3A_58 = vector.extract_strided_slice %sqrt3A {offsets = [0, 0], sizes = [200, 512], strides = [1, 1]} : vector<200x2048xf32> to vector<200x512xf32>
    %concatenate3A = tpu.concatenate %slice3A, %slice3A_56, %slice3A_57, %slice3A_58 in 1 : vector<200x512xf32>, vector<200x512xf32>, vector<200x512xf32>, vector<200x512xf32> -> vector<200x2048xf32>
    %mul3A_59 = vector.broadcast %mul3A_49 : vector<200x1xf32> to vector<200x2048xf32>
    %mul3A_60 = arith.mulf %concatenate3A, %mul3A_59 : vector<200x2048xf32>
    %mul3A_61 = vector.broadcast %div3A_52 : vector<200x1xf32> to vector<200x2048xf32>
    %mul3A_62 = arith.mulf %concatenate3A, %mul3A_61 : vector<200x2048xf32>
    %concatenate3A_63 = tpu.concatenate %get3A_55, %concatenate3A, %mul3A_60, %mul3A_62 in 1 : vector<200x512xf32>, vector<200x2048xf32>, vector<200x2048xf32>, vector<200x2048xf32> -> vector<200x6656xf32>
    %get3A_64 = arith.constant 0 : index
    %get3A_65 = arith.constant 0 : index
    %get3A_66 = arith.constant 0 : index
    %get3A_67 = vector.load %arg8[%get3A_64, %get3A_65, %get3A_66] : memref<4x6656x128xf32, #tpu.memory_space<vmem>>, vector<1x6656x128xf32>
    %get3A_68 = vector.shape_cast %get3A_67 : vector<1x6656x128xf32> to vector<6656x128xf32>
    %dot_general3A = arith.constant dense<0.000000e+00> : vector<200x128xf32>
    %dot_general3A_69 = tpu.matmul %concatenate3A_63, %get3A_68, %dot_general3A {dimension_numbers = #tpu.dot_dimension_numbers<[1], [0], [0], [1], [0, 0, 1, 1], [], []>, transpose_lhs_hint = false} : vector<200x6656xf32>, vector<6656x128xf32>, vector<200x128xf32> -> vector<200x128xf32>
    %get3A_70 = arith.constant 0 : index
    %get3A_71 = arith.constant 0 : index
    %get3A_72 = vector.load %arg9[%get3A_70, %get3A_71] : memref<1x512xf32, #tpu.memory_space<vmem>>, vector<1x128xf32>
    %add3A_73 = vector.broadcast %get3A_72 : vector<1x128xf32> to vector<200x128xf32>
    %add3A_74 = arith.addf %dot_general3A_69, %add3A_73 : vector<200x128xf32>
    %slice3A_75 = vector.extract_strided_slice %select_n3A {offsets = [0, 512], sizes = [200, 512], strides = [1, 1]} : vector<200x2048xf32> to vector<200x512xf32>
    %slice3A_76 = vector.extract_strided_slice %select_n3A_34 {offsets = [0, 512], sizes = [200, 512], strides = [1, 1]} : vector<200x2048xf32> to vector<200x512xf32>
    %slice3A_77 = vector.extract_strided_slice %select_n3A_43 {offsets = [0, 512], sizes = [200, 512], strides = [1, 1]} : vector<200x2048xf32> to vector<200x512xf32>
    %slice3A_78 = vector.extract_strided_slice %sqrt3A {offsets = [0, 512], sizes = [200, 512], strides = [1, 1]} : vector<200x2048xf32> to vector<200x512xf32>
    %concatenate3A_79 = tpu.concatenate %slice3A_75, %slice3A_76, %slice3A_77, %slice3A_78 in 1 : vector<200x512xf32>, vector<200x512xf32>, vector<200x512xf32>, vector<200x512xf32> -> vector<200x2048xf32>
    %mul3A_80 = vector.broadcast %mul3A_49 : vector<200x1xf32> to vector<200x2048xf32>
    %mul3A_81 = arith.mulf %concatenate3A_79, %mul3A_80 : vector<200x2048xf32>
    %mul3A_82 = vector.broadcast %div3A_52 : vector<200x1xf32> to vector<200x2048xf32>
    %mul3A_83 = arith.mulf %concatenate3A_79, %mul3A_82 : vector<200x2048xf32>
    %concatenate3A_84 = tpu.concatenate %get3A_55, %concatenate3A_79, %mul3A_81, %mul3A_83 in 1 : vector<200x512xf32>, vector<200x2048xf32>, vector<200x2048xf32>, vector<200x2048xf32> -> vector<200x6656xf32>
    %get3A_85 = arith.constant 1 : index
    %get3A_86 = arith.constant 0 : index
    %get3A_87 = arith.constant 0 : index
    %get3A_88 = vector.load %arg8[%get3A_85, %get3A_86, %get3A_87] : memref<4x6656x128xf32, #tpu.memory_space<vmem>>, vector<1x6656x128xf32>
    %get3A_89 = vector.shape_cast %get3A_88 : vector<1x6656x128xf32> to vector<6656x128xf32>
    %dot_general3A_90 = arith.constant dense<0.000000e+00> : vector<200x128xf32>
    %dot_general3A_91 = tpu.matmul %concatenate3A_84, %get3A_89, %dot_general3A_90 {dimension_numbers = #tpu.dot_dimension_numbers<[1], [0], [0], [1], [0, 0, 1, 1], [], []>, transpose_lhs_hint = false} : vector<200x6656xf32>, vector<6656x128xf32>, vector<200x128xf32> -> vector<200x128xf32>
    %get3A_92 = arith.constant 0 : index
    %get3A_93 = arith.constant 128 : index
    %get3A_94 = vector.load %arg9[%get3A_92, %get3A_93] : memref<1x512xf32, #tpu.memory_space<vmem>>, vector<1x128xf32>
    %add3A_95 = vector.broadcast %get3A_94 : vector<1x128xf32> to vector<200x128xf32>
    %add3A_96 = arith.addf %dot_general3A_91, %add3A_95 : vector<200x128xf32>
    %slice3A_97 = vector.extract_strided_slice %select_n3A {offsets = [0, 1024], sizes = [200, 512], strides = [1, 1]} : vector<200x2048xf32> to vector<200x512xf32>
    %slice3A_98 = vector.extract_strided_slice %select_n3A_34 {offsets = [0, 1024], sizes = [200, 512], strides = [1, 1]} : vector<200x2048xf32> to vector<200x512xf32>
    %slice3A_99 = vector.extract_strided_slice %select_n3A_43 {offsets = [0, 1024], sizes = [200, 512], strides = [1, 1]} : vector<200x2048xf32> to vector<200x512xf32>
    %slice3A_100 = vector.extract_strided_slice %sqrt3A {offsets = [0, 1024], sizes = [200, 512], strides = [1, 1]} : vector<200x2048xf32> to vector<200x512xf32>
    %concatenate3A_101 = tpu.concatenate %slice3A_97, %slice3A_98, %slice3A_99, %slice3A_100 in 1 : vector<200x512xf32>, vector<200x512xf32>, vector<200x512xf32>, vector<200x512xf32> -> vector<200x2048xf32>
    %mul3A_102 = vector.broadcast %mul3A_49 : vector<200x1xf32> to vector<200x2048xf32>
    %mul3A_103 = arith.mulf %concatenate3A_101, %mul3A_102 : vector<200x2048xf32>
    %mul3A_104 = vector.broadcast %div3A_52 : vector<200x1xf32> to vector<200x2048xf32>
    %mul3A_105 = arith.mulf %concatenate3A_101, %mul3A_104 : vector<200x2048xf32>
    %concatenate3A_106 = tpu.concatenate %get3A_55, %concatenate3A_101, %mul3A_103, %mul3A_105 in 1 : vector<200x512xf32>, vector<200x2048xf32>, vector<200x2048xf32>, vector<200x2048xf32> -> vector<200x6656xf32>
    %get3A_107 = arith.constant 2 : index
    %get3A_108 = arith.constant 0 : index
    %get3A_109 = arith.constant 0 : index
    %get3A_110 = vector.load %arg8[%get3A_107, %get3A_108, %get3A_109] : memref<4x6656x128xf32, #tpu.memory_space<vmem>>, vector<1x6656x128xf32>
    %get3A_111 = vector.shape_cast %get3A_110 : vector<1x6656x128xf32> to vector<6656x128xf32>
    %dot_general3A_112 = arith.constant dense<0.000000e+00> : vector<200x128xf32>
    %dot_general3A_113 = tpu.matmul %concatenate3A_106, %get3A_111, %dot_general3A_112 {dimension_numbers = #tpu.dot_dimension_numbers<[1], [0], [0], [1], [0, 0, 1, 1], [], []>, transpose_lhs_hint = false} : vector<200x6656xf32>, vector<6656x128xf32>, vector<200x128xf32> -> vector<200x128xf32>
    %get3A_114 = arith.constant 0 : index
    %get3A_115 = arith.constant 256 : index
    %get3A_116 = vector.load %arg9[%get3A_114, %get3A_115] : memref<1x512xf32, #tpu.memory_space<vmem>>, vector<1x128xf32>
    %add3A_117 = vector.broadcast %get3A_116 : vector<1x128xf32> to vector<200x128xf32>
    %add3A_118 = arith.addf %dot_general3A_113, %add3A_117 : vector<200x128xf32>
    %slice3A_119 = vector.extract_strided_slice %select_n3A {offsets = [0, 1536], sizes = [200, 512], strides = [1, 1]} : vector<200x2048xf32> to vector<200x512xf32>
    %slice3A_120 = vector.extract_strided_slice %select_n3A_34 {offsets = [0, 1536], sizes = [200, 512], strides = [1, 1]} : vector<200x2048xf32> to vector<200x512xf32>
    %slice3A_121 = vector.extract_strided_slice %select_n3A_43 {offsets = [0, 1536], sizes = [200, 512], strides = [1, 1]} : vector<200x2048xf32> to vector<200x512xf32>
    %slice3A_122 = vector.extract_strided_slice %sqrt3A {offsets = [0, 1536], sizes = [200, 512], strides = [1, 1]} : vector<200x2048xf32> to vector<200x512xf32>
    %concatenate3A_123 = tpu.concatenate %slice3A_119, %slice3A_120, %slice3A_121, %slice3A_122 in 1 : vector<200x512xf32>, vector<200x512xf32>, vector<200x512xf32>, vector<200x512xf32> -> vector<200x2048xf32>
    %mul3A_124 = vector.broadcast %mul3A_49 : vector<200x1xf32> to vector<200x2048xf32>
    %mul3A_125 = arith.mulf %concatenate3A_123, %mul3A_124 : vector<200x2048xf32>
    %mul3A_126 = vector.broadcast %div3A_52 : vector<200x1xf32> to vector<200x2048xf32>
    %mul3A_127 = arith.mulf %concatenate3A_123, %mul3A_126 : vector<200x2048xf32>
    %concatenate3A_128 = tpu.concatenate %get3A_55, %concatenate3A_123, %mul3A_125, %mul3A_127 in 1 : vector<200x512xf32>, vector<200x2048xf32>, vector<200x2048xf32>, vector<200x2048xf32> -> vector<200x6656xf32>
    %get3A_129 = arith.constant 3 : index
    %get3A_130 = arith.constant 0 : index
    %get3A_131 = arith.constant 0 : index
    %get3A_132 = vector.load %arg8[%get3A_129, %get3A_130, %get3A_131] : memref<4x6656x128xf32, #tpu.memory_space<vmem>>, vector<1x6656x128xf32>
    %get3A_133 = vector.shape_cast %get3A_132 : vector<1x6656x128xf32> to vector<6656x128xf32>
    %dot_general3A_134 = arith.constant dense<0.000000e+00> : vector<200x128xf32>
    %dot_general3A_135 = tpu.matmul %concatenate3A_128, %get3A_133, %dot_general3A_134 {dimension_numbers = #tpu.dot_dimension_numbers<[1], [0], [0], [1], [0, 0, 1, 1], [], []>, transpose_lhs_hint = false} : vector<200x6656xf32>, vector<6656x128xf32>, vector<200x128xf32> -> vector<200x128xf32>
    %get3A_136 = arith.constant 0 : index
    %get3A_137 = arith.constant 384 : index
    %get3A_138 = vector.load %arg9[%get3A_136, %get3A_137] : memref<1x512xf32, #tpu.memory_space<vmem>>, vector<1x128xf32>
    %add3A_139 = vector.broadcast %get3A_138 : vector<1x128xf32> to vector<200x128xf32>
    %add3A_140 = arith.addf %dot_general3A_135, %add3A_139 : vector<200x128xf32>
    %concatenate3A_141 = tpu.concatenate %add3A_74, %add3A_96, %add3A_118, %add3A_140 in 1 : vector<200x128xf32>, vector<200x128xf32>, vector<200x128xf32>, vector<200x128xf32> -> vector<200x512xf32>
    %get3A_142 = arith.constant 0 : index
    %get3A_143 = arith.constant 0 : index
    %get3A_144 = vector.load %arg10[%get3A_142, %get3A_143] : memref<512x512xf32, #tpu.memory_space<vmem>>, vector<512x512xf32>
    %dot_general3A_145 = arith.constant dense<0.000000e+00> : vector<200x512xf32>
    %dot_general3A_146 = tpu.matmul %concatenate3A_141, %get3A_144, %dot_general3A_145 {dimension_numbers = #tpu.dot_dimension_numbers<[1], [0], [0], [1], [0, 0, 1, 1], [], []>, transpose_lhs_hint = false} : vector<200x512xf32>, vector<512x512xf32>, vector<200x512xf32> -> vector<200x512xf32>
    %get3A_147 = arith.constant 0 : index
    %get3A_148 = arith.constant 0 : index
    %get3A_149 = vector.load %arg11[%get3A_147, %get3A_148] : memref<1x512xf32, #tpu.memory_space<vmem>>, vector<1x512xf32>
    %add3A_150 = vector.broadcast %get3A_149 : vector<1x512xf32> to vector<200x512xf32>
    %add3A_151 = arith.addf %dot_general3A_146, %add3A_150 : vector<200x512xf32>
    %swap3A = arith.constant 0 : index
    %swap3A_152 = arith.constant 0 : index
    %swap3A_153 = vector.load %arg12[%swap3A, %swap3A_152] : memref<200x512xf32, #tpu.memory_space<vmem>>, vector<200x512xf32>
    tpu.vector_store %arg12[%swap3A, %swap3A_152], %add3A_151 {strides = array<i32>} : memref<200x512xf32, #tpu.memory_space<vmem>>, vector<200x512xf32>,
    %eq3A = arith.constant 0 : i32
    %eq3A_154 = arith.cmpi eq, %arg0, %eq3A : i32
    %convert_element_type3A = arith.extui %eq3A_154 : i1 to i32
    %cond3A = arith.constant 0 : i32
    %cond3A_155 = arith.cmpi ne, %convert_element_type3A, %cond3A : i32
    scf.if %cond3A_155 {
      %broadcast_in_dim3A_176 = arith.constant 0.000000e+00 : f32
      %broadcast_in_dim3A_177 = vector.broadcast %broadcast_in_dim3A_176 : f32 to vector<1x512xf32>
      %swap3A_178 = arith.constant 0 : index
      %swap3A_179 = arith.constant 0 : index
      %swap3A_180 = vector.load %arg13[%swap3A_178, %swap3A_179] : memref<1x512xf32, #tpu.memory_space<vmem>>, vector<1x512xf32>
      tpu.vector_store %arg13[%swap3A_178, %swap3A_179], %broadcast_in_dim3A_177 {strides = array<i32>} : memref<1x512xf32, #tpu.memory_space<vmem>>, vector<1x512xf32>,
      %broadcast_in_dim3A_181 = arith.constant 0.000000e+00 : f32
      %broadcast_in_dim3A_182 = vector.broadcast %broadcast_in_dim3A_181 : f32 to vector<1x512xf32>
      %swap3A_183 = arith.constant 0 : index
      %swap3A_184 = arith.constant 0 : index
      %swap3A_185 = vector.load %arg14[%swap3A_183, %swap3A_184] : memref<1x512xf32, #tpu.memory_space<vmem>>, vector<1x512xf32>
      tpu.vector_store %arg14[%swap3A_183, %swap3A_184], %broadcast_in_dim3A_182 {strides = array<i32>} : memref<1x512xf32, #tpu.memory_space<vmem>>, vector<1x512xf32>,
    } else {
    }
    %get3A_156 = arith.constant 0 : index
    %get3A_157 = arith.constant 0 : index
    %get3A_158 = vector.load %arg13[%get3A_156, %get3A_157] : memref<1x512xf32, #tpu.memory_space<vmem>>, vector<1x512xf32>
    %reduce_sum3A = arith.constant dense<0.000000e+00> : vector<512xf32>
    %reduce_sum3A_159 = vector.multi_reduction <add>, %add3A_151, %reduce_sum3A [0] : vector<200x512xf32> to vector<512xf32>
    %broadcast_in_dim3A_160 = vector.shape_cast %reduce_sum3A_159 : vector<512xf32> to vector<1x512xf32>
    %add3A_161 = arith.addf %get3A_158, %broadcast_in_dim3A_160 : vector<1x512xf32>
    %swap3A_162 = arith.constant 0 : index
    %swap3A_163 = arith.constant 0 : index
    %swap3A_164 = vector.load %arg13[%swap3A_162, %swap3A_163] : memref<1x512xf32, #tpu.memory_space<vmem>>, vector<1x512xf32>
    tpu.vector_store %arg13[%swap3A_162, %swap3A_163], %add3A_161 {strides = array<i32>} : memref<1x512xf32, #tpu.memory_space<vmem>>, vector<1x512xf32>,
    %get3A_165 = arith.constant 0 : index
    %get3A_166 = arith.constant 0 : index
    %get3A_167 = vector.load %arg14[%get3A_165, %get3A_166] : memref<1x512xf32, #tpu.memory_space<vmem>>, vector<1x512xf32>
    %mul3A_168 = arith.mulf %add3A_151, %add3A_151 : vector<200x512xf32>
    %reduce_sum3A_169 = arith.constant dense<0.000000e+00> : vector<512xf32>
    %reduce_sum3A_170 = vector.multi_reduction <add>, %mul3A_168, %reduce_sum3A_169 [0] : vector<200x512xf32> to vector<512xf32>
    %broadcast_in_dim3A_171 = vector.shape_cast %reduce_sum3A_170 : vector<512xf32> to vector<1x512xf32>
    %add3A_172 = arith.addf %get3A_167, %broadcast_in_dim3A_171 : vector<1x512xf32>
    %swap3A_173 = arith.constant 0 : index
    %swap3A_174 = arith.constant 0 : index
    %swap3A_175 = vector.load %arg14[%swap3A_173, %swap3A_174] : memref<1x512xf32, #tpu.memory_space<vmem>>, vector<1x512xf32>
    tpu.vector_store %arg14[%swap3A_173, %swap3A_174], %add3A_172 {strides = array<i32>} : memref<1x512xf32, #tpu.memory_space<vmem>>, vector<1x512xf32>,
    return
  }
  func.func @transform_0(%arg0: i32) -> (i32, i32) {
    %c0_i32 = arith.constant 0 : i32
    %c0_i32_0 = arith.constant 0 : i32
    return %arg0, %c0_i32 : i32, i32
  }
  func.func @transform_1(%arg0: i32) -> (i32, i32) {
    %c0_i32 = arith.constant 0 : i32
    %c0_i32_0 = arith.constant 0 : i32
    return %arg0, %c0_i32 : i32, i32
  }
  func.func @transform_2(%arg0: i32) -> (i32, i32) {
    %c0_i32 = arith.constant 0 : i32
    %c0_i32_0 = arith.constant 0 : i32
    return %arg0, %c0_i32 : i32, i32
  }
  func.func @transform_3(%arg0: i32) -> (i32, i32) {
    %c0_i32 = arith.constant 0 : i32
    %c0_i32_0 = arith.constant 0 : i32
    return %arg0, %c0_i32 : i32, i32
  }
  func.func @transform_4(%arg0: i32) -> (i32, i32) {
    %c0_i32 = arith.constant 0 : i32
    %c0_i32_0 = arith.constant 0 : i32
    return %arg0, %c0_i32 : i32, i32
  }
  func.func @transform_5(%arg0: i32) -> (i32, i32) {
    %c0_i32 = arith.constant 0 : i32
    %c0_i32_0 = arith.constant 0 : i32
    return %arg0, %c0_i32 : i32, i32
  }
  func.func @transform_6(%arg0: i32) -> (i32, i32) {
    %c0_i32 = arith.constant 0 : i32
    %c0_i32_0 = arith.constant 0 : i32
    return %arg0, %c0_i32 : i32, i32
  }
  func.func @transform_7(%arg0: i32) -> (i32, i32, i32) {
    %c0_i32 = arith.constant 0 : i32
    %c0_i32_0 = arith.constant 0 : i32
    %c0_i32_1 = arith.constant 0 : i32
    %c0_i32_2 = arith.constant 0 : i32
    return %c0_i32, %c0_i32_0, %c0_i32_1 : i32, i32, i32
  }
  func.func @transform_8(%arg0: i32) -> (i32, i32) {
    %c0_i32 = arith.constant 0 : i32
    %c0_i32_0 = arith.constant 0 : i32
    %c0_i32_1 = arith.constant 0 : i32
    return %c0_i32, %c0_i32_0 : i32, i32
  }
  func.func @transform_9(%arg0: i32) -> (i32, i32) {
    %c0_i32 = arith.constant 0 : i32
    %c0_i32_0 = arith.constant 0 : i32
    %c0_i32_1 = arith.constant 0 : i32
    return %c0_i32, %c0_i32_0 : i32, i32
  }
  func.func @transform_10(%arg0: i32) -> (i32, i32) {
    %c0_i32 = arith.constant 0 : i32
    %c0_i32_0 = arith.constant 0 : i32
    %c0_i32_1 = arith.constant 0 : i32
    return %c0_i32, %c0_i32_0 : i32, i32
  }
  func.func @transform_11(%arg0: i32) -> (i32, i32) {
    %c0_i32 = arith.constant 0 : i32
    %c0_i32_0 = arith.constant 0 : i32
    return %arg0, %c0_i32 : i32, i32
  }
  func.func @transform_12(%arg0: i32) -> (i32, i32) {
    %c0_i32 = arith.constant 0 : i32
    %c0_i32_0 = arith.constant 0 : i32
    %c0_i32_1 = arith.constant 0 : i32
    return %c0_i32, %c0_i32_0 : i32, i32
  }
  func.func @transform_13(%arg0: i32) -> (i32, i32) {
    %c0_i32 = arith.constant 0 : i32
    %c0_i32_0 = arith.constant 0 : i32
    %c0_i32_1 = arith.constant 0 : i32
    return %c0_i32, %c0_i32_0 : i32, i32
  }
}

module attributes {stable_mosaic.version = 14 : i64} {
  func.func @_kbn_body(%arg0: i32, %arg1: memref<1000x512xf32, #tpu.memory_space<vmem>>, %arg2: memref<1x512xf32, #tpu.memory_space<vmem>>, %arg3: memref<1x512xf32, #tpu.memory_space<vmem>>, %arg4: memref<1x512xf32, #tpu.memory_space<vmem>>, %arg5: memref<1x512xf32, #tpu.memory_space<vmem>>, %arg6: memref<1000x512xf32, #tpu.memory_space<vmem>>) attributes {dimension_semantics = [#tpu.dimension_semantics<arbitrary>], iteration_bounds = array<i64: 10>, scalar_prefetch = 0 : i64, scratch_operands = 0 : i64, tpu.core_type = #tpu.core_type<tc>, window_params = [{transform_indices = @transform_0, window_bounds = array<i64: 1000, 512>}, {pipeline_mode = #tpu.pipeline_mode<synchronous>, transform_indices = @transform_1, window_bounds = array<i64: 1, 512>}, {pipeline_mode = #tpu.pipeline_mode<synchronous>, transform_indices = @transform_2, window_bounds = array<i64: 1, 512>}, {pipeline_mode = #tpu.pipeline_mode<synchronous>, transform_indices = @transform_3, window_bounds = array<i64: 1, 512>}, {pipeline_mode = #tpu.pipeline_mode<synchronous>, transform_indices = @transform_4, window_bounds = array<i64: 1, 512>}, {transform_indices = @transform_5, window_bounds = array<i64: 1000, 512>}]} {
    %get3A = arith.constant 0 : index
    %get3A_0 = arith.constant 0 : index
    %get3A_1 = vector.load %arg2[%get3A, %get3A_0] : memref<1x512xf32, #tpu.memory_space<vmem>>, vector<1x512xf32>
    %mul3A = arith.constant 9.99999974E-5 : f32
    %mul3A_2 = vector.broadcast %mul3A : f32 to vector<1x512xf32>
    %mul3A_3 = arith.mulf %get3A_1, %mul3A_2 : vector<1x512xf32>
    %get3A_4 = arith.constant 0 : index
    %get3A_5 = arith.constant 0 : index
    %get3A_6 = vector.load %arg3[%get3A_4, %get3A_5] : memref<1x512xf32, #tpu.memory_space<vmem>>, vector<1x512xf32>
    %mul3A_7 = arith.constant 9.99999974E-5 : f32
    %mul3A_8 = vector.broadcast %mul3A_7 : f32 to vector<1x512xf32>
    %mul3A_9 = arith.mulf %get3A_6, %mul3A_8 : vector<1x512xf32>
    %mul3A_10 = arith.mulf %mul3A_3, %mul3A_3 : vector<1x512xf32>
    %sub3A = arith.subf %mul3A_9, %mul3A_10 : vector<1x512xf32>
    %add3A = arith.constant 9.99999974E-6 : f32
    %add3A_11 = vector.broadcast %add3A : f32 to vector<1x512xf32>
    %add3A_12 = arith.addf %sub3A, %add3A_11 : vector<1x512xf32>
    %rsqrt3A = math.rsqrt %add3A_12 : vector<1x512xf32>
    %get3A_13 = arith.constant 0 : index
    %get3A_14 = arith.constant 0 : index
    %get3A_15 = vector.load %arg1[%get3A_13, %get3A_14] : memref<1000x512xf32, #tpu.memory_space<vmem>>, vector<1000x512xf32>
    %sub3A_16 = vector.broadcast %mul3A_3 : vector<1x512xf32> to vector<1000x512xf32>
    %sub3A_17 = arith.subf %get3A_15, %sub3A_16 : vector<1000x512xf32>
    %mul3A_18 = vector.broadcast %rsqrt3A : vector<1x512xf32> to vector<1000x512xf32>
    %mul3A_19 = arith.mulf %sub3A_17, %mul3A_18 : vector<1000x512xf32>
    %get3A_20 = arith.constant 0 : index
    %get3A_21 = arith.constant 0 : index
    %get3A_22 = vector.load %arg4[%get3A_20, %get3A_21] : memref<1x512xf32, #tpu.memory_space<vmem>>, vector<1x512xf32>
    %mul3A_23 = vector.broadcast %get3A_22 : vector<1x512xf32> to vector<1000x512xf32>
    %mul3A_24 = arith.mulf %mul3A_19, %mul3A_23 : vector<1000x512xf32>
    %get3A_25 = arith.constant 0 : index
    %get3A_26 = arith.constant 0 : index
    %get3A_27 = vector.load %arg5[%get3A_25, %get3A_26] : memref<1x512xf32, #tpu.memory_space<vmem>>, vector<1x512xf32>
    %add3A_28 = vector.broadcast %get3A_27 : vector<1x512xf32> to vector<1000x512xf32>
    %add3A_29 = arith.addf %mul3A_24, %add3A_28 : vector<1000x512xf32>
    %max3A = arith.constant 0.000000e+00 : f32
    %max3A_30 = vector.broadcast %max3A : f32 to vector<1000x512xf32>
    %max3A_31 = arith.maximumf %add3A_29, %max3A_30 : vector<1000x512xf32>
    %swap3A = arith.constant 0 : index
    %swap3A_32 = arith.constant 0 : index
    %swap3A_33 = vector.load %arg6[%swap3A, %swap3A_32] : memref<1000x512xf32, #tpu.memory_space<vmem>>, vector<1000x512xf32>
    tpu.vector_store %arg6[%swap3A, %swap3A_32], %max3A_31 {strides = array<i32>} : memref<1000x512xf32, #tpu.memory_space<vmem>>, vector<1000x512xf32>,
    return
  }
  func.func @transform_0(%arg0: i32) -> (i32, i32) {
    %c0_i32 = arith.constant 0 : i32
    %c0_i32_0 = arith.constant 0 : i32
    return %arg0, %c0_i32 : i32, i32
  }
  func.func @transform_1(%arg0: i32) -> (i32, i32) {
    %c0_i32 = arith.constant 0 : i32
    %c0_i32_0 = arith.constant 0 : i32
    %c0_i32_1 = arith.constant 0 : i32
    return %c0_i32, %c0_i32_0 : i32, i32
  }
  func.func @transform_2(%arg0: i32) -> (i32, i32) {
    %c0_i32 = arith.constant 0 : i32
    %c0_i32_0 = arith.constant 0 : i32
    %c0_i32_1 = arith.constant 0 : i32
    return %c0_i32, %c0_i32_0 : i32, i32
  }
  func.func @transform_3(%arg0: i32) -> (i32, i32) {
    %c0_i32 = arith.constant 0 : i32
    %c0_i32_0 = arith.constant 0 : i32
    %c0_i32_1 = arith.constant 0 : i32
    return %c0_i32, %c0_i32_0 : i32, i32
  }
  func.func @transform_4(%arg0: i32) -> (i32, i32) {
    %c0_i32 = arith.constant 0 : i32
    %c0_i32_0 = arith.constant 0 : i32
    %c0_i32_1 = arith.constant 0 : i32
    return %c0_i32, %c0_i32_0 : i32, i32
  }
  func.func @transform_5(%arg0: i32) -> (i32, i32) {
    %c0_i32 = arith.constant 0 : i32
    %c0_i32_0 = arith.constant 0 : i32
    return %arg0, %c0_i32 : i32, i32
  }
}

module attributes {stable_mosaic.version = 14 : i64} {
  func.func @_kpool_body(%arg0: i32, %arg1: memref<1000x512xf32, #tpu.memory_space<vmem>>, %arg2: memref<1000x1xi32, #tpu.memory_space<vmem>>, %arg3: memref<64x512xf32, #tpu.memory_space<vmem>>) attributes {dimension_semantics = [#tpu.dimension_semantics<arbitrary>], iteration_bounds = array<i64: 10>, scalar_prefetch = 0 : i64, scratch_operands = 0 : i64, tpu.core_type = #tpu.core_type<tc>, window_params = [{transform_indices = @transform_0, window_bounds = array<i64: 1000, 512>}, {transform_indices = @transform_1, window_bounds = array<i64: 1000, 1>}, {pipeline_mode = #tpu.pipeline_mode<synchronous>, transform_indices = @transform_2, window_bounds = array<i64: 64, 512>}]} {
    %eq3A = arith.constant 0 : i32
    %eq3A_0 = arith.cmpi eq, %arg0, %eq3A : i32
    %convert_element_type3A = arith.extui %eq3A_0 : i1 to i32
    %cond3A = arith.constant 0 : i32
    %cond3A_1 = arith.cmpi ne, %convert_element_type3A, %cond3A : i32
    scf.if %cond3A_1 {
      %broadcast_in_dim3A = arith.constant 0.000000e+00 : f32
      %broadcast_in_dim3A_17 = vector.broadcast %broadcast_in_dim3A : f32 to vector<64x512xf32>
      %swap3A_18 = arith.constant 0 : index
      %swap3A_19 = arith.constant 0 : index
      %swap3A_20 = vector.load %arg3[%swap3A_18, %swap3A_19] : memref<64x512xf32, #tpu.memory_space<vmem>>, vector<64x512xf32>
      tpu.vector_store %arg3[%swap3A_18, %swap3A_19], %broadcast_in_dim3A_17 {strides = array<i32>} : memref<64x512xf32, #tpu.memory_space<vmem>>, vector<64x512xf32>,
    } else {
    }
    %get3A = arith.constant 0 : index
    %get3A_2 = arith.constant 0 : index
    %get3A_3 = vector.load %arg2[%get3A, %get3A_2] : memref<1000x1xi32, #tpu.memory_space<vmem>>, vector<1000x1xi32>
    %iota3A = tpu.iota {dimensions = array<i32: 1>} : vector<1000x64xi32>
    %eq3A_4 = vector.broadcast %get3A_3 : vector<1000x1xi32> to vector<1000x64xi32>
    %eq3A_5 = arith.cmpi eq, %eq3A_4, %iota3A : vector<1000x64xi32>
    %convert_element_type3A_6 = arith.extui %eq3A_5 : vector<1000x64xi1> to vector<1000x64xi32>
    %convert_element_type3A_7 = arith.sitofp %convert_element_type3A_6 : vector<1000x64xi32> to vector<1000x64xf32>
    %get3A_8 = arith.constant 0 : index
    %get3A_9 = arith.constant 0 : index
    %get3A_10 = vector.load %arg3[%get3A_8, %get3A_9] : memref<64x512xf32, #tpu.memory_space<vmem>>, vector<64x512xf32>
    %get3A_11 = arith.constant 0 : index
    %get3A_12 = arith.constant 0 : index
    %get3A_13 = vector.load %arg1[%get3A_11, %get3A_12] : memref<1000x512xf32, #tpu.memory_space<vmem>>, vector<1000x512xf32>
    %dot_general3A = arith.constant dense<0.000000e+00> : vector<64x512xf32>
    %dot_general3A_14 = tpu.matmul %convert_element_type3A_7, %get3A_13, %dot_general3A {dimension_numbers = #tpu.dot_dimension_numbers<[0], [0], [1], [1], [0, 1, 1, 1], [], []>, transpose_lhs_hint = false} : vector<1000x64xf32>, vector<1000x512xf32>, vector<64x512xf32> -> vector<64x512xf32>
    %add3A = arith.addf %get3A_10, %dot_general3A_14 : vector<64x512xf32>
    %swap3A = arith.constant 0 : index
    %swap3A_15 = arith.constant 0 : index
    %swap3A_16 = vector.load %arg3[%swap3A, %swap3A_15] : memref<64x512xf32, #tpu.memory_space<vmem>>, vector<64x512xf32>
    tpu.vector_store %arg3[%swap3A, %swap3A_15], %add3A {strides = array<i32>} : memref<64x512xf32, #tpu.memory_space<vmem>>, vector<64x512xf32>,
    return
  }
  func.func @transform_0(%arg0: i32) -> (i32, i32) {
    %c0_i32 = arith.constant 0 : i32
    %c0_i32_0 = arith.constant 0 : i32
    return %arg0, %c0_i32 : i32, i32
  }
  func.func @transform_1(%arg0: i32) -> (i32, i32) {
    %c0_i32 = arith.constant 0 : i32
    %c0_i32_0 = arith.constant 0 : i32
    return %arg0, %c0_i32 : i32, i32
  }
  func.func @transform_2(%arg0: i32) -> (i32, i32) {
    %c0_i32 = arith.constant 0 : i32
    %c0_i32_0 = arith.constant 0 : i32
    %c0_i32_1 = arith.constant 0 : i32
    return %c0_i32, %c0_i32_0 : i32, i32
  }
}

module attributes {stable_mosaic.version = 14 : i64} {
  func.func @_khead_body(%arg0: memref<64x512xf32, #tpu.memory_space<vmem>>, %arg1: memref<512x1024xf32, #tpu.memory_space<vmem>>, %arg2: memref<1x1024xf32, #tpu.memory_space<vmem>>, %arg3: memref<1024x2xf32, #tpu.memory_space<vmem>>, %arg4: memref<1x2xf32, #tpu.memory_space<vmem>>, %arg5: memref<1x1xf32, #tpu.memory_space<vmem>>, %arg6: memref<64x2xf32, #tpu.memory_space<vmem>>) attributes {dimension_semantics = [], scalar_prefetch = 0 : i64, scratch_operands = 0 : i64, tpu.core_type = #tpu.core_type<tc>} {
    %get3A = arith.constant 0 : index
    %get3A_0 = arith.constant 0 : index
    %get3A_1 = vector.load %arg0[%get3A, %get3A_0] : memref<64x512xf32, #tpu.memory_space<vmem>>, vector<64x512xf32>
    %get3A_2 = arith.constant 0 : index
    %get3A_3 = arith.constant 0 : index
    %get3A_4 = vector.load %arg1[%get3A_2, %get3A_3] : memref<512x1024xf32, #tpu.memory_space<vmem>>, vector<512x1024xf32>
    %dot_general3A = arith.constant dense<0.000000e+00> : vector<64x1024xf32>
    %dot_general3A_5 = tpu.matmul %get3A_1, %get3A_4, %dot_general3A {dimension_numbers = #tpu.dot_dimension_numbers<[1], [0], [0], [1], [0, 0, 1, 1], [], []>, transpose_lhs_hint = false} : vector<64x512xf32>, vector<512x1024xf32>, vector<64x1024xf32> -> vector<64x1024xf32>
    %get3A_6 = arith.constant 0 : index
    %get3A_7 = arith.constant 0 : index
    %get3A_8 = vector.load %arg2[%get3A_6, %get3A_7] : memref<1x1024xf32, #tpu.memory_space<vmem>>, vector<1x1024xf32>
    %add3A = vector.broadcast %get3A_8 : vector<1x1024xf32> to vector<64x1024xf32>
    %add3A_9 = arith.addf %dot_general3A_5, %add3A : vector<64x1024xf32>
    %get3A_10 = arith.constant 0 : index
    %get3A_11 = arith.constant 0 : index
    %get3A_12 = vector.load %arg5[%get3A_10, %get3A_11] : memref<1x1xf32, #tpu.memory_space<vmem>>, vector<1x1xf32>
    %get3A_13 = vector.extract %get3A_12[0, 0] : f32 from vector<1x1xf32>
    %ge3A = arith.constant 0.000000e+00 : f32
    %ge3A_14 = vector.broadcast %ge3A : f32 to vector<64x1024xf32>
    %ge3A_15 = arith.cmpf oge, %add3A_9, %ge3A_14 : vector<64x1024xf32>
    %mul3A = vector.broadcast %get3A_13 : f32 to vector<64x1024xf32>
    %mul3A_16 = arith.mulf %mul3A, %add3A_9 : vector<64x1024xf32>
    %select_n3A = arith.select %ge3A_15, %add3A_9, %mul3A_16 : vector<64x1024xi1>, vector<64x1024xf32>
    %get3A_17 = arith.constant 0 : index
    %get3A_18 = arith.constant 0 : index
    %get3A_19 = vector.load %arg3[%get3A_17, %get3A_18] : memref<1024x2xf32, #tpu.memory_space<vmem>>, vector<1024x2xf32>
    %dot_general3A_20 = arith.constant dense<0.000000e+00> : vector<64x2xf32>
    %dot_general3A_21 = tpu.matmul %select_n3A, %get3A_19, %dot_general3A_20 {dimension_numbers = #tpu.dot_dimension_numbers<[1], [0], [0], [1], [0, 0, 1, 1], [], []>, transpose_lhs_hint = false} : vector<64x1024xf32>, vector<1024x2xf32>, vector<64x2xf32> -> vector<64x2xf32>
    %get3A_22 = arith.constant 0 : index
    %get3A_23 = arith.constant 0 : index
    %get3A_24 = vector.load %arg4[%get3A_22, %get3A_23] : memref<1x2xf32, #tpu.memory_space<vmem>>, vector<1x2xf32>
    %add3A_25 = vector.broadcast %get3A_24 : vector<1x2xf32> to vector<64x2xf32>
    %add3A_26 = arith.addf %dot_general3A_21, %add3A_25 : vector<64x2xf32>
    %reduce_max3A = arith.constant dense<0xFF800000> : vector<64xf32>
    %reduce_max3A_27 = vector.multi_reduction <maximumf>, %add3A_26, %reduce_max3A [1] : vector<64x2xf32> to vector<64xf32>
    %broadcast_in_dim3A = vector.shape_cast %reduce_max3A_27 : vector<64xf32> to vector<64x1xf32>
    %sub3A = vector.broadcast %broadcast_in_dim3A : vector<64x1xf32> to vector<64x2xf32>
    %sub3A_28 = arith.subf %add3A_26, %sub3A : vector<64x2xf32>
    %exp3A = math.exp %sub3A_28 : vector<64x2xf32>
    %reduce_sum3A = arith.constant dense<0.000000e+00> : vector<64xf32>
    %reduce_sum3A_29 = vector.multi_reduction <add>, %exp3A, %reduce_sum3A [1] : vector<64x2xf32> to vector<64xf32>
    %broadcast_in_dim3A_30 = vector.shape_cast %reduce_sum3A_29 : vector<64xf32> to vector<64x1xf32>
    %log3A = math.log %broadcast_in_dim3A_30 : vector<64x1xf32>
    %add3A_31 = arith.addf %log3A, %broadcast_in_dim3A : vector<64x1xf32>
    %sub3A_32 = vector.broadcast %add3A_31 : vector<64x1xf32> to vector<64x2xf32>
    %sub3A_33 = arith.subf %add3A_26, %sub3A_32 : vector<64x2xf32>
    %swap3A = arith.constant 0 : index
    %swap3A_34 = arith.constant 0 : index
    %swap3A_35 = vector.load %arg6[%swap3A, %swap3A_34] : memref<64x2xf32, #tpu.memory_space<vmem>>, vector<64x2xf32>
    tpu.vector_store %arg6[%swap3A, %swap3A_34], %sub3A_33 {strides = array<i32>} : memref<64x2xf32, #tpu.memory_space<vmem>>, vector<64x2xf32>,
    return
  }
}

</mosaic_0001>

<sc_bundles>
// kernel: kernel.17.cloned.1.call-start
scs
__scs_entry_jumppad:
0x0: {  	(pc) =	sbr.rel $0x88, $3  }
0x1: {  	(tag) =	ssettag $0x0;
	lr =	simm.s32 $0x1  }
0x2: {  	[smem:$0x3F89] =	sst lr;
	_ =	strace $0xD0000000  }
0x3: {  	_ = 	snop  }
0x4: {  	_ = 	snop  }
0x5: {  	_ = 	snop  }
0x6: {  	_ = 	snop  }
0x7: {  	_ = 	snop  }
__scs_overlays_trampoline_lowered:
0x8: {  	[smem:$0x3F98] =	sst s0  }
0x9: {  	[smem:$0x3F99] =	sst s1  }
0xa: {  	[smem:$0x3F9A] =	sst s2  }
0xb: {  	[smem:$0x3F9B] =	sst s3  }
0xc: {  	[smem:$0x3F9C] =	sst s4  }
0xd: {  	[smem:$0x3F9D] =	sst s5  }
0xe: {  	[smem:$0x3F9E] =	sst s6  }
0xf: {  	[smem:$0x3F9F] =	sst s7  }
0x10: {  	[smem:$0x3FA0] =	sst s8  }
0x11: {  	[smem:$0x3FA1] =	sst s9;
	s0 =	simm.s32 @!p0 $0x0  }
0x12: {  	s1 =	sld [smem:$0x3F87];
	s0 =	simm.s32 @p0 $0x1  }
0x13: {  	[smem:$0x3FA2] =	sst s0;
	s0 =	simm.s32 @!p1 $0x0  }
0x14: {  	s2 =	sld [smem:$0x3F86];
	s0 =	simm.s32 @p1 $0x1  }
0x15: {  	[smem:$0x3FA3] =	sst s0;
	s0 =	simm.s32 @!p2 $0x0  }
0x16: {  	s3 =	sld [smem:$0x3FDB];
	s0 =	simm.s32 @p2 $0x1  }
0x17: {  	s4 =	simm.s32 $0x1BF5;
	[smem:$0x3FA5] =	sst s0  }
0x18: {  	s0 =	sld [smem:$0x3F88];
	_ =	swait.ge [sflag:s4], $0x0  }
0x19: {  	s7 =	sld [smem:$0x3F89]  }
0x1a: {  	s8 =	sadd.s32 $0xFFFFE003, lr  }
0x1b: {  	s9 =	sadd.s32 $0xFFFFFEF7, lr;
	s5 =	simm.s32 $0xFFFFFFFF;
	p2 =	slt.u32 s8, $0xFFFFF086  }
0x1c: {  	p1 =	slt.u32 s9, $0xF7A;
	s5 =	simm.s32 @!p2 $0x0  }
0x1d: {  	s5 =	simm.s32 @p1 $0x1;
	p0 =	seq.s32 s7, s2  }
0x1e: {  	s7 =	smul.u32 @!p0 $0xF7A, s2;
	p2 =	seq.s32 @!p0 s5, $0x0  }
0x1f: {  	s9 =	smul.u32 $0xF7A, s1;
	s8 =	simm.s32 @!p0 $0x1BF5;
	p2 =	por !p2, p0  }
0x20: {  	[sflag:s8] =	ssyncset.s32 @!p0 $0xFFFFF086;
	s6 =	sadd.s32 @!p0 s3, s7;
	s7 =	simm.s32 @!p0 $0x108  }
0x21: {  	s3 =	sadd.s32 s3, s9;
	s6 =	sadd.s32 @!p0 $0x88, s6;
	s7 =	simm.s32 @p2 $0x1082  }
0x22: {  	[simem:s7], [sflag:s8] =	dma.local @!p0 [hbm:s6], $0xF7A  }
0x23: {  	s9 =	sor.u32 $0xD0000000, s2;
	s6 =	simm.s32 $0x108;
	_ =	swait.ge @!p0 [sflag:s8], $0x0  }
0x24: {  	s3 =	sadd.s32 $0x88, s3;
	s6 =	simm.s32 @!p1 $0x1082;
	[sflag:s4] =	ssyncset.s32 $0xFFFFF086  }
0x25: {  	[simem:s6], [sflag:s4] =	dma.local [hbm:s3], $0xF7A  }
0x26: {  	[smem:$0x3F89] =	sst s1;
	(tag) =	ssettag s2;
	_ =	strace s9  }
0x27: {  	s1 =	sld [smem:$0x3F99]  }
0x28: {  	s2 =	sld [smem:$0x3F9A]  }
0x29: {  	s4 =	sld [smem:$0x3F9C]  }
0x2a: {  	p0 =	seq.s32 s5, $0x0;
	s5 =	sld [smem:$0x3F9D]  }
0x2b: {  	s6 =	sld [smem:$0x3F9E]  }
0x2c: {  	s7 =	sld [smem:$0x3F9F]  }
0x2d: {  	s3 =	simm.s32 $0x108;
	s8 =	sld [smem:$0x3FA0]  }
0x2e: {  	s3 =	simm.s32 @!p0 $0x1082;
	s9 =	sld [smem:$0x3FA1]  }
0x2f: {  	lr =	sadd.s32 s0, s3;
	s0 =	sld [smem:$0x3F98]  }
0x30: {  	s3 =	sld [smem:$0x3F9B]  }
0x31: {  	[smem:$0x3FA4] =	sst s10  }
0x32: {  	s10 =	sld [smem:$0x3FA2];
	_ =	sdelay $0x3  }
0x33: {  	p0 =	seq.s32 s10, $0x1;
	s10 =	sld [smem:$0x3FA4];
	_ =	sdelay $0x3  }
0x34: {  	[smem:$0x3FA4] =	sst s10  }
0x35: {  	s10 =	sld [smem:$0x3FA3];
	_ =	sdelay $0x3  }
0x36: {  	p1 =	seq.s32 s10, $0x1;
	s10 =	sld [smem:$0x3FA4];
	_ =	sdelay $0x3  }
0x37: {  	[smem:$0x3FA4] =	sst s10  }
0x38: {  	s10 =	sld [smem:$0x3FA5]  }
0x39: {  	_ = 	snop;
	(pc) =	sbr.ind lr, $3  }
0x3a: {  	_ = 	snop  }
0x3b: {  	_ = 	snop  }
0x3c: {  	p2 =	seq.s32 s10, $0x1;
	s10 =	sld [smem:$0x3FA4]  }
0x3d: {  	_ =	shalt  }
0x3e: {  	_ =	shalt  }
0x3f: {  	_ =	shalt  }
0x40: {  	_ =	shalt  }
0x41: {  	_ =	shalt  }
0x42: {  	_ =	shalt  }
0x43: {  	_ =	shalt  }
0x44: {  	_ =	shalt  }
0x45: {  	_ =	shalt  }
0x46: {  	_ =	shalt  }
0x47: {  	_ =	shalt  }
0x48: {  	_ =	shalt  }
0x49: {  	_ =	shalt  }
0x4a: {  	_ =	shalt  }
0x4b: {  	_ =	shalt  }
0x4c: {  	_ =	shalt  }
0x4d: {  	_ =	shalt  }
0x4e: {  	_ =	shalt  }
0x4f: {  	_ =	shalt  }
0x50: {  	_ =	shalt  }
0x51: {  	_ =	shalt  }
0x52: {  	_ =	shalt  }
0x53: {  	_ =	shalt  }
0x54: {  	_ =	shalt  }
0x55: {  	_ =	shalt  }
0x56: {  	_ =	shalt  }
0x57: {  	_ =	shalt  }
0x58: {  	_ =	shalt  }
0x59: {  	_ =	shalt  }
0x5a: {  	_ =	shalt  }
0x5b: {  	_ =	shalt  }
0x5c: {  	_ =	shalt  }
0x5d: {  	_ =	shalt  }
0x5e: {  	_ =	shalt  }
0x5f: {  	_ =	shalt  }
0x60: {  	_ =	shalt  }
0x61: {  	_ =	shalt  }
0x62: {  	_ =	shalt  }
0x63: {  	_ =	shalt  }
0x64: {  	_ =	shalt  }
0x65: {  	_ =	shalt  }
0x66: {  	_ =	shalt  }
0x67: {  	_ =	shalt  }
0x68: {  	_ =	shalt  }
0x69: {  	_ =	shalt  }
0x6a: {  	_ =	shalt  }
0x6b: {  	_ =	shalt  }
0x6c: {  	_ =	shalt  }
0x6d: {  	_ =	shalt  }
0x6e: {  	_ =	shalt  }
0x6f: {  	_ =	shalt  }
0x70: {  	_ =	shalt  }
0x71: {  	_ =	shalt  }
0x72: {  	_ =	shalt  }
0x73: {  	_ =	shalt  }
0x74: {  	_ =	shalt  }
0x75: {  	_ =	shalt  }
0x76: {  	_ =	shalt  }
0x77: {  	_ =	shalt  }
0x78: {  	_ =	shalt  }
0x79: {  	_ =	shalt  }
0x7a: {  	_ =	shalt  }
0x7b: {  	_ =	shalt  }
0x7c: {  	_ =	shalt  }
0x7d: {  	_ =	shalt  }
0x7e: {  	_ =	shalt  }
0x7f: {  	_ =	shalt  }
0x80: {  	_ =	shalt  }
0x81: {  	_ =	shalt  }
0x82: {  	_ =	shalt  }
0x83: {  	_ =	shalt  }
0x84: {  	_ =	shalt  }
0x85: {  	_ =	shalt  }
0x86: {  	_ =	shalt  }
0x87: {  	_ =	shalt  }
.Lfunc_end0:
.L_simem_size_0:
called_computation.2_lowered:
.L_overlay_start_0:
0x88: {  	s2 =	sld [smem:$0x3FD9]  }
0x89: {  	s3 =	sld [smem:$0x3FFE];
	_ =	sdelay $0x1  }
0x8a: {  	s1 =	srdreg.scid  }
0x8b: {  	s0 =	sand.u32 $0x1, s1  }
0x8c: {  	s16 =	sshll.u32 s0, $0xA;
	s2 =	sadd.s32 s3, s2  }
0x8d: {  	s2 =	sadd.s32 s2, s16  }
0x8e: {  	[smem:$0x3FB0] =	sst s2  }
0x8f: {  	_ = 	snop  }
0x90: {  	(tm) =	ssettm $0x1  }
0x91: {  	s17 =	sld [smem:$0x3FFB];
	_ =	sdelay $0x3  }
0x92: {  	_ =	strace s17  }
0x93: {  	s2 =	sld [smem:$0x3FFC];
	_ =	sdelay $0x3  }
0x94: {  	_ =	strace s2  }
0x95: {  	s2 =	sld [smem:$0x3FFD];
	_ =	sdelay $0x3  }
0x96: {  	_ =	strace s2  }
0x97: {  	_ =	strace $0x8FFFFFFF  }
0x98: {  	s18 =	sld [smem:$0x3FDB];
	_ =	sdelay $0x1  }
0x99: {  	s19 =	simm.s32 $_scs_section_size  }
0x9a: {  	s4 =	simm.s32 $_size__tile_overlayer_lowered;
	s5 =	simm.s32 $_tile_overlayer_lowered  }
0x9b: {  	s22 =	simm.s32 $0x1BFF;
	s21 =	sshll.u32 s5, $0x1;
	s2 =	sadd.s32 s19, s18  }
0x9c: {  	s6 =	simm.s32 $0x0;
	s20 =	sshll.u32 s4, $0x1;
	s4 =	sadd.s32 s21, s2  }
0x9d: {  	[timem:s6], [sflag:s22] =	dma.local [hbm:s4], s20  }
0x9e: {  	_ =	swait.ge [sflag:s22], s20  }
0x9f: {  	s3 =	ssub.s32 $0x0, s20;
	[sflag:s22] =	ssyncset.done $0x0  }
0xa0: {  	[sflag:s22] =	ssyncadd.s32 s3;
	_ =	sdelay $0x1  }
0xa1: {  	s23 =	simm.s32 $0x1B8B  }
0xa2: {  	_ =	swait.ge [sflag:s23], $0x1  }
0xa3: {  	[sflag:s23] =	ssyncset.done $0x0  }
0xa4: {  	s25 =	simm.s32 $0x1B8E;
	s24 =	sld [smem:$0x3FFE];
	[sflag:s23] =	ssyncadd.s32 $0xFFFFFFFF  }
0xa5: {  	s26 =	simm.s32 $execute0_lowered;
	[smem:$0x3FD2] =	sst s25  }
0xa6: {  	s4 =	sshll.u32 s26, $0x1;
	_ =	strace $0x80000046;
	[dreg:$0x1] =	wrdreg $0xFFFFFFFF  }
0xa7: {  	s28 =	simm.s32 $_size_execute0_lowered;
	s2 =	sadd.s32 s2, s4;
	[dreg:$0x0] =	wrdreg $0x0  }
0xa8: {  	s4 =	sshll.u32 s28, $0x1;
	[dreg:$0x2] =	wrdreg s2  }
0xa9: {  	[dreg:$0x3] =	wrdreg s4  }
0xaa: {  	[dreg:$0x4] =	wrdreg $0xC0  }
0xab: {  	_ =	task [dreg:s6], $0x5FFFF  }
0xac: {  	[dreg:$0x1] =	wrdreg $0xFFFFFFFF  }
0xad: {  	[dreg:$0x0] =	wrdreg $0x60  }
0xae: {  	[dreg:$0x2] =	wrdreg s24  }
0xaf: {  	[dreg:$0x3] =	wrdreg $0xA  }
0xb0: {  	_ =	task.clear_ibuf [dreg:s6], $0x4FFFF;
	_ =	strace $0x90000046  }
0xb1: {  	s29 =	simm.s32 $0xA;
	_ =	strace $0x80000048  }
0xb2: {  	_ =	swait.ge [sflag:s29], $0x1  }
0xb3: {  	[sflag:s29] =	ssyncadd.s32 $0xFFFFFFFF  }
0xb4: {  	_ =	strace $0x90000048  }
0xb5: {  	_ =	sfence  }
0xb6: {  	s30 =	sld [smem:$0x0];
	_ =	sdelay $0x2  }
0xb7: {  	s31 =	sshll.u32 s1, $0xD;
	s1 =	sshrl.u32 s1, $0x2  }
0xb8: {  	s3 =	sand.u32 $0x4000, s31;
	s1 =	sadd.s32 s1, s30  }
0xb9: {  	s0 =	sor.u32 s3, s0;
	s1 =	sshll.u32 s1, $0x11  }
0xba: {  	s0 =	sor.u32 s1, s0  }
0xbb: {  	s0 =	sadd.s32 $0x8F2B, s0  }
0xbc: {  	[sflag:s0] =	ssyncadd.remote.s32 $0x1  }
0xbd: {  	_ =	sfence.sel $0xFFFF  }
0xbe: {  	[dreg:$0x0] =	wrdreg $0xFFFFFFFF;
	(pc) =	sbr.abs _section_cstart, $3  }
0xbf: {  	[dreg:$0x1] =	wrdreg $0xFFFFFFFF  }
0xc0: {  	_ =	task.clear_ibuf [dreg:s6], $0x2FFFF;
	_ =	strace $0x9FFFFFFF  }
0xc1: {  	(tm) =	ssettm $0x7FFFFFFF  }
tec
execute0_lowered:
.L_overlay_start_1:
0x0: {  	(tag) =	ssettag $0x1  }
0x1: {  	s1 =	srdreg.scid;
	s0 =	stileid.u32  }
0x2: {  	s14 =	sand.u32 $0x1, s1;
	s28 =	sshll.u32 s0, $0x1  }
0x3: {  	s8 =	sor.u32 s14, s28  }
0x4: {  	s9 =	rddreg [dreg:$0x0];
	s13 =	smul.u32 $0x140, s8  }
0x5: {  	s2 =	simm.s32 $0x0;
	s1 =	rddreg [dreg:$0x1]  }
0x6: {  	[smem:$0x7FF] =	sst s2;
	s15 =	sadd.s32 $0x1C000, s9;
	s3 =	sshrl.u32 s13, $0x3  }
0x7: {  	_ =	strace $0x80000047;
	s4 =	sadd.s32 s15, s3;
	s3 =	simm.s32 $0x2  }
0x8: {  	[tilespmem:s2], [sflag:$0x2] =	stream.linear.gather [hbm4b:s4+s2], $0x50, $0x38;
	[tilespmem:$0xA050] =	vst v63  }
0x9: {  	_ =	swait.ge [sflag:s3], $0x50  }
0xa: {  	s6 =	simm.s32 $0x50;
	[sflag:s3] =	ssyncset.done $0x0  }
0xb: {  	s7 =	simm.s32 $0x1;
	s5 =	sadd.s32 $0xDA00, s9;
	[sflag:s3] =	ssyncadd.s32 $0xFFFFFFB0  }
0xc: {  	[tilespmem:s6], [sflag:$0x1] =	stream.indirect.gather [hbm4b:s5+s6], $0x200, s2, s6, $0xb8;
	[tilespmem:$0xA050] =	vst v63  }
0xd: {  	s8 =	smul.u32 $0x5000, s8;
	_ =	swait.ge [sflag:s7], $0xA000  }
0xe: {  	s16 =	sadd.s32 $0x1C600, s9;
	[sflag:s7] =	ssyncset.done $0x0  }
0xf: {  	s8 =	sadd.s32 s16, s8;
	[sflag:s7] =	ssyncadd.s32 $0xFFFF6000  }
0x10: {  	[hbm4b:s8+s2] =	stream.linear.scatter [tilespmem:s6], [sflag:$0x2], $0xA000, $0x38;
	[tilespmem:$0xA050] =	vst v63  }
0x11: {  	s10 =	sadd.s32 $0x50, s13;
	_ =	swait.ge [sflag:s3], $0xA000  }
0x12: {  	s29 =	sshrl.u32 s10, $0x3;
	[sflag:s3] =	ssyncset.done $0x0  }
0x13: {  	s9 =	sadd.s32 s15, s29;
	[sflag:s3] =	ssyncadd.s32 $0xFFFF6000  }
0x14: {  	[tilespmem:s2], [sflag:$0x2] =	stream.linear.gather [hbm4b:s9+s2], $0x50, $0x38;
	[tilespmem:$0xA050] =	vst v63  }
0x15: {  	_ =	swait.ge [sflag:s3], $0x50  }
0x16: {  	[sflag:s3] =	ssyncset.done $0x0  }
0x17: {  	[sflag:s3] =	ssyncadd.s32 $0xFFFFFFB0  }
0x18: {  	[tilespmem:s6], [sflag:$0x1] =	stream.indirect.gather [hbm4b:s5+s6], $0x200, s2, s6, $0xb8;
	[tilespmem:$0xA050] =	vst v63  }
0x19: {  	_ =	swait.ge [sflag:s7], $0xA000  }
0x1a: {  	s10 =	sshll.u32 s10, $0x6;
	[sflag:s7] =	ssyncset.done $0x0  }
0x1b: {  	s10 =	sadd.s32 s16, s10;
	[sflag:s7] =	ssyncadd.s32 $0xFFFF6000  }
0x1c: {  	[hbm4b:s10+s2] =	stream.linear.scatter [tilespmem:s6], [sflag:$0x2], $0xA000, $0x38;
	[tilespmem:$0xA050] =	vst v63  }
0x1d: {  	s12 =	sadd.s32 $0xA0, s13;
	_ =	swait.ge [sflag:s3], $0xA000  }
0x1e: {  	s11 =	sshrl.u32 s12, $0x3;
	[sflag:s3] =	ssyncset.done $0x0  }
0x1f: {  	s11 =	sadd.s32 s15, s11;
	[sflag:s3] =	ssyncadd.s32 $0xFFFF6000  }
0x20: {  	[tilespmem:s2], [sflag:$0x2] =	stream.linear.gather [hbm4b:s11+s2], $0x50, $0x38;
	[tilespmem:$0xA050] =	vst v63  }
0x21: {  	_ =	swait.ge [sflag:s3], $0x50  }
0x22: {  	[sflag:s3] =	ssyncset.done $0x0  }
0x23: {  	[sflag:s3] =	ssyncadd.s32 $0xFFFFFFB0  }
0x24: {  	[tilespmem:s6], [sflag:$0x1] =	stream.indirect.gather [hbm4b:s5+s6], $0x200, s2, s6, $0xb8;
	[tilespmem:$0xA050] =	vst v63  }
0x25: {  	_ =	swait.ge [sflag:s7], $0xA000  }
0x26: {  	s12 =	sshll.u32 s12, $0x6;
	[sflag:s7] =	ssyncset.done $0x0  }
0x27: {  	s12 =	sadd.s32 s16, s12;
	[sflag:s7] =	ssyncadd.s32 $0xFFFF6000  }
0x28: {  	[hbm4b:s12+s2] =	stream.linear.scatter [tilespmem:s6], [sflag:$0x2], $0xA000, $0x38;
	[tilespmem:$0xA050] =	vst v63  }
0x29: {  	s17 =	sadd.s32 $0xF0, s13;
	_ =	swait.ge [sflag:s3], $0xA000  }
0x2a: {  	s13 =	sshrl.u32 s17, $0x3;
	[sflag:s3] =	ssyncset.done $0x0  }
0x2b: {  	s14 =	ssub.s32 $0x2, s14;
	s13 =	sadd.s32 s15, s13;
	[sflag:s3] =	ssyncadd.s32 $0xFFFF6000  }
0x2c: {  	[tilespmem:s2], [sflag:$0x2] =	stream.linear.gather [hbm4b:s13+s2], $0x50, $0x38;
	[tilespmem:$0xA050] =	vst v63  }
0x2d: {  	s30 =	sshrl.u32 s14, $0x1;
	_ =	swait.ge [sflag:s3], $0x50  }
0x2e: {  	s15 =	ssub.s32 s14, s30;
	[sflag:s3] =	ssyncset.done $0x0  }
0x2f: {  	s15 =	smax.u32 s15, $0x1;
	[sflag:s3] =	ssyncadd.s32 $0xFFFFFFB0  }
0x30: {  	[tilespmem:s6], [sflag:$0x1] =	stream.indirect.gather [hbm4b:s5+s6], $0x200, s2, s6, $0xb8;
	[tilespmem:$0xA050] =	vst v63  }
0x31: {  	p0 =	sne.s32 s15, $0x1;
	_ =	swait.ge [sflag:s7], $0xA000  }
.Ltmp0:
0x32: {  	s31 =	sshll.u32 s17, $0x6;
	[sflag:s7] =	ssyncset.done $0x0;
	(pc) =	sbr.rel @!p0 .LBB2_2-.Ltmp0, $4  }
0x33: {  	s14 =	sadd.s32 s16, s31;
	[sflag:s7] =	ssyncadd.s32 $0xFFFF6000  }
0x34: {  	[hbm4b:s14+s2] =	stream.linear.scatter [tilespmem:s6], [sflag:$0x2], $0xA000, $0x38;
	[tilespmem:$0xA050] =	vst v63  }
0x35: {  	_ =	swait.ge [sflag:s3], $0xA000  }
0x36: {  	s15 =	sadd.s32 $0xFFFFFFFF, s15;
	[sflag:s3] =	ssyncset.done $0x0  }
.LBB2_1:
0x37: {  	p0 =	sne.s32 s15, $0x1;
	s15 =	sadd.s32 $0xFFFFFFFF, s15;
	[sflag:s3] =	ssyncadd.s32 $0xFFFF6000  }
0x38: {  	[tilespmem:s2], [sflag:$0x2] =	stream.linear.gather [hbm4b:s4+s2], $0x50, $0x38;
	[tilespmem:$0xA050] =	vst v63  }
0x39: {  	_ =	swait.ge [sflag:s3], $0x50  }
0x3a: {  	[sflag:s3] =	ssyncset.done $0x0  }
0x3b: {  	[sflag:s3] =	ssyncadd.s32 $0xFFFFFFB0  }
0x3c: {  	[tilespmem:s6], [sflag:$0x1] =	stream.indirect.gather [hbm4b:s5+s6], $0x200, s2, s6, $0xb8;
	[tilespmem:$0xA050] =	vst v63  }
0x3d: {  	_ =	swait.ge [sflag:s7], $0xA000  }
0x3e: {  	[sflag:s7] =	ssyncset.done $0x0  }
0x3f: {  	[sflag:s7] =	ssyncadd.s32 $0xFFFF6000  }
0x40: {  	[hbm4b:s8+s2] =	stream.linear.scatter [tilespmem:s6], [sflag:$0x2], $0xA000, $0x38;
	[tilespmem:$0xA050] =	vst v63  }
0x41: {  	_ =	swait.ge [sflag:s3], $0xA000  }
0x42: {  	[sflag:s3] =	ssyncset.done $0x0  }
0x43: {  	[sflag:s3] =	ssyncadd.s32 $0xFFFF6000  }
0x44: {  	[tilespmem:s2], [sflag:$0x2] =	stream.linear.gather [hbm4b:s9+s2], $0x50, $0x38;
	[tilespmem:$0xA050] =	vst v63  }
0x45: {  	_ =	swait.ge [sflag:s3], $0x50  }
0x46: {  	[sflag:s3] =	ssyncset.done $0x0  }
0x47: {  	[sflag:s3] =	ssyncadd.s32 $0xFFFFFFB0  }
0x48: {  	[tilespmem:s6], [sflag:$0x1] =	stream.indirect.gather [hbm4b:s5+s6], $0x200, s2, s6, $0xb8;
	[tilespmem:$0xA050] =	vst v63  }
0x49: {  	_ =	swait.ge [sflag:s7], $0xA000  }
0x4a: {  	[sflag:s7] =	ssyncset.done $0x0  }
0x4b: {  	[sflag:s7] =	ssyncadd.s32 $0xFFFF6000  }
0x4c: {  	[hbm4b:s10+s2] =	stream.linear.scatter [tilespmem:s6], [sflag:$0x2], $0xA000, $0x38;
	[tilespmem:$0xA050] =	vst v63  }
0x4d: {  	_ =	swait.ge [sflag:s3], $0xA000  }
0x4e: {  	[sflag:s3] =	ssyncset.done $0x0  }
0x4f: {  	[sflag:s3] =	ssyncadd.s32 $0xFFFF6000  }
0x50: {  	[tilespmem:s2], [sflag:$0x2] =	stream.linear.gather [hbm4b:s11+s2], $0x50, $0x38;
	[tilespmem:$0xA050] =	vst v63  }
0x51: {  	_ =	swait.ge [sflag:s3], $0x50  }
0x52: {  	[sflag:s3] =	ssyncset.done $0x0  }
0x53: {  	[sflag:s3] =	ssyncadd.s32 $0xFFFFFFB0  }
0x54: {  	[tilespmem:s6], [sflag:$0x1] =	stream.indirect.gather [hbm4b:s5+s6], $0x200, s2, s6, $0xb8;
	[tilespmem:$0xA050] =	vst v63  }
0x55: {  	_ =	swait.ge [sflag:s7], $0xA000  }
0x56: {  	[sflag:s7] =	ssyncset.done $0x0  }
0x57: {  	[sflag:s7] =	ssyncadd.s32 $0xFFFF6000  }
0x58: {  	[hbm4b:s12+s2] =	stream.linear.scatter [tilespmem:s6], [sflag:$0x2], $0xA000, $0x38;
	[tilespmem:$0xA050] =	vst v63  }
0x59: {  	_ =	swait.ge [sflag:s3], $0xA000  }
0x5a: {  	[sflag:s3] =	ssyncset.done $0x0  }
0x5b: {  	[sflag:s3] =	ssyncadd.s32 $0xFFFF6000  }
0x5c: {  	[tilespmem:s2], [sflag:$0x2] =	stream.linear.gather [hbm4b:s13+s2], $0x50, $0x38;
	[tilespmem:$0xA050] =	vst v63  }
0x5d: {  	_ =	swait.ge [sflag:s3], $0x50  }
0x5e: {  	[sflag:s3] =	ssyncset.done $0x0  }
0x5f: {  	[sflag:s3] =	ssyncadd.s32 $0xFFFFFFB0  }
0x60: {  	[tilespmem:s6], [sflag:$0x1] =	stream.indirect.gather [hbm4b:s5+s6], $0x200, s2, s6, $0xb8;
	[tilespmem:$0xA050] =	vst v63  }
0x61: {  	_ =	swait.ge [sflag:s7], $0xA000  }
.Ltmp1:
0x62: {  	[sflag:s7] =	ssyncset.done $0x0;
	(pc) =	sbr.rel @p0 .LBB2_1-.Ltmp1, $4  }
0x63: {  	[sflag:s7] =	ssyncadd.s32 $0xFFFF6000  }
0x64: {  	[hbm4b:s14+s2] =	stream.linear.scatter [tilespmem:s6], [sflag:$0x2], $0xA000, $0x38;
	[tilespmem:$0xA050] =	vst v63  }
0x65: {  	_ =	swait.ge [sflag:s3], $0xA000  }
0x66: {  	[sflag:s3] =	ssyncset.done $0x0  }
.LBB2_2:
0x67: {  	[sflag:s3] =	ssyncadd.s32 $0xFFFF6000  }
0x68: {  	_ =	sfence.sel $0x180000  }
0x69: {  	[bflag:$0x0] =	sbarrier.arrive $0xFFFF  }
0x6a: {  	p0 =	sne.s32 s0, $0x0;
	_ =	strace $0x90000047  }
0x6b: {  	s0 =	sadd.s32 @!p0 $0x100000, s1;
	[bflag:$0x2] =	sbarrier.arrive $0xFFFF  }
0x6c: {  	[sflag:s0] =	ssyncadd.tile.s32 @!p0 $0x1;
	_ =	shalt  }
.Lfunc_end2:
_tile_overlayer_lowered:
.L_overlay_start_2:
0x6d: {  	(tag) =	ssettag $0x2  }
0x6e: {  	s0 =	rddreg [dreg:$0x0];
	s2 =	stileid.u32  }
0x6f: {  	s1 =	rddreg [dreg:$0x1];
	p0 =	sne.s32 s2, $0x0  }
0x70: {  	s3 =	rddreg [dreg:$0x2];
	[bflag:$0x3] =	sbarrier.arrive $0xFFFF;
	s2 =	simm.s32 @!p0 $0x1C02  }
0x71: {  	[timem:s3], [sflag:s2] =	dma.local @!p0 [hbm:s0], s1  }
0x72: {  	s0 =	simm.s32 @!p0 $0x2  }
0x73: {  	_ =	swait.ge @!p0 [sflag:s0], s1  }
0x74: {  	s1 =	ssub.s32 @!p0 $0x0, s1;
	[sflag:s0] =	ssyncset.done @!p0 $0x0  }
0x75: {  	[sflag:s0] =	ssyncadd.s32 @!p0 s1  }
0x76: {  	[bflag:$0x3] =	sbarrier.arrive $0xFFFF  }
0x77: {  	_ =	shalt  }

// kernel: kernel.20.cloned.1.call-start
scs
__scs_entry_jumppad:
0x0: {  	(pc) =	sbr.rel $0x88, $3  }
0x1: {  	(tag) =	ssettag $0x0;
	lr =	simm.s32 $0x1  }
0x2: {  	[smem:$0x3F89] =	sst lr;
	_ =	strace $0xD0000000  }
0x3: {  	_ = 	snop  }
0x4: {  	_ = 	snop  }
0x5: {  	_ = 	snop  }
0x6: {  	_ = 	snop  }
0x7: {  	_ = 	snop  }
__scs_overlays_trampoline_lowered:
0x8: {  	[smem:$0x3F98] =	sst s0  }
0x9: {  	[smem:$0x3F99] =	sst s1  }
0xa: {  	[smem:$0x3F9A] =	sst s2  }
0xb: {  	[smem:$0x3F9B] =	sst s3  }
0xc: {  	[smem:$0x3F9C] =	sst s4  }
0xd: {  	[smem:$0x3F9D] =	sst s5  }
0xe: {  	[smem:$0x3F9E] =	sst s6  }
0xf: {  	[smem:$0x3F9F] =	sst s7  }
0x10: {  	[smem:$0x3FA0] =	sst s8  }
0x11: {  	[smem:$0x3FA1] =	sst s9;
	s0 =	simm.s32 @!p0 $0x0  }
0x12: {  	s1 =	sld [smem:$0x3F87];
	s0 =	simm.s32 @p0 $0x1  }
0x13: {  	[smem:$0x3FA2] =	sst s0;
	s0 =	simm.s32 @!p1 $0x0  }
0x14: {  	s2 =	sld [smem:$0x3F86];
	s0 =	simm.s32 @p1 $0x1  }
0x15: {  	[smem:$0x3FA3] =	sst s0;
	s0 =	simm.s32 @!p2 $0x0  }
0x16: {  	s3 =	sld [smem:$0x3FDB];
	s0 =	simm.s32 @p2 $0x1  }
0x17: {  	s4 =	simm.s32 $0x1BF5;
	[smem:$0x3FA5] =	sst s0  }
0x18: {  	s0 =	sld [smem:$0x3F88];
	_ =	swait.ge [sflag:s4], $0x0  }
0x19: {  	s7 =	sld [smem:$0x3F89]  }
0x1a: {  	s8 =	sadd.s32 $0xFFFFE003, lr  }
0x1b: {  	s9 =	sadd.s32 $0xFFFFFEF7, lr;
	s5 =	simm.s32 $0xFFFFFFFF;
	p2 =	slt.u32 s8, $0xFFFFF086  }
0x1c: {  	p1 =	slt.u32 s9, $0xF7A;
	s5 =	simm.s32 @!p2 $0x0  }
0x1d: {  	s5 =	simm.s32 @p1 $0x1;
	p0 =	seq.s32 s7, s2  }
0x1e: {  	s7 =	smul.u32 @!p0 $0xF7A, s2;
	p2 =	seq.s32 @!p0 s5, $0x0  }
0x1f: {  	s9 =	smul.u32 $0xF7A, s1;
	s8 =	simm.s32 @!p0 $0x1BF5;
	p2 =	por !p2, p0  }
0x20: {  	[sflag:s8] =	ssyncset.s32 @!p0 $0xFFFFF086;
	s6 =	sadd.s32 @!p0 s3, s7;
	s7 =	simm.s32 @!p0 $0x108  }
0x21: {  	s3 =	sadd.s32 s3, s9;
	s6 =	sadd.s32 @!p0 $0x88, s6;
	s7 =	simm.s32 @p2 $0x1082  }
0x22: {  	[simem:s7], [sflag:s8] =	dma.local @!p0 [hbm:s6], $0xF7A  }
0x23: {  	s9 =	sor.u32 $0xD0000000, s2;
	s6 =	simm.s32 $0x108;
	_ =	swait.ge @!p0 [sflag:s8], $0x0  }
0x24: {  	s3 =	sadd.s32 $0x88, s3;
	s6 =	simm.s32 @!p1 $0x1082;
	[sflag:s4] =	ssyncset.s32 $0xFFFFF086  }
0x25: {  	[simem:s6], [sflag:s4] =	dma.local [hbm:s3], $0xF7A  }
0x26: {  	[smem:$0x3F89] =	sst s1;
	(tag) =	ssettag s2;
	_ =	strace s9  }
0x27: {  	s1 =	sld [smem:$0x3F99]  }
0x28: {  	s2 =	sld [smem:$0x3F9A]  }
0x29: {  	s4 =	sld [smem:$0x3F9C]  }
0x2a: {  	p0 =	seq.s32 s5, $0x0;
	s5 =	sld [smem:$0x3F9D]  }
0x2b: {  	s6 =	sld [smem:$0x3F9E]  }
0x2c: {  	s7 =	sld [smem:$0x3F9F]  }
0x2d: {  	s3 =	simm.s32 $0x108;
	s8 =	sld [smem:$0x3FA0]  }
0x2e: {  	s3 =	simm.s32 @!p0 $0x1082;
	s9 =	sld [smem:$0x3FA1]  }
0x2f: {  	lr =	sadd.s32 s0, s3;
	s0 =	sld [smem:$0x3F98]  }
0x30: {  	s3 =	sld [smem:$0x3F9B]  }
0x31: {  	[smem:$0x3FA4] =	sst s10  }
0x32: {  	s10 =	sld [smem:$0x3FA2];
	_ =	sdelay $0x3  }
0x33: {  	p0 =	seq.s32 s10, $0x1;
	s10 =	sld [smem:$0x3FA4];
	_ =	sdelay $0x3  }
0x34: {  	[smem:$0x3FA4] =	sst s10  }
0x35: {  	s10 =	sld [smem:$0x3FA3];
	_ =	sdelay $0x3  }
0x36: {  	p1 =	seq.s32 s10, $0x1;
	s10 =	sld [smem:$0x3FA4];
	_ =	sdelay $0x3  }
0x37: {  	[smem:$0x3FA4] =	sst s10  }
0x38: {  	s10 =	sld [smem:$0x3FA5]  }
0x39: {  	_ = 	snop;
	(pc) =	sbr.ind lr, $3  }
0x3a: {  	_ = 	snop  }
0x3b: {  	_ = 	snop  }
0x3c: {  	p2 =	seq.s32 s10, $0x1;
	s10 =	sld [smem:$0x3FA4]  }
0x3d: {  	_ =	shalt  }
0x3e: {  	_ =	shalt  }
0x3f: {  	_ =	shalt  }
0x40: {  	_ =	shalt  }
0x41: {  	_ =	shalt  }
0x42: {  	_ =	shalt  }
0x43: {  	_ =	shalt  }
0x44: {  	_ =	shalt  }
0x45: {  	_ =	shalt  }
0x46: {  	_ =	shalt  }
0x47: {  	_ =	shalt  }
0x48: {  	_ =	shalt  }
0x49: {  	_ =	shalt  }
0x4a: {  	_ =	shalt  }
0x4b: {  	_ =	shalt  }
0x4c: {  	_ =	shalt  }
0x4d: {  	_ =	shalt  }
0x4e: {  	_ =	shalt  }
0x4f: {  	_ =	shalt  }
0x50: {  	_ =	shalt  }
0x51: {  	_ =	shalt  }
0x52: {  	_ =	shalt  }
0x53: {  	_ =	shalt  }
0x54: {  	_ =	shalt  }
0x55: {  	_ =	shalt  }
0x56: {  	_ =	shalt  }
0x57: {  	_ =	shalt  }
0x58: {  	_ =	shalt  }
0x59: {  	_ =	shalt  }
0x5a: {  	_ =	shalt  }
0x5b: {  	_ =	shalt  }
0x5c: {  	_ =	shalt  }
0x5d: {  	_ =	shalt  }
0x5e: {  	_ =	shalt  }
0x5f: {  	_ =	shalt  }
0x60: {  	_ =	shalt  }
0x61: {  	_ =	shalt  }
0x62: {  	_ =	shalt  }
0x63: {  	_ =	shalt  }
0x64: {  	_ =	shalt  }
0x65: {  	_ =	shalt  }
0x66: {  	_ =	shalt  }
0x67: {  	_ =	shalt  }
0x68: {  	_ =	shalt  }
0x69: {  	_ =	shalt  }
0x6a: {  	_ =	shalt  }
0x6b: {  	_ =	shalt  }
0x6c: {  	_ =	shalt  }
0x6d: {  	_ =	shalt  }
0x6e: {  	_ =	shalt  }
0x6f: {  	_ =	shalt  }
0x70: {  	_ =	shalt  }
0x71: {  	_ =	shalt  }
0x72: {  	_ =	shalt  }
0x73: {  	_ =	shalt  }
0x74: {  	_ =	shalt  }
0x75: {  	_ =	shalt  }
0x76: {  	_ =	shalt  }
0x77: {  	_ =	shalt  }
0x78: {  	_ =	shalt  }
0x79: {  	_ =	shalt  }
0x7a: {  	_ =	shalt  }
0x7b: {  	_ =	shalt  }
0x7c: {  	_ =	shalt  }
0x7d: {  	_ =	shalt  }
0x7e: {  	_ =	shalt  }
0x7f: {  	_ =	shalt  }
0x80: {  	_ =	shalt  }
0x81: {  	_ =	shalt  }
0x82: {  	_ =	shalt  }
0x83: {  	_ =	shalt  }
0x84: {  	_ =	shalt  }
0x85: {  	_ =	shalt  }
0x86: {  	_ =	shalt  }
0x87: {  	_ =	shalt  }
.Lfunc_end0:
.L_simem_size_0:
called_computation.3_lowered:
.L_overlay_start_0:
0x88: {  	s2 =	sld [smem:$0x3FD9]  }
0x89: {  	s3 =	sld [smem:$0x3FFE];
	_ =	sdelay $0x1  }
0x8a: {  	s1 =	srdreg.scid  }
0x8b: {  	s0 =	sand.u32 $0x1, s1  }
0x8c: {  	s17 =	sshll.u32 s0, $0xA;
	s2 =	sadd.s32 s3, s2  }
0x8d: {  	s2 =	sadd.s32 s2, s17  }
0x8e: {  	[smem:$0x3FB0] =	sst s2  }
0x8f: {  	_ = 	snop  }
0x90: {  	s18 =	sld [smem:$0x3FC7];
	(tm) =	ssettm $0x1  }
0x91: {  	s19 =	sld [smem:$0x3FFB];
	_ =	sdelay $0x3  }
0x92: {  	_ =	strace s19  }
0x93: {  	s2 =	sld [smem:$0x3FFC];
	_ =	sdelay $0x3  }
0x94: {  	_ =	strace s2  }
0x95: {  	s2 =	sld [smem:$0x3FFD];
	_ =	sdelay $0x3  }
0x96: {  	_ =	strace s2  }
0x97: {  	_ =	strace $0x8FFFFFFF  }
0x98: {  	s20 =	sld [smem:$0x3FDB];
	_ =	sdelay $0x1  }
0x99: {  	s4 =	simm.s32 $_scs_section_size  }
0x9a: {  	s5 =	simm.s32 $_size__tile_overlayer_lowered;
	s6 =	simm.s32 $_tile_overlayer_lowered  }
0x9b: {  	s7 =	simm.s32 $0x1BFF;
	s21 =	sshll.u32 s6, $0x1;
	s4 =	sadd.s32 s4, s20  }
0x9c: {  	s22 =	simm.s32 $0x0;
	s5 =	sshll.u32 s5, $0x1;
	s6 =	sadd.s32 s21, s4  }
0x9d: {  	[timem:s22], [sflag:s7] =	dma.local [hbm:s6], s5  }
0x9e: {  	_ =	swait.ge [sflag:s7], s5  }
0x9f: {  	s5 =	ssub.s32 $0x0, s5;
	[sflag:s7] =	ssyncset.done $0x0  }
0xa0: {  	[sflag:s7] =	ssyncadd.s32 s5;
	_ =	sdelay $0x1  }
0xa1: {  	s23 =	simm.s32 $0x1B8B  }
0xa2: {  	_ =	swait.ge [sflag:s23], $0x1  }
0xa3: {  	[sflag:s23] =	ssyncset.done $0x0  }
0xa4: {  	[sflag:s23] =	ssyncadd.s32 $0xFFFFFFFF  }
0xa5: {  	s5 =	sld [smem:$0x0]  }
0xa6: {  	s6 =	sand.u32 $0xFFFFFFFE, s1  }
0xa7: {  	p0 =	sne.s32 s1, s6  }
0xa8: {  	s6 =	sshll.u32 @p0 s6, $0xE  }
0xa9: {  	s6 =	sadd.s32 @p0 $0x11B8D, s6;
	s7 =	sshll.u32 @p0 s5, $0x11  }
0xaa: {  	s6 =	sor.u32 @p0 s7, s6  }
0xab: {  	[sflag:s6] =	ssyncadd.remote.s32 @p0 $0x1;
	_ =	sdelay $0x1  }
0xac: {  	s6 =	simm.s32 @p0 $0x1B8D  }
0xad: {  	_ =	swait.eq @p0 [sflag:s6], $0x1  }
0xae: {  	[sflag:s6] =	ssyncadd.s32 @p0 $0xFFFFFFFF  }
0xaf: {  	s7 =	sshll.u32 @!p0 s1, $0xE  }
0xb0: {  	s7 =	sor.u32 @!p0 $0x4000, s7;
	s6 =	simm.s32 @!p0 $0x1B8D  }
0xb1: {  	s5 =	sshll.u32 @!p0 s5, $0x11;
	s7 =	sadd.s32 @!p0 $0x11B8D, s7;
	_ =	swait.eq @!p0 [sflag:s6], $0x1  }
0xb2: {  	s5 =	sor.u32 @!p0 s5, s7;
	[sflag:s6] =	ssyncadd.s32 @!p0 $0xFFFFFFFF  }
0xb3: {  	s25 =	simm.s32 $0x1B8E;
	s24 =	sld [smem:$0x3FFE];
	[sflag:s5] =	ssyncadd.remote.s32 @!p0 $0x1  }
0xb4: {  	s26 =	simm.s32 $execute0_lowered;
	[smem:$0x3FD2] =	sst s25  }
0xb5: {  	s6 =	sshll.u32 s26, $0x1;
	_ =	strace $0x80000049;
	[dreg:$0x1] =	wrdreg $0xFFFFFFFF  }
0xb6: {  	s28 =	simm.s32 $_size_execute0_lowered;
	s4 =	sadd.s32 s4, s6;
	[dreg:$0x0] =	wrdreg $0x0  }
0xb7: {  	s6 =	sshll.u32 s28, $0x1;
	[dreg:$0x2] =	wrdreg s4  }
0xb8: {  	[dreg:$0x3] =	wrdreg s6  }
0xb9: {  	[dreg:$0x4] =	wrdreg $0xC0  }
0xba: {  	_ =	task [dreg:s22], $0x5FFFF  }
0xbb: {  	[dreg:$0x1] =	wrdreg $0xFFFFFFFF  }
0xbc: {  	[dreg:$0x0] =	wrdreg $0x60  }
0xbd: {  	[dreg:$0x2] =	wrdreg s24  }
0xbe: {  	[dreg:$0x3] =	wrdreg s18  }
0xbf: {  	[dreg:$0x4] =	wrdreg $0x9  }
0xc0: {  	_ =	task.clear_ibuf [dreg:s22], $0x5FFFF;
	_ =	strace $0x90000049  }
0xc1: {  	s29 =	simm.s32 $0x9;
	_ =	strace $0x8000004B  }
0xc2: {  	_ =	swait.ge [sflag:s29], $0x1  }
0xc3: {  	[sflag:s29] =	ssyncadd.s32 $0xFFFFFFFF  }
0xc4: {  	_ =	strace $0x9000004B  }
0xc5: {  	_ =	sfence  }
0xc6: {  	s30 =	sld [smem:$0x0];
	_ =	sdelay $0x2  }
0xc7: {  	s31 =	sshll.u32 s1, $0xD;
	s1 =	sshrl.u32 s1, $0x2  }
0xc8: {  	s4 =	sand.u32 $0x4000, s31;
	s1 =	sadd.s32 s1, s30  }
0xc9: {  	s0 =	sor.u32 s4, s0;
	s1 =	sshll.u32 s1, $0x11  }
0xca: {  	s0 =	sor.u32 s1, s0  }
0xcb: {  	s0 =	sadd.s32 $0x8F2B, s0  }
0xcc: {  	[sflag:s0] =	ssyncadd.remote.s32 $0x1  }
0xcd: {  	_ =	sfence.sel $0xFFFF  }
0xce: {  	[dreg:$0x0] =	wrdreg $0xFFFFFFFF;
	(pc) =	sbr.abs _section_cstart, $3  }
0xcf: {  	[dreg:$0x1] =	wrdreg $0xFFFFFFFF  }
0xd0: {  	_ =	task.clear_ibuf [dreg:s22], $0x2FFFF;
	_ =	strace $0x9FFFFFFF  }
0xd1: {  	(tm) =	ssettm $0x7FFFFFFF  }
tec
execute0_lowered:
.L_overlay_start_1:
0x0: {  	(tag) =	ssettag $0x1  }
0x1: {  	s6 =	rddreg [dreg:$0x0];
	s1 =	srdreg.scid  }
0x2: {  	s0 =	stileid.u32;
	s2 =	rddreg [dreg:$0x1];
	s3 =	simm.s32 $0x0  }
0x3: {  	s11 =	simm.s32 $0x2EE0;
	s12 =	simm.s32 $0x3EE0;
	s13 =	simm.s32 $0x4EE0  }
0x4: {  	s14 =	simm.s32 $0x54E0;
	s7 =	sand.u32 $0x1, s1;
	s4 =	sshll.u32 s0, $0x1  }
0x5: {  	s15 =	simm.s32 $0x5AE0;
	s1 =	rddreg [dreg:$0x2];
	s5 =	sor.u32 s7, s4  }
0x6: {  	s16 =	simm.s32 $0x0;
	[smem:$0x7FF] =	sst s3;
	s8 =	smul.u32 $0x140, s5  }
0x7: {  	_ =	strace $0x8000004A;
	s4 =	sadd.s32 $0xBDA00, s6;
	s9 =	smul.u32 $0xC0, s5  }
0x8: {  	s7 =	ssub.s32 $0x2, s7;
	s5 =	sadd.s32 $0xBC600, s6;
	s10 =	sshrl.u32 s8, $0x3  }
0x9: {  	v1 =	vimm.s32 $0x0;
	v2 =	vimm.s32 $0x140;
	v3 =	vimm.f32 $0.0e+00;
	s31 =	sshrl.u32 s7, $0x1;
	s9 =	sadd.s32 s9, s6;
	s6 =	sadd.s32 s10, s6  }
0xa: {  	v4 =	vimm.s32 $0x1;
	v5 =	vlaneseq.u32;
	v0 =	vmov s8;
	s10 =	ssub.s32 s7, s31;
	s7 =	sadd.s32 $0xBF400, s9;
	s8 =	sadd.s32 $0xC0C00, s9  }
0xb: {  	vm0 =	vmxor vm0, vm0;
	vm1 =	vmmov $0x1;
	v6 =	vimm.f32 $1.000000000e+00;
	s6 =	sadd.s32 $0xBEE00, s6;
	s9 =	smax.u32 s10, $0x1;
	s10 =	simm.s32 $0x1  }
.LBB2_1:
0xc: {  	s17 =	simm.s32 $0x0  }
.LBB2_2:
0xd: {  	p0 =	sne.s32 s17, $0x17C0  }
.Ltmp0:
0xe: {  	_ = 	snop;
	(pc) =	sbr.rel @p0 .LBB2_2-.Ltmp0, $4  }
0xf: {  	_ = 	snop  }
0x10: {  	s18 =	sshra.s32 s17, $0x2  }
0x11: {  	[tilespmem:s18+$0x4EE0] =	vst v1  }
0x12: {  	s17 =	sadd.s32 $0x40, s17;
	[tilespmem:s18+$0x54E0] =	vst v2  }
0x13: {  	s17 =	simm.s32 $0x40;
	s18 =	simm.s32 $0x0  }
.LBB2_4:
0x14: {  	p0 =	sne.s32 s17, $0x3E40;
	[tilespmem:s18+$0x2EE0] =	vst v1;
	s19 =	smov.u32 s17;
	s17 =	sadd.s32 $0x40, s17  }
.Ltmp1:
0x15: {  	[tilespmem:s18+$0x3EE0] =	vst v1;
	(pc) =	sbr.rel @p0 .LBB2_4-.Ltmp1, $2  }
0x16: {  	_ =	sdelay $0x2  }
0x17: {  	s18 =	sshra.s32 s19, $0x2  }
0x18: {  	[tilespmem:s18+$0x2EE0] =	vst v1  }
0x19: {  	[tilespmem:s18+$0x3EE0] =	vst v1  }
0x1a: {  	[tilespmem:$0x5AE0] =	vst v3  }
0x1b: {  	[tilespmem:$0x5AF0] =	vst v3  }
0x1c: {  	[tilespmem:$0x5B00] =	vst v3  }
0x1d: {  	[tilespmem:$0x5B10] =	vst v3  }
0x1e: {  	[tilespmem:$0x5B20] =	vst v3  }
0x1f: {  	[tilespmem:$0x5B30] =	vst v3  }
0x20: {  	[tilespmem:$0x5B40] =	vst v3  }
0x21: {  	[tilespmem:$0x5B50] =	vst v3  }
0x22: {  	[tilespmem:$0x5B60] =	vst v3  }
0x23: {  	[tilespmem:$0x5B70] =	vst v3  }
0x24: {  	[tilespmem:$0x5B80] =	vst v3  }
0x25: {  	[tilespmem:$0x5B90] =	vst v3  }
0x26: {  	[tilespmem:$0x5BA0] =	vst v3  }
0x27: {  	[tilespmem:$0x5BB0] =	vst v3  }
0x28: {  	[tilespmem:$0x5BC0] =	vst v3  }
0x29: {  	[tilespmem:$0x5BD0] =	vst v3  }
0x2a: {  	[tilespmem:$0x5BE0] =	vst v3  }
0x2b: {  	[tilespmem:$0x5BF0] =	vst v3  }
0x2c: {  	[tilespmem:$0x5C00] =	vst v3  }
0x2d: {  	[tilespmem:$0x5C10] =	vst v3  }
0x2e: {  	s17 =	simm.s32 $0x0;
	[tilespmem:$0x5C20] =	vst v3  }
0x2f: {  	s18 =	simm.s32 $0x0;
	[smem:$0x0] =	sst s17;
	[tilespmem:$0x5C30] =	vst v4  }
.LBB2_6:
0x30: {  	s20 =	smul.u32 $0x1F4, s18;
	_ =	sdelay $0x1  }
0x31: {  	s19 =	sadd.s32 s4, s20  }
0x32: {  	[tilespmem:s17], [sflag:$0x1] =	stream.linear.gather [hbm4b:s19+s17], $0xFA0, $0x38;
	[tilespmem:$0x5C40] =	vst v63  }
0x33: {  	_ =	swait.ge [sflag:s10], $0xFA0  }
0x34: {  	[sflag:s10] =	ssyncset.done $0x0  }
0x35: {  	s21 =	sadd.s32 s5, s20;
	s19 =	simm.s32 $0xFA0;
	[sflag:s10] =	ssyncadd.s32 $0xFFFFF060  }
0x36: {  	[tilespmem:s19], [sflag:$0x1] =	stream.linear.gather [hbm4b:s21+s17], $0xFA0, $0x38;
	[tilespmem:$0x5C40] =	vst v63  }
0x37: {  	_ =	swait.ge [sflag:s10], $0xFA0  }
0x38: {  	[sflag:s10] =	ssyncset.done $0x0  }
0x39: {  	s31 =	sadd.s32 s2, s20;
	s20 =	simm.s32 $0x1F40;
	[sflag:s10] =	ssyncadd.s32 $0xFFFFF060  }
0x3a: {  	[tilespmem:s20], [sflag:$0x1] =	stream.linear.gather [hbm4b:s31+s17], $0xFA0, $0x38;
	[tilespmem:$0x5C40] =	vst v63  }
0x3b: {  	_ =	swait.ge [sflag:s10], $0xFA0  }
0x3c: {  	[sflag:s10] =	ssyncset.done $0x0  }
0x3d: {  	s22 =	simm.s32 $0x0;
	s21 =	simm.s32 $0x0;
	[sflag:s10] =	ssyncadd.s32 $0xFFFFF060  }
.LBB2_7:
0x3e: {  	v7 =	vld [tilespmem:$0x5C30];
	_ =	sdelay $0x2  }
0x3f: {  	v8 =	vld [tilespmem:s20+$0x0];
	_ =	sdelay $0x1  }
0x40: {  	vm2 =	vgt.s32 v7, $0x0;
	v7 =	vld [tilespmem:s21+$0x0]  }
0x41: {  	v9 =	vor.u32 s22, v5;
	_ =	sdelay $0x1  }
0x42: {  	v8 =	vmul.u32 $0x2710, v8;
	_ =	sdelay $0x1  }
0x43: {  	v7 =	vadd.s32 v7, v8  }
0x44: {  	[tilespmem:v9+s11+$0x0] =	vst.idx.msk vm2, v7  }
0x45: {  	v7 =	vld [tilespmem:s19+$0x0]  }
0x46: {  	p0 =	sne.s32 s22, $0xF90  }
.Ltmp2:
0x47: {  	_ = 	snop;
	(pc) =	sbr.rel @p0 .LBB2_7-.Ltmp2, $3  }
0x48: {  	_ =	sdelay $0x1  }
0x49: {  	[smem:$0x8] =	sst s22;
	s20 =	sadd.s32 $0x10, s20;
	v7 =	vsub.s32 v7, v0  }
0x4a: {  	s22 =	sadd.s32 $0x10, s22;
	s21 =	sadd.s32 $0x10, s21;
	s19 =	sadd.s32 $0x10, s19;
	[tilespmem:v9+s12+$0x0] =	vst.idx.msk vm2, v7  }
0x4b: {  	s19 =	simm.s32 $0x0  }
0x4c: {  	v7 =	vmov s19;
	_ =	sdelay $0x4  }
0x4d: {  	v9 =	vld.idx.msk [tilespmem:v7+s12+$0x0], $0xffff  }
0x4e: {  	s20 =	sld [smem:$0x0];
	_ =	sdelay $0x2  }
0x4f: {  	vm2 =	vmmov vm0;
	p0 =	slt.s32 s20, $0x600  }
0x50: {  	vm2 =	vmneg @p0 vm2;
	vm3 =	vlt.u32 v9, $0x140  }
0x51: {  	vm2 =	vmand vm3, vm2  }
0x52: {  	vm2 =	vmand vm2, vm1  }
0x53: {  	v8 =	vsel vm2, $0x1, v1  }
0x54: {  	(xrf0) =	vadd.scan.msk.s32 $0xffff, v8;
	_ =	sdelay $0x5  }
0x55: {  	v8, _, _ =	vpop (xrf0)  }
0x56: {  	(v2sf) =	vpush v8, $0xF;
	_ =	sdelay $0x8  }
0x57: {  	v10 =	vmov s20;
	v7 =	vld.idx.msk [tilespmem:v7+s11+$0x0], $0xffff  }
0x58: {  	s31 =	simm.s32 $0x1  }
0x59: {  	v8 =	vmov s31;
	_ =	sdelay $0x2  }
0x5a: {  	[tilespmem:v10+s13+$0x0] =	vst.idx.msk vm2, v7  }
0x5b: {  	[tilespmem:v10+s14+$0x0] =	vst.idx.msk vm2, v9;
	s21 =	spop (v2sf)  }
0x5c: {  	s19 =	simm.s32 $0x2;
	v7 =	vld.idx.msk [tilespmem:v8+s12+$0x0], $0xffff;
	s20 =	sadd.s32 s20, s21  }
.LBB2_9:
0x5d: {  	p0 =	sne.s32 s19, $0xF9F  }
0x5e: {  	[smem:$0x0] =	sst s20;
	s20 =	smov.u32 s19;
	s19 =	sadd.s32 $0x1, s19  }
0x5f: {  	s21 =	sld [smem:$0x0];
	_ =	sdelay $0x2  }
0x60: {  	vm3 =	vmmov vm0;
	p1 =	slt.s32 s21, $0x600  }
0x61: {  	vm2 =	vlt.u32 v7, $0x140;
	vm3 =	vmneg @p1 vm3  }
0x62: {  	vm2 =	vmand vm2, vm3  }
0x63: {  	v8 =	vld.idx.msk [tilespmem:v8+s11+$0x0], $0xffff;
	vm2 =	vmand vm2, vm1  }
0x64: {  	v9 =	vmov s21;
	v10 =	vsel vm2, $0x1, v1  }
0x65: {  	(xrf0) =	vadd.scan.msk.s32 $0xffff, v10;
	_ =	sdelay $0x3  }
0x66: {  	[tilespmem:v9+s13+$0x0] =	vst.idx.msk vm2, v8  }
0x67: {  	[tilespmem:v9+s14+$0x0] =	vst.idx.msk vm2, v7  }
0x68: {  	v7, _, _ =	vpop (xrf0)  }
0x69: {  	(v2sf) =	vpush v7, $0xF;
	_ =	sdelay $0xa  }
0x6a: {  	v8 =	vmov s20  }
.Ltmp3:
0x6b: {  	(pc) =	sbr.rel @p0 .LBB2_9-.Ltmp3, $3  }
0x6c: {  	_ =	sdelay $0x1  }
0x6d: {  	s20 =	spop (v2sf)  }
0x6e: {  	v7 =	vld.idx.msk [tilespmem:v8+s12+$0x0], $0xffff;
	s20 =	sadd.s32 s21, s20  }
0x6f: {  	[smem:$0x0] =	sst s20  }
0x70: {  	s19 =	sld [smem:$0x0];
	_ =	sdelay $0x2  }
0x71: {  	vm2 =	vmmov vm0;
	p0 =	slt.s32 s19, $0x600  }
0x72: {  	vm3 =	vlt.u32 v7, $0x140;
	vm2 =	vmneg @p0 vm2  }
0x73: {  	vm2 =	vmand vm3, vm2  }
0x74: {  	vm2 =	vmand vm2, vm1  }
0x75: {  	v9 =	vsel vm2, $0x1, v1  }
0x76: {  	(xrf0) =	vadd.scan.msk.s32 $0xffff, v9;
	_ =	sdelay $0x5  }
0x77: {  	v9, _, _ =	vpop (xrf0)  }
0x78: {  	(v2sf) =	vpush v9, $0xF;
	_ =	sdelay $0xa  }
0x79: {  	v8 =	vld.idx.msk [tilespmem:v8+s11+$0x0], $0xffff;
	s18 =	sadd.s32 $0x1, s18;
	v63 =	vmov s19  }
0x7a: {  	p0 =	sne.s32 s18, $0xA  }
.Ltmp4:
0x7b: {  	_ = 	snop;
	(pc) =	sbr.rel @p0 .LBB2_6-.Ltmp4, $4  }
0x7c: {  	_ = 	snop  }
0x7d: {  	s31 =	spop (v2sf)  }
0x7e: {  	[tilespmem:v63+s13+$0x0] =	vst.idx.msk vm2, v8;
	s19 =	sadd.s32 s19, s31  }
0x7f: {  	[tilespmem:v63+s14+$0x0] =	vst.idx.msk vm2, v7;
	[smem:$0x0] =	sst s19  }
0x80: {  	s17 =	simm.s32 $0x0  }
0x81: {  	v7 =	vmov s17;
	_ =	sdelay $0x4  }
0x82: {  	v7 =	vld.idx.msk [tilespmem:v7+s14+$0x0], $0xffff;
	_ =	sdelay $0x2  }
0x83: {  	s31 =	simm.s32 $0x1  }
0x84: {  	v8 =	vmov s31;
	s17 =	simm.s32 $0x2  }
.LBB2_12:
0x85: {  	p0 =	sne.s32 s17, $0x5FF;
	_ =	sdelay $0x2  }
0x86: {  	[tilespmem:v7+s15+$0x0] =	vst.idx.add.f32.msk $0x1, v6  }
.Ltmp5:
0x87: {  	v7 =	vld.idx.msk [tilespmem:v8+s14+$0x0], $0xffff;
	(pc) =	sbr.rel @p0 .LBB2_12-.Ltmp5, $2  }
0x88: {  	_ =	sdelay $0x2  }
0x89: {  	v8 =	vmov s17;
	s17 =	sadd.s32 $0x1, s17  }
0x8a: {  	_ =	sdelay $0x3  }
0x8b: {  	[tilespmem:v7+s15+$0x0] =	vst.idx.add.f32.msk $0x1, v6  }
0x8c: {  	v7 =	vld.idx.msk [tilespmem:v8+s14+$0x0], $0xffff;
	_ =	sdelay $0x7  }
0x8d: {  	[tilespmem:v7+s15+$0x0] =	vst.idx.add.f32.msk $0x1, v6  }
0x8e: {  	[hbm4b:s6+s3] =	stream.linear.scatter [tilespmem:s15], [sflag:$0x1], $0x140, $0x38;
	[tilespmem:$0x5C40] =	vst v63  }
0x8f: {  	_ =	swait.ge [sflag:s10], $0x140  }
0x90: {  	[sflag:s10] =	ssyncset.done $0x0  }
0x91: {  	[sflag:s10] =	ssyncadd.s32 $0xFFFFFEC0  }
0x92: {  	[hbm4b:s7+s3] =	stream.linear.scatter [tilespmem:s13], [sflag:$0x1], $0x600, $0x38;
	[tilespmem:$0x5C40] =	vst v63  }
0x93: {  	s16 =	sadd.s32 $0x1, s16;
	_ =	swait.ge [sflag:s10], $0x600  }
0x94: {  	p0 =	sne.s32 s16, s9;
	[sflag:s10] =	ssyncset.done $0x0  }
.Ltmp6:
0x95: {  	[sflag:s10] =	ssyncadd.s32 $0xFFFFFA00;
	(pc) =	sbr.rel @p0 .LBB2_1-.Ltmp6, $4  }
0x96: {  	[hbm4b:s8+s3] =	stream.linear.scatter [tilespmem:s14], [sflag:$0x1], $0x600, $0x38;
	[tilespmem:$0x5C40] =	vst v63  }
0x97: {  	_ =	swait.ge [sflag:s10], $0x600  }
0x98: {  	[sflag:s10] =	ssyncset.done $0x0  }
0x99: {  	[sflag:s10] =	ssyncadd.s32 $0xFFFFFA00  }
0x9a: {  	_ =	sfence.sel $0x180000  }
0x9b: {  	[bflag:$0x0] =	sbarrier.arrive $0xFFFF  }
0x9c: {  	p0 =	sne.s32 s0, $0x0;
	_ =	strace $0x9000004A  }
0x9d: {  	s0 =	sadd.s32 @!p0 $0x100000, s1;
	[bflag:$0x2] =	sbarrier.arrive $0xFFFF  }
0x9e: {  	[sflag:s0] =	ssyncadd.tile.s32 @!p0 $0x1;
	_ =	shalt  }
.Lfunc_end2:
_tile_overlayer_lowered:
.L_overlay_start_2:
0x9f: {  	(tag) =	ssettag $0x2  }
0xa0: {  	s0 =	rddreg [dreg:$0x0];
	s2 =	stileid.u32  }
0xa1: {  	s1 =	rddreg [dreg:$0x1];
	p0 =	sne.s32 s2, $0x0  }
0xa2: {  	s3 =	rddreg [dreg:$0x2];
	[bflag:$0x3] =	sbarrier.arrive $0xFFFF;
	s2 =	simm.s32 @!p0 $0x1C01  }
0xa3: {  	[timem:s3], [sflag:s2] =	dma.local @!p0 [hbm:s0], s1  }
0xa4: {  	s0 =	simm.s32 @!p0 $0x1  }
0xa5: {  	_ =	swait.ge @!p0 [sflag:s0], s1  }
0xa6: {  	s1 =	ssub.s32 @!p0 $0x0, s1;
	[sflag:s0] =	ssyncset.done @!p0 $0x0  }
0xa7: {  	[sflag:s0] =	ssyncadd.s32 @!p0 s1  }
0xa8: {  	[bflag:$0x3] =	sbarrier.arrive $0xFFFF  }
0xa9: {  	_ =	shalt  }

// kernel: kernel.23.cloned.1.call-start
scs
__scs_entry_jumppad:
0x0: {  	(pc) =	sbr.rel $0x88, $3  }
0x1: {  	(tag) =	ssettag $0x0;
	lr =	simm.s32 $0x1  }
0x2: {  	[smem:$0x3F89] =	sst lr;
	_ =	strace $0xD0000000  }
0x3: {  	_ = 	snop  }
0x4: {  	_ = 	snop  }
0x5: {  	_ = 	snop  }
0x6: {  	_ = 	snop  }
0x7: {  	_ = 	snop  }
__scs_overlays_trampoline_lowered:
0x8: {  	[smem:$0x3F98] =	sst s0  }
0x9: {  	[smem:$0x3F99] =	sst s1  }
0xa: {  	[smem:$0x3F9A] =	sst s2  }
0xb: {  	[smem:$0x3F9B] =	sst s3  }
0xc: {  	[smem:$0x3F9C] =	sst s4  }
0xd: {  	[smem:$0x3F9D] =	sst s5  }
0xe: {  	[smem:$0x3F9E] =	sst s6  }
0xf: {  	[smem:$0x3F9F] =	sst s7  }
0x10: {  	[smem:$0x3FA0] =	sst s8  }
0x11: {  	[smem:$0x3FA1] =	sst s9;
	s0 =	simm.s32 @!p0 $0x0  }
0x12: {  	s1 =	sld [smem:$0x3F87];
	s0 =	simm.s32 @p0 $0x1  }
0x13: {  	[smem:$0x3FA2] =	sst s0;
	s0 =	simm.s32 @!p1 $0x0  }
0x14: {  	s2 =	sld [smem:$0x3F86];
	s0 =	simm.s32 @p1 $0x1  }
0x15: {  	[smem:$0x3FA3] =	sst s0;
	s0 =	simm.s32 @!p2 $0x0  }
0x16: {  	s3 =	sld [smem:$0x3FDB];
	s0 =	simm.s32 @p2 $0x1  }
0x17: {  	s4 =	simm.s32 $0x1BF5;
	[smem:$0x3FA5] =	sst s0  }
0x18: {  	s0 =	sld [smem:$0x3F88];
	_ =	swait.ge [sflag:s4], $0x0  }
0x19: {  	s7 =	sld [smem:$0x3F89]  }
0x1a: {  	s8 =	sadd.s32 $0xFFFFE003, lr  }
0x1b: {  	s9 =	sadd.s32 $0xFFFFFEF7, lr;
	s5 =	simm.s32 $0xFFFFFFFF;
	p2 =	slt.u32 s8, $0xFFFFF086  }
0x1c: {  	p1 =	slt.u32 s9, $0xF7A;
	s5 =	simm.s32 @!p2 $0x0  }
0x1d: {  	s5 =	simm.s32 @p1 $0x1;
	p0 =	seq.s32 s7, s2  }
0x1e: {  	s7 =	smul.u32 @!p0 $0xF7A, s2;
	p2 =	seq.s32 @!p0 s5, $0x0  }
0x1f: {  	s9 =	smul.u32 $0xF7A, s1;
	s8 =	simm.s32 @!p0 $0x1BF5;
	p2 =	por !p2, p0  }
0x20: {  	[sflag:s8] =	ssyncset.s32 @!p0 $0xFFFFF086;
	s6 =	sadd.s32 @!p0 s3, s7;
	s7 =	simm.s32 @!p0 $0x108  }
0x21: {  	s3 =	sadd.s32 s3, s9;
	s6 =	sadd.s32 @!p0 $0x88, s6;
	s7 =	simm.s32 @p2 $0x1082  }
0x22: {  	[simem:s7], [sflag:s8] =	dma.local @!p0 [hbm:s6], $0xF7A  }
0x23: {  	s9 =	sor.u32 $0xD0000000, s2;
	s6 =	simm.s32 $0x108;
	_ =	swait.ge @!p0 [sflag:s8], $0x0  }
0x24: {  	s3 =	sadd.s32 $0x88, s3;
	s6 =	simm.s32 @!p1 $0x1082;
	[sflag:s4] =	ssyncset.s32 $0xFFFFF086  }
0x25: {  	[simem:s6], [sflag:s4] =	dma.local [hbm:s3], $0xF7A  }
0x26: {  	[smem:$0x3F89] =	sst s1;
	(tag) =	ssettag s2;
	_ =	strace s9  }
0x27: {  	s1 =	sld [smem:$0x3F99]  }
0x28: {  	s2 =	sld [smem:$0x3F9A]  }
0x29: {  	s4 =	sld [smem:$0x3F9C]  }
0x2a: {  	p0 =	seq.s32 s5, $0x0;
	s5 =	sld [smem:$0x3F9D]  }
0x2b: {  	s6 =	sld [smem:$0x3F9E]  }
0x2c: {  	s7 =	sld [smem:$0x3F9F]  }
0x2d: {  	s3 =	simm.s32 $0x108;
	s8 =	sld [smem:$0x3FA0]  }
0x2e: {  	s3 =	simm.s32 @!p0 $0x1082;
	s9 =	sld [smem:$0x3FA1]  }
0x2f: {  	lr =	sadd.s32 s0, s3;
	s0 =	sld [smem:$0x3F98]  }
0x30: {  	s3 =	sld [smem:$0x3F9B]  }
0x31: {  	[smem:$0x3FA4] =	sst s10  }
0x32: {  	s10 =	sld [smem:$0x3FA2];
	_ =	sdelay $0x3  }
0x33: {  	p0 =	seq.s32 s10, $0x1;
	s10 =	sld [smem:$0x3FA4];
	_ =	sdelay $0x3  }
0x34: {  	[smem:$0x3FA4] =	sst s10  }
0x35: {  	s10 =	sld [smem:$0x3FA3];
	_ =	sdelay $0x3  }
0x36: {  	p1 =	seq.s32 s10, $0x1;
	s10 =	sld [smem:$0x3FA4];
	_ =	sdelay $0x3  }
0x37: {  	[smem:$0x3FA4] =	sst s10  }
0x38: {  	s10 =	sld [smem:$0x3FA5]  }
0x39: {  	_ = 	snop;
	(pc) =	sbr.ind lr, $3  }
0x3a: {  	_ = 	snop  }
0x3b: {  	_ = 	snop  }
0x3c: {  	p2 =	seq.s32 s10, $0x1;
	s10 =	sld [smem:$0x3FA4]  }
0x3d: {  	_ =	shalt  }
0x3e: {  	_ =	shalt  }
0x3f: {  	_ =	shalt  }
0x40: {  	_ =	shalt  }
0x41: {  	_ =	shalt  }
0x42: {  	_ =	shalt  }
0x43: {  	_ =	shalt  }
0x44: {  	_ =	shalt  }
0x45: {  	_ =	shalt  }
0x46: {  	_ =	shalt  }
0x47: {  	_ =	shalt  }
0x48: {  	_ =	shalt  }
0x49: {  	_ =	shalt  }
0x4a: {  	_ =	shalt  }
0x4b: {  	_ =	shalt  }
0x4c: {  	_ =	shalt  }
0x4d: {  	_ =	shalt  }
0x4e: {  	_ =	shalt  }
0x4f: {  	_ =	shalt  }
0x50: {  	_ =	shalt  }
0x51: {  	_ =	shalt  }
0x52: {  	_ =	shalt  }
0x53: {  	_ =	shalt  }
0x54: {  	_ =	shalt  }
0x55: {  	_ =	shalt  }
0x56: {  	_ =	shalt  }
0x57: {  	_ =	shalt  }
0x58: {  	_ =	shalt  }
0x59: {  	_ =	shalt  }
0x5a: {  	_ =	shalt  }
0x5b: {  	_ =	shalt  }
0x5c: {  	_ =	shalt  }
0x5d: {  	_ =	shalt  }
0x5e: {  	_ =	shalt  }
0x5f: {  	_ =	shalt  }
0x60: {  	_ =	shalt  }
0x61: {  	_ =	shalt  }
0x62: {  	_ =	shalt  }
0x63: {  	_ =	shalt  }
0x64: {  	_ =	shalt  }
0x65: {  	_ =	shalt  }
0x66: {  	_ =	shalt  }
0x67: {  	_ =	shalt  }
0x68: {  	_ =	shalt  }
0x69: {  	_ =	shalt  }
0x6a: {  	_ =	shalt  }
0x6b: {  	_ =	shalt  }
0x6c: {  	_ =	shalt  }
0x6d: {  	_ =	shalt  }
0x6e: {  	_ =	shalt  }
0x6f: {  	_ =	shalt  }
0x70: {  	_ =	shalt  }
0x71: {  	_ =	shalt  }
0x72: {  	_ =	shalt  }
0x73: {  	_ =	shalt  }
0x74: {  	_ =	shalt  }
0x75: {  	_ =	shalt  }
0x76: {  	_ =	shalt  }
0x77: {  	_ =	shalt  }
0x78: {  	_ =	shalt  }
0x79: {  	_ =	shalt  }
0x7a: {  	_ =	shalt  }
0x7b: {  	_ =	shalt  }
0x7c: {  	_ =	shalt  }
0x7d: {  	_ =	shalt  }
0x7e: {  	_ =	shalt  }
0x7f: {  	_ =	shalt  }
0x80: {  	_ =	shalt  }
0x81: {  	_ =	shalt  }
0x82: {  	_ =	shalt  }
0x83: {  	_ =	shalt  }
0x84: {  	_ =	shalt  }
0x85: {  	_ =	shalt  }
0x86: {  	_ =	shalt  }
0x87: {  	_ =	shalt  }
.Lfunc_end0:
.L_simem_size_0:
called_computation.4_lowered:
.L_overlay_start_0:
0x88: {  	s2 =	sld [smem:$0x3FD9]  }
0x89: {  	s3 =	sld [smem:$0x3FFE];
	_ =	sdelay $0x1  }
0x8a: {  	s1 =	srdreg.scid  }
0x8b: {  	s0 =	sand.u32 $0x1, s1  }
0x8c: {  	s16 =	sshll.u32 s0, $0xA;
	s2 =	sadd.s32 s3, s2  }
0x8d: {  	s2 =	sadd.s32 s2, s16  }
0x8e: {  	[smem:$0x3FB0] =	sst s2  }
0x8f: {  	_ = 	snop  }
0x90: {  	(tm) =	ssettm $0x1  }
0x91: {  	s17 =	sld [smem:$0x3FFB];
	_ =	sdelay $0x3  }
0x92: {  	_ =	strace s17  }
0x93: {  	s2 =	sld [smem:$0x3FFC];
	_ =	sdelay $0x3  }
0x94: {  	_ =	strace s2  }
0x95: {  	s2 =	sld [smem:$0x3FFD];
	_ =	sdelay $0x3  }
0x96: {  	_ =	strace s2  }
0x97: {  	_ =	strace $0x8FFFFFFF  }
0x98: {  	s18 =	sld [smem:$0x3FDB];
	_ =	sdelay $0x1  }
0x99: {  	s19 =	simm.s32 $_scs_section_size  }
0x9a: {  	s4 =	simm.s32 $_size__tile_overlayer_lowered;
	s5 =	simm.s32 $_tile_overlayer_lowered  }
0x9b: {  	s22 =	simm.s32 $0x1BFF;
	s21 =	sshll.u32 s5, $0x1;
	s2 =	sadd.s32 s19, s18  }
0x9c: {  	s6 =	simm.s32 $0x0;
	s20 =	sshll.u32 s4, $0x1;
	s4 =	sadd.s32 s21, s2  }
0x9d: {  	[timem:s6], [sflag:s22] =	dma.local [hbm:s4], s20  }
0x9e: {  	_ =	swait.ge [sflag:s22], s20  }
0x9f: {  	s3 =	ssub.s32 $0x0, s20;
	[sflag:s22] =	ssyncset.done $0x0  }
0xa0: {  	[sflag:s22] =	ssyncadd.s32 s3;
	_ =	sdelay $0x1  }
0xa1: {  	s23 =	simm.s32 $0x1B8B  }
0xa2: {  	_ =	swait.ge [sflag:s23], $0x1  }
0xa3: {  	[sflag:s23] =	ssyncset.done $0x0  }
0xa4: {  	s25 =	simm.s32 $0x1B8E;
	s24 =	sld [smem:$0x3FFE];
	[sflag:s23] =	ssyncadd.s32 $0xFFFFFFFF  }
0xa5: {  	s26 =	simm.s32 $execute0_lowered;
	[smem:$0x3FD2] =	sst s25  }
0xa6: {  	s4 =	sshll.u32 s26, $0x1;
	_ =	strace $0x8000004F;
	[dreg:$0x1] =	wrdreg $0xFFFFFFFF  }
0xa7: {  	s28 =	simm.s32 $_size_execute0_lowered;
	s2 =	sadd.s32 s2, s4;
	[dreg:$0x0] =	wrdreg $0x0  }
0xa8: {  	s4 =	sshll.u32 s28, $0x1;
	[dreg:$0x2] =	wrdreg s2  }
0xa9: {  	[dreg:$0x3] =	wrdreg s4  }
0xaa: {  	[dreg:$0x4] =	wrdreg $0xC0  }
0xab: {  	_ =	task [dreg:s6], $0x5FFFF  }
0xac: {  	[dreg:$0x1] =	wrdreg $0xFFFFFFFF  }
0xad: {  	[dreg:$0x0] =	wrdreg $0x60  }
0xae: {  	[dreg:$0x2] =	wrdreg s24  }
0xaf: {  	[dreg:$0x3] =	wrdreg $0x9  }
0xb0: {  	_ =	task.clear_ibuf [dreg:s6], $0x4FFFF;
	_ =	strace $0x9000004F  }
0xb1: {  	s29 =	simm.s32 $0x9;
	_ =	strace $0x80000051  }
0xb2: {  	_ =	swait.ge [sflag:s29], $0x1  }
0xb3: {  	[sflag:s29] =	ssyncadd.s32 $0xFFFFFFFF  }
0xb4: {  	_ =	strace $0x90000051  }
0xb5: {  	_ =	sfence  }
0xb6: {  	s30 =	sld [smem:$0x0];
	_ =	sdelay $0x2  }
0xb7: {  	s31 =	sshll.u32 s1, $0xD;
	s1 =	sshrl.u32 s1, $0x2  }
0xb8: {  	s3 =	sand.u32 $0x4000, s31;
	s1 =	sadd.s32 s1, s30  }
0xb9: {  	s0 =	sor.u32 s3, s0;
	s1 =	sshll.u32 s1, $0x11  }
0xba: {  	s0 =	sor.u32 s1, s0  }
0xbb: {  	s0 =	sadd.s32 $0x8F2B, s0  }
0xbc: {  	[sflag:s0] =	ssyncadd.remote.s32 $0x1  }
0xbd: {  	_ =	sfence.sel $0xFFFF  }
0xbe: {  	[dreg:$0x0] =	wrdreg $0xFFFFFFFF;
	(pc) =	sbr.abs _section_cstart, $3  }
0xbf: {  	[dreg:$0x1] =	wrdreg $0xFFFFFFFF  }
0xc0: {  	_ =	task.clear_ibuf [dreg:s6], $0x2FFFF;
	_ =	strace $0x9FFFFFFF  }
0xc1: {  	(tm) =	ssettm $0x7FFFFFFF  }
tec
execute0_lowered:
.L_overlay_start_1:
0x0: {  	(tag) =	ssettag $0x1  }
0x1: {  	s0 =	srdreg.scid  }
0x2: {  	s1 =	stileid.u32;
	s2 =	rddreg [dreg:$0x0];
	s3 =	simm.s32 $0x0  }
0x3: {  	s12 =	simm.s32 $0x5;
	s13 =	simm.s32 $0x600;
	s14 =	simm.s32 $0x80  }
0x4: {  	s15 =	simm.s32 $0xC00;
	s16 =	simm.s32 $0x14F00;
	s17 =	simm.s32 $0xC80  }
0x5: {  	s18 =	simm.s32 $0x16F00;
	s19 =	simm.s32 $0xD00;
	s20 =	simm.s32 $0x18F00  }
0x6: {  	s21 =	simm.s32 $0xD80;
	s22 =	simm.s32 $0x1AF00;
	s23 =	simm.s32 $0x1  }
0x7: {  	s24 =	simm.s32 $0x2;
	s28 =	simm.s32 $0x40;
	s29 =	simm.s32 $0x800  }
0x8: {  	s0 =	sand.u32 $0x1, s0;
	[smem:$0x7FF] =	sst s3;
	s3 =	sadd.s32 $0x8D5400, s2  }
0x9: {  	s1 =	sshll.u32 s1, $0x1;
	s5 =	sadd.s32 $0x182400, s2;
	s25 =	sadd.s32 $0xDB7400, s2  }
0xa: {  	s6 =	sadd.s32 $0x1037400, s2;
	s1 =	sor.u32 s0, s1;
	s0 =	ssub.s32 $0x2, s0  }
0xb: {  	s7 =	sadd.s32 $0x12B7400, s2;
	s4 =	smul.u32 $0xC0, s1;
	s26 =	sshrl.u32 s0, $0x1  }
0xc: {  	_ =	strace $0x80000050;
	[dreg:$0x2] =	wrdreg s5;
	s0 =	ssub.s32 s0, s26  }
0xd: {  	[dreg:$0x3] =	wrdreg s25;
	s4 =	sadd.s32 s4, s2;
	s0 =	smax.u32 s0, $0x1  }
0xe: {  	s25 =	simm.s32 $0x3;
	s30 =	sadd.s32 $0xBF400, s4;
	[dreg:$0x6] =	wrdreg s0  }
0xf: {  	s10 =	smul.u32 $0xA0000, s1;
	s31 =	sadd.s32 $0xC0C00, s4;
	[dreg:$0x4] =	wrdreg s30  }
0x10: {  	v0 =	vimm.f32 $0.0e+00;
	v1 =	vimm.f32 $3.000000010e+38;
	v2 =	vimm.f32 $-3.000000010e+38;
	s1 =	simm.s32 $0x0;
	s26 =	simm.s32 $0x4;
	[dreg:$0x5] =	wrdreg s31  }
.LBB2_1:
0x11: {  	[dreg:$0x7] =	wrdreg s1  }
0x12: {  	s0 =	simm.s32 $0x0;
	s30 =	rddreg [dreg:$0x4]  }
0x13: {  	[tilespmem:s0], [sflag:$0x5] =	stream.linear.gather [hbm4b:s30+s0], $0x600, $0x38;
	[tilespmem:$0x1CF00] =	vst v63  }
0x14: {  	_ =	swait.ge [sflag:s12], $0x600  }
0x15: {  	[sflag:s12] =	ssyncset.done $0x0  }
0x16: {  	s31 =	rddreg [dreg:$0x5];
	[sflag:s12] =	ssyncadd.s32 $0xFFFFFA00  }
0x17: {  	[tilespmem:s13], [sflag:$0x5] =	stream.linear.gather [hbm4b:s31+s0], $0x600, $0x38;
	[tilespmem:$0x1CF00] =	vst v63  }
0x18: {  	_ =	swait.ge [sflag:s12], $0x600  }
0x19: {  	[sflag:s12] =	ssyncset.done $0x0  }
0x1a: {  	s8 =	simm.s32 $0x0;
	[sflag:s12] =	ssyncadd.s32 $0xFFFFFA00  }
.LBB2_2:
0x1b: {  	s0 =	simm.s32 $0x0;
	s1 =	simm.s32 $0x100  }
.LBB2_3:
0x1c: {  	p0 =	seq.s32 s1, $0x14000;
	[tilespmem:s0+$0xFEF0] =	vst v2  }
0x1d: {  	[tilespmem:s0+$0xE00] =	vst v0  }
0x1e: {  	[tilespmem:s0+$0x5E40] =	vst v0  }
0x1f: {  	[tilespmem:s0+$0xAE80] =	vst v1  }
0x20: {  	[tilespmem:s0+$0xFEC0] =	vst v2  }
0x21: {  	[tilespmem:s0+$0xE10] =	vst v0  }
0x22: {  	[tilespmem:s0+$0x5E50] =	vst v0  }
0x23: {  	[tilespmem:s0+$0xAE90] =	vst v1  }
0x24: {  	[tilespmem:s0+$0xFED0] =	vst v2  }
0x25: {  	[tilespmem:s0+$0xE20] =	vst v0  }
0x26: {  	[tilespmem:s0+$0x5E60] =	vst v0  }
.Ltmp0:
0x27: {  	[tilespmem:s0+$0xAEA0] =	vst v1;
	(pc) =	sbr.rel @!p0 .LBB2_3-.Ltmp0, $4  }
0x28: {  	[tilespmem:s0+$0xFEE0] =	vst v2  }
0x29: {  	[tilespmem:s0+$0xE30] =	vst v0  }
0x2a: {  	[tilespmem:s0+$0x5E70] =	vst v0  }
0x2b: {  	[tilespmem:s0+$0xAEB0] =	vst v1;
	s0 =	sshra.s32 s1, $0x2;
	s1 =	sadd.s32 $0x100, s1  }
0x2c: {  	[tilespmem:s0+$0xFEF0] =	vst v2  }
0x2d: {  	[tilespmem:s0+$0xE00] =	vst v0  }
0x2e: {  	[tilespmem:s0+$0x5E40] =	vst v0  }
0x2f: {  	[tilespmem:s0+$0xAE80] =	vst v1  }
0x30: {  	[tilespmem:s0+$0xFEC0] =	vst v2  }
0x31: {  	[tilespmem:s0+$0xE10] =	vst v0  }
0x32: {  	[tilespmem:s0+$0x5E50] =	vst v0  }
0x33: {  	[tilespmem:s0+$0xAE90] =	vst v1  }
0x34: {  	[tilespmem:s0+$0xFED0] =	vst v2  }
0x35: {  	[tilespmem:s0+$0xE20] =	vst v0  }
0x36: {  	[tilespmem:s0+$0x5E60] =	vst v0  }
0x37: {  	[tilespmem:s0+$0xAEA0] =	vst v1  }
0x38: {  	[tilespmem:s0+$0xFEE0] =	vst v2  }
0x39: {  	[tilespmem:s0+$0xE30] =	vst v0  }
0x3a: {  	[tilespmem:s0+$0x5E70] =	vst v0;
	s9 =	simm.s32 $0x0;
	s11 =	simm.s32 $0x80  }
0x3b: {  	[tilespmem:s0+$0xAEB0] =	vst v1;
	v3 =	vmov s8;
	s2 =	simm.s32 $0x100;
	s30 =	simm.s32 $0x180;
	s31 =	simm.s32 $0x0  }
.LBB2_5:
0x3c: {  	s0 =	sshll.u32 s31, $0x9  }
0x3d: {  	s0 =	sand.u32 $0x3FFFFE00, s0  }
0x3e: {  	v4 =	vld [tilespmem:s0+$0x0];
	_ =	sdelay $0x4  }
0x3f: {  	v4 =	vshll.u32 v4, $0x5  }
0x40: {  	v4 =	vadd.s32 v3, v4  }
0x41: {  	[tilespmem:$0xC00] =	vst v4  }
0x42: {  	v4 =	vld [tilespmem:s0+$0x10];
	_ =	sdelay $0x4  }
0x43: {  	v4 =	vshll.u32 v4, $0x5  }
0x44: {  	v4 =	vadd.s32 v3, v4  }
0x45: {  	[tilespmem:$0xC10] =	vst v4  }
0x46: {  	v4 =	vld [tilespmem:s0+$0x20];
	_ =	sdelay $0x4  }
0x47: {  	v4 =	vshll.u32 v4, $0x5  }
0x48: {  	v4 =	vadd.s32 v3, v4  }
0x49: {  	[tilespmem:$0xC20] =	vst v4  }
0x4a: {  	v4 =	vld [tilespmem:s0+$0x30];
	_ =	sdelay $0x4  }
0x4b: {  	v4 =	vshll.u32 v4, $0x5  }
0x4c: {  	v4 =	vadd.s32 v3, v4  }
0x4d: {  	[tilespmem:$0xC30] =	vst v4  }
0x4e: {  	v4 =	vld [tilespmem:s0+$0x40];
	_ =	sdelay $0x4  }
0x4f: {  	v4 =	vshll.u32 v4, $0x5  }
0x50: {  	v4 =	vadd.s32 v3, v4  }
0x51: {  	[tilespmem:$0xC40] =	vst v4  }
0x52: {  	v4 =	vld [tilespmem:s0+$0x50];
	_ =	sdelay $0x4  }
0x53: {  	v4 =	vshll.u32 v4, $0x5  }
0x54: {  	v4 =	vadd.s32 v3, v4  }
0x55: {  	[tilespmem:$0xC50] =	vst v4  }
0x56: {  	v4 =	vld [tilespmem:s0+$0x60];
	_ =	sdelay $0x4  }
0x57: {  	v4 =	vshll.u32 v4, $0x5  }
0x58: {  	v4 =	vadd.s32 v3, v4  }
0x59: {  	[tilespmem:$0xC60] =	vst v4  }
0x5a: {  	v4 =	vld [tilespmem:s0+$0x70];
	_ =	sdelay $0x4  }
0x5b: {  	v4 =	vshll.u32 v4, $0x5  }
0x5c: {  	v4 =	vadd.s32 v3, v4  }
0x5d: {  	[tilespmem:$0xC70] =	vst v4  }
0x5e: {  	v4 =	vld [tilespmem:s0+$0x80];
	_ =	sdelay $0x4  }
0x5f: {  	v4 =	vshll.u32 v4, $0x5  }
0x60: {  	v4 =	vadd.s32 v3, v4  }
0x61: {  	[tilespmem:$0xC80] =	vst v4  }
0x62: {  	v4 =	vld [tilespmem:s0+$0x90];
	_ =	sdelay $0x4  }
0x63: {  	v4 =	vshll.u32 v4, $0x5  }
0x64: {  	v4 =	vadd.s32 v3, v4  }
0x65: {  	[tilespmem:$0xC90] =	vst v4  }
0x66: {  	v4 =	vld [tilespmem:s0+$0xA0];
	_ =	sdelay $0x4  }
0x67: {  	v4 =	vshll.u32 v4, $0x5  }
0x68: {  	v4 =	vadd.s32 v3, v4  }
0x69: {  	[tilespmem:$0xCA0] =	vst v4  }
0x6a: {  	v4 =	vld [tilespmem:s0+$0xB0];
	_ =	sdelay $0x4  }
0x6b: {  	v4 =	vshll.u32 v4, $0x5  }
0x6c: {  	v4 =	vadd.s32 v3, v4  }
0x6d: {  	[tilespmem:$0xCB0] =	vst v4  }
0x6e: {  	v4 =	vld [tilespmem:s0+$0xC0];
	_ =	sdelay $0x4  }
0x6f: {  	v4 =	vshll.u32 v4, $0x5  }
0x70: {  	v4 =	vadd.s32 v3, v4  }
0x71: {  	[tilespmem:$0xCC0] =	vst v4  }
0x72: {  	v4 =	vld [tilespmem:s0+$0xD0];
	_ =	sdelay $0x4  }
0x73: {  	v4 =	vshll.u32 v4, $0x5  }
0x74: {  	v4 =	vadd.s32 v3, v4  }
0x75: {  	[tilespmem:$0xCD0] =	vst v4  }
0x76: {  	v4 =	vld [tilespmem:s0+$0xE0];
	_ =	sdelay $0x4  }
0x77: {  	v4 =	vshll.u32 v4, $0x5  }
0x78: {  	v4 =	vadd.s32 v3, v4  }
0x79: {  	[tilespmem:$0xCE0] =	vst v4  }
0x7a: {  	v4 =	vld [tilespmem:s0+$0xF0];
	_ =	sdelay $0x4  }
0x7b: {  	v4 =	vshll.u32 v4, $0x5  }
0x7c: {  	v4 =	vadd.s32 v3, v4  }
0x7d: {  	[tilespmem:$0xCF0] =	vst v4  }
0x7e: {  	v4 =	vld [tilespmem:s0+$0x100];
	_ =	sdelay $0x4  }
0x7f: {  	v4 =	vshll.u32 v4, $0x5  }
0x80: {  	v4 =	vadd.s32 v3, v4  }
0x81: {  	[tilespmem:$0xD00] =	vst v4  }
0x82: {  	v4 =	vld [tilespmem:s0+$0x110];
	_ =	sdelay $0x4  }
0x83: {  	v4 =	vshll.u32 v4, $0x5  }
0x84: {  	v4 =	vadd.s32 v3, v4  }
0x85: {  	[tilespmem:$0xD10] =	vst v4  }
0x86: {  	v4 =	vld [tilespmem:s0+$0x120];
	_ =	sdelay $0x4  }
0x87: {  	v4 =	vshll.u32 v4, $0x5  }
0x88: {  	v4 =	vadd.s32 v3, v4  }
0x89: {  	[tilespmem:$0xD20] =	vst v4  }
0x8a: {  	v4 =	vld [tilespmem:s0+$0x130];
	_ =	sdelay $0x4  }
0x8b: {  	v4 =	vshll.u32 v4, $0x5  }
0x8c: {  	v4 =	vadd.s32 v3, v4  }
0x8d: {  	[tilespmem:$0xD30] =	vst v4  }
0x8e: {  	v4 =	vld [tilespmem:s0+$0x140];
	_ =	sdelay $0x4  }
0x8f: {  	v4 =	vshll.u32 v4, $0x5  }
0x90: {  	v4 =	vadd.s32 v3, v4  }
0x91: {  	[tilespmem:$0xD40] =	vst v4  }
0x92: {  	v4 =	vld [tilespmem:s0+$0x150];
	_ =	sdelay $0x4  }
0x93: {  	v4 =	vshll.u32 v4, $0x5  }
0x94: {  	v4 =	vadd.s32 v3, v4  }
0x95: {  	[tilespmem:$0xD50] =	vst v4  }
0x96: {  	v4 =	vld [tilespmem:s0+$0x160];
	_ =	sdelay $0x4  }
0x97: {  	v4 =	vshll.u32 v4, $0x5  }
0x98: {  	v4 =	vadd.s32 v3, v4  }
0x99: {  	[tilespmem:$0xD60] =	vst v4  }
0x9a: {  	v4 =	vld [tilespmem:s0+$0x170];
	_ =	sdelay $0x4  }
0x9b: {  	v4 =	vshll.u32 v4, $0x5  }
0x9c: {  	v4 =	vadd.s32 v3, v4  }
0x9d: {  	[tilespmem:$0xD70] =	vst v4  }
0x9e: {  	v4 =	vld [tilespmem:s0+$0x180];
	_ =	sdelay $0x4  }
0x9f: {  	v4 =	vshll.u32 v4, $0x5  }
0xa0: {  	v4 =	vadd.s32 v3, v4  }
0xa1: {  	[tilespmem:$0xD80] =	vst v4  }
0xa2: {  	v4 =	vld [tilespmem:s0+$0x190];
	_ =	sdelay $0x4  }
0xa3: {  	v4 =	vshll.u32 v4, $0x5  }
0xa4: {  	v4 =	vadd.s32 v3, v4  }
0xa5: {  	[tilespmem:$0xD90] =	vst v4  }
0xa6: {  	v4 =	vld [tilespmem:s0+$0x1A0];
	_ =	sdelay $0x4  }
0xa7: {  	v4 =	vshll.u32 v4, $0x5  }
0xa8: {  	v4 =	vadd.s32 v3, v4  }
0xa9: {  	[tilespmem:$0xDA0] =	vst v4  }
0xaa: {  	v4 =	vld [tilespmem:s0+$0x1B0];
	_ =	sdelay $0x4  }
0xab: {  	v4 =	vshll.u32 v4, $0x5  }
0xac: {  	v4 =	vadd.s32 v3, v4  }
0xad: {  	[tilespmem:$0xDB0] =	vst v4  }
0xae: {  	v4 =	vld [tilespmem:s0+$0x1C0];
	_ =	sdelay $0x4  }
0xaf: {  	v4 =	vshll.u32 v4, $0x5  }
0xb0: {  	v4 =	vadd.s32 v3, v4  }
0xb1: {  	[tilespmem:$0xDC0] =	vst v4  }
0xb2: {  	v4 =	vld [tilespmem:s0+$0x1D0];
	_ =	sdelay $0x4  }
0xb3: {  	v4 =	vshll.u32 v4, $0x5  }
0xb4: {  	v4 =	vadd.s32 v3, v4  }
0xb5: {  	[tilespmem:$0xDD0] =	vst v4  }
0xb6: {  	v4 =	vld [tilespmem:s0+$0x1E0];
	_ =	sdelay $0x4  }
0xb7: {  	v4 =	vshll.u32 v4, $0x5  }
0xb8: {  	v4 =	vadd.s32 v3, v4  }
0xb9: {  	[tilespmem:$0xDE0] =	vst v4  }
0xba: {  	v4 =	vld [tilespmem:s0+$0x1F0];
	_ =	sdelay $0x4  }
0xbb: {  	v4 =	vshll.u32 v4, $0x5  }
0xbc: {  	v4 =	vadd.s32 v3, v4  }
0xbd: {  	[tilespmem:$0xDF0] =	vst v4  }
0xbe: {  	[tilespmem:s16], [sflag:$0x1] =	stream.indirect.gather [hbm4b:s3+s14], $0x40, s15, s14, $0xb8;
	[tilespmem:$0x1CF00] =	vst v63  }
0xbf: {  	_ = 	snop  }
0xc0: {  	[tilespmem:s18], [sflag:$0x2] =	stream.indirect.gather [hbm4b:s3+s14], $0x40, s17, s14, $0xb8;
	[tilespmem:$0x1CF00] =	vst v63  }
0xc1: {  	s4 =	sadd.s32 $0x0, s9  }
0xc2: {  	[tilespmem:s20], [sflag:$0x3] =	stream.indirect.gather [hbm4b:s3+s14], $0x40, s19, s14, $0xb8;
	[tilespmem:$0x1CF00] =	vst v63  }
0xc3: {  	v4 =	vmov s4  }
0xc4: {  	[tilespmem:s22], [sflag:$0x4] =	stream.indirect.gather [hbm4b:s3+s14], $0x40, s21, s14, $0xb8;
	[tilespmem:$0x1CF00] =	vst v63  }
0xc5: {  	_ =	swait.ge [sflag:s23], $0x2000  }
0xc6: {  	[sflag:s23] =	ssyncset.done $0x0  }
0xc7: {  	[sflag:s23] =	ssyncadd.s32 $0xFFFFE000  }
0xc8: {  	v4 =	vld.idx.msk [tilespmem:v4+s13+$0x0], $0xffff;
	_ =	sdelay $0x4  }
0xc9: {  	v4 =	vxor.u32 $0x80000000, v4  }
0xca: {  	(xrf0) =	vmax.scan.msk.u32 $0xffff, v4;
	_ =	sdelay $0x5  }
0xcb: {  	v4, _, _ =	vpop (xrf0)  }
0xcc: {  	(v2sf) =	vpush v4, $0xF;
	_ =	sdelay $0xe  }
0xcd: {  	s1 =	simm.s32 $0x14F20;
	s5 =	spop (v2sf)  }
0xce: {  	v4 =	vld [tilespmem:s1+$0xFFFFFFE0];
	s0 =	sshll.u32 s5, $0x6  }
0xcf: {  	v5 =	vld [tilespmem:s0+$0xE00]  }
0xd0: {  	v6 =	vld [tilespmem:s0+$0x5E40];
	_ =	sdelay $0x1  }
0xd1: {  	v7 =	vld [tilespmem:s0+$0xAE80]  }
0xd2: {  	v8 =	vmul.f32 v4, v4;
	v9 =	vld [tilespmem:s0+$0xFEC0]  }
0xd3: {  	v5 =	vadd.f32 v5, v4  }
0xd4: {  	v6 =	vadd.f32 v6, v8  }
0xd5: {  	[tilespmem:s0+$0xE00] =	vst v5  }
0xd6: {  	[tilespmem:s0+$0x5E40] =	vst v6;
	v5 =	vmin.f32 v7, v4  }
0xd7: {  	v4 =	vmax.f32 v9, v4;
	[tilespmem:s0+$0xAE80] =	vst v5;
	v5 =	vld [tilespmem:s0+$0xAE90]  }
0xd8: {  	[tilespmem:s0+$0xFEC0] =	vst v4;
	v4 =	vld [tilespmem:s0+$0xE10]  }
0xd9: {  	v6 =	vld [tilespmem:s1+$0xFFFFFFF0]  }
0xda: {  	v8 =	vld [tilespmem:s0+$0x5E50]  }
0xdb: {  	v7 =	vld [tilespmem:s0+$0xFED0];
	_ =	sdelay $0x2  }
0xdc: {  	v4 =	vadd.f32 v4, v6;
	v5 =	vmin.f32 v5, v6;
	v9 =	vmul.f32 v6, v6  }
0xdd: {  	[tilespmem:s0+$0xAE90] =	vst v5  }
0xde: {  	v5 =	vmax.f32 v7, v6;
	[tilespmem:s0+$0xE10] =	vst v4;
	v4 =	vadd.f32 v8, v9  }
0xdf: {  	[tilespmem:s0+$0xFED0] =	vst v5;
	v5 =	vld [tilespmem:s0+$0xAEA0]  }
0xe0: {  	[tilespmem:s0+$0x5E50] =	vst v4;
	v4 =	vld [tilespmem:s0+$0xE20]  }
0xe1: {  	v6 =	vld [tilespmem:s1+$0x0]  }
0xe2: {  	v7 =	vld [tilespmem:s0+$0xFEE0]  }
0xe3: {  	v8 =	vld [tilespmem:s0+$0x5E60];
	_ =	sdelay $0x2  }
0xe4: {  	v4 =	vadd.f32 v4, v6;
	v5 =	vmin.f32 v5, v6;
	v9 =	vmul.f32 v6, v6  }
0xe5: {  	[tilespmem:s0+$0xAEA0] =	vst v5  }
0xe6: {  	v5 =	vmax.f32 v7, v6;
	[tilespmem:s0+$0xE20] =	vst v4;
	v6 =	vadd.f32 v8, v9  }
0xe7: {  	[tilespmem:s0+$0xFEE0] =	vst v5;
	v4 =	vld [tilespmem:s0+$0xAEB0]  }
0xe8: {  	v8 =	vld [tilespmem:s0+$0xE30];
	[tilespmem:s0+$0x5E60] =	vst v6  }
0xe9: {  	v6 =	vld [tilespmem:s1+$0x10]  }
0xea: {  	s5 =	sadd.s32 $0x1, s9;
	v7 =	vld [tilespmem:s0+$0xFEF0]  }
0xeb: {  	s4 =	simm.s32 $0x2;
	v9 =	vld [tilespmem:s0+$0x5E70];
	v5 =	vmov s5  }
.LBB2_6:
0xec: {  	p0 =	sne.s32 s4, $0x7F  }
0xed: {  	s1 =	sadd.s32 $0x40, s1;
	s5 =	smov.u32 s4;
	s4 =	sadd.s32 $0x1, s4  }
0xee: {  	v8 =	vadd.f32 v8, v6;
	v10 =	vmul.f32 v6, v6;
	v4 =	vmin.f32 v4, v6  }
0xef: {  	[tilespmem:s0+$0xAEB0] =	vst v4;
	v4 =	vmax.f32 v7, v6  }
0xf0: {  	v6 =	vadd.f32 v9, v10;
	[tilespmem:s0+$0xFEF0] =	vst v4  }
0xf1: {  	[tilespmem:s0+$0xE30] =	vst v8  }
0xf2: {  	[tilespmem:s0+$0x5E70] =	vst v6  }
0xf3: {  	v4 =	vld.idx.msk [tilespmem:v5+s13+$0x0], $0xffff;
	_ =	sdelay $0x5  }
0xf4: {  	v4 =	vxor.u32 $0x80000000, v4  }
0xf5: {  	(xrf0) =	vmax.scan.msk.u32 $0xffff, v4;
	_ =	sdelay $0x5  }
0xf6: {  	v4, _, _ =	vpop (xrf0)  }
0xf7: {  	(v2sf) =	vpush v4, $0xF;
	_ =	sdelay $0xe  }
0xf8: {  	s0 =	spop (v2sf)  }
0xf9: {  	v4 =	vld [tilespmem:s1+$0xFFFFFFE0];
	s0 =	sshll.u32 s0, $0x6  }
0xfa: {  	v5 =	vld [tilespmem:s0+$0xE00]  }
0xfb: {  	v6 =	vld [tilespmem:s0+$0x5E40]  }
0xfc: {  	v7 =	vld [tilespmem:s0+$0xFEC0]  }
0xfd: {  	v8 =	vld [tilespmem:s0+$0xAE80]  }
0xfe: {  	v9 =	vmul.f32 v4, v4  }
0xff: {  	v5 =	vadd.f32 v5, v4  }
0x100: {  	v6 =	vadd.f32 v6, v9  }
0x101: {  	[tilespmem:s0+$0xE00] =	vst v5;
	v5 =	vmax.f32 v7, v4  }
0x102: {  	[tilespmem:s0+$0x5E40] =	vst v6;
	v4 =	vmin.f32 v8, v4  }
0x103: {  	[tilespmem:s0+$0xAE80] =	vst v4;
	v4 =	vld [tilespmem:s0+$0xAE90]  }
0x104: {  	[tilespmem:s0+$0xFEC0] =	vst v5;
	v5 =	vld [tilespmem:s0+$0xE10]  }
0x105: {  	v6 =	vld [tilespmem:s1+$0xFFFFFFF0]  }
0x106: {  	v7 =	vld [tilespmem:s0+$0xFED0]  }
0x107: {  	v8 =	vld [tilespmem:s0+$0x5E50];
	_ =	sdelay $0x2  }
0x108: {  	v5 =	vadd.f32 v5, v6;
	v9 =	vmul.f32 v6, v6;
	v4 =	vmin.f32 v4, v6  }
0x109: {  	[tilespmem:s0+$0xAE90] =	vst v4;
	v4 =	vmax.f32 v7, v6  }
0x10a: {  	[tilespmem:s0+$0xE10] =	vst v5;
	v5 =	vadd.f32 v8, v9  }
0x10b: {  	[tilespmem:s0+$0xFED0] =	vst v4;
	v4 =	vld [tilespmem:s0+$0xAEA0]  }
0x10c: {  	[tilespmem:s0+$0x5E50] =	vst v5;
	v5 =	vld [tilespmem:s0+$0xE20]  }
0x10d: {  	v6 =	vld [tilespmem:s1+$0x0]  }
0x10e: {  	v7 =	vld [tilespmem:s0+$0xFEE0]  }
0x10f: {  	v8 =	vld [tilespmem:s0+$0x5E60];
	_ =	sdelay $0x2  }
0x110: {  	v5 =	vadd.f32 v5, v6;
	v9 =	vmul.f32 v6, v6;
	v4 =	vmin.f32 v4, v6  }
0x111: {  	[tilespmem:s0+$0xAEA0] =	vst v4;
	v4 =	vmax.f32 v7, v6  }
0x112: {  	[tilespmem:s0+$0xE20] =	vst v5;
	v5 =	vadd.f32 v8, v9  }
0x113: {  	[tilespmem:s0+$0xFEE0] =	vst v4;
	v4 =	vld [tilespmem:s0+$0xAEB0]  }
.Ltmp1:
0x114: {  	[tilespmem:s0+$0x5E60] =	vst v5;
	v8 =	vld [tilespmem:s0+$0xE30];
	(pc) =	sbr.rel @p0 .LBB2_6-.Ltmp1, $4  }
0x115: {  	v6 =	vld [tilespmem:s1+$0x10]  }
0x116: {  	v7 =	vld [tilespmem:s0+$0xFEF0]  }
0x117: {  	s5 =	sadd.s32 s5, s9;
	v9 =	vld [tilespmem:s0+$0x5E70]  }
0x118: {  	v5 =	vmov s5  }
0x119: {  	_ = 	snop  }
0x11a: {  	v10 =	vmul.f32 v6, v6;
	v4 =	vmin.f32 v4, v6  }
0x11b: {  	v8 =	vadd.f32 v8, v6;
	[tilespmem:s0+$0xAEB0] =	vst v4;
	v4 =	vmax.f32 v7, v6  }
0x11c: {  	v6 =	vadd.f32 v9, v10;
	[tilespmem:s0+$0xFEF0] =	vst v4  }
0x11d: {  	[tilespmem:s0+$0xE30] =	vst v8  }
0x11e: {  	[tilespmem:s0+$0x5E70] =	vst v6  }
0x11f: {  	v4 =	vld.idx.msk [tilespmem:v5+s13+$0x0], $0xffff;
	_ =	sdelay $0x4  }
0x120: {  	v4 =	vxor.u32 $0x80000000, v4  }
0x121: {  	(xrf0) =	vmax.scan.msk.u32 $0xffff, v4;
	_ =	sdelay $0x5  }
0x122: {  	v4, _, _ =	vpop (xrf0)  }
0x123: {  	(v2sf) =	vpush v4, $0xF;
	_ =	sdelay $0xe  }
0x124: {  	s4 =	sadd.s32 $0x40, s1;
	s5 =	spop (v2sf)  }
0x125: {  	v4 =	vld [tilespmem:s4+$0xFFFFFFE0];
	s1 =	sshll.u32 s5, $0x6  }
0x126: {  	v5 =	vld [tilespmem:s1+$0xE00]  }
0x127: {  	v6 =	vld [tilespmem:s1+$0x5E40];
	_ =	sdelay $0x1  }
0x128: {  	v7 =	vld [tilespmem:s1+$0xAE80]  }
0x129: {  	v9 =	vmul.f32 v4, v4;
	v8 =	vld [tilespmem:s1+$0xFEC0]  }
0x12a: {  	v5 =	vadd.f32 v5, v4  }
0x12b: {  	v6 =	vadd.f32 v6, v9  }
0x12c: {  	[tilespmem:s1+$0xE00] =	vst v5  }
0x12d: {  	[tilespmem:s1+$0x5E40] =	vst v6;
	v5 =	vmin.f32 v7, v4  }
0x12e: {  	v4 =	vmax.f32 v8, v4;
	[tilespmem:s1+$0xAE80] =	vst v5;
	v5 =	vld [tilespmem:s1+$0xAE90]  }
0x12f: {  	[tilespmem:s1+$0xFEC0] =	vst v4;
	v4 =	vld [tilespmem:s1+$0xE10]  }
0x130: {  	v6 =	vld [tilespmem:s4+$0xFFFFFFF0]  }
0x131: {  	v7 =	vld [tilespmem:s1+$0xFED0]  }
0x132: {  	v8 =	vld [tilespmem:s1+$0x5E50];
	_ =	sdelay $0x2  }
0x133: {  	v4 =	vadd.f32 v4, v6;
	v9 =	vmul.f32 v6, v6;
	v5 =	vmin.f32 v5, v6  }
0x134: {  	[tilespmem:s1+$0xAE90] =	vst v5  }
0x135: {  	v5 =	vmax.f32 v7, v6;
	[tilespmem:s1+$0xE10] =	vst v4;
	v4 =	vadd.f32 v8, v9  }
0x136: {  	[tilespmem:s1+$0xFED0] =	vst v5;
	v5 =	vld [tilespmem:s1+$0xAEA0]  }
0x137: {  	[tilespmem:s1+$0x5E50] =	vst v4;
	v4 =	vld [tilespmem:s1+$0xE20]  }
0x138: {  	v6 =	vld [tilespmem:s4+$0x0]  }
0x139: {  	v7 =	vld [tilespmem:s1+$0xFEE0]  }
0x13a: {  	v8 =	vld [tilespmem:s1+$0x5E60];
	_ =	sdelay $0x2  }
0x13b: {  	v4 =	vadd.f32 v4, v6;
	v9 =	vmul.f32 v6, v6;
	v5 =	vmin.f32 v5, v6  }
0x13c: {  	[tilespmem:s1+$0xAEA0] =	vst v5  }
0x13d: {  	v5 =	vmax.f32 v7, v6;
	[tilespmem:s1+$0xE20] =	vst v4;
	v4 =	vadd.f32 v8, v9  }
0x13e: {  	v7 =	vld [tilespmem:s1+$0xFEF0];
	[tilespmem:s1+$0xFEE0] =	vst v5  }
0x13f: {  	v5 =	vld [tilespmem:s1+$0xAEB0];
	[tilespmem:s1+$0x5E60] =	vst v4  }
0x140: {  	v6 =	vld [tilespmem:s4+$0x10]  }
0x141: {  	v4 =	vld [tilespmem:s1+$0xE30]  }
0x142: {  	v8 =	vld [tilespmem:s1+$0x5E70];
	_ =	sdelay $0x2  }
0x143: {  	v9 =	vmul.f32 v6, v6;
	v5 =	vmin.f32 v5, v6  }
0x144: {  	v4 =	vadd.f32 v4, v6;
	[tilespmem:s1+$0xAEB0] =	vst v5;
	v5 =	vmax.f32 v7, v6  }
0x145: {  	s4 =	sadd.s32 $0x0, s11;
	v6 =	vadd.f32 v8, v9;
	[tilespmem:s1+$0xFEF0] =	vst v5  }
0x146: {  	[tilespmem:s1+$0xE30] =	vst v4;
	v4 =	vmov s4  }
0x147: {  	[tilespmem:s1+$0x5E70] =	vst v6  }
0x148: {  	_ =	swait.ge [sflag:s24], $0x2000  }
0x149: {  	[sflag:s24] =	ssyncset.done $0x0  }
0x14a: {  	[sflag:s24] =	ssyncadd.s32 $0xFFFFE000  }
0x14b: {  	v4 =	vld.idx.msk [tilespmem:v4+s13+$0x0], $0xffff;
	_ =	sdelay $0x4  }
0x14c: {  	v4 =	vxor.u32 $0x80000000, v4  }
0x14d: {  	(xrf0) =	vmax.scan.msk.u32 $0xffff, v4;
	_ =	sdelay $0x5  }
0x14e: {  	v4, _, _ =	vpop (xrf0)  }
0x14f: {  	(v2sf) =	vpush v4, $0xF;
	_ =	sdelay $0xe  }
0x150: {  	s1 =	simm.s32 $0x16F30;
	s5 =	spop (v2sf)  }
0x151: {  	v4 =	vld [tilespmem:s1+$0xFFFFFFD0];
	s0 =	sshll.u32 s5, $0x6  }
0x152: {  	v5 =	vld [tilespmem:s0+$0xE00]  }
0x153: {  	v6 =	vld [tilespmem:s0+$0x5E40];
	_ =	sdelay $0x1  }
0x154: {  	v7 =	vld [tilespmem:s0+$0xAE80]  }
0x155: {  	v8 =	vmul.f32 v4, v4;
	v9 =	vld [tilespmem:s0+$0xFEC0]  }
0x156: {  	v5 =	vadd.f32 v5, v4  }
0x157: {  	v6 =	vadd.f32 v6, v8  }
0x158: {  	[tilespmem:s0+$0xE00] =	vst v5  }
0x159: {  	[tilespmem:s0+$0x5E40] =	vst v6;
	v5 =	vmin.f32 v7, v4  }
0x15a: {  	v4 =	vmax.f32 v9, v4;
	[tilespmem:s0+$0xAE80] =	vst v5;
	v5 =	vld [tilespmem:s0+$0xAE90]  }
0x15b: {  	[tilespmem:s0+$0xFEC0] =	vst v4;
	v4 =	vld [tilespmem:s0+$0xE10]  }
0x15c: {  	v6 =	vld [tilespmem:s1+$0xFFFFFFE0]  }
0x15d: {  	v8 =	vld [tilespmem:s0+$0x5E50]  }
0x15e: {  	v7 =	vld [tilespmem:s0+$0xFED0];
	_ =	sdelay $0x2  }
0x15f: {  	v4 =	vadd.f32 v4, v6;
	v5 =	vmin.f32 v5, v6;
	v9 =	vmul.f32 v6, v6  }
0x160: {  	[tilespmem:s0+$0xAE90] =	vst v5  }
0x161: {  	v5 =	vmax.f32 v7, v6;
	[tilespmem:s0+$0xE10] =	vst v4;
	v4 =	vadd.f32 v8, v9  }
0x162: {  	[tilespmem:s0+$0xFED0] =	vst v5;
	v5 =	vld [tilespmem:s0+$0xAEA0]  }
0x163: {  	[tilespmem:s0+$0x5E50] =	vst v4;
	v4 =	vld [tilespmem:s0+$0xE20]  }
0x164: {  	v6 =	vld [tilespmem:s1+$0xFFFFFFF0]  }
0x165: {  	v7 =	vld [tilespmem:s0+$0xFEE0]  }
0x166: {  	v8 =	vld [tilespmem:s0+$0x5E60];
	_ =	sdelay $0x2  }
0x167: {  	v4 =	vadd.f32 v4, v6;
	v5 =	vmin.f32 v5, v6;
	v9 =	vmul.f32 v6, v6  }
0x168: {  	[tilespmem:s0+$0xAEA0] =	vst v5  }
0x169: {  	v5 =	vmax.f32 v7, v6;
	[tilespmem:s0+$0xE20] =	vst v4;
	v6 =	vadd.f32 v8, v9  }
0x16a: {  	[tilespmem:s0+$0xFEE0] =	vst v5;
	v4 =	vld [tilespmem:s0+$0xAEB0]  }
0x16b: {  	v8 =	vld [tilespmem:s0+$0xE30];
	[tilespmem:s0+$0x5E60] =	vst v6  }
0x16c: {  	v6 =	vld [tilespmem:s1+$0x0]  }
0x16d: {  	s5 =	sadd.s32 $0x1, s11;
	v7 =	vld [tilespmem:s0+$0xFEF0]  }
0x16e: {  	s4 =	simm.s32 $0x2;
	v9 =	vld [tilespmem:s0+$0x5E70];
	v5 =	vmov s5  }
.LBB2_8:
0x16f: {  	p0 =	sne.s32 s4, $0x7F  }
0x170: {  	s1 =	sadd.s32 $0x40, s1;
	s5 =	smov.u32 s4;
	s4 =	sadd.s32 $0x1, s4  }
0x171: {  	v8 =	vadd.f32 v8, v6;
	v10 =	vmul.f32 v6, v6;
	v4 =	vmin.f32 v4, v6  }
0x172: {  	[tilespmem:s0+$0xAEB0] =	vst v4;
	v4 =	vmax.f32 v7, v6  }
0x173: {  	v6 =	vadd.f32 v9, v10;
	[tilespmem:s0+$0xFEF0] =	vst v4  }
0x174: {  	[tilespmem:s0+$0xE30] =	vst v8  }
0x175: {  	[tilespmem:s0+$0x5E70] =	vst v6  }
0x176: {  	v4 =	vld.idx.msk [tilespmem:v5+s13+$0x0], $0xffff;
	_ =	sdelay $0x5  }
0x177: {  	v4 =	vxor.u32 $0x80000000, v4  }
0x178: {  	(xrf0) =	vmax.scan.msk.u32 $0xffff, v4;
	_ =	sdelay $0x5  }
0x179: {  	v4, _, _ =	vpop (xrf0)  }
0x17a: {  	(v2sf) =	vpush v4, $0xF;
	_ =	sdelay $0xe  }
0x17b: {  	s0 =	spop (v2sf)  }
0x17c: {  	v4 =	vld [tilespmem:s1+$0xFFFFFFD0];
	s0 =	sshll.u32 s0, $0x6  }
0x17d: {  	v5 =	vld [tilespmem:s0+$0xE00]  }
0x17e: {  	v6 =	vld [tilespmem:s0+$0x5E40]  }
0x17f: {  	v7 =	vld [tilespmem:s0+$0xFEC0]  }
0x180: {  	v8 =	vld [tilespmem:s0+$0xAE80]  }
0x181: {  	v9 =	vmul.f32 v4, v4  }
0x182: {  	v5 =	vadd.f32 v5, v4  }
0x183: {  	v6 =	vadd.f32 v6, v9  }
0x184: {  	[tilespmem:s0+$0xE00] =	vst v5;
	v5 =	vmax.f32 v7, v4  }
0x185: {  	[tilespmem:s0+$0x5E40] =	vst v6;
	v4 =	vmin.f32 v8, v4  }
0x186: {  	[tilespmem:s0+$0xAE80] =	vst v4;
	v4 =	vld [tilespmem:s0+$0xAE90]  }
0x187: {  	[tilespmem:s0+$0xFEC0] =	vst v5;
	v5 =	vld [tilespmem:s0+$0xE10]  }
0x188: {  	v6 =	vld [tilespmem:s1+$0xFFFFFFE0]  }
0x189: {  	v7 =	vld [tilespmem:s0+$0xFED0]  }
0x18a: {  	v8 =	vld [tilespmem:s0+$0x5E50];
	_ =	sdelay $0x2  }
0x18b: {  	v5 =	vadd.f32 v5, v6;
	v9 =	vmul.f32 v6, v6;
	v4 =	vmin.f32 v4, v6  }
0x18c: {  	[tilespmem:s0+$0xAE90] =	vst v4;
	v4 =	vmax.f32 v7, v6  }
0x18d: {  	[tilespmem:s0+$0xE10] =	vst v5;
	v5 =	vadd.f32 v8, v9  }
0x18e: {  	[tilespmem:s0+$0xFED0] =	vst v4;
	v4 =	vld [tilespmem:s0+$0xAEA0]  }
0x18f: {  	[tilespmem:s0+$0x5E50] =	vst v5;
	v5 =	vld [tilespmem:s0+$0xE20]  }
0x190: {  	v6 =	vld [tilespmem:s1+$0xFFFFFFF0]  }
0x191: {  	v7 =	vld [tilespmem:s0+$0xFEE0]  }
0x192: {  	v8 =	vld [tilespmem:s0+$0x5E60];
	_ =	sdelay $0x2  }
0x193: {  	v5 =	vadd.f32 v5, v6;
	v9 =	vmul.f32 v6, v6;
	v4 =	vmin.f32 v4, v6  }
0x194: {  	[tilespmem:s0+$0xAEA0] =	vst v4;
	v4 =	vmax.f32 v7, v6  }
0x195: {  	[tilespmem:s0+$0xE20] =	vst v5;
	v5 =	vadd.f32 v8, v9  }
0x196: {  	[tilespmem:s0+$0xFEE0] =	vst v4;
	v4 =	vld [tilespmem:s0+$0xAEB0]  }
.Ltmp2:
0x197: {  	[tilespmem:s0+$0x5E60] =	vst v5;
	v8 =	vld [tilespmem:s0+$0xE30];
	(pc) =	sbr.rel @p0 .LBB2_8-.Ltmp2, $4  }
0x198: {  	v6 =	vld [tilespmem:s1+$0x0]  }
0x199: {  	v7 =	vld [tilespmem:s0+$0xFEF0]  }
0x19a: {  	s5 =	sadd.s32 s5, s11;
	v9 =	vld [tilespmem:s0+$0x5E70]  }
0x19b: {  	v5 =	vmov s5  }
0x19c: {  	_ = 	snop  }
0x19d: {  	v10 =	vmul.f32 v6, v6;
	v4 =	vmin.f32 v4, v6  }
0x19e: {  	v8 =	vadd.f32 v8, v6;
	[tilespmem:s0+$0xAEB0] =	vst v4;
	v4 =	vmax.f32 v7, v6  }
0x19f: {  	v6 =	vadd.f32 v9, v10;
	[tilespmem:s0+$0xFEF0] =	vst v4  }
0x1a0: {  	[tilespmem:s0+$0xE30] =	vst v8  }
0x1a1: {  	[tilespmem:s0+$0x5E70] =	vst v6  }
0x1a2: {  	v4 =	vld.idx.msk [tilespmem:v5+s13+$0x0], $0xffff;
	_ =	sdelay $0x4  }
0x1a3: {  	v4 =	vxor.u32 $0x80000000, v4  }
0x1a4: {  	(xrf0) =	vmax.scan.msk.u32 $0xffff, v4;
	_ =	sdelay $0x5  }
0x1a5: {  	v4, _, _ =	vpop (xrf0)  }
0x1a6: {  	(v2sf) =	vpush v4, $0xF;
	_ =	sdelay $0xe  }
0x1a7: {  	s4 =	sadd.s32 $0x40, s1;
	s5 =	spop (v2sf)  }
0x1a8: {  	v4 =	vld [tilespmem:s4+$0xFFFFFFD0];
	s1 =	sshll.u32 s5, $0x6  }
0x1a9: {  	v5 =	vld [tilespmem:s1+$0xE00]  }
0x1aa: {  	v6 =	vld [tilespmem:s1+$0x5E40];
	_ =	sdelay $0x1  }
0x1ab: {  	v7 =	vld [tilespmem:s1+$0xAE80]  }
0x1ac: {  	v9 =	vmul.f32 v4, v4;
	v8 =	vld [tilespmem:s1+$0xFEC0]  }
0x1ad: {  	v5 =	vadd.f32 v5, v4  }
0x1ae: {  	v6 =	vadd.f32 v6, v9  }
0x1af: {  	[tilespmem:s1+$0xE00] =	vst v5  }
0x1b0: {  	[tilespmem:s1+$0x5E40] =	vst v6;
	v5 =	vmin.f32 v7, v4  }
0x1b1: {  	v4 =	vmax.f32 v8, v4;
	[tilespmem:s1+$0xAE80] =	vst v5;
	v5 =	vld [tilespmem:s1+$0xAE90]  }
0x1b2: {  	[tilespmem:s1+$0xFEC0] =	vst v4;
	v4 =	vld [tilespmem:s1+$0xE10]  }
0x1b3: {  	v6 =	vld [tilespmem:s4+$0xFFFFFFE0]  }
0x1b4: {  	v7 =	vld [tilespmem:s1+$0xFED0]  }
0x1b5: {  	v8 =	vld [tilespmem:s1+$0x5E50];
	_ =	sdelay $0x2  }
0x1b6: {  	v4 =	vadd.f32 v4, v6;
	v9 =	vmul.f32 v6, v6;
	v5 =	vmin.f32 v5, v6  }
0x1b7: {  	[tilespmem:s1+$0xAE90] =	vst v5  }
0x1b8: {  	v5 =	vmax.f32 v7, v6;
	[tilespmem:s1+$0xE10] =	vst v4;
	v4 =	vadd.f32 v8, v9  }
0x1b9: {  	[tilespmem:s1+$0xFED0] =	vst v5;
	v5 =	vld [tilespmem:s1+$0xAEA0]  }
0x1ba: {  	[tilespmem:s1+$0x5E50] =	vst v4;
	v4 =	vld [tilespmem:s1+$0xE20]  }
0x1bb: {  	v6 =	vld [tilespmem:s4+$0xFFFFFFF0]  }
0x1bc: {  	v7 =	vld [tilespmem:s1+$0xFEE0]  }
0x1bd: {  	v8 =	vld [tilespmem:s1+$0x5E60];
	_ =	sdelay $0x2  }
0x1be: {  	v4 =	vadd.f32 v4, v6;
	v9 =	vmul.f32 v6, v6;
	v5 =	vmin.f32 v5, v6  }
0x1bf: {  	[tilespmem:s1+$0xAEA0] =	vst v5  }
0x1c0: {  	v5 =	vmax.f32 v7, v6;
	[tilespmem:s1+$0xE20] =	vst v4;
	v4 =	vadd.f32 v8, v9  }
0x1c1: {  	v7 =	vld [tilespmem:s1+$0xFEF0];
	[tilespmem:s1+$0xFEE0] =	vst v5  }
0x1c2: {  	v5 =	vld [tilespmem:s1+$0xAEB0];
	[tilespmem:s1+$0x5E60] =	vst v4  }
0x1c3: {  	v6 =	vld [tilespmem:s4+$0x0]  }
0x1c4: {  	v4 =	vld [tilespmem:s1+$0xE30]  }
0x1c5: {  	v8 =	vld [tilespmem:s1+$0x5E70];
	_ =	sdelay $0x2  }
0x1c6: {  	v9 =	vmul.f32 v6, v6;
	v5 =	vmin.f32 v5, v6  }
0x1c7: {  	v4 =	vadd.f32 v4, v6;
	[tilespmem:s1+$0xAEB0] =	vst v5;
	v5 =	vmax.f32 v7, v6  }
0x1c8: {  	s4 =	sadd.s32 $0x0, s2;
	v6 =	vadd.f32 v8, v9;
	[tilespmem:s1+$0xFEF0] =	vst v5  }
0x1c9: {  	[tilespmem:s1+$0xE30] =	vst v4;
	v4 =	vmov s4  }
0x1ca: {  	[tilespmem:s1+$0x5E70] =	vst v6  }
0x1cb: {  	_ =	swait.ge [sflag:s25], $0x2000  }
0x1cc: {  	[sflag:s25] =	ssyncset.done $0x0  }
0x1cd: {  	[sflag:s25] =	ssyncadd.s32 $0xFFFFE000  }
0x1ce: {  	v4 =	vld.idx.msk [tilespmem:v4+s13+$0x0], $0xffff;
	_ =	sdelay $0x4  }
0x1cf: {  	v4 =	vxor.u32 $0x80000000, v4  }
0x1d0: {  	(xrf0) =	vmax.scan.msk.u32 $0xffff, v4;
	_ =	sdelay $0x5  }
0x1d1: {  	v4, _, _ =	vpop (xrf0)  }
0x1d2: {  	(v2sf) =	vpush v4, $0xF;
	_ =	sdelay $0xe  }
0x1d3: {  	s1 =	simm.s32 $0x18F00;
	s5 =	spop (v2sf)  }
0x1d4: {  	v4 =	vld [tilespmem:s1+$0x0];
	s0 =	sshll.u32 s5, $0x6  }
0x1d5: {  	v5 =	vld [tilespmem:s0+$0xE00]  }
0x1d6: {  	v6 =	vld [tilespmem:s0+$0x5E40];
	_ =	sdelay $0x1  }
0x1d7: {  	v7 =	vld [tilespmem:s0+$0xAE80]  }
0x1d8: {  	v8 =	vmul.f32 v4, v4;
	v9 =	vld [tilespmem:s0+$0xFEC0]  }
0x1d9: {  	v5 =	vadd.f32 v5, v4  }
0x1da: {  	v6 =	vadd.f32 v6, v8  }
0x1db: {  	[tilespmem:s0+$0xE00] =	vst v5  }
0x1dc: {  	[tilespmem:s0+$0x5E40] =	vst v6;
	v5 =	vmin.f32 v7, v4  }
0x1dd: {  	v4 =	vmax.f32 v9, v4;
	[tilespmem:s0+$0xAE80] =	vst v5;
	v5 =	vld [tilespmem:s0+$0xAE90]  }
0x1de: {  	[tilespmem:s0+$0xFEC0] =	vst v4;
	v4 =	vld [tilespmem:s0+$0xE10]  }
0x1df: {  	v6 =	vld [tilespmem:s1+$0x10]  }
0x1e0: {  	v8 =	vld [tilespmem:s0+$0x5E50]  }
0x1e1: {  	v7 =	vld [tilespmem:s0+$0xFED0];
	_ =	sdelay $0x2  }
0x1e2: {  	v4 =	vadd.f32 v4, v6;
	v5 =	vmin.f32 v5, v6;
	v9 =	vmul.f32 v6, v6  }
0x1e3: {  	[tilespmem:s0+$0xAE90] =	vst v5  }
0x1e4: {  	v5 =	vmax.f32 v7, v6;
	[tilespmem:s0+$0xE10] =	vst v4;
	v4 =	vadd.f32 v8, v9  }
0x1e5: {  	[tilespmem:s0+$0xFED0] =	vst v5;
	v5 =	vld [tilespmem:s0+$0xAEA0]  }
0x1e6: {  	[tilespmem:s0+$0x5E50] =	vst v4;
	v4 =	vld [tilespmem:s0+$0xE20]  }
0x1e7: {  	v6 =	vld [tilespmem:s1+$0x20]  }
0x1e8: {  	v7 =	vld [tilespmem:s0+$0xFEE0]  }
0x1e9: {  	v8 =	vld [tilespmem:s0+$0x5E60];
	_ =	sdelay $0x2  }
0x1ea: {  	v4 =	vadd.f32 v4, v6;
	v5 =	vmin.f32 v5, v6;
	v9 =	vmul.f32 v6, v6  }
0x1eb: {  	[tilespmem:s0+$0xAEA0] =	vst v5  }
0x1ec: {  	v5 =	vmax.f32 v7, v6;
	[tilespmem:s0+$0xE20] =	vst v4;
	v6 =	vadd.f32 v8, v9  }
0x1ed: {  	[tilespmem:s0+$0xFEE0] =	vst v5;
	v4 =	vld [tilespmem:s0+$0xAEB0]  }
0x1ee: {  	v8 =	vld [tilespmem:s0+$0xE30];
	[tilespmem:s0+$0x5E60] =	vst v6  }
0x1ef: {  	v6 =	vld [tilespmem:s1+$0x30]  }
0x1f0: {  	s5 =	sadd.s32 $0x1, s2;
	v7 =	vld [tilespmem:s0+$0xFEF0]  }
0x1f1: {  	s4 =	simm.s32 $0x2;
	v9 =	vld [tilespmem:s0+$0x5E70];
	v5 =	vmov s5  }
.LBB2_10:
0x1f2: {  	p0 =	sne.s32 s4, $0x7F  }
0x1f3: {  	s1 =	sadd.s32 $0x40, s1;
	s5 =	smov.u32 s4;
	s4 =	sadd.s32 $0x1, s4  }
0x1f4: {  	v8 =	vadd.f32 v8, v6;
	v10 =	vmul.f32 v6, v6;
	v4 =	vmin.f32 v4, v6  }
0x1f5: {  	[tilespmem:s0+$0xAEB0] =	vst v4;
	v4 =	vmax.f32 v7, v6  }
0x1f6: {  	v6 =	vadd.f32 v9, v10;
	[tilespmem:s0+$0xFEF0] =	vst v4  }
0x1f7: {  	[tilespmem:s0+$0xE30] =	vst v8  }
0x1f8: {  	[tilespmem:s0+$0x5E70] =	vst v6  }
0x1f9: {  	v4 =	vld.idx.msk [tilespmem:v5+s13+$0x0], $0xffff;
	_ =	sdelay $0x5  }
0x1fa: {  	v4 =	vxor.u32 $0x80000000, v4  }
0x1fb: {  	(xrf0) =	vmax.scan.msk.u32 $0xffff, v4;
	_ =	sdelay $0x5  }
0x1fc: {  	v4, _, _ =	vpop (xrf0)  }
0x1fd: {  	(v2sf) =	vpush v4, $0xF;
	_ =	sdelay $0xe  }
0x1fe: {  	s0 =	spop (v2sf)  }
0x1ff: {  	v4 =	vld [tilespmem:s1+$0x0];
	s0 =	sshll.u32 s0, $0x6  }
0x200: {  	v5 =	vld [tilespmem:s0+$0xE00]  }
0x201: {  	v6 =	vld [tilespmem:s0+$0x5E40]  }
0x202: {  	v7 =	vld [tilespmem:s0+$0xFEC0]  }
0x203: {  	v8 =	vld [tilespmem:s0+$0xAE80]  }
0x204: {  	v9 =	vmul.f32 v4, v4  }
0x205: {  	v5 =	vadd.f32 v5, v4  }
0x206: {  	v6 =	vadd.f32 v6, v9  }
0x207: {  	[tilespmem:s0+$0xE00] =	vst v5;
	v5 =	vmax.f32 v7, v4  }
0x208: {  	[tilespmem:s0+$0x5E40] =	vst v6;
	v4 =	vmin.f32 v8, v4  }
0x209: {  	[tilespmem:s0+$0xAE80] =	vst v4;
	v4 =	vld [tilespmem:s0+$0xAE90]  }
0x20a: {  	[tilespmem:s0+$0xFEC0] =	vst v5;
	v5 =	vld [tilespmem:s0+$0xE10]  }
0x20b: {  	v6 =	vld [tilespmem:s1+$0x10]  }
0x20c: {  	v7 =	vld [tilespmem:s0+$0xFED0]  }
0x20d: {  	v8 =	vld [tilespmem:s0+$0x5E50];
	_ =	sdelay $0x2  }
0x20e: {  	v5 =	vadd.f32 v5, v6;
	v9 =	vmul.f32 v6, v6;
	v4 =	vmin.f32 v4, v6  }
0x20f: {  	[tilespmem:s0+$0xAE90] =	vst v4;
	v4 =	vmax.f32 v7, v6  }
0x210: {  	[tilespmem:s0+$0xE10] =	vst v5;
	v5 =	vadd.f32 v8, v9  }
0x211: {  	[tilespmem:s0+$0xFED0] =	vst v4;
	v4 =	vld [tilespmem:s0+$0xAEA0]  }
0x212: {  	[tilespmem:s0+$0x5E50] =	vst v5;
	v5 =	vld [tilespmem:s0+$0xE20]  }
0x213: {  	v6 =	vld [tilespmem:s1+$0x20]  }
0x214: {  	v7 =	vld [tilespmem:s0+$0xFEE0]  }
0x215: {  	v8 =	vld [tilespmem:s0+$0x5E60];
	_ =	sdelay $0x2  }
0x216: {  	v5 =	vadd.f32 v5, v6;
	v9 =	vmul.f32 v6, v6;
	v4 =	vmin.f32 v4, v6  }
0x217: {  	[tilespmem:s0+$0xAEA0] =	vst v4;
	v4 =	vmax.f32 v7, v6  }
0x218: {  	[tilespmem:s0+$0xE20] =	vst v5;
	v5 =	vadd.f32 v8, v9  }
0x219: {  	[tilespmem:s0+$0xFEE0] =	vst v4;
	v4 =	vld [tilespmem:s0+$0xAEB0]  }
.Ltmp3:
0x21a: {  	[tilespmem:s0+$0x5E60] =	vst v5;
	v8 =	vld [tilespmem:s0+$0xE30];
	(pc) =	sbr.rel @p0 .LBB2_10-.Ltmp3, $4  }
0x21b: {  	v6 =	vld [tilespmem:s1+$0x30]  }
0x21c: {  	v7 =	vld [tilespmem:s0+$0xFEF0]  }
0x21d: {  	s5 =	sadd.s32 s5, s2;
	v9 =	vld [tilespmem:s0+$0x5E70]  }
0x21e: {  	v5 =	vmov s5  }
0x21f: {  	_ = 	snop  }
0x220: {  	v10 =	vmul.f32 v6, v6;
	v4 =	vmin.f32 v4, v6  }
0x221: {  	v8 =	vadd.f32 v8, v6;
	[tilespmem:s0+$0xAEB0] =	vst v4;
	v4 =	vmax.f32 v7, v6  }
0x222: {  	v6 =	vadd.f32 v9, v10;
	[tilespmem:s0+$0xFEF0] =	vst v4  }
0x223: {  	[tilespmem:s0+$0xE30] =	vst v8  }
0x224: {  	[tilespmem:s0+$0x5E70] =	vst v6  }
0x225: {  	v4 =	vld.idx.msk [tilespmem:v5+s13+$0x0], $0xffff;
	_ =	sdelay $0x4  }
0x226: {  	v4 =	vxor.u32 $0x80000000, v4  }
0x227: {  	(xrf0) =	vmax.scan.msk.u32 $0xffff, v4;
	_ =	sdelay $0x5  }
0x228: {  	v4, _, _ =	vpop (xrf0)  }
0x229: {  	(v2sf) =	vpush v4, $0xF;
	_ =	sdelay $0xe  }
0x22a: {  	s4 =	sadd.s32 $0x40, s1;
	s5 =	spop (v2sf)  }
0x22b: {  	v4 =	vld [tilespmem:s4+$0x0];
	s1 =	sshll.u32 s5, $0x6  }
0x22c: {  	v5 =	vld [tilespmem:s1+$0xE00]  }
0x22d: {  	v6 =	vld [tilespmem:s1+$0x5E40];
	_ =	sdelay $0x1  }
0x22e: {  	v7 =	vld [tilespmem:s1+$0xAE80]  }
0x22f: {  	v9 =	vmul.f32 v4, v4;
	v8 =	vld [tilespmem:s1+$0xFEC0]  }
0x230: {  	v5 =	vadd.f32 v5, v4  }
0x231: {  	v6 =	vadd.f32 v6, v9  }
0x232: {  	[tilespmem:s1+$0xE00] =	vst v5  }
0x233: {  	[tilespmem:s1+$0x5E40] =	vst v6;
	v5 =	vmin.f32 v7, v4  }
0x234: {  	v4 =	vmax.f32 v8, v4;
	[tilespmem:s1+$0xAE80] =	vst v5;
	v5 =	vld [tilespmem:s1+$0xAE90]  }
0x235: {  	[tilespmem:s1+$0xFEC0] =	vst v4;
	v4 =	vld [tilespmem:s1+$0xE10]  }
0x236: {  	v6 =	vld [tilespmem:s4+$0x10]  }
0x237: {  	v7 =	vld [tilespmem:s1+$0xFED0]  }
0x238: {  	v8 =	vld [tilespmem:s1+$0x5E50];
	_ =	sdelay $0x2  }
0x239: {  	v4 =	vadd.f32 v4, v6;
	v9 =	vmul.f32 v6, v6;
	v5 =	vmin.f32 v5, v6  }
0x23a: {  	[tilespmem:s1+$0xAE90] =	vst v5  }
0x23b: {  	v5 =	vmax.f32 v7, v6;
	[tilespmem:s1+$0xE10] =	vst v4;
	v4 =	vadd.f32 v8, v9  }
0x23c: {  	[tilespmem:s1+$0xFED0] =	vst v5;
	v5 =	vld [tilespmem:s1+$0xAEA0]  }
0x23d: {  	[tilespmem:s1+$0x5E50] =	vst v4;
	v4 =	vld [tilespmem:s1+$0xE20]  }
0x23e: {  	v6 =	vld [tilespmem:s4+$0x20]  }
0x23f: {  	v7 =	vld [tilespmem:s1+$0xFEE0]  }
0x240: {  	v8 =	vld [tilespmem:s1+$0x5E60];
	_ =	sdelay $0x2  }
0x241: {  	v4 =	vadd.f32 v4, v6;
	v9 =	vmul.f32 v6, v6;
	v5 =	vmin.f32 v5, v6  }
0x242: {  	[tilespmem:s1+$0xAEA0] =	vst v5  }
0x243: {  	v5 =	vmax.f32 v7, v6;
	[tilespmem:s1+$0xE20] =	vst v4;
	v4 =	vadd.f32 v8, v9  }
0x244: {  	v7 =	vld [tilespmem:s1+$0xFEF0];
	[tilespmem:s1+$0xFEE0] =	vst v5  }
0x245: {  	v5 =	vld [tilespmem:s1+$0xAEB0];
	[tilespmem:s1+$0x5E60] =	vst v4  }
0x246: {  	v6 =	vld [tilespmem:s4+$0x30]  }
0x247: {  	v4 =	vld [tilespmem:s1+$0xE30]  }
0x248: {  	v8 =	vld [tilespmem:s1+$0x5E70];
	_ =	sdelay $0x2  }
0x249: {  	v9 =	vmul.f32 v6, v6;
	v5 =	vmin.f32 v5, v6  }
0x24a: {  	v4 =	vadd.f32 v4, v6;
	[tilespmem:s1+$0xAEB0] =	vst v5;
	v5 =	vmax.f32 v7, v6  }
0x24b: {  	s4 =	sadd.s32 $0x0, s30;
	v6 =	vadd.f32 v8, v9;
	[tilespmem:s1+$0xFEF0] =	vst v5  }
0x24c: {  	[tilespmem:s1+$0xE30] =	vst v4;
	v4 =	vmov s4  }
0x24d: {  	[tilespmem:s1+$0x5E70] =	vst v6  }
0x24e: {  	_ =	swait.ge [sflag:s26], $0x2000  }
0x24f: {  	[sflag:s26] =	ssyncset.done $0x0  }
0x250: {  	[sflag:s26] =	ssyncadd.s32 $0xFFFFE000  }
0x251: {  	v4 =	vld.idx.msk [tilespmem:v4+s13+$0x0], $0xffff;
	_ =	sdelay $0x4  }
0x252: {  	v4 =	vxor.u32 $0x80000000, v4  }
0x253: {  	(xrf0) =	vmax.scan.msk.u32 $0xffff, v4;
	_ =	sdelay $0x5  }
0x254: {  	v4, _, _ =	vpop (xrf0)  }
0x255: {  	(v2sf) =	vpush v4, $0xF;
	_ =	sdelay $0xe  }
0x256: {  	s1 =	simm.s32 $0x1AF00;
	s5 =	spop (v2sf)  }
0x257: {  	v4 =	vld [tilespmem:s1+$0x0];
	s0 =	sshll.u32 s5, $0x6  }
0x258: {  	v5 =	vld [tilespmem:s0+$0xE00]  }
0x259: {  	v6 =	vld [tilespmem:s0+$0x5E40];
	_ =	sdelay $0x1  }
0x25a: {  	v7 =	vld [tilespmem:s0+$0xAE80]  }
0x25b: {  	v8 =	vmul.f32 v4, v4;
	v9 =	vld [tilespmem:s0+$0xFEC0]  }
0x25c: {  	v5 =	vadd.f32 v5, v4  }
0x25d: {  	v6 =	vadd.f32 v6, v8  }
0x25e: {  	[tilespmem:s0+$0xE00] =	vst v5  }
0x25f: {  	[tilespmem:s0+$0x5E40] =	vst v6;
	v5 =	vmin.f32 v7, v4  }
0x260: {  	v4 =	vmax.f32 v9, v4;
	[tilespmem:s0+$0xAE80] =	vst v5;
	v5 =	vld [tilespmem:s0+$0xAE90]  }
0x261: {  	[tilespmem:s0+$0xFEC0] =	vst v4;
	v4 =	vld [tilespmem:s0+$0xE10]  }
0x262: {  	v6 =	vld [tilespmem:s1+$0x10]  }
0x263: {  	v8 =	vld [tilespmem:s0+$0x5E50]  }
0x264: {  	v7 =	vld [tilespmem:s0+$0xFED0];
	_ =	sdelay $0x2  }
0x265: {  	v4 =	vadd.f32 v4, v6;
	v5 =	vmin.f32 v5, v6;
	v9 =	vmul.f32 v6, v6  }
0x266: {  	[tilespmem:s0+$0xAE90] =	vst v5  }
0x267: {  	v5 =	vmax.f32 v7, v6;
	[tilespmem:s0+$0xE10] =	vst v4;
	v4 =	vadd.f32 v8, v9  }
0x268: {  	[tilespmem:s0+$0xFED0] =	vst v5;
	v5 =	vld [tilespmem:s0+$0xAEA0]  }
0x269: {  	[tilespmem:s0+$0x5E50] =	vst v4;
	v4 =	vld [tilespmem:s0+$0xE20]  }
0x26a: {  	v6 =	vld [tilespmem:s1+$0x20]  }
0x26b: {  	v7 =	vld [tilespmem:s0+$0xFEE0]  }
0x26c: {  	v8 =	vld [tilespmem:s0+$0x5E60];
	_ =	sdelay $0x2  }
0x26d: {  	v4 =	vadd.f32 v4, v6;
	v5 =	vmin.f32 v5, v6;
	v9 =	vmul.f32 v6, v6  }
0x26e: {  	[tilespmem:s0+$0xAEA0] =	vst v5  }
0x26f: {  	v5 =	vmax.f32 v7, v6;
	[tilespmem:s0+$0xE20] =	vst v4;
	v6 =	vadd.f32 v8, v9  }
0x270: {  	[tilespmem:s0+$0xFEE0] =	vst v5;
	v4 =	vld [tilespmem:s0+$0xAEB0]  }
0x271: {  	v8 =	vld [tilespmem:s0+$0xE30];
	[tilespmem:s0+$0x5E60] =	vst v6  }
0x272: {  	v6 =	vld [tilespmem:s1+$0x30]  }
0x273: {  	s5 =	sadd.s32 $0x1, s30;
	v7 =	vld [tilespmem:s0+$0xFEF0]  }
0x274: {  	s4 =	simm.s32 $0x2;
	v9 =	vld [tilespmem:s0+$0x5E70];
	v5 =	vmov s5  }
.LBB2_12:
0x275: {  	p0 =	sne.s32 s4, $0x7F  }
0x276: {  	s1 =	sadd.s32 $0x40, s1;
	s5 =	smov.u32 s4;
	s4 =	sadd.s32 $0x1, s4  }
0x277: {  	v8 =	vadd.f32 v8, v6;
	v10 =	vmul.f32 v6, v6;
	v4 =	vmin.f32 v4, v6  }
0x278: {  	[tilespmem:s0+$0xAEB0] =	vst v4;
	v4 =	vmax.f32 v7, v6  }
0x279: {  	v6 =	vadd.f32 v9, v10;
	[tilespmem:s0+$0xFEF0] =	vst v4  }
0x27a: {  	[tilespmem:s0+$0xE30] =	vst v8  }
0x27b: {  	[tilespmem:s0+$0x5E70] =	vst v6  }
0x27c: {  	v4 =	vld.idx.msk [tilespmem:v5+s13+$0x0], $0xffff;
	_ =	sdelay $0x5  }
0x27d: {  	v4 =	vxor.u32 $0x80000000, v4  }
0x27e: {  	(xrf0) =	vmax.scan.msk.u32 $0xffff, v4;
	_ =	sdelay $0x5  }
0x27f: {  	v4, _, _ =	vpop (xrf0)  }
0x280: {  	(v2sf) =	vpush v4, $0xF;
	_ =	sdelay $0xe  }
0x281: {  	s0 =	spop (v2sf)  }
0x282: {  	v4 =	vld [tilespmem:s1+$0x0];
	s0 =	sshll.u32 s0, $0x6  }
0x283: {  	v5 =	vld [tilespmem:s0+$0xE00]  }
0x284: {  	v6 =	vld [tilespmem:s0+$0x5E40]  }
0x285: {  	v7 =	vld [tilespmem:s0+$0xFEC0]  }
0x286: {  	v8 =	vld [tilespmem:s0+$0xAE80]  }
0x287: {  	v9 =	vmul.f32 v4, v4  }
0x288: {  	v5 =	vadd.f32 v5, v4  }
0x289: {  	v6 =	vadd.f32 v6, v9  }
0x28a: {  	[tilespmem:s0+$0xE00] =	vst v5;
	v5 =	vmax.f32 v7, v4  }
0x28b: {  	[tilespmem:s0+$0x5E40] =	vst v6;
	v4 =	vmin.f32 v8, v4  }
0x28c: {  	[tilespmem:s0+$0xAE80] =	vst v4;
	v4 =	vld [tilespmem:s0+$0xAE90]  }
0x28d: {  	[tilespmem:s0+$0xFEC0] =	vst v5;
	v5 =	vld [tilespmem:s0+$0xE10]  }
0x28e: {  	v6 =	vld [tilespmem:s1+$0x10]  }
0x28f: {  	v7 =	vld [tilespmem:s0+$0xFED0]  }
0x290: {  	v8 =	vld [tilespmem:s0+$0x5E50];
	_ =	sdelay $0x2  }
0x291: {  	v5 =	vadd.f32 v5, v6;
	v9 =	vmul.f32 v6, v6;
	v4 =	vmin.f32 v4, v6  }
0x292: {  	[tilespmem:s0+$0xAE90] =	vst v4;
	v4 =	vmax.f32 v7, v6  }
0x293: {  	[tilespmem:s0+$0xE10] =	vst v5;
	v5 =	vadd.f32 v8, v9  }
0x294: {  	[tilespmem:s0+$0xFED0] =	vst v4;
	v4 =	vld [tilespmem:s0+$0xAEA0]  }
0x295: {  	[tilespmem:s0+$0x5E50] =	vst v5;
	v5 =	vld [tilespmem:s0+$0xE20]  }
0x296: {  	v6 =	vld [tilespmem:s1+$0x20]  }
0x297: {  	v7 =	vld [tilespmem:s0+$0xFEE0]  }
0x298: {  	v8 =	vld [tilespmem:s0+$0x5E60];
	_ =	sdelay $0x2  }
0x299: {  	v5 =	vadd.f32 v5, v6;
	v9 =	vmul.f32 v6, v6;
	v4 =	vmin.f32 v4, v6  }
0x29a: {  	[tilespmem:s0+$0xAEA0] =	vst v4;
	v4 =	vmax.f32 v7, v6  }
0x29b: {  	[tilespmem:s0+$0xE20] =	vst v5;
	v5 =	vadd.f32 v8, v9  }
0x29c: {  	[tilespmem:s0+$0xFEE0] =	vst v4;
	v4 =	vld [tilespmem:s0+$0xAEB0]  }
.Ltmp4:
0x29d: {  	[tilespmem:s0+$0x5E60] =	vst v5;
	v8 =	vld [tilespmem:s0+$0xE30];
	(pc) =	sbr.rel @p0 .LBB2_12-.Ltmp4, $4  }
0x29e: {  	v6 =	vld [tilespmem:s1+$0x30]  }
0x29f: {  	v7 =	vld [tilespmem:s0+$0xFEF0]  }
0x2a0: {  	s5 =	sadd.s32 s5, s30;
	v9 =	vld [tilespmem:s0+$0x5E70]  }
0x2a1: {  	v5 =	vmov s5  }
0x2a2: {  	_ = 	snop  }
0x2a3: {  	v10 =	vmul.f32 v6, v6;
	v4 =	vmin.f32 v4, v6  }
0x2a4: {  	v8 =	vadd.f32 v8, v6;
	[tilespmem:s0+$0xAEB0] =	vst v4;
	v4 =	vmax.f32 v7, v6  }
0x2a5: {  	v49 =	vadd.f32 v9, v10;
	[tilespmem:s0+$0xFEF0] =	vst v4  }
0x2a6: {  	[tilespmem:s0+$0xE30] =	vst v8  }
0x2a7: {  	[tilespmem:s0+$0x5E70] =	vst v49  }
0x2a8: {  	v4 =	vld.idx.msk [tilespmem:v5+s13+$0x0], $0xffff;
	_ =	sdelay $0x4  }
0x2a9: {  	v4 =	vxor.u32 $0x80000000, v4  }
0x2aa: {  	(xrf0) =	vmax.scan.msk.u32 $0xffff, v4;
	_ =	sdelay $0x5  }
0x2ab: {  	v4, _, _ =	vpop (xrf0)  }
0x2ac: {  	(v2sf) =	vpush v4, $0xF;
	_ =	sdelay $0xe  }
0x2ad: {  	s4 =	sadd.s32 $0x40, s1;
	s5 =	spop (v2sf)  }
0x2ae: {  	v4 =	vld [tilespmem:s4+$0x0];
	s1 =	sshll.u32 s5, $0x6  }
0x2af: {  	v5 =	vld [tilespmem:s1+$0xE00]  }
0x2b0: {  	v6 =	vld [tilespmem:s1+$0x5E40];
	_ =	sdelay $0x1  }
0x2b1: {  	v50 =	vld [tilespmem:s1+$0xAE80]  }
0x2b2: {  	v51 =	vmul.f32 v4, v4;
	v8 =	vld [tilespmem:s1+$0xFEC0]  }
0x2b3: {  	v5 =	vadd.f32 v5, v4  }
0x2b4: {  	v6 =	vadd.f32 v6, v51  }
0x2b5: {  	[tilespmem:s1+$0xE00] =	vst v5  }
0x2b6: {  	[tilespmem:s1+$0x5E40] =	vst v6;
	v5 =	vmin.f32 v50, v4  }
0x2b7: {  	v4 =	vmax.f32 v8, v4;
	[tilespmem:s1+$0xAE80] =	vst v5;
	v5 =	vld [tilespmem:s1+$0xAE90]  }
0x2b8: {  	[tilespmem:s1+$0xFEC0] =	vst v4;
	v4 =	vld [tilespmem:s1+$0xE10]  }
0x2b9: {  	v6 =	vld [tilespmem:s4+$0x10]  }
0x2ba: {  	v52 =	vld [tilespmem:s1+$0xFED0]  }
0x2bb: {  	v53 =	vld [tilespmem:s1+$0x5E50];
	_ =	sdelay $0x2  }
0x2bc: {  	v4 =	vadd.f32 v4, v6;
	v54 =	vmul.f32 v6, v6;
	v5 =	vmin.f32 v5, v6  }
0x2bd: {  	[tilespmem:s1+$0xAE90] =	vst v5  }
0x2be: {  	v5 =	vmax.f32 v52, v6;
	[tilespmem:s1+$0xE10] =	vst v4;
	v4 =	vadd.f32 v53, v54  }
0x2bf: {  	[tilespmem:s1+$0xFED0] =	vst v5;
	v5 =	vld [tilespmem:s1+$0xAEA0]  }
0x2c0: {  	[tilespmem:s1+$0x5E50] =	vst v4;
	v4 =	vld [tilespmem:s1+$0xE20]  }
0x2c1: {  	v55 =	vld [tilespmem:s4+$0x20]  }
0x2c2: {  	v56 =	vld [tilespmem:s1+$0xFEE0]  }
0x2c3: {  	v57 =	vld [tilespmem:s1+$0x5E60];
	_ =	sdelay $0x2  }
0x2c4: {  	v4 =	vadd.f32 v4, v55;
	v58 =	vmul.f32 v55, v55;
	v5 =	vmin.f32 v5, v55  }
0x2c5: {  	[tilespmem:s1+$0xAEA0] =	vst v5  }
0x2c6: {  	v5 =	vmax.f32 v56, v55;
	[tilespmem:s1+$0xE20] =	vst v4;
	v4 =	vadd.f32 v57, v58  }
0x2c7: {  	v60 =	vld [tilespmem:s1+$0xFEF0];
	[tilespmem:s1+$0xFEE0] =	vst v5  }
0x2c8: {  	v5 =	vld [tilespmem:s1+$0xAEB0];
	[tilespmem:s1+$0x5E60] =	vst v4  }
0x2c9: {  	v59 =	vld [tilespmem:s4+$0x30]  }
0x2ca: {  	v4 =	vld [tilespmem:s1+$0xE30]  }
0x2cb: {  	v61 =	vld [tilespmem:s1+$0x5E70]  }
0x2cc: {  	s31 =	sadd.s32 $0x1, s31  }
0x2cd: {  	p0 =	sne.s32 s31, $0x3  }
.Ltmp5:
0x2ce: {  	v62 =	vmul.f32 v59, v59;
	v5 =	vmin.f32 v5, v59;
	(pc) =	sbr.rel @p0 .LBB2_5-.Ltmp5, $4  }
0x2cf: {  	v4 =	vadd.f32 v4, v59;
	[tilespmem:s1+$0xAEB0] =	vst v5;
	v5 =	vmax.f32 v60, v59  }
0x2d0: {  	v63 =	vadd.f32 v61, v62;
	[tilespmem:s1+$0xFEF0] =	vst v5  }
0x2d1: {  	s9 =	sadd.s32 $0x200, s9;
	[tilespmem:s1+$0xE30] =	vst v4  }
0x2d2: {  	s11 =	sadd.s32 $0x200, s11;
	s2 =	sadd.s32 $0x200, s2;
	s30 =	sadd.s32 $0x200, s30;
	[tilespmem:s1+$0x5E70] =	vst v63  }
0x2d3: {  	s0 =	sshll.u32 s8, $0x6  }
0x2d4: {  	s0 =	sadd.s32 s10, s0  }
0x2d5: {  	s1 =	rddreg [dreg:$0x2];
	s0 =	sshrl.u32 s0, $0x3  }
0x2d6: {  	s2 =	simm.s32 $0xE00;
	s1 =	sadd.s32 s1, s0  }
0x2d7: {  	[hbm4b:s1+s28] =	stream.strided.scatter [tilespmem:s2], [sflag:$0x5], $0x5000, s29, s28, $0x38;
	[tilespmem:$0x1CF00] =	vst v63  }
0x2d8: {  	_ =	swait.ge [sflag:s12], $0x5000  }
0x2d9: {  	[sflag:s12] =	ssyncset.done $0x0;
	s5 =	rddreg [dreg:$0x3]  }
0x2da: {  	s9 =	simm.s32 $0x5E40;
	[sflag:s12] =	ssyncadd.s32 $0xFFFFB000;
	s1 =	sadd.s32 s5, s0  }
0x2db: {  	[hbm4b:s1+s28] =	stream.strided.scatter [tilespmem:s9], [sflag:$0x5], $0x5000, s29, s28, $0x38;
	[tilespmem:$0x1CF00] =	vst v63  }
0x2dc: {  	_ =	swait.ge [sflag:s12], $0x5000  }
0x2dd: {  	[sflag:s12] =	ssyncset.done $0x0  }
0x2de: {  	s30 =	simm.s32 $0xAE80;
	s11 =	sadd.s32 s6, s0;
	[sflag:s12] =	ssyncadd.s32 $0xFFFFB000  }
0x2df: {  	[hbm4b:s11+s28] =	stream.strided.scatter [tilespmem:s30], [sflag:$0x5], $0x5000, s29, s28, $0x38;
	[tilespmem:$0x1CF00] =	vst v63  }
0x2e0: {  	s8 =	sadd.s32 $0x1, s8;
	_ =	swait.ge [sflag:s12], $0x5000  }
0x2e1: {  	s31 =	simm.s32 $0xFEC0;
	p0 =	sne.s32 s8, $0x20;
	[sflag:s12] =	ssyncset.done $0x0  }
.Ltmp6:
0x2e2: {  	s0 =	sadd.s32 s7, s0;
	[sflag:s12] =	ssyncadd.s32 $0xFFFFB000;
	(pc) =	sbr.rel @p0 .LBB2_2-.Ltmp6, $4  }
0x2e3: {  	[hbm4b:s0+s28] =	stream.strided.scatter [tilespmem:s31], [sflag:$0x5], $0x5000, s29, s28, $0x38;
	[tilespmem:$0x1CF00] =	vst v63  }
0x2e4: {  	_ =	swait.ge [sflag:s12], $0x5000  }
0x2e5: {  	[sflag:s12] =	ssyncset.done $0x0  }
0x2e6: {  	[sflag:s12] =	ssyncadd.s32 $0xFFFFB000  }
0x2e7: {  	s1 =	rddreg [dreg:$0x7]  }
0x2e8: {  	s0 =	rddreg [dreg:$0x6];
	s1 =	sadd.s32 $0x1, s1  }
0x2e9: {  	p0 =	sne.s32 s1, s0  }
.Ltmp7:
0x2ea: {  	_ = 	snop;
	(pc) =	sbr.rel @p0 .LBB2_1-.Ltmp7, $1  }
0x2eb: {  	_ =	sdelay $0x3  }
0x2ec: {  	_ =	sfence.sel $0x180000  }
0x2ed: {  	[bflag:$0x0] =	sbarrier.arrive $0xFFFF  }
0x2ee: {  	_ =	strace $0x90000050  }
0x2ef: {  	s0 =	stileid.u32;
	[bflag:$0x2] =	sbarrier.arrive $0xFFFF  }
0x2f0: {  	p0 =	sne.s32 s0, $0x0;
	s0 =	rddreg [dreg:$0x1]  }
0x2f1: {  	s0 =	sadd.s32 @!p0 $0x100000, s0  }
0x2f2: {  	[sflag:s0] =	ssyncadd.tile.s32 @!p0 $0x1;
	_ =	shalt  }
.Lfunc_end2:
_tile_overlayer_lowered:
.L_overlay_start_2:
0x2f3: {  	(tag) =	ssettag $0x2  }
0x2f4: {  	s0 =	rddreg [dreg:$0x0];
	s2 =	stileid.u32  }
0x2f5: {  	s1 =	rddreg [dreg:$0x1];
	p0 =	sne.s32 s2, $0x0  }
0x2f6: {  	s3 =	rddreg [dreg:$0x2];
	[bflag:$0x3] =	sbarrier.arrive $0xFFFF;
	s2 =	simm.s32 @!p0 $0x1C05  }
0x2f7: {  	[timem:s3], [sflag:s2] =	dma.local @!p0 [hbm:s0], s1  }
0x2f8: {  	s0 =	simm.s32 @!p0 $0x5  }
0x2f9: {  	_ =	swait.ge @!p0 [sflag:s0], s1  }
0x2fa: {  	s1 =	ssub.s32 @!p0 $0x0, s1;
	[sflag:s0] =	ssyncset.done @!p0 $0x0  }
0x2fb: {  	[sflag:s0] =	ssyncadd.s32 @!p0 s1  }
0x2fc: {  	[bflag:$0x3] =	sbarrier.arrive $0xFFFF  }
0x2fd: {  	_ =	shalt  }

// kernel: kernel.26.cloned.1.call-start
scs
__scs_entry_jumppad:
0x0: {  	(pc) =	sbr.rel $0x88, $3  }
0x1: {  	(tag) =	ssettag $0x0;
	lr =	simm.s32 $0x1  }
0x2: {  	[smem:$0x3F89] =	sst lr;
	_ =	strace $0xD0000000  }
0x3: {  	_ = 	snop  }
0x4: {  	_ = 	snop  }
0x5: {  	_ = 	snop  }
0x6: {  	_ = 	snop  }
0x7: {  	_ = 	snop  }
__scs_overlays_trampoline_lowered:
0x8: {  	[smem:$0x3F98] =	sst s0  }
0x9: {  	[smem:$0x3F99] =	sst s1  }
0xa: {  	[smem:$0x3F9A] =	sst s2  }
0xb: {  	[smem:$0x3F9B] =	sst s3  }
0xc: {  	[smem:$0x3F9C] =	sst s4  }
0xd: {  	[smem:$0x3F9D] =	sst s5  }
0xe: {  	[smem:$0x3F9E] =	sst s6  }
0xf: {  	[smem:$0x3F9F] =	sst s7  }
0x10: {  	[smem:$0x3FA0] =	sst s8  }
0x11: {  	[smem:$0x3FA1] =	sst s9;
	s0 =	simm.s32 @!p0 $0x0  }
0x12: {  	s1 =	sld [smem:$0x3F87];
	s0 =	simm.s32 @p0 $0x1  }
0x13: {  	[smem:$0x3FA2] =	sst s0;
	s0 =	simm.s32 @!p1 $0x0  }
0x14: {  	s2 =	sld [smem:$0x3F86];
	s0 =	simm.s32 @p1 $0x1  }
0x15: {  	[smem:$0x3FA3] =	sst s0;
	s0 =	simm.s32 @!p2 $0x0  }
0x16: {  	s3 =	sld [smem:$0x3FDB];
	s0 =	simm.s32 @p2 $0x1  }
0x17: {  	s4 =	simm.s32 $0x1BF5;
	[smem:$0x3FA5] =	sst s0  }
0x18: {  	s0 =	sld [smem:$0x3F88];
	_ =	swait.ge [sflag:s4], $0x0  }
0x19: {  	s7 =	sld [smem:$0x3F89]  }
0x1a: {  	s8 =	sadd.s32 $0xFFFFE003, lr  }
0x1b: {  	s9 =	sadd.s32 $0xFFFFFEF7, lr;
	s5 =	simm.s32 $0xFFFFFFFF;
	p2 =	slt.u32 s8, $0xFFFFF086  }
0x1c: {  	p1 =	slt.u32 s9, $0xF7A;
	s5 =	simm.s32 @!p2 $0x0  }
0x1d: {  	s5 =	simm.s32 @p1 $0x1;
	p0 =	seq.s32 s7, s2  }
0x1e: {  	s7 =	smul.u32 @!p0 $0xF7A, s2;
	p2 =	seq.s32 @!p0 s5, $0x0  }
0x1f: {  	s9 =	smul.u32 $0xF7A, s1;
	s8 =	simm.s32 @!p0 $0x1BF5;
	p2 =	por !p2, p0  }
0x20: {  	[sflag:s8] =	ssyncset.s32 @!p0 $0xFFFFF086;
	s6 =	sadd.s32 @!p0 s3, s7;
	s7 =	simm.s32 @!p0 $0x108  }
0x21: {  	s3 =	sadd.s32 s3, s9;
	s6 =	sadd.s32 @!p0 $0x88, s6;
	s7 =	simm.s32 @p2 $0x1082  }
0x22: {  	[simem:s7], [sflag:s8] =	dma.local @!p0 [hbm:s6], $0xF7A  }
0x23: {  	s9 =	sor.u32 $0xD0000000, s2;
	s6 =	simm.s32 $0x108;
	_ =	swait.ge @!p0 [sflag:s8], $0x0  }
0x24: {  	s3 =	sadd.s32 $0x88, s3;
	s6 =	simm.s32 @!p1 $0x1082;
	[sflag:s4] =	ssyncset.s32 $0xFFFFF086  }
0x25: {  	[simem:s6], [sflag:s4] =	dma.local [hbm:s3], $0xF7A  }
0x26: {  	[smem:$0x3F89] =	sst s1;
	(tag) =	ssettag s2;
	_ =	strace s9  }
0x27: {  	s1 =	sld [smem:$0x3F99]  }
0x28: {  	s2 =	sld [smem:$0x3F9A]  }
0x29: {  	s4 =	sld [smem:$0x3F9C]  }
0x2a: {  	p0 =	seq.s32 s5, $0x0;
	s5 =	sld [smem:$0x3F9D]  }
0x2b: {  	s6 =	sld [smem:$0x3F9E]  }
0x2c: {  	s7 =	sld [smem:$0x3F9F]  }
0x2d: {  	s3 =	simm.s32 $0x108;
	s8 =	sld [smem:$0x3FA0]  }
0x2e: {  	s3 =	simm.s32 @!p0 $0x1082;
	s9 =	sld [smem:$0x3FA1]  }
0x2f: {  	lr =	sadd.s32 s0, s3;
	s0 =	sld [smem:$0x3F98]  }
0x30: {  	s3 =	sld [smem:$0x3F9B]  }
0x31: {  	[smem:$0x3FA4] =	sst s10  }
0x32: {  	s10 =	sld [smem:$0x3FA2];
	_ =	sdelay $0x3  }
0x33: {  	p0 =	seq.s32 s10, $0x1;
	s10 =	sld [smem:$0x3FA4];
	_ =	sdelay $0x3  }
0x34: {  	[smem:$0x3FA4] =	sst s10  }
0x35: {  	s10 =	sld [smem:$0x3FA3];
	_ =	sdelay $0x3  }
0x36: {  	p1 =	seq.s32 s10, $0x1;
	s10 =	sld [smem:$0x3FA4];
	_ =	sdelay $0x3  }
0x37: {  	[smem:$0x3FA4] =	sst s10  }
0x38: {  	s10 =	sld [smem:$0x3FA5]  }
0x39: {  	_ = 	snop;
	(pc) =	sbr.ind lr, $3  }
0x3a: {  	_ = 	snop  }
0x3b: {  	_ = 	snop  }
0x3c: {  	p2 =	seq.s32 s10, $0x1;
	s10 =	sld [smem:$0x3FA4]  }
0x3d: {  	_ =	shalt  }
0x3e: {  	_ =	shalt  }
0x3f: {  	_ =	shalt  }
0x40: {  	_ =	shalt  }
0x41: {  	_ =	shalt  }
0x42: {  	_ =	shalt  }
0x43: {  	_ =	shalt  }
0x44: {  	_ =	shalt  }
0x45: {  	_ =	shalt  }
0x46: {  	_ =	shalt  }
0x47: {  	_ =	shalt  }
0x48: {  	_ =	shalt  }
0x49: {  	_ =	shalt  }
0x4a: {  	_ =	shalt  }
0x4b: {  	_ =	shalt  }
0x4c: {  	_ =	shalt  }
0x4d: {  	_ =	shalt  }
0x4e: {  	_ =	shalt  }
0x4f: {  	_ =	shalt  }
0x50: {  	_ =	shalt  }
0x51: {  	_ =	shalt  }
0x52: {  	_ =	shalt  }
0x53: {  	_ =	shalt  }
0x54: {  	_ =	shalt  }
0x55: {  	_ =	shalt  }
0x56: {  	_ =	shalt  }
0x57: {  	_ =	shalt  }
0x58: {  	_ =	shalt  }
0x59: {  	_ =	shalt  }
0x5a: {  	_ =	shalt  }
0x5b: {  	_ =	shalt  }
0x5c: {  	_ =	shalt  }
0x5d: {  	_ =	shalt  }
0x5e: {  	_ =	shalt  }
0x5f: {  	_ =	shalt  }
0x60: {  	_ =	shalt  }
0x61: {  	_ =	shalt  }
0x62: {  	_ =	shalt  }
0x63: {  	_ =	shalt  }
0x64: {  	_ =	shalt  }
0x65: {  	_ =	shalt  }
0x66: {  	_ =	shalt  }
0x67: {  	_ =	shalt  }
0x68: {  	_ =	shalt  }
0x69: {  	_ =	shalt  }
0x6a: {  	_ =	shalt  }
0x6b: {  	_ =	shalt  }
0x6c: {  	_ =	shalt  }
0x6d: {  	_ =	shalt  }
0x6e: {  	_ =	shalt  }
0x6f: {  	_ =	shalt  }
0x70: {  	_ =	shalt  }
0x71: {  	_ =	shalt  }
0x72: {  	_ =	shalt  }
0x73: {  	_ =	shalt  }
0x74: {  	_ =	shalt  }
0x75: {  	_ =	shalt  }
0x76: {  	_ =	shalt  }
0x77: {  	_ =	shalt  }
0x78: {  	_ =	shalt  }
0x79: {  	_ =	shalt  }
0x7a: {  	_ =	shalt  }
0x7b: {  	_ =	shalt  }
0x7c: {  	_ =	shalt  }
0x7d: {  	_ =	shalt  }
0x7e: {  	_ =	shalt  }
0x7f: {  	_ =	shalt  }
0x80: {  	_ =	shalt  }
0x81: {  	_ =	shalt  }
0x82: {  	_ =	shalt  }
0x83: {  	_ =	shalt  }
0x84: {  	_ =	shalt  }
0x85: {  	_ =	shalt  }
0x86: {  	_ =	shalt  }
0x87: {  	_ =	shalt  }
.Lfunc_end0:
.L_simem_size_0:
called_computation.5_lowered:
.L_overlay_start_0:
0x88: {  	s2 =	sld [smem:$0x3FD9]  }
0x89: {  	s3 =	sld [smem:$0x3FFE];
	_ =	sdelay $0x1  }
0x8a: {  	s1 =	srdreg.scid  }
0x8b: {  	s0 =	sand.u32 $0x1, s1  }
0x8c: {  	s16 =	sshll.u32 s0, $0xA;
	s2 =	sadd.s32 s3, s2  }
0x8d: {  	s2 =	sadd.s32 s2, s16  }
0x8e: {  	[smem:$0x3FB0] =	sst s2  }
0x8f: {  	_ = 	snop  }
0x90: {  	(tm) =	ssettm $0x1  }
0x91: {  	s17 =	sld [smem:$0x3FFB];
	_ =	sdelay $0x3  }
0x92: {  	_ =	strace s17  }
0x93: {  	s2 =	sld [smem:$0x3FFC];
	_ =	sdelay $0x3  }
0x94: {  	_ =	strace s2  }
0x95: {  	s2 =	sld [smem:$0x3FFD];
	_ =	sdelay $0x3  }
0x96: {  	_ =	strace s2  }
0x97: {  	_ =	strace $0x8FFFFFFF  }
0x98: {  	s18 =	sld [smem:$0x3FDB];
	_ =	sdelay $0x1  }
0x99: {  	s19 =	simm.s32 $_scs_section_size  }
0x9a: {  	s4 =	simm.s32 $_size__tile_overlayer_lowered;
	s5 =	simm.s32 $_tile_overlayer_lowered  }
0x9b: {  	s22 =	simm.s32 $0x1BFF;
	s21 =	sshll.u32 s5, $0x1;
	s2 =	sadd.s32 s19, s18  }
0x9c: {  	s6 =	simm.s32 $0x0;
	s20 =	sshll.u32 s4, $0x1;
	s4 =	sadd.s32 s21, s2  }
0x9d: {  	[timem:s6], [sflag:s22] =	dma.local [hbm:s4], s20  }
0x9e: {  	_ =	swait.ge [sflag:s22], s20  }
0x9f: {  	s3 =	ssub.s32 $0x0, s20;
	[sflag:s22] =	ssyncset.done $0x0  }
0xa0: {  	[sflag:s22] =	ssyncadd.s32 s3;
	_ =	sdelay $0x1  }
0xa1: {  	s23 =	simm.s32 $0x1B8B  }
0xa2: {  	_ =	swait.ge [sflag:s23], $0x1  }
0xa3: {  	[sflag:s23] =	ssyncset.done $0x0  }
0xa4: {  	s25 =	simm.s32 $0x1B8E;
	s24 =	sld [smem:$0x3FFE];
	[sflag:s23] =	ssyncadd.s32 $0xFFFFFFFF  }
0xa5: {  	s26 =	simm.s32 $execute0_lowered;
	[smem:$0x3FD2] =	sst s25  }
0xa6: {  	s4 =	sshll.u32 s26, $0x1;
	_ =	strace $0x80000055;
	[dreg:$0x1] =	wrdreg $0xFFFFFFFF  }
0xa7: {  	s28 =	simm.s32 $_size_execute0_lowered;
	s2 =	sadd.s32 s2, s4;
	[dreg:$0x0] =	wrdreg $0x0  }
0xa8: {  	s4 =	sshll.u32 s28, $0x1;
	[dreg:$0x2] =	wrdreg s2  }
0xa9: {  	[dreg:$0x3] =	wrdreg s4  }
0xaa: {  	[dreg:$0x4] =	wrdreg $0xC0  }
0xab: {  	_ =	task [dreg:s6], $0x5FFFF  }
0xac: {  	[dreg:$0x1] =	wrdreg $0xFFFFFFFF  }
0xad: {  	[dreg:$0x0] =	wrdreg $0x60  }
0xae: {  	[dreg:$0x2] =	wrdreg s24  }
0xaf: {  	[dreg:$0x3] =	wrdreg $0x9  }
0xb0: {  	_ =	task.clear_ibuf [dreg:s6], $0x4FFFF;
	_ =	strace $0x90000055  }
0xb1: {  	s29 =	simm.s32 $0x9;
	_ =	strace $0x80000057  }
0xb2: {  	_ =	swait.ge [sflag:s29], $0x1  }
0xb3: {  	[sflag:s29] =	ssyncadd.s32 $0xFFFFFFFF  }
0xb4: {  	_ =	strace $0x90000057  }
0xb5: {  	_ =	sfence  }
0xb6: {  	s30 =	sld [smem:$0x0];
	_ =	sdelay $0x2  }
0xb7: {  	s31 =	sshll.u32 s1, $0xD;
	s1 =	sshrl.u32 s1, $0x2  }
0xb8: {  	s3 =	sand.u32 $0x4000, s31;
	s1 =	sadd.s32 s1, s30  }
0xb9: {  	s0 =	sor.u32 s3, s0;
	s1 =	sshll.u32 s1, $0x11  }
0xba: {  	s0 =	sor.u32 s1, s0  }
0xbb: {  	s0 =	sadd.s32 $0x8F2B, s0  }
0xbc: {  	[sflag:s0] =	ssyncadd.remote.s32 $0x1  }
0xbd: {  	_ =	sfence.sel $0xFFFF  }
0xbe: {  	[dreg:$0x0] =	wrdreg $0xFFFFFFFF;
	(pc) =	sbr.abs _section_cstart, $3  }
0xbf: {  	[dreg:$0x1] =	wrdreg $0xFFFFFFFF  }
0xc0: {  	_ =	task.clear_ibuf [dreg:s6], $0x2FFFF;
	_ =	strace $0x9FFFFFFF  }
0xc1: {  	(tm) =	ssettm $0x7FFFFFFF  }
tec
execute0_lowered:
.L_overlay_start_1:
0x0: {  	(tag) =	ssettag $0x1  }
0x1: {  	s0 =	srdreg.scid  }
0x2: {  	s1 =	stileid.u32;
	s2 =	rddreg [dreg:$0x0];
	s3 =	simm.s32 $0x0  }
0x3: {  	s12 =	simm.s32 $0x5;
	s13 =	simm.s32 $0x600;
	s14 =	simm.s32 $0x80  }
0x4: {  	s15 =	simm.s32 $0xC00;
	s16 =	simm.s32 $0x14F00;
	s17 =	simm.s32 $0xC80  }
0x5: {  	s18 =	simm.s32 $0x16F00;
	s19 =	simm.s32 $0xD00;
	s20 =	simm.s32 $0x18F00  }
0x6: {  	s21 =	simm.s32 $0xD80;
	s22 =	simm.s32 $0x1AF00;
	s23 =	simm.s32 $0x1  }
0x7: {  	s24 =	simm.s32 $0x2;
	s28 =	simm.s32 $0x40;
	s29 =	simm.s32 $0x800  }
0x8: {  	s0 =	sand.u32 $0x1, s0;
	[smem:$0x7FF] =	sst s3;
	s3 =	sadd.s32 $0x974400, s2  }
0x9: {  	s1 =	sshll.u32 s1, $0x1;
	s5 =	sadd.s32 $0x492400, s2;
	s25 =	sadd.s32 $0xE56400, s2  }
0xa: {  	s6 =	sadd.s32 $0x10D6400, s2;
	s1 =	sor.u32 s0, s1;
	s0 =	ssub.s32 $0x2, s0  }
0xb: {  	s7 =	sadd.s32 $0x1356400, s2;
	s4 =	smul.u32 $0xC0, s1;
	s26 =	sshrl.u32 s0, $0x1  }
0xc: {  	_ =	strace $0x80000056;
	[dreg:$0x2] =	wrdreg s5;
	s0 =	ssub.s32 s0, s26  }
0xd: {  	[dreg:$0x3] =	wrdreg s25;
	s4 =	sadd.s32 s4, s2;
	s0 =	smax.u32 s0, $0x1  }
0xe: {  	s25 =	simm.s32 $0x3;
	s30 =	sadd.s32 $0xBF400, s4;
	[dreg:$0x6] =	wrdreg s0  }
0xf: {  	s10 =	smul.u32 $0xA0000, s1;
	s31 =	sadd.s32 $0xC0C00, s4;
	[dreg:$0x4] =	wrdreg s30  }
0x10: {  	v0 =	vimm.f32 $0.0e+00;
	v1 =	vimm.f32 $3.000000010e+38;
	v2 =	vimm.f32 $-3.000000010e+38;
	s1 =	simm.s32 $0x0;
	s26 =	simm.s32 $0x4;
	[dreg:$0x5] =	wrdreg s31  }
.LBB2_1:
0x11: {  	[dreg:$0x7] =	wrdreg s1  }
0x12: {  	s0 =	simm.s32 $0x0;
	s30 =	rddreg [dreg:$0x4]  }
0x13: {  	[tilespmem:s0], [sflag:$0x5] =	stream.linear.gather [hbm4b:s30+s0], $0x600, $0x38;
	[tilespmem:$0x1CF00] =	vst v63  }
0x14: {  	_ =	swait.ge [sflag:s12], $0x600  }
0x15: {  	[sflag:s12] =	ssyncset.done $0x0  }
0x16: {  	s31 =	rddreg [dreg:$0x5];
	[sflag:s12] =	ssyncadd.s32 $0xFFFFFA00  }
0x17: {  	[tilespmem:s13], [sflag:$0x5] =	stream.linear.gather [hbm4b:s31+s0], $0x600, $0x38;
	[tilespmem:$0x1CF00] =	vst v63  }
0x18: {  	_ =	swait.ge [sflag:s12], $0x600  }
0x19: {  	[sflag:s12] =	ssyncset.done $0x0  }
0x1a: {  	s8 =	simm.s32 $0x0;
	[sflag:s12] =	ssyncadd.s32 $0xFFFFFA00  }
.LBB2_2:
0x1b: {  	s0 =	simm.s32 $0x0;
	s1 =	simm.s32 $0x100  }
.LBB2_3:
0x1c: {  	p0 =	seq.s32 s1, $0x14000;
	[tilespmem:s0+$0xFEF0] =	vst v2  }
0x1d: {  	[tilespmem:s0+$0xE00] =	vst v0  }
0x1e: {  	[tilespmem:s0+$0x5E40] =	vst v0  }
0x1f: {  	[tilespmem:s0+$0xAE80] =	vst v1  }
0x20: {  	[tilespmem:s0+$0xFEC0] =	vst v2  }
0x21: {  	[tilespmem:s0+$0xE10] =	vst v0  }
0x22: {  	[tilespmem:s0+$0x5E50] =	vst v0  }
0x23: {  	[tilespmem:s0+$0xAE90] =	vst v1  }
0x24: {  	[tilespmem:s0+$0xFED0] =	vst v2  }
0x25: {  	[tilespmem:s0+$0xE20] =	vst v0  }
0x26: {  	[tilespmem:s0+$0x5E60] =	vst v0  }
.Ltmp0:
0x27: {  	[tilespmem:s0+$0xAEA0] =	vst v1;
	(pc) =	sbr.rel @!p0 .LBB2_3-.Ltmp0, $4  }
0x28: {  	[tilespmem:s0+$0xFEE0] =	vst v2  }
0x29: {  	[tilespmem:s0+$0xE30] =	vst v0  }
0x2a: {  	[tilespmem:s0+$0x5E70] =	vst v0  }
0x2b: {  	[tilespmem:s0+$0xAEB0] =	vst v1;
	s0 =	sshra.s32 s1, $0x2;
	s1 =	sadd.s32 $0x100, s1  }
0x2c: {  	[tilespmem:s0+$0xFEF0] =	vst v2  }
0x2d: {  	[tilespmem:s0+$0xE00] =	vst v0  }
0x2e: {  	[tilespmem:s0+$0x5E40] =	vst v0  }
0x2f: {  	[tilespmem:s0+$0xAE80] =	vst v1  }
0x30: {  	[tilespmem:s0+$0xFEC0] =	vst v2  }
0x31: {  	[tilespmem:s0+$0xE10] =	vst v0  }
0x32: {  	[tilespmem:s0+$0x5E50] =	vst v0  }
0x33: {  	[tilespmem:s0+$0xAE90] =	vst v1  }
0x34: {  	[tilespmem:s0+$0xFED0] =	vst v2  }
0x35: {  	[tilespmem:s0+$0xE20] =	vst v0  }
0x36: {  	[tilespmem:s0+$0x5E60] =	vst v0  }
0x37: {  	[tilespmem:s0+$0xAEA0] =	vst v1  }
0x38: {  	[tilespmem:s0+$0xFEE0] =	vst v2  }
0x39: {  	[tilespmem:s0+$0xE30] =	vst v0  }
0x3a: {  	[tilespmem:s0+$0x5E70] =	vst v0;
	s9 =	simm.s32 $0x0;
	s11 =	simm.s32 $0x80  }
0x3b: {  	[tilespmem:s0+$0xAEB0] =	vst v1;
	v3 =	vmov s8;
	s2 =	simm.s32 $0x100;
	s30 =	simm.s32 $0x180;
	s31 =	simm.s32 $0x0  }
.LBB2_5:
0x3c: {  	s0 =	sshll.u32 s31, $0x9  }
0x3d: {  	s0 =	sand.u32 $0x3FFFFE00, s0  }
0x3e: {  	v4 =	vld [tilespmem:s0+$0x0];
	_ =	sdelay $0x4  }
0x3f: {  	v4 =	vshll.u32 v4, $0x5  }
0x40: {  	v4 =	vadd.s32 v3, v4  }
0x41: {  	[tilespmem:$0xC00] =	vst v4  }
0x42: {  	v4 =	vld [tilespmem:s0+$0x10];
	_ =	sdelay $0x4  }
0x43: {  	v4 =	vshll.u32 v4, $0x5  }
0x44: {  	v4 =	vadd.s32 v3, v4  }
0x45: {  	[tilespmem:$0xC10] =	vst v4  }
0x46: {  	v4 =	vld [tilespmem:s0+$0x20];
	_ =	sdelay $0x4  }
0x47: {  	v4 =	vshll.u32 v4, $0x5  }
0x48: {  	v4 =	vadd.s32 v3, v4  }
0x49: {  	[tilespmem:$0xC20] =	vst v4  }
0x4a: {  	v4 =	vld [tilespmem:s0+$0x30];
	_ =	sdelay $0x4  }
0x4b: {  	v4 =	vshll.u32 v4, $0x5  }
0x4c: {  	v4 =	vadd.s32 v3, v4  }
0x4d: {  	[tilespmem:$0xC30] =	vst v4  }
0x4e: {  	v4 =	vld [tilespmem:s0+$0x40];
	_ =	sdelay $0x4  }
0x4f: {  	v4 =	vshll.u32 v4, $0x5  }
0x50: {  	v4 =	vadd.s32 v3, v4  }
0x51: {  	[tilespmem:$0xC40] =	vst v4  }
0x52: {  	v4 =	vld [tilespmem:s0+$0x50];
	_ =	sdelay $0x4  }
0x53: {  	v4 =	vshll.u32 v4, $0x5  }
0x54: {  	v4 =	vadd.s32 v3, v4  }
0x55: {  	[tilespmem:$0xC50] =	vst v4  }
0x56: {  	v4 =	vld [tilespmem:s0+$0x60];
	_ =	sdelay $0x4  }
0x57: {  	v4 =	vshll.u32 v4, $0x5  }
0x58: {  	v4 =	vadd.s32 v3, v4  }
0x59: {  	[tilespmem:$0xC60] =	vst v4  }
0x5a: {  	v4 =	vld [tilespmem:s0+$0x70];
	_ =	sdelay $0x4  }
0x5b: {  	v4 =	vshll.u32 v4, $0x5  }
0x5c: {  	v4 =	vadd.s32 v3, v4  }
0x5d: {  	[tilespmem:$0xC70] =	vst v4  }
0x5e: {  	v4 =	vld [tilespmem:s0+$0x80];
	_ =	sdelay $0x4  }
0x5f: {  	v4 =	vshll.u32 v4, $0x5  }
0x60: {  	v4 =	vadd.s32 v3, v4  }
0x61: {  	[tilespmem:$0xC80] =	vst v4  }
0x62: {  	v4 =	vld [tilespmem:s0+$0x90];
	_ =	sdelay $0x4  }
0x63: {  	v4 =	vshll.u32 v4, $0x5  }
0x64: {  	v4 =	vadd.s32 v3, v4  }
0x65: {  	[tilespmem:$0xC90] =	vst v4  }
0x66: {  	v4 =	vld [tilespmem:s0+$0xA0];
	_ =	sdelay $0x4  }
0x67: {  	v4 =	vshll.u32 v4, $0x5  }
0x68: {  	v4 =	vadd.s32 v3, v4  }
0x69: {  	[tilespmem:$0xCA0] =	vst v4  }
0x6a: {  	v4 =	vld [tilespmem:s0+$0xB0];
	_ =	sdelay $0x4  }
0x6b: {  	v4 =	vshll.u32 v4, $0x5  }
0x6c: {  	v4 =	vadd.s32 v3, v4  }
0x6d: {  	[tilespmem:$0xCB0] =	vst v4  }
0x6e: {  	v4 =	vld [tilespmem:s0+$0xC0];
	_ =	sdelay $0x4  }
0x6f: {  	v4 =	vshll.u32 v4, $0x5  }
0x70: {  	v4 =	vadd.s32 v3, v4  }
0x71: {  	[tilespmem:$0xCC0] =	vst v4  }
0x72: {  	v4 =	vld [tilespmem:s0+$0xD0];
	_ =	sdelay $0x4  }
0x73: {  	v4 =	vshll.u32 v4, $0x5  }
0x74: {  	v4 =	vadd.s32 v3, v4  }
0x75: {  	[tilespmem:$0xCD0] =	vst v4  }
0x76: {  	v4 =	vld [tilespmem:s0+$0xE0];
	_ =	sdelay $0x4  }
0x77: {  	v4 =	vshll.u32 v4, $0x5  }
0x78: {  	v4 =	vadd.s32 v3, v4  }
0x79: {  	[tilespmem:$0xCE0] =	vst v4  }
0x7a: {  	v4 =	vld [tilespmem:s0+$0xF0];
	_ =	sdelay $0x4  }
0x7b: {  	v4 =	vshll.u32 v4, $0x5  }
0x7c: {  	v4 =	vadd.s32 v3, v4  }
0x7d: {  	[tilespmem:$0xCF0] =	vst v4  }
0x7e: {  	v4 =	vld [tilespmem:s0+$0x100];
	_ =	sdelay $0x4  }
0x7f: {  	v4 =	vshll.u32 v4, $0x5  }
0x80: {  	v4 =	vadd.s32 v3, v4  }
0x81: {  	[tilespmem:$0xD00] =	vst v4  }
0x82: {  	v4 =	vld [tilespmem:s0+$0x110];
	_ =	sdelay $0x4  }
0x83: {  	v4 =	vshll.u32 v4, $0x5  }
0x84: {  	v4 =	vadd.s32 v3, v4  }
0x85: {  	[tilespmem:$0xD10] =	vst v4  }
0x86: {  	v4 =	vld [tilespmem:s0+$0x120];
	_ =	sdelay $0x4  }
0x87: {  	v4 =	vshll.u32 v4, $0x5  }
0x88: {  	v4 =	vadd.s32 v3, v4  }
0x89: {  	[tilespmem:$0xD20] =	vst v4  }
0x8a: {  	v4 =	vld [tilespmem:s0+$0x130];
	_ =	sdelay $0x4  }
0x8b: {  	v4 =	vshll.u32 v4, $0x5  }
0x8c: {  	v4 =	vadd.s32 v3, v4  }
0x8d: {  	[tilespmem:$0xD30] =	vst v4  }
0x8e: {  	v4 =	vld [tilespmem:s0+$0x140];
	_ =	sdelay $0x4  }
0x8f: {  	v4 =	vshll.u32 v4, $0x5  }
0x90: {  	v4 =	vadd.s32 v3, v4  }
0x91: {  	[tilespmem:$0xD40] =	vst v4  }
0x92: {  	v4 =	vld [tilespmem:s0+$0x150];
	_ =	sdelay $0x4  }
0x93: {  	v4 =	vshll.u32 v4, $0x5  }
0x94: {  	v4 =	vadd.s32 v3, v4  }
0x95: {  	[tilespmem:$0xD50] =	vst v4  }
0x96: {  	v4 =	vld [tilespmem:s0+$0x160];
	_ =	sdelay $0x4  }
0x97: {  	v4 =	vshll.u32 v4, $0x5  }
0x98: {  	v4 =	vadd.s32 v3, v4  }
0x99: {  	[tilespmem:$0xD60] =	vst v4  }
0x9a: {  	v4 =	vld [tilespmem:s0+$0x170];
	_ =	sdelay $0x4  }
0x9b: {  	v4 =	vshll.u32 v4, $0x5  }
0x9c: {  	v4 =	vadd.s32 v3, v4  }
0x9d: {  	[tilespmem:$0xD70] =	vst v4  }
0x9e: {  	v4 =	vld [tilespmem:s0+$0x180];
	_ =	sdelay $0x4  }
0x9f: {  	v4 =	vshll.u32 v4, $0x5  }
0xa0: {  	v4 =	vadd.s32 v3, v4  }
0xa1: {  	[tilespmem:$0xD80] =	vst v4  }
0xa2: {  	v4 =	vld [tilespmem:s0+$0x190];
	_ =	sdelay $0x4  }
0xa3: {  	v4 =	vshll.u32 v4, $0x5  }
0xa4: {  	v4 =	vadd.s32 v3, v4  }
0xa5: {  	[tilespmem:$0xD90] =	vst v4  }
0xa6: {  	v4 =	vld [tilespmem:s0+$0x1A0];
	_ =	sdelay $0x4  }
0xa7: {  	v4 =	vshll.u32 v4, $0x5  }
0xa8: {  	v4 =	vadd.s32 v3, v4  }
0xa9: {  	[tilespmem:$0xDA0] =	vst v4  }
0xaa: {  	v4 =	vld [tilespmem:s0+$0x1B0];
	_ =	sdelay $0x4  }
0xab: {  	v4 =	vshll.u32 v4, $0x5  }
0xac: {  	v4 =	vadd.s32 v3, v4  }
0xad: {  	[tilespmem:$0xDB0] =	vst v4  }
0xae: {  	v4 =	vld [tilespmem:s0+$0x1C0];
	_ =	sdelay $0x4  }
0xaf: {  	v4 =	vshll.u32 v4, $0x5  }
0xb0: {  	v4 =	vadd.s32 v3, v4  }
0xb1: {  	[tilespmem:$0xDC0] =	vst v4  }
0xb2: {  	v4 =	vld [tilespmem:s0+$0x1D0];
	_ =	sdelay $0x4  }
0xb3: {  	v4 =	vshll.u32 v4, $0x5  }
0xb4: {  	v4 =	vadd.s32 v3, v4  }
0xb5: {  	[tilespmem:$0xDD0] =	vst v4  }
0xb6: {  	v4 =	vld [tilespmem:s0+$0x1E0];
	_ =	sdelay $0x4  }
0xb7: {  	v4 =	vshll.u32 v4, $0x5  }
0xb8: {  	v4 =	vadd.s32 v3, v4  }
0xb9: {  	[tilespmem:$0xDE0] =	vst v4  }
0xba: {  	v4 =	vld [tilespmem:s0+$0x1F0];
	_ =	sdelay $0x4  }
0xbb: {  	v4 =	vshll.u32 v4, $0x5  }
0xbc: {  	v4 =	vadd.s32 v3, v4  }
0xbd: {  	[tilespmem:$0xDF0] =	vst v4  }
0xbe: {  	[tilespmem:s16], [sflag:$0x1] =	stream.indirect.gather [hbm4b:s3+s14], $0x40, s15, s14, $0xb8;
	[tilespmem:$0x1CF00] =	vst v63  }
0xbf: {  	_ = 	snop  }
0xc0: {  	[tilespmem:s18], [sflag:$0x2] =	stream.indirect.gather [hbm4b:s3+s14], $0x40, s17, s14, $0xb8;
	[tilespmem:$0x1CF00] =	vst v63  }
0xc1: {  	s4 =	sadd.s32 $0x0, s9  }
0xc2: {  	[tilespmem:s20], [sflag:$0x3] =	stream.indirect.gather [hbm4b:s3+s14], $0x40, s19, s14, $0xb8;
	[tilespmem:$0x1CF00] =	vst v63  }
0xc3: {  	v4 =	vmov s4  }
0xc4: {  	[tilespmem:s22], [sflag:$0x4] =	stream.indirect.gather [hbm4b:s3+s14], $0x40, s21, s14, $0xb8;
	[tilespmem:$0x1CF00] =	vst v63  }
0xc5: {  	_ =	swait.ge [sflag:s23], $0x2000  }
0xc6: {  	[sflag:s23] =	ssyncset.done $0x0  }
0xc7: {  	[sflag:s23] =	ssyncadd.s32 $0xFFFFE000  }
0xc8: {  	v4 =	vld.idx.msk [tilespmem:v4+s13+$0x0], $0xffff;
	_ =	sdelay $0x4  }
0xc9: {  	v4 =	vxor.u32 $0x80000000, v4  }
0xca: {  	(xrf0) =	vmax.scan.msk.u32 $0xffff, v4;
	_ =	sdelay $0x5  }
0xcb: {  	v4, _, _ =	vpop (xrf0)  }
0xcc: {  	(v2sf) =	vpush v4, $0xF;
	_ =	sdelay $0xe  }
0xcd: {  	s1 =	simm.s32 $0x14F20;
	s5 =	spop (v2sf)  }
0xce: {  	v4 =	vld [tilespmem:s1+$0xFFFFFFE0];
	s0 =	sshll.u32 s5, $0x6  }
0xcf: {  	v5 =	vld [tilespmem:s0+$0xE00]  }
0xd0: {  	v6 =	vld [tilespmem:s0+$0x5E40];
	_ =	sdelay $0x1  }
0xd1: {  	v7 =	vld [tilespmem:s0+$0xAE80]  }
0xd2: {  	v8 =	vmul.f32 v4, v4;
	v9 =	vld [tilespmem:s0+$0xFEC0]  }
0xd3: {  	v5 =	vadd.f32 v5, v4  }
0xd4: {  	v6 =	vadd.f32 v6, v8  }
0xd5: {  	[tilespmem:s0+$0xE00] =	vst v5  }
0xd6: {  	[tilespmem:s0+$0x5E40] =	vst v6;
	v5 =	vmin.f32 v7, v4  }
0xd7: {  	v4 =	vmax.f32 v9, v4;
	[tilespmem:s0+$0xAE80] =	vst v5;
	v5 =	vld [tilespmem:s0+$0xAE90]  }
0xd8: {  	[tilespmem:s0+$0xFEC0] =	vst v4;
	v4 =	vld [tilespmem:s0+$0xE10]  }
0xd9: {  	v6 =	vld [tilespmem:s1+$0xFFFFFFF0]  }
0xda: {  	v8 =	vld [tilespmem:s0+$0x5E50]  }
0xdb: {  	v7 =	vld [tilespmem:s0+$0xFED0];
	_ =	sdelay $0x2  }
0xdc: {  	v4 =	vadd.f32 v4, v6;
	v5 =	vmin.f32 v5, v6;
	v9 =	vmul.f32 v6, v6  }
0xdd: {  	[tilespmem:s0+$0xAE90] =	vst v5  }
0xde: {  	v5 =	vmax.f32 v7, v6;
	[tilespmem:s0+$0xE10] =	vst v4;
	v4 =	vadd.f32 v8, v9  }
0xdf: {  	[tilespmem:s0+$0xFED0] =	vst v5;
	v5 =	vld [tilespmem:s0+$0xAEA0]  }
0xe0: {  	[tilespmem:s0+$0x5E50] =	vst v4;
	v4 =	vld [tilespmem:s0+$0xE20]  }
0xe1: {  	v6 =	vld [tilespmem:s1+$0x0]  }
0xe2: {  	v7 =	vld [tilespmem:s0+$0xFEE0]  }
0xe3: {  	v8 =	vld [tilespmem:s0+$0x5E60];
	_ =	sdelay $0x2  }
0xe4: {  	v4 =	vadd.f32 v4, v6;
	v5 =	vmin.f32 v5, v6;
	v9 =	vmul.f32 v6, v6  }
0xe5: {  	[tilespmem:s0+$0xAEA0] =	vst v5  }
0xe6: {  	v5 =	vmax.f32 v7, v6;
	[tilespmem:s0+$0xE20] =	vst v4;
	v6 =	vadd.f32 v8, v9  }
0xe7: {  	[tilespmem:s0+$0xFEE0] =	vst v5;
	v4 =	vld [tilespmem:s0+$0xAEB0]  }
0xe8: {  	v8 =	vld [tilespmem:s0+$0xE30];
	[tilespmem:s0+$0x5E60] =	vst v6  }
0xe9: {  	v6 =	vld [tilespmem:s1+$0x10]  }
0xea: {  	s5 =	sadd.s32 $0x1, s9;
	v7 =	vld [tilespmem:s0+$0xFEF0]  }
0xeb: {  	s4 =	simm.s32 $0x2;
	v9 =	vld [tilespmem:s0+$0x5E70];
	v5 =	vmov s5  }
.LBB2_6:
0xec: {  	p0 =	sne.s32 s4, $0x7F  }
0xed: {  	s1 =	sadd.s32 $0x40, s1;
	s5 =	smov.u32 s4;
	s4 =	sadd.s32 $0x1, s4  }
0xee: {  	v8 =	vadd.f32 v8, v6;
	v10 =	vmul.f32 v6, v6;
	v4 =	vmin.f32 v4, v6  }
0xef: {  	[tilespmem:s0+$0xAEB0] =	vst v4;
	v4 =	vmax.f32 v7, v6  }
0xf0: {  	v6 =	vadd.f32 v9, v10;
	[tilespmem:s0+$0xFEF0] =	vst v4  }
0xf1: {  	[tilespmem:s0+$0xE30] =	vst v8  }
0xf2: {  	[tilespmem:s0+$0x5E70] =	vst v6  }
0xf3: {  	v4 =	vld.idx.msk [tilespmem:v5+s13+$0x0], $0xffff;
	_ =	sdelay $0x5  }
0xf4: {  	v4 =	vxor.u32 $0x80000000, v4  }
0xf5: {  	(xrf0) =	vmax.scan.msk.u32 $0xffff, v4;
	_ =	sdelay $0x5  }
0xf6: {  	v4, _, _ =	vpop (xrf0)  }
0xf7: {  	(v2sf) =	vpush v4, $0xF;
	_ =	sdelay $0xe  }
0xf8: {  	s0 =	spop (v2sf)  }
0xf9: {  	v4 =	vld [tilespmem:s1+$0xFFFFFFE0];
	s0 =	sshll.u32 s0, $0x6  }
0xfa: {  	v5 =	vld [tilespmem:s0+$0xE00]  }
0xfb: {  	v6 =	vld [tilespmem:s0+$0x5E40]  }
0xfc: {  	v7 =	vld [tilespmem:s0+$0xFEC0]  }
0xfd: {  	v8 =	vld [tilespmem:s0+$0xAE80]  }
0xfe: {  	v9 =	vmul.f32 v4, v4  }
0xff: {  	v5 =	vadd.f32 v5, v4  }
0x100: {  	v6 =	vadd.f32 v6, v9  }
0x101: {  	[tilespmem:s0+$0xE00] =	vst v5;
	v5 =	vmax.f32 v7, v4  }
0x102: {  	[tilespmem:s0+$0x5E40] =	vst v6;
	v4 =	vmin.f32 v8, v4  }
0x103: {  	[tilespmem:s0+$0xAE80] =	vst v4;
	v4 =	vld [tilespmem:s0+$0xAE90]  }
0x104: {  	[tilespmem:s0+$0xFEC0] =	vst v5;
	v5 =	vld [tilespmem:s0+$0xE10]  }
0x105: {  	v6 =	vld [tilespmem:s1+$0xFFFFFFF0]  }
0x106: {  	v7 =	vld [tilespmem:s0+$0xFED0]  }
0x107: {  	v8 =	vld [tilespmem:s0+$0x5E50];
	_ =	sdelay $0x2  }
0x108: {  	v5 =	vadd.f32 v5, v6;
	v9 =	vmul.f32 v6, v6;
	v4 =	vmin.f32 v4, v6  }
0x109: {  	[tilespmem:s0+$0xAE90] =	vst v4;
	v4 =	vmax.f32 v7, v6  }
0x10a: {  	[tilespmem:s0+$0xE10] =	vst v5;
	v5 =	vadd.f32 v8, v9  }
0x10b: {  	[tilespmem:s0+$0xFED0] =	vst v4;
	v4 =	vld [tilespmem:s0+$0xAEA0]  }
0x10c: {  	[tilespmem:s0+$0x5E50] =	vst v5;
	v5 =	vld [tilespmem:s0+$0xE20]  }
0x10d: {  	v6 =	vld [tilespmem:s1+$0x0]  }
0x10e: {  	v7 =	vld [tilespmem:s0+$0xFEE0]  }
0x10f: {  	v8 =	vld [tilespmem:s0+$0x5E60];
	_ =	sdelay $0x2  }
0x110: {  	v5 =	vadd.f32 v5, v6;
	v9 =	vmul.f32 v6, v6;
	v4 =	vmin.f32 v4, v6  }
0x111: {  	[tilespmem:s0+$0xAEA0] =	vst v4;
	v4 =	vmax.f32 v7, v6  }
0x112: {  	[tilespmem:s0+$0xE20] =	vst v5;
	v5 =	vadd.f32 v8, v9  }
0x113: {  	[tilespmem:s0+$0xFEE0] =	vst v4;
	v4 =	vld [tilespmem:s0+$0xAEB0]  }
.Ltmp1:
0x114: {  	[tilespmem:s0+$0x5E60] =	vst v5;
	v8 =	vld [tilespmem:s0+$0xE30];
	(pc) =	sbr.rel @p0 .LBB2_6-.Ltmp1, $4  }
0x115: {  	v6 =	vld [tilespmem:s1+$0x10]  }
0x116: {  	v7 =	vld [tilespmem:s0+$0xFEF0]  }
0x117: {  	s5 =	sadd.s32 s5, s9;
	v9 =	vld [tilespmem:s0+$0x5E70]  }
0x118: {  	v5 =	vmov s5  }
0x119: {  	_ = 	snop  }
0x11a: {  	v10 =	vmul.f32 v6, v6;
	v4 =	vmin.f32 v4, v6  }
0x11b: {  	v8 =	vadd.f32 v8, v6;
	[tilespmem:s0+$0xAEB0] =	vst v4;
	v4 =	vmax.f32 v7, v6  }
0x11c: {  	v6 =	vadd.f32 v9, v10;
	[tilespmem:s0+$0xFEF0] =	vst v4  }
0x11d: {  	[tilespmem:s0+$0xE30] =	vst v8  }
0x11e: {  	[tilespmem:s0+$0x5E70] =	vst v6  }
0x11f: {  	v4 =	vld.idx.msk [tilespmem:v5+s13+$0x0], $0xffff;
	_ =	sdelay $0x4  }
0x120: {  	v4 =	vxor.u32 $0x80000000, v4  }
0x121: {  	(xrf0) =	vmax.scan.msk.u32 $0xffff, v4;
	_ =	sdelay $0x5  }
0x122: {  	v4, _, _ =	vpop (xrf0)  }
0x123: {  	(v2sf) =	vpush v4, $0xF;
	_ =	sdelay $0xe  }
0x124: {  	s4 =	sadd.s32 $0x40, s1;
	s5 =	spop (v2sf)  }
0x125: {  	v4 =	vld [tilespmem:s4+$0xFFFFFFE0];
	s1 =	sshll.u32 s5, $0x6  }
0x126: {  	v5 =	vld [tilespmem:s1+$0xE00]  }
0x127: {  	v6 =	vld [tilespmem:s1+$0x5E40];
	_ =	sdelay $0x1  }
0x128: {  	v7 =	vld [tilespmem:s1+$0xAE80]  }
0x129: {  	v9 =	vmul.f32 v4, v4;
	v8 =	vld [tilespmem:s1+$0xFEC0]  }
0x12a: {  	v5 =	vadd.f32 v5, v4  }
0x12b: {  	v6 =	vadd.f32 v6, v9  }
0x12c: {  	[tilespmem:s1+$0xE00] =	vst v5  }
0x12d: {  	[tilespmem:s1+$0x5E40] =	vst v6;
	v5 =	vmin.f32 v7, v4  }
0x12e: {  	v4 =	vmax.f32 v8, v4;
	[tilespmem:s1+$0xAE80] =	vst v5;
	v5 =	vld [tilespmem:s1+$0xAE90]  }
0x12f: {  	[tilespmem:s1+$0xFEC0] =	vst v4;
	v4 =	vld [tilespmem:s1+$0xE10]  }
0x130: {  	v6 =	vld [tilespmem:s4+$0xFFFFFFF0]  }
0x131: {  	v7 =	vld [tilespmem:s1+$0xFED0]  }
0x132: {  	v8 =	vld [tilespmem:s1+$0x5E50];
	_ =	sdelay $0x2  }
0x133: {  	v4 =	vadd.f32 v4, v6;
	v9 =	vmul.f32 v6, v6;
	v5 =	vmin.f32 v5, v6  }
0x134: {  	[tilespmem:s1+$0xAE90] =	vst v5  }
0x135: {  	v5 =	vmax.f32 v7, v6;
	[tilespmem:s1+$0xE10] =	vst v4;
	v4 =	vadd.f32 v8, v9  }
0x136: {  	[tilespmem:s1+$0xFED0] =	vst v5;
	v5 =	vld [tilespmem:s1+$0xAEA0]  }
0x137: {  	[tilespmem:s1+$0x5E50] =	vst v4;
	v4 =	vld [tilespmem:s1+$0xE20]  }
0x138: {  	v6 =	vld [tilespmem:s4+$0x0]  }
0x139: {  	v7 =	vld [tilespmem:s1+$0xFEE0]  }
0x13a: {  	v8 =	vld [tilespmem:s1+$0x5E60];
	_ =	sdelay $0x2  }
0x13b: {  	v4 =	vadd.f32 v4, v6;
	v9 =	vmul.f32 v6, v6;
	v5 =	vmin.f32 v5, v6  }
0x13c: {  	[tilespmem:s1+$0xAEA0] =	vst v5  }
0x13d: {  	v5 =	vmax.f32 v7, v6;
	[tilespmem:s1+$0xE20] =	vst v4;
	v4 =	vadd.f32 v8, v9  }
0x13e: {  	v7 =	vld [tilespmem:s1+$0xFEF0];
	[tilespmem:s1+$0xFEE0] =	vst v5  }
0x13f: {  	v5 =	vld [tilespmem:s1+$0xAEB0];
	[tilespmem:s1+$0x5E60] =	vst v4  }
0x140: {  	v6 =	vld [tilespmem:s4+$0x10]  }
0x141: {  	v4 =	vld [tilespmem:s1+$0xE30]  }
0x142: {  	v8 =	vld [tilespmem:s1+$0x5E70];
	_ =	sdelay $0x2  }
0x143: {  	v9 =	vmul.f32 v6, v6;
	v5 =	vmin.f32 v5, v6  }
0x144: {  	v4 =	vadd.f32 v4, v6;
	[tilespmem:s1+$0xAEB0] =	vst v5;
	v5 =	vmax.f32 v7, v6  }
0x145: {  	s4 =	sadd.s32 $0x0, s11;
	v6 =	vadd.f32 v8, v9;
	[tilespmem:s1+$0xFEF0] =	vst v5  }
0x146: {  	[tilespmem:s1+$0xE30] =	vst v4;
	v4 =	vmov s4  }
0x147: {  	[tilespmem:s1+$0x5E70] =	vst v6  }
0x148: {  	_ =	swait.ge [sflag:s24], $0x2000  }
0x149: {  	[sflag:s24] =	ssyncset.done $0x0  }
0x14a: {  	[sflag:s24] =	ssyncadd.s32 $0xFFFFE000  }
0x14b: {  	v4 =	vld.idx.msk [tilespmem:v4+s13+$0x0], $0xffff;
	_ =	sdelay $0x4  }
0x14c: {  	v4 =	vxor.u32 $0x80000000, v4  }
0x14d: {  	(xrf0) =	vmax.scan.msk.u32 $0xffff, v4;
	_ =	sdelay $0x5  }
0x14e: {  	v4, _, _ =	vpop (xrf0)  }
0x14f: {  	(v2sf) =	vpush v4, $0xF;
	_ =	sdelay $0xe  }
0x150: {  	s1 =	simm.s32 $0x16F30;
	s5 =	spop (v2sf)  }
0x151: {  	v4 =	vld [tilespmem:s1+$0xFFFFFFD0];
	s0 =	sshll.u32 s5, $0x6  }
0x152: {  	v5 =	vld [tilespmem:s0+$0xE00]  }
0x153: {  	v6 =	vld [tilespmem:s0+$0x5E40];
	_ =	sdelay $0x1  }
0x154: {  	v7 =	vld [tilespmem:s0+$0xAE80]  }
0x155: {  	v8 =	vmul.f32 v4, v4;
	v9 =	vld [tilespmem:s0+$0xFEC0]  }
0x156: {  	v5 =	vadd.f32 v5, v4  }
0x157: {  	v6 =	vadd.f32 v6, v8  }
0x158: {  	[tilespmem:s0+$0xE00] =	vst v5  }
0x159: {  	[tilespmem:s0+$0x5E40] =	vst v6;
	v5 =	vmin.f32 v7, v4  }
0x15a: {  	v4 =	vmax.f32 v9, v4;
	[tilespmem:s0+$0xAE80] =	vst v5;
	v5 =	vld [tilespmem:s0+$0xAE90]  }
0x15b: {  	[tilespmem:s0+$0xFEC0] =	vst v4;
	v4 =	vld [tilespmem:s0+$0xE10]  }
0x15c: {  	v6 =	vld [tilespmem:s1+$0xFFFFFFE0]  }
0x15d: {  	v8 =	vld [tilespmem:s0+$0x5E50]  }
0x15e: {  	v7 =	vld [tilespmem:s0+$0xFED0];
	_ =	sdelay $0x2  }
0x15f: {  	v4 =	vadd.f32 v4, v6;
	v5 =	vmin.f32 v5, v6;
	v9 =	vmul.f32 v6, v6  }
0x160: {  	[tilespmem:s0+$0xAE90] =	vst v5  }
0x161: {  	v5 =	vmax.f32 v7, v6;
	[tilespmem:s0+$0xE10] =	vst v4;
	v4 =	vadd.f32 v8, v9  }
0x162: {  	[tilespmem:s0+$0xFED0] =	vst v5;
	v5 =	vld [tilespmem:s0+$0xAEA0]  }
0x163: {  	[tilespmem:s0+$0x5E50] =	vst v4;
	v4 =	vld [tilespmem:s0+$0xE20]  }
0x164: {  	v6 =	vld [tilespmem:s1+$0xFFFFFFF0]  }
0x165: {  	v7 =	vld [tilespmem:s0+$0xFEE0]  }
0x166: {  	v8 =	vld [tilespmem:s0+$0x5E60];
	_ =	sdelay $0x2  }
0x167: {  	v4 =	vadd.f32 v4, v6;
	v5 =	vmin.f32 v5, v6;
	v9 =	vmul.f32 v6, v6  }
0x168: {  	[tilespmem:s0+$0xAEA0] =	vst v5  }
0x169: {  	v5 =	vmax.f32 v7, v6;
	[tilespmem:s0+$0xE20] =	vst v4;
	v6 =	vadd.f32 v8, v9  }
0x16a: {  	[tilespmem:s0+$0xFEE0] =	vst v5;
	v4 =	vld [tilespmem:s0+$0xAEB0]  }
0x16b: {  	v8 =	vld [tilespmem:s0+$0xE30];
	[tilespmem:s0+$0x5E60] =	vst v6  }
0x16c: {  	v6 =	vld [tilespmem:s1+$0x0]  }
0x16d: {  	s5 =	sadd.s32 $0x1, s11;
	v7 =	vld [tilespmem:s0+$0xFEF0]  }
0x16e: {  	s4 =	simm.s32 $0x2;
	v9 =	vld [tilespmem:s0+$0x5E70];
	v5 =	vmov s5  }
.LBB2_8:
0x16f: {  	p0 =	sne.s32 s4, $0x7F  }
0x170: {  	s1 =	sadd.s32 $0x40, s1;
	s5 =	smov.u32 s4;
	s4 =	sadd.s32 $0x1, s4  }
0x171: {  	v8 =	vadd.f32 v8, v6;
	v10 =	vmul.f32 v6, v6;
	v4 =	vmin.f32 v4, v6  }
0x172: {  	[tilespmem:s0+$0xAEB0] =	vst v4;
	v4 =	vmax.f32 v7, v6  }
0x173: {  	v6 =	vadd.f32 v9, v10;
	[tilespmem:s0+$0xFEF0] =	vst v4  }
0x174: {  	[tilespmem:s0+$0xE30] =	vst v8  }
0x175: {  	[tilespmem:s0+$0x5E70] =	vst v6  }
0x176: {  	v4 =	vld.idx.msk [tilespmem:v5+s13+$0x0], $0xffff;
	_ =	sdelay $0x5  }
0x177: {  	v4 =	vxor.u32 $0x80000000, v4  }
0x178: {  	(xrf0) =	vmax.scan.msk.u32 $0xffff, v4;
	_ =	sdelay $0x5  }
0x179: {  	v4, _, _ =	vpop (xrf0)  }
0x17a: {  	(v2sf) =	vpush v4, $0xF;
	_ =	sdelay $0xe  }
0x17b: {  	s0 =	spop (v2sf)  }
0x17c: {  	v4 =	vld [tilespmem:s1+$0xFFFFFFD0];
	s0 =	sshll.u32 s0, $0x6  }
0x17d: {  	v5 =	vld [tilespmem:s0+$0xE00]  }
0x17e: {  	v6 =	vld [tilespmem:s0+$0x5E40]  }
0x17f: {  	v7 =	vld [tilespmem:s0+$0xFEC0]  }
0x180: {  	v8 =	vld [tilespmem:s0+$0xAE80]  }
0x181: {  	v9 =	vmul.f32 v4, v4  }
0x182: {  	v5 =	vadd.f32 v5, v4  }
0x183: {  	v6 =	vadd.f32 v6, v9  }
0x184: {  	[tilespmem:s0+$0xE00] =	vst v5;
	v5 =	vmax.f32 v7, v4  }
0x185: {  	[tilespmem:s0+$0x5E40] =	vst v6;
	v4 =	vmin.f32 v8, v4  }
0x186: {  	[tilespmem:s0+$0xAE80] =	vst v4;
	v4 =	vld [tilespmem:s0+$0xAE90]  }
0x187: {  	[tilespmem:s0+$0xFEC0] =	vst v5;
	v5 =	vld [tilespmem:s0+$0xE10]  }
0x188: {  	v6 =	vld [tilespmem:s1+$0xFFFFFFE0]  }
0x189: {  	v7 =	vld [tilespmem:s0+$0xFED0]  }
0x18a: {  	v8 =	vld [tilespmem:s0+$0x5E50];
	_ =	sdelay $0x2  }
0x18b: {  	v5 =	vadd.f32 v5, v6;
	v9 =	vmul.f32 v6, v6;
	v4 =	vmin.f32 v4, v6  }
0x18c: {  	[tilespmem:s0+$0xAE90] =	vst v4;
	v4 =	vmax.f32 v7, v6  }
0x18d: {  	[tilespmem:s0+$0xE10] =	vst v5;
	v5 =	vadd.f32 v8, v9  }
0x18e: {  	[tilespmem:s0+$0xFED0] =	vst v4;
	v4 =	vld [tilespmem:s0+$0xAEA0]  }
0x18f: {  	[tilespmem:s0+$0x5E50] =	vst v5;
	v5 =	vld [tilespmem:s0+$0xE20]  }
0x190: {  	v6 =	vld [tilespmem:s1+$0xFFFFFFF0]  }
0x191: {  	v7 =	vld [tilespmem:s0+$0xFEE0]  }
0x192: {  	v8 =	vld [tilespmem:s0+$0x5E60];
	_ =	sdelay $0x2  }
0x193: {  	v5 =	vadd.f32 v5, v6;
	v9 =	vmul.f32 v6, v6;
	v4 =	vmin.f32 v4, v6  }
0x194: {  	[tilespmem:s0+$0xAEA0] =	vst v4;
	v4 =	vmax.f32 v7, v6  }
0x195: {  	[tilespmem:s0+$0xE20] =	vst v5;
	v5 =	vadd.f32 v8, v9  }
0x196: {  	[tilespmem:s0+$0xFEE0] =	vst v4;
	v4 =	vld [tilespmem:s0+$0xAEB0]  }
.Ltmp2:
0x197: {  	[tilespmem:s0+$0x5E60] =	vst v5;
	v8 =	vld [tilespmem:s0+$0xE30];
	(pc) =	sbr.rel @p0 .LBB2_8-.Ltmp2, $4  }
0x198: {  	v6 =	vld [tilespmem:s1+$0x0]  }
0x199: {  	v7 =	vld [tilespmem:s0+$0xFEF0]  }
0x19a: {  	s5 =	sadd.s32 s5, s11;
	v9 =	vld [tilespmem:s0+$0x5E70]  }
0x19b: {  	v5 =	vmov s5  }
0x19c: {  	_ = 	snop  }
0x19d: {  	v10 =	vmul.f32 v6, v6;
	v4 =	vmin.f32 v4, v6  }
0x19e: {  	v8 =	vadd.f32 v8, v6;
	[tilespmem:s0+$0xAEB0] =	vst v4;
	v4 =	vmax.f32 v7, v6  }
0x19f: {  	v6 =	vadd.f32 v9, v10;
	[tilespmem:s0+$0xFEF0] =	vst v4  }
0x1a0: {  	[tilespmem:s0+$0xE30] =	vst v8  }
0x1a1: {  	[tilespmem:s0+$0x5E70] =	vst v6  }
0x1a2: {  	v4 =	vld.idx.msk [tilespmem:v5+s13+$0x0], $0xffff;
	_ =	sdelay $0x4  }
0x1a3: {  	v4 =	vxor.u32 $0x80000000, v4  }
0x1a4: {  	(xrf0) =	vmax.scan.msk.u32 $0xffff, v4;
	_ =	sdelay $0x5  }
0x1a5: {  	v4, _, _ =	vpop (xrf0)  }
0x1a6: {  	(v2sf) =	vpush v4, $0xF;
	_ =	sdelay $0xe  }
0x1a7: {  	s4 =	sadd.s32 $0x40, s1;
	s5 =	spop (v2sf)  }
0x1a8: {  	v4 =	vld [tilespmem:s4+$0xFFFFFFD0];
	s1 =	sshll.u32 s5, $0x6  }
0x1a9: {  	v5 =	vld [tilespmem:s1+$0xE00]  }
0x1aa: {  	v6 =	vld [tilespmem:s1+$0x5E40];
	_ =	sdelay $0x1  }
0x1ab: {  	v7 =	vld [tilespmem:s1+$0xAE80]  }
0x1ac: {  	v9 =	vmul.f32 v4, v4;
	v8 =	vld [tilespmem:s1+$0xFEC0]  }
0x1ad: {  	v5 =	vadd.f32 v5, v4  }
0x1ae: {  	v6 =	vadd.f32 v6, v9  }
0x1af: {  	[tilespmem:s1+$0xE00] =	vst v5  }
0x1b0: {  	[tilespmem:s1+$0x5E40] =	vst v6;
	v5 =	vmin.f32 v7, v4  }
0x1b1: {  	v4 =	vmax.f32 v8, v4;
	[tilespmem:s1+$0xAE80] =	vst v5;
	v5 =	vld [tilespmem:s1+$0xAE90]  }
0x1b2: {  	[tilespmem:s1+$0xFEC0] =	vst v4;
	v4 =	vld [tilespmem:s1+$0xE10]  }
0x1b3: {  	v6 =	vld [tilespmem:s4+$0xFFFFFFE0]  }
0x1b4: {  	v7 =	vld [tilespmem:s1+$0xFED0]  }
0x1b5: {  	v8 =	vld [tilespmem:s1+$0x5E50];
	_ =	sdelay $0x2  }
0x1b6: {  	v4 =	vadd.f32 v4, v6;
	v9 =	vmul.f32 v6, v6;
	v5 =	vmin.f32 v5, v6  }
0x1b7: {  	[tilespmem:s1+$0xAE90] =	vst v5  }
0x1b8: {  	v5 =	vmax.f32 v7, v6;
	[tilespmem:s1+$0xE10] =	vst v4;
	v4 =	vadd.f32 v8, v9  }
0x1b9: {  	[tilespmem:s1+$0xFED0] =	vst v5;
	v5 =	vld [tilespmem:s1+$0xAEA0]  }
0x1ba: {  	[tilespmem:s1+$0x5E50] =	vst v4;
	v4 =	vld [tilespmem:s1+$0xE20]  }
0x1bb: {  	v6 =	vld [tilespmem:s4+$0xFFFFFFF0]  }
0x1bc: {  	v7 =	vld [tilespmem:s1+$0xFEE0]  }
0x1bd: {  	v8 =	vld [tilespmem:s1+$0x5E60];
	_ =	sdelay $0x2  }
0x1be: {  	v4 =	vadd.f32 v4, v6;
	v9 =	vmul.f32 v6, v6;
	v5 =	vmin.f32 v5, v6  }
0x1bf: {  	[tilespmem:s1+$0xAEA0] =	vst v5  }
0x1c0: {  	v5 =	vmax.f32 v7, v6;
	[tilespmem:s1+$0xE20] =	vst v4;
	v4 =	vadd.f32 v8, v9  }
0x1c1: {  	v7 =	vld [tilespmem:s1+$0xFEF0];
	[tilespmem:s1+$0xFEE0] =	vst v5  }
0x1c2: {  	v5 =	vld [tilespmem:s1+$0xAEB0];
	[tilespmem:s1+$0x5E60] =	vst v4  }
0x1c3: {  	v6 =	vld [tilespmem:s4+$0x0]  }
0x1c4: {  	v4 =	vld [tilespmem:s1+$0xE30]  }
0x1c5: {  	v8 =	vld [tilespmem:s1+$0x5E70];
	_ =	sdelay $0x2  }
0x1c6: {  	v9 =	vmul.f32 v6, v6;
	v5 =	vmin.f32 v5, v6  }
0x1c7: {  	v4 =	vadd.f32 v4, v6;
	[tilespmem:s1+$0xAEB0] =	vst v5;
	v5 =	vmax.f32 v7, v6  }
0x1c8: {  	s4 =	sadd.s32 $0x0, s2;
	v6 =	vadd.f32 v8, v9;
	[tilespmem:s1+$0xFEF0] =	vst v5  }
0x1c9: {  	[tilespmem:s1+$0xE30] =	vst v4;
	v4 =	vmov s4  }
0x1ca: {  	[tilespmem:s1+$0x5E70] =	vst v6  }
0x1cb: {  	_ =	swait.ge [sflag:s25], $0x2000  }
0x1cc: {  	[sflag:s25] =	ssyncset.done $0x0  }
0x1cd: {  	[sflag:s25] =	ssyncadd.s32 $0xFFFFE000  }
0x1ce: {  	v4 =	vld.idx.msk [tilespmem:v4+s13+$0x0], $0xffff;
	_ =	sdelay $0x4  }
0x1cf: {  	v4 =	vxor.u32 $0x80000000, v4  }
0x1d0: {  	(xrf0) =	vmax.scan.msk.u32 $0xffff, v4;
	_ =	sdelay $0x5  }
0x1d1: {  	v4, _, _ =	vpop (xrf0)  }
0x1d2: {  	(v2sf) =	vpush v4, $0xF;
	_ =	sdelay $0xe  }
0x1d3: {  	s1 =	simm.s32 $0x18F00;
	s5 =	spop (v2sf)  }
0x1d4: {  	v4 =	vld [tilespmem:s1+$0x0];
	s0 =	sshll.u32 s5, $0x6  }
0x1d5: {  	v5 =	vld [tilespmem:s0+$0xE00]  }
0x1d6: {  	v6 =	vld [tilespmem:s0+$0x5E40];
	_ =	sdelay $0x1  }
0x1d7: {  	v7 =	vld [tilespmem:s0+$0xAE80]  }
0x1d8: {  	v8 =	vmul.f32 v4, v4;
	v9 =	vld [tilespmem:s0+$0xFEC0]  }
0x1d9: {  	v5 =	vadd.f32 v5, v4  }
0x1da: {  	v6 =	vadd.f32 v6, v8  }
0x1db: {  	[tilespmem:s0+$0xE00] =	vst v5  }
0x1dc: {  	[tilespmem:s0+$0x5E40] =	vst v6;
	v5 =	vmin.f32 v7, v4  }
0x1dd: {  	v4 =	vmax.f32 v9, v4;
	[tilespmem:s0+$0xAE80] =	vst v5;
	v5 =	vld [tilespmem:s0+$0xAE90]  }
0x1de: {  	[tilespmem:s0+$0xFEC0] =	vst v4;
	v4 =	vld [tilespmem:s0+$0xE10]  }
0x1df: {  	v6 =	vld [tilespmem:s1+$0x10]  }
0x1e0: {  	v8 =	vld [tilespmem:s0+$0x5E50]  }
0x1e1: {  	v7 =	vld [tilespmem:s0+$0xFED0];
	_ =	sdelay $0x2  }
0x1e2: {  	v4 =	vadd.f32 v4, v6;
	v5 =	vmin.f32 v5, v6;
	v9 =	vmul.f32 v6, v6  }
0x1e3: {  	[tilespmem:s0+$0xAE90] =	vst v5  }
0x1e4: {  	v5 =	vmax.f32 v7, v6;
	[tilespmem:s0+$0xE10] =	vst v4;
	v4 =	vadd.f32 v8, v9  }
0x1e5: {  	[tilespmem:s0+$0xFED0] =	vst v5;
	v5 =	vld [tilespmem:s0+$0xAEA0]  }
0x1e6: {  	[tilespmem:s0+$0x5E50] =	vst v4;
	v4 =	vld [tilespmem:s0+$0xE20]  }
0x1e7: {  	v6 =	vld [tilespmem:s1+$0x20]  }
0x1e8: {  	v7 =	vld [tilespmem:s0+$0xFEE0]  }
0x1e9: {  	v8 =	vld [tilespmem:s0+$0x5E60];
	_ =	sdelay $0x2  }
0x1ea: {  	v4 =	vadd.f32 v4, v6;
	v5 =	vmin.f32 v5, v6;
	v9 =	vmul.f32 v6, v6  }
0x1eb: {  	[tilespmem:s0+$0xAEA0] =	vst v5  }
0x1ec: {  	v5 =	vmax.f32 v7, v6;
	[tilespmem:s0+$0xE20] =	vst v4;
	v6 =	vadd.f32 v8, v9  }
0x1ed: {  	[tilespmem:s0+$0xFEE0] =	vst v5;
	v4 =	vld [tilespmem:s0+$0xAEB0]  }
0x1ee: {  	v8 =	vld [tilespmem:s0+$0xE30];
	[tilespmem:s0+$0x5E60] =	vst v6  }
0x1ef: {  	v6 =	vld [tilespmem:s1+$0x30]  }
0x1f0: {  	s5 =	sadd.s32 $0x1, s2;
	v7 =	vld [tilespmem:s0+$0xFEF0]  }
0x1f1: {  	s4 =	simm.s32 $0x2;
	v9 =	vld [tilespmem:s0+$0x5E70];
	v5 =	vmov s5  }
.LBB2_10:
0x1f2: {  	p0 =	sne.s32 s4, $0x7F  }
0x1f3: {  	s1 =	sadd.s32 $0x40, s1;
	s5 =	smov.u32 s4;
	s4 =	sadd.s32 $0x1, s4  }
0x1f4: {  	v8 =	vadd.f32 v8, v6;
	v10 =	vmul.f32 v6, v6;
	v4 =	vmin.f32 v4, v6  }
0x1f5: {  	[tilespmem:s0+$0xAEB0] =	vst v4;
	v4 =	vmax.f32 v7, v6  }
0x1f6: {  	v6 =	vadd.f32 v9, v10;
	[tilespmem:s0+$0xFEF0] =	vst v4  }
0x1f7: {  	[tilespmem:s0+$0xE30] =	vst v8  }
0x1f8: {  	[tilespmem:s0+$0x5E70] =	vst v6  }
0x1f9: {  	v4 =	vld.idx.msk [tilespmem:v5+s13+$0x0], $0xffff;
	_ =	sdelay $0x5  }
0x1fa: {  	v4 =	vxor.u32 $0x80000000, v4  }
0x1fb: {  	(xrf0) =	vmax.scan.msk.u32 $0xffff, v4;
	_ =	sdelay $0x5  }
0x1fc: {  	v4, _, _ =	vpop (xrf0)  }
0x1fd: {  	(v2sf) =	vpush v4, $0xF;
	_ =	sdelay $0xe  }
0x1fe: {  	s0 =	spop (v2sf)  }
0x1ff: {  	v4 =	vld [tilespmem:s1+$0x0];
	s0 =	sshll.u32 s0, $0x6  }
0x200: {  	v5 =	vld [tilespmem:s0+$0xE00]  }
0x201: {  	v6 =	vld [tilespmem:s0+$0x5E40]  }
0x202: {  	v7 =	vld [tilespmem:s0+$0xFEC0]  }
0x203: {  	v8 =	vld [tilespmem:s0+$0xAE80]  }
0x204: {  	v9 =	vmul.f32 v4, v4  }
0x205: {  	v5 =	vadd.f32 v5, v4  }
0x206: {  	v6 =	vadd.f32 v6, v9  }
0x207: {  	[tilespmem:s0+$0xE00] =	vst v5;
	v5 =	vmax.f32 v7, v4  }
0x208: {  	[tilespmem:s0+$0x5E40] =	vst v6;
	v4 =	vmin.f32 v8, v4  }
0x209: {  	[tilespmem:s0+$0xAE80] =	vst v4;
	v4 =	vld [tilespmem:s0+$0xAE90]  }
0x20a: {  	[tilespmem:s0+$0xFEC0] =	vst v5;
	v5 =	vld [tilespmem:s0+$0xE10]  }
0x20b: {  	v6 =	vld [tilespmem:s1+$0x10]  }
0x20c: {  	v7 =	vld [tilespmem:s0+$0xFED0]  }
0x20d: {  	v8 =	vld [tilespmem:s0+$0x5E50];
	_ =	sdelay $0x2  }
0x20e: {  	v5 =	vadd.f32 v5, v6;
	v9 =	vmul.f32 v6, v6;
	v4 =	vmin.f32 v4, v6  }
0x20f: {  	[tilespmem:s0+$0xAE90] =	vst v4;
	v4 =	vmax.f32 v7, v6  }
0x210: {  	[tilespmem:s0+$0xE10] =	vst v5;
	v5 =	vadd.f32 v8, v9  }
0x211: {  	[tilespmem:s0+$0xFED0] =	vst v4;
	v4 =	vld [tilespmem:s0+$0xAEA0]  }
0x212: {  	[tilespmem:s0+$0x5E50] =	vst v5;
	v5 =	vld [tilespmem:s0+$0xE20]  }
0x213: {  	v6 =	vld [tilespmem:s1+$0x20]  }
0x214: {  	v7 =	vld [tilespmem:s0+$0xFEE0]  }
0x215: {  	v8 =	vld [tilespmem:s0+$0x5E60];
	_ =	sdelay $0x2  }
0x216: {  	v5 =	vadd.f32 v5, v6;
	v9 =	vmul.f32 v6, v6;
	v4 =	vmin.f32 v4, v6  }
0x217: {  	[tilespmem:s0+$0xAEA0] =	vst v4;
	v4 =	vmax.f32 v7, v6  }
0x218: {  	[tilespmem:s0+$0xE20] =	vst v5;
	v5 =	vadd.f32 v8, v9  }
0x219: {  	[tilespmem:s0+$0xFEE0] =	vst v4;
	v4 =	vld [tilespmem:s0+$0xAEB0]  }
.Ltmp3:
0x21a: {  	[tilespmem:s0+$0x5E60] =	vst v5;
	v8 =	vld [tilespmem:s0+$0xE30];
	(pc) =	sbr.rel @p0 .LBB2_10-.Ltmp3, $4  }
0x21b: {  	v6 =	vld [tilespmem:s1+$0x30]  }
0x21c: {  	v7 =	vld [tilespmem:s0+$0xFEF0]  }
0x21d: {  	s5 =	sadd.s32 s5, s2;
	v9 =	vld [tilespmem:s0+$0x5E70]  }
0x21e: {  	v5 =	vmov s5  }
0x21f: {  	_ = 	snop  }
0x220: {  	v10 =	vmul.f32 v6, v6;
	v4 =	vmin.f32 v4, v6  }
0x221: {  	v8 =	vadd.f32 v8, v6;
	[tilespmem:s0+$0xAEB0] =	vst v4;
	v4 =	vmax.f32 v7, v6  }
0x222: {  	v6 =	vadd.f32 v9, v10;
	[tilespmem:s0+$0xFEF0] =	vst v4  }
0x223: {  	[tilespmem:s0+$0xE30] =	vst v8  }
0x224: {  	[tilespmem:s0+$0x5E70] =	vst v6  }
0x225: {  	v4 =	vld.idx.msk [tilespmem:v5+s13+$0x0], $0xffff;
	_ =	sdelay $0x4  }
0x226: {  	v4 =	vxor.u32 $0x80000000, v4  }
0x227: {  	(xrf0) =	vmax.scan.msk.u32 $0xffff, v4;
	_ =	sdelay $0x5  }
0x228: {  	v4, _, _ =	vpop (xrf0)  }
0x229: {  	(v2sf) =	vpush v4, $0xF;
	_ =	sdelay $0xe  }
0x22a: {  	s4 =	sadd.s32 $0x40, s1;
	s5 =	spop (v2sf)  }
0x22b: {  	v4 =	vld [tilespmem:s4+$0x0];
	s1 =	sshll.u32 s5, $0x6  }
0x22c: {  	v5 =	vld [tilespmem:s1+$0xE00]  }
0x22d: {  	v6 =	vld [tilespmem:s1+$0x5E40];
	_ =	sdelay $0x1  }
0x22e: {  	v7 =	vld [tilespmem:s1+$0xAE80]  }
0x22f: {  	v9 =	vmul.f32 v4, v4;
	v8 =	vld [tilespmem:s1+$0xFEC0]  }
0x230: {  	v5 =	vadd.f32 v5, v4  }
0x231: {  	v6 =	vadd.f32 v6, v9  }
0x232: {  	[tilespmem:s1+$0xE00] =	vst v5  }
0x233: {  	[tilespmem:s1+$0x5E40] =	vst v6;
	v5 =	vmin.f32 v7, v4  }
0x234: {  	v4 =	vmax.f32 v8, v4;
	[tilespmem:s1+$0xAE80] =	vst v5;
	v5 =	vld [tilespmem:s1+$0xAE90]  }
0x235: {  	[tilespmem:s1+$0xFEC0] =	vst v4;
	v4 =	vld [tilespmem:s1+$0xE10]  }
0x236: {  	v6 =	vld [tilespmem:s4+$0x10]  }
0x237: {  	v7 =	vld [tilespmem:s1+$0xFED0]  }
0x238: {  	v8 =	vld [tilespmem:s1+$0x5E50];
	_ =	sdelay $0x2  }
0x239: {  	v4 =	vadd.f32 v4, v6;
	v9 =	vmul.f32 v6, v6;
	v5 =	vmin.f32 v5, v6  }
0x23a: {  	[tilespmem:s1+$0xAE90] =	vst v5  }
0x23b: {  	v5 =	vmax.f32 v7, v6;
	[tilespmem:s1+$0xE10] =	vst v4;
	v4 =	vadd.f32 v8, v9  }
0x23c: {  	[tilespmem:s1+$0xFED0] =	vst v5;
	v5 =	vld [tilespmem:s1+$0xAEA0]  }
0x23d: {  	[tilespmem:s1+$0x5E50] =	vst v4;
	v4 =	vld [tilespmem:s1+$0xE20]  }
0x23e: {  	v6 =	vld [tilespmem:s4+$0x20]  }
0x23f: {  	v7 =	vld [tilespmem:s1+$0xFEE0]  }
0x240: {  	v8 =	vld [tilespmem:s1+$0x5E60];
	_ =	sdelay $0x2  }
0x241: {  	v4 =	vadd.f32 v4, v6;
	v9 =	vmul.f32 v6, v6;
	v5 =	vmin.f32 v5, v6  }
0x242: {  	[tilespmem:s1+$0xAEA0] =	vst v5  }
0x243: {  	v5 =	vmax.f32 v7, v6;
	[tilespmem:s1+$0xE20] =	vst v4;
	v4 =	vadd.f32 v8, v9  }
0x244: {  	v7 =	vld [tilespmem:s1+$0xFEF0];
	[tilespmem:s1+$0xFEE0] =	vst v5  }
0x245: {  	v5 =	vld [tilespmem:s1+$0xAEB0];
	[tilespmem:s1+$0x5E60] =	vst v4  }
0x246: {  	v6 =	vld [tilespmem:s4+$0x30]  }
0x247: {  	v4 =	vld [tilespmem:s1+$0xE30]  }
0x248: {  	v8 =	vld [tilespmem:s1+$0x5E70];
	_ =	sdelay $0x2  }
0x249: {  	v9 =	vmul.f32 v6, v6;
	v5 =	vmin.f32 v5, v6  }
0x24a: {  	v4 =	vadd.f32 v4, v6;
	[tilespmem:s1+$0xAEB0] =	vst v5;
	v5 =	vmax.f32 v7, v6  }
0x24b: {  	s4 =	sadd.s32 $0x0, s30;
	v6 =	vadd.f32 v8, v9;
	[tilespmem:s1+$0xFEF0] =	vst v5  }
0x24c: {  	[tilespmem:s1+$0xE30] =	vst v4;
	v4 =	vmov s4  }
0x24d: {  	[tilespmem:s1+$0x5E70] =	vst v6  }
0x24e: {  	_ =	swait.ge [sflag:s26], $0x2000  }
0x24f: {  	[sflag:s26] =	ssyncset.done $0x0  }
0x250: {  	[sflag:s26] =	ssyncadd.s32 $0xFFFFE000  }
0x251: {  	v4 =	vld.idx.msk [tilespmem:v4+s13+$0x0], $0xffff;
	_ =	sdelay $0x4  }
0x252: {  	v4 =	vxor.u32 $0x80000000, v4  }
0x253: {  	(xrf0) =	vmax.scan.msk.u32 $0xffff, v4;
	_ =	sdelay $0x5  }
0x254: {  	v4, _, _ =	vpop (xrf0)  }
0x255: {  	(v2sf) =	vpush v4, $0xF;
	_ =	sdelay $0xe  }
0x256: {  	s1 =	simm.s32 $0x1AF00;
	s5 =	spop (v2sf)  }
0x257: {  	v4 =	vld [tilespmem:s1+$0x0];
	s0 =	sshll.u32 s5, $0x6  }
0x258: {  	v5 =	vld [tilespmem:s0+$0xE00]  }
0x259: {  	v6 =	vld [tilespmem:s0+$0x5E40];
	_ =	sdelay $0x1  }
0x25a: {  	v7 =	vld [tilespmem:s0+$0xAE80]  }
0x25b: {  	v8 =	vmul.f32 v4, v4;
	v9 =	vld [tilespmem:s0+$0xFEC0]  }
0x25c: {  	v5 =	vadd.f32 v5, v4  }
0x25d: {  	v6 =	vadd.f32 v6, v8  }
0x25e: {  	[tilespmem:s0+$0xE00] =	vst v5  }
0x25f: {  	[tilespmem:s0+$0x5E40] =	vst v6;
	v5 =	vmin.f32 v7, v4  }
0x260: {  	v4 =	vmax.f32 v9, v4;
	[tilespmem:s0+$0xAE80] =	vst v5;
	v5 =	vld [tilespmem:s0+$0xAE90]  }
0x261: {  	[tilespmem:s0+$0xFEC0] =	vst v4;
	v4 =	vld [tilespmem:s0+$0xE10]  }
0x262: {  	v6 =	vld [tilespmem:s1+$0x10]  }
0x263: {  	v8 =	vld [tilespmem:s0+$0x5E50]  }
0x264: {  	v7 =	vld [tilespmem:s0+$0xFED0];
	_ =	sdelay $0x2  }
0x265: {  	v4 =	vadd.f32 v4, v6;
	v5 =	vmin.f32 v5, v6;
	v9 =	vmul.f32 v6, v6  }
0x266: {  	[tilespmem:s0+$0xAE90] =	vst v5  }
0x267: {  	v5 =	vmax.f32 v7, v6;
	[tilespmem:s0+$0xE10] =	vst v4;
	v4 =	vadd.f32 v8, v9  }
0x268: {  	[tilespmem:s0+$0xFED0] =	vst v5;
	v5 =	vld [tilespmem:s0+$0xAEA0]  }
0x269: {  	[tilespmem:s0+$0x5E50] =	vst v4;
	v4 =	vld [tilespmem:s0+$0xE20]  }
0x26a: {  	v6 =	vld [tilespmem:s1+$0x20]  }
0x26b: {  	v7 =	vld [tilespmem:s0+$0xFEE0]  }
0x26c: {  	v8 =	vld [tilespmem:s0+$0x5E60];
	_ =	sdelay $0x2  }
0x26d: {  	v4 =	vadd.f32 v4, v6;
	v5 =	vmin.f32 v5, v6;
	v9 =	vmul.f32 v6, v6  }
0x26e: {  	[tilespmem:s0+$0xAEA0] =	vst v5  }
0x26f: {  	v5 =	vmax.f32 v7, v6;
	[tilespmem:s0+$0xE20] =	vst v4;
	v6 =	vadd.f32 v8, v9  }
0x270: {  	[tilespmem:s0+$0xFEE0] =	vst v5;
	v4 =	vld [tilespmem:s0+$0xAEB0]  }
0x271: {  	v8 =	vld [tilespmem:s0+$0xE30];
	[tilespmem:s0+$0x5E60] =	vst v6  }
0x272: {  	v6 =	vld [tilespmem:s1+$0x30]  }
0x273: {  	s5 =	sadd.s32 $0x1, s30;
	v7 =	vld [tilespmem:s0+$0xFEF0]  }
0x274: {  	s4 =	simm.s32 $0x2;
	v9 =	vld [tilespmem:s0+$0x5E70];
	v5 =	vmov s5  }
.LBB2_12:
0x275: {  	p0 =	sne.s32 s4, $0x7F  }
0x276: {  	s1 =	sadd.s32 $0x40, s1;
	s5 =	smov.u32 s4;
	s4 =	sadd.s32 $0x1, s4  }
0x277: {  	v8 =	vadd.f32 v8, v6;
	v10 =	vmul.f32 v6, v6;
	v4 =	vmin.f32 v4, v6  }
0x278: {  	[tilespmem:s0+$0xAEB0] =	vst v4;
	v4 =	vmax.f32 v7, v6  }
0x279: {  	v6 =	vadd.f32 v9, v10;
	[tilespmem:s0+$0xFEF0] =	vst v4  }
0x27a: {  	[tilespmem:s0+$0xE30] =	vst v8  }
0x27b: {  	[tilespmem:s0+$0x5E70] =	vst v6  }
0x27c: {  	v4 =	vld.idx.msk [tilespmem:v5+s13+$0x0], $0xffff;
	_ =	sdelay $0x5  }
0x27d: {  	v4 =	vxor.u32 $0x80000000, v4  }
0x27e: {  	(xrf0) =	vmax.scan.msk.u32 $0xffff, v4;
	_ =	sdelay $0x5  }
0x27f: {  	v4, _, _ =	vpop (xrf0)  }
0x280: {  	(v2sf) =	vpush v4, $0xF;
	_ =	sdelay $0xe  }
0x281: {  	s0 =	spop (v2sf)  }
0x282: {  	v4 =	vld [tilespmem:s1+$0x0];
	s0 =	sshll.u32 s0, $0x6  }
0x283: {  	v5 =	vld [tilespmem:s0+$0xE00]  }
0x284: {  	v6 =	vld [tilespmem:s0+$0x5E40]  }
0x285: {  	v7 =	vld [tilespmem:s0+$0xFEC0]  }
0x286: {  	v8 =	vld [tilespmem:s0+$0xAE80]  }
0x287: {  	v9 =	vmul.f32 v4, v4  }
0x288: {  	v5 =	vadd.f32 v5, v4  }
0x289: {  	v6 =	vadd.f32 v6, v9  }
0x28a: {  	[tilespmem:s0+$0xE00] =	vst v5;
	v5 =	vmax.f32 v7, v4  }
0x28b: {  	[tilespmem:s0+$0x5E40] =	vst v6;
	v4 =	vmin.f32 v8, v4  }
0x28c: {  	[tilespmem:s0+$0xAE80] =	vst v4;
	v4 =	vld [tilespmem:s0+$0xAE90]  }
0x28d: {  	[tilespmem:s0+$0xFEC0] =	vst v5;
	v5 =	vld [tilespmem:s0+$0xE10]  }
0x28e: {  	v6 =	vld [tilespmem:s1+$0x10]  }
0x28f: {  	v7 =	vld [tilespmem:s0+$0xFED0]  }
0x290: {  	v8 =	vld [tilespmem:s0+$0x5E50];
	_ =	sdelay $0x2  }
0x291: {  	v5 =	vadd.f32 v5, v6;
	v9 =	vmul.f32 v6, v6;
	v4 =	vmin.f32 v4, v6  }
0x292: {  	[tilespmem:s0+$0xAE90] =	vst v4;
	v4 =	vmax.f32 v7, v6  }
0x293: {  	[tilespmem:s0+$0xE10] =	vst v5;
	v5 =	vadd.f32 v8, v9  }
0x294: {  	[tilespmem:s0+$0xFED0] =	vst v4;
	v4 =	vld [tilespmem:s0+$0xAEA0]  }
0x295: {  	[tilespmem:s0+$0x5E50] =	vst v5;
	v5 =	vld [tilespmem:s0+$0xE20]  }
0x296: {  	v6 =	vld [tilespmem:s1+$0x20]  }
0x297: {  	v7 =	vld [tilespmem:s0+$0xFEE0]  }
0x298: {  	v8 =	vld [tilespmem:s0+$0x5E60];
	_ =	sdelay $0x2  }
0x299: {  	v5 =	vadd.f32 v5, v6;
	v9 =	vmul.f32 v6, v6;
	v4 =	vmin.f32 v4, v6  }
0x29a: {  	[tilespmem:s0+$0xAEA0] =	vst v4;
	v4 =	vmax.f32 v7, v6  }
0x29b: {  	[tilespmem:s0+$0xE20] =	vst v5;
	v5 =	vadd.f32 v8, v9  }
0x29c: {  	[tilespmem:s0+$0xFEE0] =	vst v4;
	v4 =	vld [tilespmem:s0+$0xAEB0]  }
.Ltmp4:
0x29d: {  	[tilespmem:s0+$0x5E60] =	vst v5;
	v8 =	vld [tilespmem:s0+$0xE30];
	(pc) =	sbr.rel @p0 .LBB2_12-.Ltmp4, $4  }
0x29e: {  	v6 =	vld [tilespmem:s1+$0x30]  }
0x29f: {  	v7 =	vld [tilespmem:s0+$0xFEF0]  }
0x2a0: {  	s5 =	sadd.s32 s5, s30;
	v9 =	vld [tilespmem:s0+$0x5E70]  }
0x2a1: {  	v5 =	vmov s5  }
0x2a2: {  	_ = 	snop  }
0x2a3: {  	v10 =	vmul.f32 v6, v6;
	v4 =	vmin.f32 v4, v6  }
0x2a4: {  	v8 =	vadd.f32 v8, v6;
	[tilespmem:s0+$0xAEB0] =	vst v4;
	v4 =	vmax.f32 v7, v6  }
0x2a5: {  	v49 =	vadd.f32 v9, v10;
	[tilespmem:s0+$0xFEF0] =	vst v4  }
0x2a6: {  	[tilespmem:s0+$0xE30] =	vst v8  }
0x2a7: {  	[tilespmem:s0+$0x5E70] =	vst v49  }
0x2a8: {  	v4 =	vld.idx.msk [tilespmem:v5+s13+$0x0], $0xffff;
	_ =	sdelay $0x4  }
0x2a9: {  	v4 =	vxor.u32 $0x80000000, v4  }
0x2aa: {  	(xrf0) =	vmax.scan.msk.u32 $0xffff, v4;
	_ =	sdelay $0x5  }
0x2ab: {  	v4, _, _ =	vpop (xrf0)  }
0x2ac: {  	(v2sf) =	vpush v4, $0xF;
	_ =	sdelay $0xe  }
0x2ad: {  	s4 =	sadd.s32 $0x40, s1;
	s5 =	spop (v2sf)  }
0x2ae: {  	v4 =	vld [tilespmem:s4+$0x0];
	s1 =	sshll.u32 s5, $0x6  }
0x2af: {  	v5 =	vld [tilespmem:s1+$0xE00]  }
0x2b0: {  	v6 =	vld [tilespmem:s1+$0x5E40];
	_ =	sdelay $0x1  }
0x2b1: {  	v50 =	vld [tilespmem:s1+$0xAE80]  }
0x2b2: {  	v51 =	vmul.f32 v4, v4;
	v8 =	vld [tilespmem:s1+$0xFEC0]  }
0x2b3: {  	v5 =	vadd.f32 v5, v4  }
0x2b4: {  	v6 =	vadd.f32 v6, v51  }
0x2b5: {  	[tilespmem:s1+$0xE00] =	vst v5  }
0x2b6: {  	[tilespmem:s1+$0x5E40] =	vst v6;
	v5 =	vmin.f32 v50, v4  }
0x2b7: {  	v4 =	vmax.f32 v8, v4;
	[tilespmem:s1+$0xAE80] =	vst v5;
	v5 =	vld [tilespmem:s1+$0xAE90]  }
0x2b8: {  	[tilespmem:s1+$0xFEC0] =	vst v4;
	v4 =	vld [tilespmem:s1+$0xE10]  }
0x2b9: {  	v6 =	vld [tilespmem:s4+$0x10]  }
0x2ba: {  	v52 =	vld [tilespmem:s1+$0xFED0]  }
0x2bb: {  	v53 =	vld [tilespmem:s1+$0x5E50];
	_ =	sdelay $0x2  }
0x2bc: {  	v4 =	vadd.f32 v4, v6;
	v54 =	vmul.f32 v6, v6;
	v5 =	vmin.f32 v5, v6  }
0x2bd: {  	[tilespmem:s1+$0xAE90] =	vst v5  }
0x2be: {  	v5 =	vmax.f32 v52, v6;
	[tilespmem:s1+$0xE10] =	vst v4;
	v4 =	vadd.f32 v53, v54  }
0x2bf: {  	[tilespmem:s1+$0xFED0] =	vst v5;
	v5 =	vld [tilespmem:s1+$0xAEA0]  }
0x2c0: {  	[tilespmem:s1+$0x5E50] =	vst v4;
	v4 =	vld [tilespmem:s1+$0xE20]  }
0x2c1: {  	v55 =	vld [tilespmem:s4+$0x20]  }
0x2c2: {  	v56 =	vld [tilespmem:s1+$0xFEE0]  }
0x2c3: {  	v57 =	vld [tilespmem:s1+$0x5E60];
	_ =	sdelay $0x2  }
0x2c4: {  	v4 =	vadd.f32 v4, v55;
	v58 =	vmul.f32 v55, v55;
	v5 =	vmin.f32 v5, v55  }
0x2c5: {  	[tilespmem:s1+$0xAEA0] =	vst v5  }
0x2c6: {  	v5 =	vmax.f32 v56, v55;
	[tilespmem:s1+$0xE20] =	vst v4;
	v4 =	vadd.f32 v57, v58  }
0x2c7: {  	v60 =	vld [tilespmem:s1+$0xFEF0];
	[tilespmem:s1+$0xFEE0] =	vst v5  }
0x2c8: {  	v5 =	vld [tilespmem:s1+$0xAEB0];
	[tilespmem:s1+$0x5E60] =	vst v4  }
0x2c9: {  	v59 =	vld [tilespmem:s4+$0x30]  }
0x2ca: {  	v4 =	vld [tilespmem:s1+$0xE30]  }
0x2cb: {  	v61 =	vld [tilespmem:s1+$0x5E70]  }
0x2cc: {  	s31 =	sadd.s32 $0x1, s31  }
0x2cd: {  	p0 =	sne.s32 s31, $0x3  }
.Ltmp5:
0x2ce: {  	v62 =	vmul.f32 v59, v59;
	v5 =	vmin.f32 v5, v59;
	(pc) =	sbr.rel @p0 .LBB2_5-.Ltmp5, $4  }
0x2cf: {  	v4 =	vadd.f32 v4, v59;
	[tilespmem:s1+$0xAEB0] =	vst v5;
	v5 =	vmax.f32 v60, v59  }
0x2d0: {  	v63 =	vadd.f32 v61, v62;
	[tilespmem:s1+$0xFEF0] =	vst v5  }
0x2d1: {  	s9 =	sadd.s32 $0x200, s9;
	[tilespmem:s1+$0xE30] =	vst v4  }
0x2d2: {  	s11 =	sadd.s32 $0x200, s11;
	s2 =	sadd.s32 $0x200, s2;
	s30 =	sadd.s32 $0x200, s30;
	[tilespmem:s1+$0x5E70] =	vst v63  }
0x2d3: {  	s0 =	sshll.u32 s8, $0x6  }
0x2d4: {  	s0 =	sadd.s32 s10, s0  }
0x2d5: {  	s1 =	rddreg [dreg:$0x2];
	s0 =	sshrl.u32 s0, $0x3  }
0x2d6: {  	s2 =	simm.s32 $0xE00;
	s1 =	sadd.s32 s1, s0  }
0x2d7: {  	[hbm4b:s1+s28] =	stream.strided.scatter [tilespmem:s2], [sflag:$0x5], $0x5000, s29, s28, $0x38;
	[tilespmem:$0x1CF00] =	vst v63  }
0x2d8: {  	_ =	swait.ge [sflag:s12], $0x5000  }
0x2d9: {  	[sflag:s12] =	ssyncset.done $0x0;
	s5 =	rddreg [dreg:$0x3]  }
0x2da: {  	s9 =	simm.s32 $0x5E40;
	[sflag:s12] =	ssyncadd.s32 $0xFFFFB000;
	s1 =	sadd.s32 s5, s0  }
0x2db: {  	[hbm4b:s1+s28] =	stream.strided.scatter [tilespmem:s9], [sflag:$0x5], $0x5000, s29, s28, $0x38;
	[tilespmem:$0x1CF00] =	vst v63  }
0x2dc: {  	_ =	swait.ge [sflag:s12], $0x5000  }
0x2dd: {  	[sflag:s12] =	ssyncset.done $0x0  }
0x2de: {  	s30 =	simm.s32 $0xAE80;
	s11 =	sadd.s32 s6, s0;
	[sflag:s12] =	ssyncadd.s32 $0xFFFFB000  }
0x2df: {  	[hbm4b:s11+s28] =	stream.strided.scatter [tilespmem:s30], [sflag:$0x5], $0x5000, s29, s28, $0x38;
	[tilespmem:$0x1CF00] =	vst v63  }
0x2e0: {  	s8 =	sadd.s32 $0x1, s8;
	_ =	swait.ge [sflag:s12], $0x5000  }
0x2e1: {  	s31 =	simm.s32 $0xFEC0;
	p0 =	sne.s32 s8, $0x20;
	[sflag:s12] =	ssyncset.done $0x0  }
.Ltmp6:
0x2e2: {  	s0 =	sadd.s32 s7, s0;
	[sflag:s12] =	ssyncadd.s32 $0xFFFFB000;
	(pc) =	sbr.rel @p0 .LBB2_2-.Ltmp6, $4  }
0x2e3: {  	[hbm4b:s0+s28] =	stream.strided.scatter [tilespmem:s31], [sflag:$0x5], $0x5000, s29, s28, $0x38;
	[tilespmem:$0x1CF00] =	vst v63  }
0x2e4: {  	_ =	swait.ge [sflag:s12], $0x5000  }
0x2e5: {  	[sflag:s12] =	ssyncset.done $0x0  }
0x2e6: {  	[sflag:s12] =	ssyncadd.s32 $0xFFFFB000  }
0x2e7: {  	s1 =	rddreg [dreg:$0x7]  }
0x2e8: {  	s0 =	rddreg [dreg:$0x6];
	s1 =	sadd.s32 $0x1, s1  }
0x2e9: {  	p0 =	sne.s32 s1, s0  }
.Ltmp7:
0x2ea: {  	_ = 	snop;
	(pc) =	sbr.rel @p0 .LBB2_1-.Ltmp7, $1  }
0x2eb: {  	_ =	sdelay $0x3  }
0x2ec: {  	_ =	sfence.sel $0x180000  }
0x2ed: {  	[bflag:$0x0] =	sbarrier.arrive $0xFFFF  }
0x2ee: {  	_ =	strace $0x90000056  }
0x2ef: {  	s0 =	stileid.u32;
	[bflag:$0x2] =	sbarrier.arrive $0xFFFF  }
0x2f0: {  	p0 =	sne.s32 s0, $0x0;
	s0 =	rddreg [dreg:$0x1]  }
0x2f1: {  	s0 =	sadd.s32 @!p0 $0x100000, s0  }
0x2f2: {  	[sflag:s0] =	ssyncadd.tile.s32 @!p0 $0x1;
	_ =	shalt  }
.Lfunc_end2:
_tile_overlayer_lowered:
.L_overlay_start_2:
0x2f3: {  	(tag) =	ssettag $0x2  }
0x2f4: {  	s0 =	rddreg [dreg:$0x0];
	s2 =	stileid.u32  }
0x2f5: {  	s1 =	rddreg [dreg:$0x1];
	p0 =	sne.s32 s2, $0x0  }
0x2f6: {  	s3 =	rddreg [dreg:$0x2];
	[bflag:$0x3] =	sbarrier.arrive $0xFFFF;
	s2 =	simm.s32 @!p0 $0x1C05  }
0x2f7: {  	[timem:s3], [sflag:s2] =	dma.local @!p0 [hbm:s0], s1  }
0x2f8: {  	s0 =	simm.s32 @!p0 $0x5  }
0x2f9: {  	_ =	swait.ge @!p0 [sflag:s0], s1  }
0x2fa: {  	s1 =	ssub.s32 @!p0 $0x0, s1;
	[sflag:s0] =	ssyncset.done @!p0 $0x0  }
0x2fb: {  	[sflag:s0] =	ssyncadd.s32 @!p0 s1  }
0x2fc: {  	[bflag:$0x3] =	sbarrier.arrive $0xFFFF  }
0x2fd: {  	_ =	shalt  }

// kernel: sparse-core-data-format-call.1.cloned.1.call-start
scs
called_computation.1_lowered:
.L_overlay_start_0:
0x0: {  	s2 =	sld [smem:$0x3FD9]  }
0x1: {  	s3 =	sld [smem:$0x3FFE];
	_ =	sdelay $0x1  }
0x2: {  	s1 =	srdreg.scid  }
0x3: {  	s0 =	sand.u32 $0x1, s1  }
0x4: {  	s18 =	sshll.u32 s0, $0xA;
	s2 =	sadd.s32 s3, s2  }
0x5: {  	s2 =	sadd.s32 s2, s18  }
0x6: {  	[smem:$0x3FB0] =	sst s2  }
0x7: {  	_ = 	snop  }
0x8: {  	(tm) =	ssettm $0x1  }
0x9: {  	s19 =	sld [smem:$0x3FFB];
	_ =	sdelay $0x3  }
0xa: {  	_ =	strace s19  }
0xb: {  	s2 =	sld [smem:$0x3FFC];
	_ =	sdelay $0x3  }
0xc: {  	_ =	strace s2  }
0xd: {  	s2 =	sld [smem:$0x3FFD];
	_ =	sdelay $0x3  }
0xe: {  	_ =	strace s2  }
0xf: {  	_ =	strace $0x8FFFFFFF  }
0x10: {  	s20 =	sld [smem:$0x3FDB];
	_ =	sdelay $0x1  }
0x11: {  	s21 =	simm.s32 $_scs_section_size  }
0x12: {  	s4 =	simm.s32 $_size__tile_overlayer_lowered;
	s5 =	simm.s32 $_tile_overlayer_lowered  }
0x13: {  	s6 =	simm.s32 $0x1BFF;
	s22 =	sshll.u32 s5, $0x1;
	s3 =	sadd.s32 s21, s20  }
0x14: {  	s23 =	simm.s32 $0x0;
	s4 =	sshll.u32 s4, $0x1;
	s5 =	sadd.s32 s22, s3  }
0x15: {  	[timem:s23], [sflag:s6] =	dma.local [hbm:s5], s4  }
0x16: {  	_ =	swait.ge [sflag:s6], s4  }
0x17: {  	s4 =	ssub.s32 $0x0, s4;
	[sflag:s6] =	ssyncset.done $0x0  }
0x18: {  	[sflag:s6] =	ssyncadd.s32 s4;
	_ =	sdelay $0x1  }
0x19: {  	s24 =	simm.s32 $0x1B8B  }
0x1a: {  	_ =	swait.ge [sflag:s24], $0x1  }
0x1b: {  	[sflag:s24] =	ssyncset.done $0x0  }
0x1c: {  	[sflag:s24] =	ssyncadd.s32 $0xFFFFFFFF  }
0x1d: {  	s4 =	sld [smem:$0x0]  }
0x1e: {  	s5 =	sand.u32 $0xFFFFFFFE, s1  }
0x1f: {  	p0 =	sne.s32 s1, s5  }
0x20: {  	s5 =	sshll.u32 @p0 s5, $0xE  }
0x21: {  	s5 =	sadd.s32 @p0 $0x11B8D, s5;
	s6 =	sshll.u32 @p0 s4, $0x11  }
0x22: {  	s5 =	sor.u32 @p0 s6, s5  }
0x23: {  	[sflag:s5] =	ssyncadd.remote.s32 @p0 $0x1;
	_ =	sdelay $0x1  }
0x24: {  	s5 =	simm.s32 @p0 $0x1B8D  }
0x25: {  	_ =	swait.eq @p0 [sflag:s5], $0x1  }
0x26: {  	[sflag:s5] =	ssyncadd.s32 @p0 $0xFFFFFFFF  }
0x27: {  	s6 =	sshll.u32 @!p0 s1, $0xE  }
0x28: {  	s6 =	sor.u32 @!p0 $0x4000, s6;
	s5 =	simm.s32 @!p0 $0x1B8D  }
0x29: {  	s4 =	sshll.u32 @!p0 s4, $0x11;
	s6 =	sadd.s32 @!p0 $0x11B8D, s6;
	_ =	swait.eq @!p0 [sflag:s5], $0x1  }
0x2a: {  	s4 =	sor.u32 @!p0 s4, s6;
	[sflag:s5] =	ssyncadd.s32 @!p0 $0xFFFFFFFF  }
0x2b: {  	s26 =	simm.s32 $0x1B8E;
	s25 =	sld [smem:$0x3FFE];
	[sflag:s4] =	ssyncadd.remote.s32 @!p0 $0x1  }
0x2c: {  	s27 =	simm.s32 $execute0_lowered;
	[smem:$0x3FD2] =	sst s26  }
0x2d: {  	s5 =	sshll.u32 s27, $0x1;
	_ =	strace $0x8000004C;
	[dreg:$0x1] =	wrdreg $0xFFFFFFFF  }
0x2e: {  	s28 =	simm.s32 $_size_execute0_lowered;
	s3 =	sadd.s32 s3, s5;
	[dreg:$0x0] =	wrdreg $0x0  }
0x2f: {  	s5 =	sshll.u32 s28, $0x1;
	[dreg:$0x2] =	wrdreg s3  }
0x30: {  	[dreg:$0x3] =	wrdreg s5  }
0x31: {  	[dreg:$0x4] =	wrdreg $0xC0  }
0x32: {  	_ =	task [dreg:s23], $0x5FFFF  }
0x33: {  	[dreg:$0x1] =	wrdreg $0xFFFFFFFF  }
0x34: {  	[dreg:$0x0] =	wrdreg $0x60  }
0x35: {  	[dreg:$0x2] =	wrdreg s25  }
0x36: {  	[dreg:$0x3] =	wrdreg $0xA  }
0x37: {  	_ =	task.clear_ibuf [dreg:s23], $0x4FFFF;
	_ =	strace $0x9000004C  }
0x38: {  	s29 =	simm.s32 $0xA;
	_ =	strace $0x8000004E  }
0x39: {  	_ =	swait.ge [sflag:s29], $0x1  }
0x3a: {  	[sflag:s29] =	ssyncadd.s32 $0xFFFFFFFF  }
0x3b: {  	_ =	strace $0x9000004E  }
0x3c: {  	_ =	sfence  }
0x3d: {  	s30 =	sld [smem:$0x0];
	_ =	sdelay $0x2  }
0x3e: {  	s31 =	sshll.u32 s1, $0xD;
	s1 =	sshrl.u32 s1, $0x2  }
0x3f: {  	s4 =	sand.u32 $0x4000, s31;
	s1 =	sadd.s32 s1, s30  }
0x40: {  	s0 =	sor.u32 s4, s0;
	s1 =	sshll.u32 s1, $0x11  }
0x41: {  	s0 =	sor.u32 s1, s0  }
0x42: {  	s0 =	sadd.s32 $0x8F2B, s0  }
0x43: {  	[sflag:s0] =	ssyncadd.remote.s32 $0x1  }
0x44: {  	_ =	sfence.sel $0xFFFF  }
0x45: {  	[dreg:$0x0] =	wrdreg $0xFFFFFFFF;
	(pc) =	sbr.abs _section_cstart, $3  }
0x46: {  	[dreg:$0x1] =	wrdreg $0xFFFFFFFF  }
0x47: {  	_ =	task.clear_ibuf [dreg:s23], $0x2FFFF;
	_ =	strace $0x9FFFFFFF  }
0x48: {  	(tm) =	ssettm $0x7FFFFFFF  }
0x49: {  	_ =	shalt  }
tec
execute0_lowered:
.L_overlay_start_1:
0x0: {  	(tag) =	ssettag $0x1  }
0x1: {  	s0 =	srdreg.scid;
	s4 =	rddreg [dreg:$0x0]  }
0x2: {  	s1 =	stileid.u32;
	s5 =	simm.s32 $0x1;
	s7 =	simm.s32 $0x2  }
0x3: {  	s8 =	simm.s32 $0x0;
	s9 =	simm.s32 $0x0;
	s2 =	sshll.u32 s0, $0x4  }
.Ltmp0:
0x4: {  	s12 =	simm.s32 $0x0;
	s3 =	sand.u32 $0x10, s2;
	(pc) =	sbr.rel .LBB1_1-.Ltmp0, $4  }
0x5: {  	s0 =	rddreg [dreg:$0x1];
	_ =	strace $0x8000004D;
	s3 =	sor.u32 s1, s3  }
0x6: {  	s11 =	simm.s32 $0x0;
	s2 =	sadd.s32 $0x182400, s4;
	s6 =	ssub.s32 $0x9E3, s3  }
0x7: {  	s4 =	sadd.s32 $0x8D5400, s4;
	[sflag:s5] =	ssyncpa.u1 $0x0;
	s6 =	sshrl.u32 s6, $0x5  }
0x8: {  	[sflag:s7] =	ssyncpa.u1 $0x0;
	s10 =	smov.u32 s3;
	s7 =	sadd.s32 $0x1, s6  }
.LBB1_7:
0x9: {  	s14 =	sadd.s32 $0x20, s10  }
0xa: {  	p1 =	sgt.s32 s14, $0x9C3  }
0xb: {  	s14 =	smov.u32 @p1 s3;
	p1 =	sne.s32 s11, s7  }
.Ltmp1:
0xc: {  	p0 =	slt.u32 s11, $0x2;
	(pc) =	sbr.rel @!p1 .LBB1_8-.Ltmp1, $4  }
0xd: {  	s13 =	simm.s32 @!p0 $0x2  }
0xe: {  	s15 =	sadd.s32 $0x1, s11;
	_ =	swait.ge @!p0 [sflag:s13], $0x4000  }
0xf: {  	s12 =	smov.u32 s10;
	s9 =	sadd.s32 $0x4000, s9;
	[sflag:s13] =	ssyncset.done @!p0 $0x0  }
0x10: {  	s11 =	smov.u32 s15;
	s10 =	smov.u32 s14;
	[sflag:s13] =	ssyncadd.s32 @!p0 $0xFFFFC000  }
.LBB1_1:
0x11: {  	p0 =	sge.u32 s11, s6  }
0x12: {  	s13 =	sxor.u32 @!p0 $0xFFFFFFFF, s11  }
0x13: {  	s31 =	sadd.s32 $0xFFFFFFFF, s11;
	s14 =	sshll.u32 @!p0 s10, $0xB;
	s13 =	sshll.u32 @!p0 s13, $0xE  }
0x14: {  	s15 =	simm.s32 @!p0 $0x0;
	s14 =	sadd.s32 @!p0 s2, s14;
	s13 =	sand.u32 @!p0 $0x4000, s13  }
0x15: {  	[tilespmem:s13], [sflag:$0x1] =	stream.linear.gather @!p0 [hbm4b:s14+s15], $0x4000, $0x38;
	[tilespmem:$0x10000] =	vst v63  }
0x16: {  	p0 =	sge.u32 s31, s6  }
.Ltmp2:
0x17: {  	_ = 	snop;
	(pc) =	sbr.rel @p0 .LBB1_7-.Ltmp2, $1  }
0x18: {  	_ =	sdelay $0x3  }
0x19: {  	s14 =	sand.u32 $0x4000, s9  }
0x1a: {  	_ =	swait.ge [sflag:s5], $0x4000;
	s15 =	sshll.u32 s11, $0xE;
	s16 =	simm.s32 $0x0  }
0x1b: {  	s13 =	sor.u32 $0x8040, s14;
	[sflag:s5] =	ssyncset.done $0x0;
	s15 =	sand.u32 $0x4000, s15  }
0x1c: {  	s14 =	sor.u32 $0x40, s14;
	[sflag:s5] =	ssyncadd.s32 $0xFFFFC000;
	s15 =	sor.u32 $0x8000, s15  }
.LBB1_3:
0x1d: {  	v0 =	vmov s14;
	_ =	sdelay $0x3  }
0x1e: {  	s18 =	simm.s32 $0x0  }
0x1f: {  	v6 =	vld.idx.msk [tilespmem:v0+s18+$0x30 ss:$0x1], $0xffff  }
0x20: {  	v7 =	vld.idx.msk [tilespmem:v0+s18+$0xFFFFFFC0 ss:$0x1], $0xffff  }
0x21: {  	v5 =	vld.idx.msk [tilespmem:v0+s18+$0xFFFFFFD0 ss:$0x1], $0xffff  }
0x22: {  	v4 =	vld.idx.msk [tilespmem:v0+s18+$0xFFFFFFE0 ss:$0x1], $0xffff  }
0x23: {  	v3 =	vld.idx.msk [tilespmem:v0+s18+$0xFFFFFFF0 ss:$0x1], $0xffff  }
0x24: {  	v1 =	vld.idx.msk [tilespmem:v0+s18+$0x0 ss:$0x1], $0xffff  }
0x25: {  	v2 =	vld.idx.msk [tilespmem:v0+s18+$0x10 ss:$0x1], $0xffff;
	[tilespmem:s13+$0x30] =	vst v6  }
0x26: {  	s17 =	simm.s32 $0x80;
	s19 =	simm.s32 $0x400;
	[tilespmem:s13+$0xFFFFFFC0] =	vst v7;
	v6 =	vld.idx.msk [tilespmem:v0+s18+$0x20 ss:$0x1], $0xffff;
	s18 =	smov.u32 s13  }
.LBB1_4:
0x27: {  	p0 =	sne.s32 s19, $0xE00;
	v7 =	vld.idx.msk [tilespmem:v0+s17+$0x30 ss:$0x1], $0xffff;
	[tilespmem:s18+$0xFFFFFFD0] =	vst v5  }
0x28: {  	v8 =	vld.idx.msk [tilespmem:v0+s17+$0xFFFFFFC0 ss:$0x1], $0xffff;
	[tilespmem:s18+$0xFFFFFFE0] =	vst v4  }
0x29: {  	v5 =	vld.idx.msk [tilespmem:v0+s17+$0xFFFFFFD0 ss:$0x1], $0xffff;
	[tilespmem:s18+$0xFFFFFFF0] =	vst v3  }
.Ltmp3:
0x2a: {  	v4 =	vld.idx.msk [tilespmem:v0+s17+$0xFFFFFFE0 ss:$0x1], $0xffff;
	[tilespmem:s18+$0x0] =	vst v1;
	(pc) =	sbr.rel @p0 .LBB1_4-.Ltmp3, $4  }
0x2b: {  	v3 =	vld.idx.msk [tilespmem:v0+s17+$0xFFFFFFF0 ss:$0x1], $0xffff;
	[tilespmem:s18+$0x10] =	vst v2  }
0x2c: {  	v1 =	vld.idx.msk [tilespmem:v0+s17+$0x0 ss:$0x1], $0xffff;
	[tilespmem:s18+$0x20] =	vst v6;
	s18 =	sadd.s32 $0x800, s18  }
0x2d: {  	v2 =	vld.idx.msk [tilespmem:v0+s17+$0x10 ss:$0x1], $0xffff;
	[tilespmem:s18+$0x30] =	vst v7  }
0x2e: {  	[tilespmem:s18+$0xFFFFFFC0] =	vst v8;
	v6 =	vld.idx.msk [tilespmem:v0+s17+$0x20 ss:$0x1], $0xffff;
	s17 =	sshra.s32 s19, $0x2;
	s19 =	sadd.s32 $0x200, s19  }
0x2f: {  	_ =	sdelay $0x2  }
0x30: {  	[tilespmem:s18+$0xFFFFFFD0] =	vst v5  }
0x31: {  	v56 =	vld.idx.msk [tilespmem:v0+s17+$0x30 ss:$0x1], $0xffff;
	[tilespmem:s18+$0xFFFFFFE0] =	vst v4  }
0x32: {  	v57 =	vld.idx.msk [tilespmem:v0+s17+$0xFFFFFFC0 ss:$0x1], $0xffff;
	[tilespmem:s18+$0xFFFFFFF0] =	vst v3  }
0x33: {  	v58 =	vld.idx.msk [tilespmem:v0+s17+$0xFFFFFFD0 ss:$0x1], $0xffff;
	[tilespmem:s18+$0x0] =	vst v1  }
0x34: {  	v59 =	vld.idx.msk [tilespmem:v0+s17+$0xFFFFFFE0 ss:$0x1], $0xffff;
	[tilespmem:s18+$0x10] =	vst v2  }
0x35: {  	v60 =	vld.idx.msk [tilespmem:v0+s17+$0xFFFFFFF0 ss:$0x1], $0xffff;
	s31 =	sadd.s32 $0x800, s18;
	[tilespmem:s18+$0x20] =	vst v6  }
0x36: {  	v61 =	vld.idx.msk [tilespmem:v0+s17+$0x0 ss:$0x1], $0xffff;
	[tilespmem:s31+$0x30] =	vst v56  }
0x37: {  	v62 =	vld.idx.msk [tilespmem:v0+s17+$0x10 ss:$0x1], $0xffff;
	s16 =	sadd.s32 $0x1, s16;
	[tilespmem:s31+$0xFFFFFFC0] =	vst v57  }
0x38: {  	v63 =	vld.idx.msk [tilespmem:v0+s17+$0x20 ss:$0x1], $0xffff;
	p0 =	sne.s32 s16, $0x10;
	[tilespmem:s31+$0xFFFFFFD0] =	vst v58  }
.Ltmp4:
0x39: {  	[tilespmem:s31+$0xFFFFFFE0] =	vst v59;
	(pc) =	sbr.rel @p0 .LBB1_3-.Ltmp4, $4  }
0x3a: {  	[tilespmem:s31+$0xFFFFFFF0] =	vst v60  }
0x3b: {  	[tilespmem:s31+$0x0] =	vst v61  }
0x3c: {  	[tilespmem:s31+$0x10] =	vst v62  }
0x3d: {  	s13 =	sadd.s32 $0x80, s13;
	s14 =	sadd.s32 $0x400, s14;
	[tilespmem:s31+$0x20] =	vst v63  }
.Ltmp5:
0x3e: {  	(pc) =	sbr.rel .LBB1_7-.Ltmp5, $4  }
0x3f: {  	_ = 	snop  }
0x40: {  	s12 =	sshll.u32 s12, $0xB  }
0x41: {  	s12 =	sadd.s32 s4, s12  }
0x42: {  	[hbm4b:s12+s8] =	stream.linear.scatter [tilespmem:s15], [sflag:$0x2], $0x4000, $0x38;
	[tilespmem:$0x10000] =	vst v63  }
.LBB1_8:
0x43: {  	_ =	sfence.sel $0x180000  }
0x44: {  	s2 =	simm.s32 $0x1;
	[bflag:$0x0] =	sbarrier.arrive $0xFFFF  }
0x45: {  	s31 =	simm.s32 $0x2;
	[sflag:s2] =	ssyncpa.u1 $0x1  }
0x46: {  	[sflag:s31] =	ssyncpa.u1 $0x1  }
0x47: {  	p0 =	sne.s32 s1, $0x0;
	_ =	strace $0x9000004D  }
0x48: {  	s0 =	sadd.s32 @!p0 $0x100000, s0;
	[bflag:$0x2] =	sbarrier.arrive $0xFFFF  }
0x49: {  	[sflag:s0] =	ssyncadd.tile.s32 @!p0 $0x1;
	_ =	shalt  }
.Lfunc_end1:
_tile_overlayer_lowered:
.L_overlay_start_2:
0x4a: {  	(tag) =	ssettag $0x2  }
0x4b: {  	s0 =	rddreg [dreg:$0x0];
	s2 =	stileid.u32  }
0x4c: {  	s1 =	rddreg [dreg:$0x1];
	p0 =	sne.s32 s2, $0x0  }
0x4d: {  	s3 =	rddreg [dreg:$0x2];
	[bflag:$0x3] =	sbarrier.arrive $0xFFFF;
	s2 =	simm.s32 @!p0 $0x1C01  }
0x4e: {  	[timem:s3], [sflag:s2] =	dma.local @!p0 [hbm:s0], s1  }
0x4f: {  	s0 =	simm.s32 @!p0 $0x1  }
0x50: {  	_ =	swait.ge @!p0 [sflag:s0], s1  }
0x51: {  	s1 =	ssub.s32 @!p0 $0x0, s1;
	[sflag:s0] =	ssyncset.done @!p0 $0x0  }
0x52: {  	[sflag:s0] =	ssyncadd.s32 @!p0 s1  }
0x53: {  	[bflag:$0x3] =	sbarrier.arrive $0xFFFF  }
0x54: {  	_ =	shalt  }

// kernel: sparse-core-data-format-call.cloned.1.call-start
scs
called_computation_lowered:
.L_overlay_start_0:
0x0: {  	s1 =	sld [smem:$0x3FD9]  }
0x1: {  	s2 =	sld [smem:$0x3FFE];
	_ =	sdelay $0x1  }
0x2: {  	s3 =	srdreg.scid  }
0x3: {  	s0 =	sand.u32 $0x1, s3  }
0x4: {  	s17 =	sshll.u32 s0, $0xA;
	s1 =	sadd.s32 s2, s1  }
0x5: {  	s1 =	sadd.s32 s1, s17  }
0x6: {  	[smem:$0x3FB0] =	sst s1  }
0x7: {  	_ = 	snop  }
0x8: {  	(tm) =	ssettm $0x1  }
0x9: {  	s18 =	sld [smem:$0x3FFB];
	_ =	sdelay $0x3  }
0xa: {  	_ =	strace s18  }
0xb: {  	s1 =	sld [smem:$0x3FFC];
	_ =	sdelay $0x3  }
0xc: {  	_ =	strace s1  }
0xd: {  	s1 =	sld [smem:$0x3FFD];
	_ =	sdelay $0x3  }
0xe: {  	_ =	strace s1  }
0xf: {  	_ =	strace $0x8FFFFFFF  }
0x10: {  	s19 =	sld [smem:$0x3FDB];
	_ =	sdelay $0x1  }
0x11: {  	s20 =	simm.s32 $_scs_section_size  }
0x12: {  	s4 =	simm.s32 $_size__tile_overlayer_lowered;
	s5 =	simm.s32 $_tile_overlayer_lowered  }
0x13: {  	s23 =	simm.s32 $0x1BFF;
	s22 =	sshll.u32 s5, $0x1;
	s1 =	sadd.s32 s20, s19  }
0x14: {  	s6 =	simm.s32 $0x0;
	s21 =	sshll.u32 s4, $0x1;
	s4 =	sadd.s32 s22, s1  }
0x15: {  	[timem:s6], [sflag:s23] =	dma.local [hbm:s4], s21  }
0x16: {  	_ =	swait.ge [sflag:s23], s21  }
0x17: {  	s2 =	ssub.s32 $0x0, s21;
	[sflag:s23] =	ssyncset.done $0x0  }
0x18: {  	[sflag:s23] =	ssyncadd.s32 s2;
	_ =	sdelay $0x1  }
0x19: {  	s24 =	simm.s32 $0x1B8B  }
0x1a: {  	_ =	swait.ge [sflag:s24], $0x1  }
0x1b: {  	[sflag:s24] =	ssyncset.done $0x0  }
0x1c: {  	s26 =	simm.s32 $0x1B8E;
	s25 =	sld [smem:$0x3FFE];
	[sflag:s24] =	ssyncadd.s32 $0xFFFFFFFF  }
0x1d: {  	s27 =	simm.s32 $execute0_lowered;
	[smem:$0x3FD2] =	sst s26  }
0x1e: {  	s4 =	sshll.u32 s27, $0x1;
	_ =	strace $0x80000052;
	[dreg:$0x1] =	wrdreg $0xFFFFFFFF  }
0x1f: {  	s28 =	simm.s32 $_size_execute0_lowered;
	s1 =	sadd.s32 s1, s4;
	[dreg:$0x0] =	wrdreg $0x0  }
0x20: {  	s4 =	sshll.u32 s28, $0x1;
	[dreg:$0x2] =	wrdreg s1  }
0x21: {  	[dreg:$0x3] =	wrdreg s4  }
0x22: {  	[dreg:$0x4] =	wrdreg $0xC0  }
0x23: {  	_ =	task [dreg:s6], $0x5FFFF  }
0x24: {  	[dreg:$0x1] =	wrdreg $0xFFFFFFFF  }
0x25: {  	[dreg:$0x0] =	wrdreg $0x60  }
0x26: {  	[dreg:$0x2] =	wrdreg s25  }
0x27: {  	[dreg:$0x3] =	wrdreg $0x9  }
0x28: {  	_ =	task.clear_ibuf [dreg:s6], $0x4FFFF;
	_ =	strace $0x90000052  }
0x29: {  	s29 =	simm.s32 $0x9;
	_ =	strace $0x80000054  }
0x2a: {  	_ =	swait.ge [sflag:s29], $0x1  }
0x2b: {  	[sflag:s29] =	ssyncadd.s32 $0xFFFFFFFF  }
0x2c: {  	_ =	strace $0x90000054  }
0x2d: {  	_ =	sfence  }
0x2e: {  	s30 =	sld [smem:$0x0];
	_ =	sdelay $0x2  }
0x2f: {  	s31 =	sshll.u32 s3, $0xD;
	s3 =	sshrl.u32 s3, $0x2  }
0x30: {  	s2 =	sand.u32 $0x4000, s31;
	s1 =	sadd.s32 s3, s30  }
0x31: {  	s0 =	sor.u32 s2, s0;
	s1 =	sshll.u32 s1, $0x11  }
0x32: {  	s0 =	sor.u32 s1, s0  }
0x33: {  	s0 =	sadd.s32 $0x8F2B, s0  }
0x34: {  	[sflag:s0] =	ssyncadd.remote.s32 $0x1  }
0x35: {  	_ =	sfence.sel $0xFFFF  }
0x36: {  	[dreg:$0x0] =	wrdreg $0xFFFFFFFF;
	(pc) =	sbr.abs _section_cstart, $3  }
0x37: {  	[dreg:$0x1] =	wrdreg $0xFFFFFFFF  }
0x38: {  	_ =	task.clear_ibuf [dreg:s6], $0x2FFFF;
	_ =	strace $0x9FFFFFFF  }
0x39: {  	(tm) =	ssettm $0x7FFFFFFF  }
tec
execute0_lowered:
.L_overlay_start_1:
0x0: {  	(tag) =	ssettag $0x1  }
0x1: {  	s0 =	srdreg.scid;
	s4 =	rddreg [dreg:$0x0]  }
0x2: {  	s1 =	stileid.u32;
	s5 =	simm.s32 $0x1;
	s7 =	simm.s32 $0x2  }
0x3: {  	s8 =	simm.s32 $0x0;
	s9 =	simm.s32 $0x0;
	s2 =	sshll.u32 s0, $0x4  }
.Ltmp0:
0x4: {  	s12 =	simm.s32 $0x0;
	s3 =	sand.u32 $0x10, s2;
	(pc) =	sbr.rel .LBB1_1-.Ltmp0, $4  }
0x5: {  	s0 =	rddreg [dreg:$0x1];
	_ =	strace $0x80000053;
	s3 =	sor.u32 s1, s3  }
0x6: {  	s11 =	simm.s32 $0x0;
	s2 =	sadd.s32 $0x492400, s4;
	s6 =	ssub.s32 $0x9E3, s3  }
0x7: {  	s4 =	sadd.s32 $0x974400, s4;
	[sflag:s5] =	ssyncpa.u1 $0x0;
	s6 =	sshrl.u32 s6, $0x5  }
0x8: {  	[sflag:s7] =	ssyncpa.u1 $0x0;
	s10 =	smov.u32 s3;
	s7 =	sadd.s32 $0x1, s6  }
.LBB1_7:
0x9: {  	s14 =	sadd.s32 $0x20, s10  }
0xa: {  	p1 =	sgt.s32 s14, $0x9C3  }
0xb: {  	s14 =	smov.u32 @p1 s3;
	p1 =	sne.s32 s11, s7  }
.Ltmp1:
0xc: {  	p0 =	slt.u32 s11, $0x2;
	(pc) =	sbr.rel @!p1 .LBB1_8-.Ltmp1, $4  }
0xd: {  	s13 =	simm.s32 @!p0 $0x2  }
0xe: {  	s15 =	sadd.s32 $0x1, s11;
	_ =	swait.ge @!p0 [sflag:s13], $0x4000  }
0xf: {  	s12 =	smov.u32 s10;
	s9 =	sadd.s32 $0x4000, s9;
	[sflag:s13] =	ssyncset.done @!p0 $0x0  }
0x10: {  	s11 =	smov.u32 s15;
	s10 =	smov.u32 s14;
	[sflag:s13] =	ssyncadd.s32 @!p0 $0xFFFFC000  }
.LBB1_1:
0x11: {  	p0 =	sge.u32 s11, s6  }
0x12: {  	s13 =	sxor.u32 @!p0 $0xFFFFFFFF, s11  }
0x13: {  	s31 =	sadd.s32 $0xFFFFFFFF, s11;
	s14 =	sshll.u32 @!p0 s10, $0xB;
	s13 =	sshll.u32 @!p0 s13, $0xE  }
0x14: {  	s15 =	simm.s32 @!p0 $0x0;
	s14 =	sadd.s32 @!p0 s2, s14;
	s13 =	sand.u32 @!p0 $0x4000, s13  }
0x15: {  	[tilespmem:s13], [sflag:$0x1] =	stream.linear.gather @!p0 [hbm4b:s14+s15], $0x4000, $0x38;
	[tilespmem:$0x10000] =	vst v63  }
0x16: {  	p0 =	sge.u32 s31, s6  }
.Ltmp2:
0x17: {  	_ = 	snop;
	(pc) =	sbr.rel @p0 .LBB1_7-.Ltmp2, $1  }
0x18: {  	_ =	sdelay $0x3  }
0x19: {  	s14 =	sand.u32 $0x4000, s9  }
0x1a: {  	_ =	swait.ge [sflag:s5], $0x4000;
	s15 =	sshll.u32 s11, $0xE;
	s16 =	simm.s32 $0x0  }
0x1b: {  	s13 =	sor.u32 $0x8040, s14;
	[sflag:s5] =	ssyncset.done $0x0;
	s15 =	sand.u32 $0x4000, s15  }
0x1c: {  	s14 =	sor.u32 $0x40, s14;
	[sflag:s5] =	ssyncadd.s32 $0xFFFFC000;
	s15 =	sor.u32 $0x8000, s15  }
.LBB1_3:
0x1d: {  	v0 =	vmov s14;
	_ =	sdelay $0x3  }
0x1e: {  	s18 =	simm.s32 $0x0  }
0x1f: {  	v6 =	vld.idx.msk [tilespmem:v0+s18+$0x30 ss:$0x1], $0xffff  }
0x20: {  	v7 =	vld.idx.msk [tilespmem:v0+s18+$0xFFFFFFC0 ss:$0x1], $0xffff  }
0x21: {  	v5 =	vld.idx.msk [tilespmem:v0+s18+$0xFFFFFFD0 ss:$0x1], $0xffff  }
0x22: {  	v4 =	vld.idx.msk [tilespmem:v0+s18+$0xFFFFFFE0 ss:$0x1], $0xffff  }
0x23: {  	v3 =	vld.idx.msk [tilespmem:v0+s18+$0xFFFFFFF0 ss:$0x1], $0xffff  }
0x24: {  	v1 =	vld.idx.msk [tilespmem:v0+s18+$0x0 ss:$0x1], $0xffff  }
0x25: {  	v2 =	vld.idx.msk [tilespmem:v0+s18+$0x10 ss:$0x1], $0xffff;
	[tilespmem:s13+$0x30] =	vst v6  }
0x26: {  	s17 =	simm.s32 $0x80;
	s19 =	simm.s32 $0x400;
	[tilespmem:s13+$0xFFFFFFC0] =	vst v7;
	v6 =	vld.idx.msk [tilespmem:v0+s18+$0x20 ss:$0x1], $0xffff;
	s18 =	smov.u32 s13  }
.LBB1_4:
0x27: {  	p0 =	sne.s32 s19, $0xE00;
	v7 =	vld.idx.msk [tilespmem:v0+s17+$0x30 ss:$0x1], $0xffff;
	[tilespmem:s18+$0xFFFFFFD0] =	vst v5  }
0x28: {  	v8 =	vld.idx.msk [tilespmem:v0+s17+$0xFFFFFFC0 ss:$0x1], $0xffff;
	[tilespmem:s18+$0xFFFFFFE0] =	vst v4  }
0x29: {  	v5 =	vld.idx.msk [tilespmem:v0+s17+$0xFFFFFFD0 ss:$0x1], $0xffff;
	[tilespmem:s18+$0xFFFFFFF0] =	vst v3  }
.Ltmp3:
0x2a: {  	v4 =	vld.idx.msk [tilespmem:v0+s17+$0xFFFFFFE0 ss:$0x1], $0xffff;
	[tilespmem:s18+$0x0] =	vst v1;
	(pc) =	sbr.rel @p0 .LBB1_4-.Ltmp3, $4  }
0x2b: {  	v3 =	vld.idx.msk [tilespmem:v0+s17+$0xFFFFFFF0 ss:$0x1], $0xffff;
	[tilespmem:s18+$0x10] =	vst v2  }
0x2c: {  	v1 =	vld.idx.msk [tilespmem:v0+s17+$0x0 ss:$0x1], $0xffff;
	[tilespmem:s18+$0x20] =	vst v6;
	s18 =	sadd.s32 $0x800, s18  }
0x2d: {  	v2 =	vld.idx.msk [tilespmem:v0+s17+$0x10 ss:$0x1], $0xffff;
	[tilespmem:s18+$0x30] =	vst v7  }
0x2e: {  	[tilespmem:s18+$0xFFFFFFC0] =	vst v8;
	v6 =	vld.idx.msk [tilespmem:v0+s17+$0x20 ss:$0x1], $0xffff;
	s17 =	sshra.s32 s19, $0x2;
	s19 =	sadd.s32 $0x200, s19  }
0x2f: {  	_ =	sdelay $0x2  }
0x30: {  	[tilespmem:s18+$0xFFFFFFD0] =	vst v5  }
0x31: {  	v56 =	vld.idx.msk [tilespmem:v0+s17+$0x30 ss:$0x1], $0xffff;
	[tilespmem:s18+$0xFFFFFFE0] =	vst v4  }
0x32: {  	v57 =	vld.idx.msk [tilespmem:v0+s17+$0xFFFFFFC0 ss:$0x1], $0xffff;
	[tilespmem:s18+$0xFFFFFFF0] =	vst v3  }
0x33: {  	v58 =	vld.idx.msk [tilespmem:v0+s17+$0xFFFFFFD0 ss:$0x1], $0xffff;
	[tilespmem:s18+$0x0] =	vst v1  }
0x34: {  	v59 =	vld.idx.msk [tilespmem:v0+s17+$0xFFFFFFE0 ss:$0x1], $0xffff;
	[tilespmem:s18+$0x10] =	vst v2  }
0x35: {  	v60 =	vld.idx.msk [tilespmem:v0+s17+$0xFFFFFFF0 ss:$0x1], $0xffff;
	s31 =	sadd.s32 $0x800, s18;
	[tilespmem:s18+$0x20] =	vst v6  }
0x36: {  	v61 =	vld.idx.msk [tilespmem:v0+s17+$0x0 ss:$0x1], $0xffff;
	[tilespmem:s31+$0x30] =	vst v56  }
0x37: {  	v62 =	vld.idx.msk [tilespmem:v0+s17+$0x10 ss:$0x1], $0xffff;
	s16 =	sadd.s32 $0x1, s16;
	[tilespmem:s31+$0xFFFFFFC0] =	vst v57  }
0x38: {  	v63 =	vld.idx.msk [tilespmem:v0+s17+$0x20 ss:$0x1], $0xffff;
	p0 =	sne.s32 s16, $0x10;
	[tilespmem:s31+$0xFFFFFFD0] =	vst v58  }
.Ltmp4:
0x39: {  	[tilespmem:s31+$0xFFFFFFE0] =	vst v59;
	(pc) =	sbr.rel @p0 .LBB1_3-.Ltmp4, $4  }
0x3a: {  	[tilespmem:s31+$0xFFFFFFF0] =	vst v60  }
0x3b: {  	[tilespmem:s31+$0x0] =	vst v61  }
0x3c: {  	[tilespmem:s31+$0x10] =	vst v62  }
0x3d: {  	s13 =	sadd.s32 $0x80, s13;
	s14 =	sadd.s32 $0x400, s14;
	[tilespmem:s31+$0x20] =	vst v63  }
.Ltmp5:
0x3e: {  	(pc) =	sbr.rel .LBB1_7-.Ltmp5, $4  }
0x3f: {  	_ = 	snop  }
0x40: {  	s12 =	sshll.u32 s12, $0xB  }
0x41: {  	s12 =	sadd.s32 s4, s12  }
0x42: {  	[hbm4b:s12+s8] =	stream.linear.scatter [tilespmem:s15], [sflag:$0x2], $0x4000, $0x38;
	[tilespmem:$0x10000] =	vst v63  }
.LBB1_8:
0x43: {  	_ =	sfence.sel $0x180000  }
0x44: {  	s2 =	simm.s32 $0x1;
	[bflag:$0x0] =	sbarrier.arrive $0xFFFF  }
0x45: {  	s31 =	simm.s32 $0x2;
	[sflag:s2] =	ssyncpa.u1 $0x1  }
0x46: {  	[sflag:s31] =	ssyncpa.u1 $0x1  }
0x47: {  	p0 =	sne.s32 s1, $0x0;
	_ =	strace $0x90000053  }
0x48: {  	s0 =	sadd.s32 @!p0 $0x100000, s0;
	[bflag:$0x2] =	sbarrier.arrive $0xFFFF  }
0x49: {  	[sflag:s0] =	ssyncadd.tile.s32 @!p0 $0x1;
	_ =	shalt  }
.Lfunc_end1:
_tile_overlayer_lowered:
.L_overlay_start_2:
0x4a: {  	(tag) =	ssettag $0x2  }
0x4b: {  	s0 =	rddreg [dreg:$0x0];
	s2 =	stileid.u32  }
0x4c: {  	s1 =	rddreg [dreg:$0x1];
	p0 =	sne.s32 s2, $0x0  }
0x4d: {  	s3 =	rddreg [dreg:$0x2];
	[bflag:$0x3] =	sbarrier.arrive $0xFFFF;
	s2 =	simm.s32 @!p0 $0x1C01  }
0x4e: {  	[timem:s3], [sflag:s2] =	dma.local @!p0 [hbm:s0], s1  }
0x4f: {  	s0 =	simm.s32 @!p0 $0x1  }
0x50: {  	_ =	swait.ge @!p0 [sflag:s0], s1  }
0x51: {  	s1 =	ssub.s32 @!p0 $0x0, s1;
	[sflag:s0] =	ssyncset.done @!p0 $0x0  }
0x52: {  	[sflag:s0] =	ssyncadd.s32 @!p0 s1  }
0x53: {  	[bflag:$0x3] =	sbarrier.arrive $0xFFFF  }
0x54: {  	_ =	shalt  }

</sc_bundles>
